<compile_context>
chip_gen: v7x
topology: tpu7x:2x2x1
jax: 0.10.2.dev20260603
libtpu: 0.0.44.dev20260713+nightly
codegen_flags: <defaults>
</compile_context>

<pallas_src>
import functools

import jax
import jax.numpy as jnp
from jax import lax
from jax.experimental import pallas as pl
from jax.experimental.pallas import tpu as pltpu
from jax.experimental.pallas import tpu_sc as plsc

N = 50000
D = 64
E = 800000
B = 4096

NC = 2
NS = 16
NW = NC * NS
L = 16

NPT = 1568
N_PAD = NW * NPT
ECH = 10000
NCH = 10000
ROWS_PER_TILE = D // NW
BPT = B // NW

_mesh = lambda: plsc.VectorSubcoreMesh(core_axis_name="c", subcore_axis_name="s")


_EBLK = 6400


def _pack_body(e0_ref, e1_ref, p0_ref, p1_ref):
    for e_ref, p_ref in ((e0_ref, p0_ref), (e1_ref, p1_ref)):
        src = e_ref[0:1, :]
        dst = e_ref[1:2, :]
        p_ref[...] = jnp.bitwise_or(src, dst << 16)


def _pack(ei0, ei1):
    grid = (E // _EBLK,)
    return pl.pallas_call(
        _pack_body,
        grid=grid,
        in_specs=[
            pl.BlockSpec((2, _EBLK), lambda i: (0, i)),
            pl.BlockSpec((2, _EBLK), lambda i: (0, i)),
        ],
        out_specs=[
            pl.BlockSpec((1, _EBLK), lambda i: (0, i)),
            pl.BlockSpec((1, _EBLK), lambda i: (0, i)),
        ],
        out_shape=[
            jax.ShapeDtypeStruct((1, E), jnp.int32),
            jax.ShapeDtypeStruct((1, E), jnp.int32),
        ],
    )(ei0, ei1)


EPT = 25088
PADE = NW * EPT


def _deg2(dst0_arr, dst1_arr):

    @functools.partial(
        pl.kernel,
        out_type=[
            jax.ShapeDtypeStruct((NW * N_PAD,), jnp.float32),
            jax.ShapeDtypeStruct((NW * N_PAD,), jnp.float32),
        ],
        mesh=_mesh(),
        compiler_params=pltpu.CompilerParams(needs_layout_passes=False),
        scratch_types=[
            pltpu.VMEM((N_PAD,), jnp.float32),
            pltpu.VMEM((EPT,), jnp.int32),
            pltpu.SemaphoreType.DMA,
        ],
    )
    def k(dst0_hbm, dst1_hbm, p0_hbm, p1_hbm, cnt, buf, sem):
        wid = lax.axis_index("c") * NS + lax.axis_index("s")
        base = wid * EPT
        ones = jnp.ones((L,), jnp.float32)

        for dst_hbm, p_hbm in ((dst0_hbm, p0_hbm), (dst1_hbm, p1_hbm)):
            pltpu.make_async_copy(dst_hbm.at[pl.ds(base, EPT)], buf, sem).start()

            @plsc.parallel_loop(0, N_PAD // L, unroll=7)
            def _z(i):
                cnt[pl.ds(i * L, L)] = jnp.zeros((L,), jnp.float32)

            pltpu.make_async_copy(dst_hbm.at[pl.ds(base, EPT)], buf, sem).wait()

            @plsc.parallel_loop(0, EPT // L, unroll=7)
            def _v(j):
                v = buf[pl.ds(j * L, L)]
                plsc.addupdate_scatter(cnt, [v], ones)

            pltpu.sync_copy(cnt, p_hbm.at[pl.ds(wid * N_PAD, N_PAD)])

    return k(dst0_arr, dst1_arr)


_DROWS = 8


def _prep_body(d0, d1, et, u0, u1, q0, q1, r0, r1):
    e = et[...]
    for dref, uref, qref, rref in ((d0, u0, q0, r0), (d1, u1, q1, r1)):
        deg = jnp.sum(dref[...], axis=0, keepdims=True)
        dis = jnp.where(deg > 0, lax.rsqrt(deg), 0.0)
        uref[...] = e * dis
        qref[...] = dis * dis
        rref[...] = dis


def _prep(deg0, deg1, embT):
    grid = (D // _DROWS,)
    vec = pl.BlockSpec((1, N), lambda i: (0, 0))
    parts = pl.BlockSpec((NW, N), lambda i: (0, 0))
    mat = pl.BlockSpec((_DROWS, N), lambda i: (i, 0))
    return pl.pallas_call(
        _prep_body,
        grid=grid,
        in_specs=[parts, parts, mat],
        out_specs=[mat, mat, vec, vec, vec, vec],
        out_shape=[
            jax.ShapeDtypeStruct((D, N), jnp.float32),
            jax.ShapeDtypeStruct((D, N), jnp.float32),
            jax.ShapeDtypeStruct((1, N), jnp.float32),
            jax.ShapeDtypeStruct((1, N), jnp.float32),
            jax.ShapeDtypeStruct((1, N), jnp.float32),
            jax.ShapeDtypeStruct((1, N), jnp.float32),
        ],
    )(deg0, deg1, embT)


def _conv2(u0_flat, pk0, s0, u1_flat, pk1, s1):
    @functools.partial(
        pl.kernel,
        out_type=[
            jax.ShapeDtypeStruct((D * N,), jnp.float32),
            jax.ShapeDtypeStruct((D * N,), jnp.float32),
        ],
        mesh=_mesh(),
        compiler_params=pltpu.CompilerParams(needs_layout_passes=False),
        scratch_types=[
            pltpu.VMEM((N,), jnp.float32),
            pltpu.VMEM((N,), jnp.float32),
            pltpu.VMEM((ECH,), jnp.int32),
            pltpu.VMEM((ECH,), jnp.int32),
            pltpu.VMEM((NCH,), jnp.float32),
            pltpu.SemaphoreType.DMA,
            pltpu.SemaphoreType.DMA,
            pltpu.SemaphoreType.DMA,
        ],
    )
    def k(u0_hbm, pk0_hbm, s0_hbm, u1_hbm, pk1_hbm, s1_hbm, o0_hbm, o1_hbm,
          urow, orow, eb0, eb1, sbuf, sem0, sem1, sem2):
        wid = lax.axis_index("c") * NS + lax.axis_index("s")
        nchunks = E // ECH
        pending_wb = []

        for uT_hbm, pk_hbm, sc_hbm, out_hbm in (
            (u0_hbm, pk0_hbm, s0_hbm, o0_hbm),
            (u1_hbm, pk1_hbm, s1_hbm, o1_hbm),
        ):
            def start(c, buf, sem, pk_hbm=pk_hbm):
                pltpu.make_async_copy(pk_hbm.at[pl.ds(c * ECH, ECH)], buf, sem).start()

            def wait(buf, sem, pk_hbm=pk_hbm):
                pltpu.make_async_copy(pk_hbm.at[pl.ds(0, ECH)], buf, sem).wait()

            def process(buf):
                @plsc.parallel_loop(0, ECH // L, unroll=5)
                def _v(j):
                    p = buf[pl.ds(j * L, L)]
                    s = jnp.bitwise_and(p, 0xFFFF)
                    t = jnp.bitwise_and(jnp.right_shift(p, 16), 0xFFFF)
                    g = plsc.load_gather(urow, [s])
                    plsc.addupdate_scatter(orow, [t], g)

            for r in range(ROWS_PER_TILE):
                d = wid * ROWS_PER_TILE + r
                start(0, eb0, sem0)
                pltpu.sync_copy(uT_hbm.at[pl.ds(d * N, N)], urow)
                if pending_wb:
                    oh, od = pending_wb.pop()
                    pltpu.make_async_copy(orow, oh.at[pl.ds(od * N, N)], sem2).wait()

                @plsc.parallel_loop(0, N // L, unroll=5)
                def _z(i):
                    orow[pl.ds(i * L, L)] = jnp.zeros((L,), jnp.float32)

                @pl.loop(0, nchunks // 2)
                def _pair(c2):
                    c = c2 * 2
                    wait(eb0, sem0)
                    start(c + 1, eb1, sem1)
                    process(eb0)
                    wait(eb1, sem1)

                    @pl.when(c2 < nchunks // 2 - 1)
                    def _():
                        start(c + 2, eb0, sem0)

                    process(eb1)

                @pl.loop(0, N // NCH)
                def _s(c):
                    pltpu.sync_copy(sc_hbm.at[pl.ds(c * NCH, NCH)], sbuf)

                    @plsc.parallel_loop(0, NCH // L, unroll=5)
                    def _m(i):
                        off = c * NCH + i * L
                        orow[pl.ds(off, L)] = orow[pl.ds(off, L)] * sbuf[pl.ds(i * L, L)]

                pltpu.make_async_copy(orow, out_hbm.at[pl.ds(d * N, N)], sem2).start()
                pending_wb.append((out_hbm, d))

        oh, od = pending_wb.pop()
        pltpu.make_async_copy(orow, oh.at[pl.ds(od * N, N)], sem2).wait()

    return k(u0_flat, pk0, s0, u1_flat, pk1, s1)


_ROWS = 1000


def _attn_body(h0_ref, h1_ref, w_ref, a_ref, out_ref):
    wa = jnp.dot(w_ref[...], a_ref[...])
    h0 = h0_ref[...]
    h1 = h1_ref[...]
    s0 = jnp.dot(h0, wa)
    s1 = jnp.dot(h1, wa)
    m = jnp.maximum(s0, s1)
    e0 = jnp.exp(s0 - m)
    e1 = jnp.exp(s1 - m)
    w0 = e0 / (e0 + e1)
    ne = w0 * h0 + (1.0 - w0) * h1
    out_ref[...] = jnp.concatenate([ne, jnp.zeros_like(ne)], axis=1)


def _attention(h2_0, h2_1, W, a):
    grid = (N // _ROWS,)
    return pl.pallas_call(
        _attn_body,
        grid=grid,
        in_specs=[
            pl.BlockSpec((_ROWS, D), lambda i: (i, 0)),
            pl.BlockSpec((_ROWS, D), lambda i: (i, 0)),
            pl.BlockSpec((D, D), lambda i: (0, 0)),
            pl.BlockSpec((D, 1), lambda i: (0, 0)),
        ],
        out_specs=pl.BlockSpec((_ROWS, 2 * D), lambda i: (i, 0)),
        out_shape=jax.ShapeDtypeStruct((N, 2 * D), jnp.float32),
    )(h2_0, h2_1, W, a)


def _pairdot(node_emb, user, item):
    @functools.partial(
        pl.kernel,
        out_type=jax.ShapeDtypeStruct((B,), jnp.float32),
        mesh=_mesh(),
        compiler_params=pltpu.CompilerParams(needs_layout_passes=False),
        scratch_types=[
            pltpu.VMEM((BPT,), jnp.int32),
            pltpu.VMEM((BPT,), jnp.int32),
            pltpu.VMEM((BPT, 2 * D), jnp.float32),
            pltpu.VMEM((BPT, 2 * D), jnp.float32),
            pltpu.VMEM((BPT,), jnp.float32),
            pltpu.SemaphoreType.DMA,
        ],
    )
    def k(ne_hbm, u_hbm, i_hbm, out_hbm, uidx, iidx, urows, irows, outv, sem):
        wid = lax.axis_index("c") * NS + lax.axis_index("s")
        base = wid * BPT
        pltpu.sync_copy(u_hbm.at[pl.ds(base, BPT)], uidx)
        pltpu.sync_copy(i_hbm.at[pl.ds(base, BPT)], iidx)
        pltpu.make_async_copy(ne_hbm.at[uidx], urows, sem).start()
        pltpu.make_async_copy(ne_hbm.at[uidx], urows, sem).wait()
        pltpu.make_async_copy(ne_hbm.at[iidx], irows, sem).start()
        pltpu.make_async_copy(ne_hbm.at[iidx], irows, sem).wait()
        lane = lax.iota(jnp.int32, L)
        for g_ in range(BPT // L):
            pids = lane + g_ * L

            def body(f, acc):
                fv = jnp.zeros((L,), jnp.int32) + f
                uv = plsc.load_gather(urows, [pids, fv])
                iv = plsc.load_gather(irows, [pids, fv])
                return acc + uv * iv

            acc = lax.fori_loop(0, D, body, jnp.zeros((L,), jnp.float32))
            outv[pl.ds(g_ * L, L)] = acc
        pltpu.sync_copy(outv, out_hbm.at[pl.ds(base, BPT)])

    return k(node_emb, user, item)


def kernel(user, item, x, edge_index_0, edge_index_1, emb_table, W, a):
    ei0 = edge_index_0.astype(jnp.int32)
    ei1 = edge_index_1.astype(jnp.int32)
    user = user.astype(jnp.int32)
    item = item.astype(jnp.int32)

    p0_2d, p1_2d = _pack(ei0, ei1)
    packed0 = p0_2d.reshape(E)
    packed1 = p1_2d.reshape(E)

    dst0 = jnp.pad(ei0[1], (0, PADE - E), constant_values=N)
    dst1 = jnp.pad(ei1[1], (0, PADE - E), constant_values=N)
    parts0, parts1 = _deg2(dst0, dst1)

    embT = emb_table.T
    u0T_0, u0T_1, q0, q1, r0, r1 = _prep(
        parts0.reshape(NW, N_PAD)[:, :N], parts1.reshape(NW, N_PAD)[:, :N], embT)

    u1T_0, u1T_1 = _conv2(u0T_0.reshape(D * N), packed0, q0.reshape(N),
                          u0T_1.reshape(D * N), packed1, q1.reshape(N))
    h2T_0, h2T_1 = _conv2(u1T_0, packed0, r0.reshape(N),
                          u1T_1, packed1, r1.reshape(N))

    h2_0 = h2T_0.reshape(D, N).T
    h2_1 = h2T_1.reshape(D, N).T

    node_emb = _attention(h2_0, h2_1, W, a)
    out = _pairdot(node_emb, user, item)
    return (out, h2_0, h2_1)

# --- scband reference (transcript-rebuilt; emitter-appended) ---
"""Pipeline reference for scband-meta-krec-51728586113410 (READ-ONLY COPY).

The authoritative reference and input builder live on the scoring server;
editing this copy changes nothing except your own understanding.
"""

import jax, jax.numpy as jnp
import numpy as np

N = 50000
D = 64
E = 800000
B = 4096
LAYERS = 2


def setup_inputs(seed: int = 0) -> dict:
    key = jax.random.key(seed)
    k1, k2, k3, k4, k5, k6, k7 = jax.random.split(key, 7)
    user = jax.random.randint(k1, (B,), 0, N, dtype=jnp.int64) if jax.config.jax_enable_x64 else jax.random.randint(k1, (B,), 0, N, dtype=jnp.int32)
    item = jax.random.randint(k2, (B,), 0, N, dtype=user.dtype)
    x = jnp.arange(N, dtype=user.dtype)
    edge_index_0 = jax.random.randint(k3, (2, E), 0, N, dtype=user.dtype)
    edge_index_1 = jax.random.randint(k4, (2, E), 0, N, dtype=user.dtype)
    emb_table = jax.random.normal(k5, (N, D), dtype=jnp.float32)
    W = jax.random.normal(k6, (D, D), dtype=jnp.float32)
    a = jax.random.normal(k7, (D, 1), dtype=jnp.float32)
    return {"user": user, "item": item, "x": x,
            "edge_index_0": edge_index_0, "edge_index_1": edge_index_1,
            "emb_table": emb_table, "W": W, "a": a}


def _lgconv(h, edge_index, num_nodes):
    # PyG LGConv: symmetric gcn_norm without self-loops, propagate src->dst
    src = edge_index[0]
    dst = edge_index[1]
    deg = jnp.zeros((num_nodes,), dtype=h.dtype).at[dst].add(1.0)
    deg_inv_sqrt = jnp.where(deg > 0, 1.0 / jnp.sqrt(deg), 0.0)
    norm = deg_inv_sqrt[src] * deg_inv_sqrt[dst]
    msg = norm[:, None] * jnp.take(h, src, axis=0)
    return jnp.zeros_like(h).at[dst].add(msg)


def reference(user, item, x, edge_index_0, edge_index_1, emb_table, W, a):
    node0 = jnp.take(emb_table, x, axis=0)
    ls_embedding = []
    for ei in (edge_index_0, edge_index_1):
        h = node0
        for _ in range(LAYERS):
            h = _lgconv(h, ei, N)
        ls_embedding.append(h)
    # channel_attention (type == 'attention')
    embeddings = jnp.stack(ls_embedding, axis=-2)  # [N, G, D]
    tensor = jnp.matmul(embeddings, W)
    tensor = jnp.matmul(tensor, a)  # [N, G, 1]
    weight = jax.nn.softmax(tensor, axis=-2)
    node_embedding = jnp.sum(weight * embeddings, axis=-2)  # [N, D]
    u_embedding = jnp.take(node_embedding, user, axis=0)
    i_embedding = jnp.take(node_embedding, item, axis=0)
    out = jnp.sum(u_embedding * i_embedding, axis=1)
    return (out, ls_embedding[0], ls_embedding[1])

if __name__ == "__main__":
    import jax
    _d = setup_inputs()
    print(jax.jit(kernel)(*tuple(_d.values())))

</pallas_src>

<mosaic_0001>
#map = affine_map<(d0, d1) -> (0)>
module attributes {stable_mosaic.version = 14 : i64} {
  func.func @k(%arg0: i32, %arg1: i32, %arg2: memref<802816xi32, #tpu.memory_space<hbm>>, %arg3: memref<802816xi32, #tpu.memory_space<hbm>>, %arg4: memref<1605632xf32, #tpu.memory_space<hbm>>, %arg5: memref<1605632xf32, #tpu.memory_space<hbm>>, %arg6: memref<50176xf32, #tpu.memory_space<vmem>>, %arg7: memref<25088xi32, #tpu.memory_space<vmem>>, %arg8: memref<!tpu.dma_semaphore, #tpu.memory_space<semaphore_mem>>) attributes {dimension_semantics = [#tpu.dimension_semantics<core_parallel>, #tpu.dimension_semantics<subcore_parallel>], iteration_bounds = array<i64: 2, 16>, scalar_prefetch = 0 : i64, scratch_operands = 3 : i64, tpu.core_type = #tpu.core_type<sc_vector_subcore>, window_params = [{transform_indices = #map}, {transform_indices = #map}, {transform_indices = #map}, {transform_indices = #map}]} {
    %mul3A = arith.constant 16 : i32
    %mul3A_0 = arith.muli %arg0, %mul3A : i32
    %add3A = arith.addi %mul3A_0, %arg1 : i32
    %mul3A_1 = arith.constant 25088 : i32
    %mul3A_2 = arith.muli %add3A, %mul3A_1 : i32
    %broadcast_in_dim3A = arith.constant 1.000000e+00 : f32
    %broadcast_in_dim3A_3 = vector.broadcast %broadcast_in_dim3A : f32 to vector<16xf32>
    %dma_start3A = tpu.memref_slice %arg2[%mul3A_2] : memref<802816xi32, #tpu.memory_space<hbm>> -> memref<25088xi32, #tpu.memory_space<hbm>>
    %dma_start3A_4 = tpu.memref_slice %arg2[%mul3A_2] : memref<802816xi32, #tpu.memory_space<hbm>> -> memref<25088xi32, #tpu.memory_space<hbm>>
    tpu.enqueue_dma source(%dma_start3A_4 : memref<25088xi32, #tpu.memory_space<hbm>>) target(%arg7 : memref<25088xi32, #tpu.memory_space<vmem>>) target_semaphore(%arg8 : memref<!tpu.dma_semaphore, #tpu.memory_space<semaphore_mem>>)
    %parallel_loop3A = arith.constant 0 : i32
    %parallel_loop3A_5 = arith.constant 3136 : i32
    %parallel_loop3A_6 = arith.constant 1 : i32
    scf.for %parallel_loop3A_25 = %parallel_loop3A to %parallel_loop3A_5 step %parallel_loop3A_6  : i32 {
      %parallel_loop3A_26 = arith.constant 0.000000e+00 : f32
      %parallel_loop3A_27 = vector.broadcast %parallel_loop3A_26 : f32 to vector<16xf32>
      %parallel_loop3A_28 = arith.constant 16 : i32
      %parallel_loop3A_29 = arith.muli %parallel_loop3A_25, %parallel_loop3A_28 : i32
      %parallel_loop3A_30 = arith.index_cast %parallel_loop3A_29 : i32 to index
      %parallel_loop3A_31 = tpu.vector_load %arg6[%parallel_loop3A_30] {strides = array<i32>} : memref<50176xf32, #tpu.memory_space<vmem>>, vector<16xf32>,
      tpu.vector_store %arg6[%parallel_loop3A_30], %parallel_loop3A_27 {strides = array<i32>} : memref<50176xf32, #tpu.memory_space<vmem>>, vector<16xf32>,
    } {sc.loop_unroll_factor = 7 : i64, sc.parallel_access}
    %dma_wait3A = tpu.memref_slice %arg2[%mul3A_2] : memref<802816xi32, #tpu.memory_space<hbm>> -> memref<25088xi32, #tpu.memory_space<hbm>>
    %dma_wait3A_7 = tpu.memref_slice %arg2[%mul3A_2] : memref<802816xi32, #tpu.memory_space<hbm>> -> memref<25088xi32, #tpu.memory_space<hbm>>
    tpu.wait_dma2 semaphore(%arg8 : memref<!tpu.dma_semaphore, #tpu.memory_space<semaphore_mem>>) src(%dma_wait3A_7 : memref<25088xi32, #tpu.memory_space<hbm>>) dst(%arg7 : memref<25088xi32, #tpu.memory_space<vmem>>)
    %parallel_loop3A_8 = arith.constant 0 : i32
    %parallel_loop3A_9 = arith.constant 1568 : i32
    %parallel_loop3A_10 = arith.constant 1 : i32
    scf.for %parallel_loop3A_25 = %parallel_loop3A_8 to %parallel_loop3A_9 step %parallel_loop3A_10  : i32 {
      %parallel_loop3A_26 = arith.constant 16 : i32
      %parallel_loop3A_27 = arith.muli %parallel_loop3A_25, %parallel_loop3A_26 : i32
      %parallel_loop3A_28 = arith.index_cast %parallel_loop3A_27 : i32 to index
      %parallel_loop3A_29 = tpu.vector_load %arg7[%parallel_loop3A_28] {strides = array<i32>} : memref<25088xi32, #tpu.memory_space<vmem>>, vector<16xi32>,
      tpu.vector_store_idx %arg6[%parallel_loop3A_29], %broadcast_in_dim3A_3 {add = true} : memref<50176xf32, #tpu.memory_space<vmem>>[vector<16xi32>], vector<16xf32>,
    } {sc.loop_unroll_factor = 7 : i64, sc.parallel_access}
    %mul3A_11 = arith.constant 50176 : i32
    %mul3A_12 = arith.muli %add3A, %mul3A_11 : i32
    "tpu.region"() ({
      %run_scoped3A = tpu.sem_alloc : memref<!tpu.dma_semaphore, #tpu.memory_space<semaphore_mem>>
      %dma_start3A_25 = tpu.memref_slice %arg4[%mul3A_12] : memref<1605632xf32, #tpu.memory_space<hbm>> -> memref<50176xf32, #tpu.memory_space<hbm>>
      %dma_start3A_26 = tpu.memref_slice %arg4[%mul3A_12] : memref<1605632xf32, #tpu.memory_space<hbm>> -> memref<50176xf32, #tpu.memory_space<hbm>>
      tpu.enqueue_dma source(%arg6 : memref<50176xf32, #tpu.memory_space<vmem>>) target(%dma_start3A_26 : memref<50176xf32, #tpu.memory_space<hbm>>) target_semaphore(%run_scoped3A : memref<!tpu.dma_semaphore, #tpu.memory_space<semaphore_mem>>)
      %dma_wait3A_27 = tpu.memref_slice %arg4[%mul3A_12] : memref<1605632xf32, #tpu.memory_space<hbm>> -> memref<50176xf32, #tpu.memory_space<hbm>>
      %dma_wait3A_28 = tpu.memref_slice %arg4[%mul3A_12] : memref<1605632xf32, #tpu.memory_space<hbm>> -> memref<50176xf32, #tpu.memory_space<hbm>>
      tpu.wait_dma2 semaphore(%run_scoped3A : memref<!tpu.dma_semaphore, #tpu.memory_space<semaphore_mem>>) src(%arg6 : memref<50176xf32, #tpu.memory_space<vmem>>) dst(%dma_wait3A_28 : memref<50176xf32, #tpu.memory_space<hbm>>)
      tpu.yield
    }) : () -> ()
    %dma_start3A_13 = tpu.memref_slice %arg3[%mul3A_2] : memref<802816xi32, #tpu.memory_space<hbm>> -> memref<25088xi32, #tpu.memory_space<hbm>>
    %dma_start3A_14 = tpu.memref_slice %arg3[%mul3A_2] : memref<802816xi32, #tpu.memory_space<hbm>> -> memref<25088xi32, #tpu.memory_space<hbm>>
    tpu.enqueue_dma source(%dma_start3A_14 : memref<25088xi32, #tpu.memory_space<hbm>>) target(%arg7 : memref<25088xi32, #tpu.memory_space<vmem>>) target_semaphore(%arg8 : memref<!tpu.dma_semaphore, #tpu.memory_space<semaphore_mem>>)
    %parallel_loop3A_15 = arith.constant 0 : i32
    %parallel_loop3A_16 = arith.constant 3136 : i32
    %parallel_loop3A_17 = arith.constant 1 : i32
    scf.for %parallel_loop3A_25 = %parallel_loop3A_15 to %parallel_loop3A_16 step %parallel_loop3A_17  : i32 {
      %parallel_loop3A_26 = arith.constant 0.000000e+00 : f32
      %parallel_loop3A_27 = vector.broadcast %parallel_loop3A_26 : f32 to vector<16xf32>
      %parallel_loop3A_28 = arith.constant 16 : i32
      %parallel_loop3A_29 = arith.muli %parallel_loop3A_25, %parallel_loop3A_28 : i32
      %parallel_loop3A_30 = arith.index_cast %parallel_loop3A_29 : i32 to index
      %parallel_loop3A_31 = tpu.vector_load %arg6[%parallel_loop3A_30] {strides = array<i32>} : memref<50176xf32, #tpu.memory_space<vmem>>, vector<16xf32>,
      tpu.vector_store %arg6[%parallel_loop3A_30], %parallel_loop3A_27 {strides = array<i32>} : memref<50176xf32, #tpu.memory_space<vmem>>, vector<16xf32>,
    } {sc.loop_unroll_factor = 7 : i64, sc.parallel_access}
    %dma_wait3A_18 = tpu.memref_slice %arg3[%mul3A_2] : memref<802816xi32, #tpu.memory_space<hbm>> -> memref<25088xi32, #tpu.memory_space<hbm>>
    %dma_wait3A_19 = tpu.memref_slice %arg3[%mul3A_2] : memref<802816xi32, #tpu.memory_space<hbm>> -> memref<25088xi32, #tpu.memory_space<hbm>>
    tpu.wait_dma2 semaphore(%arg8 : memref<!tpu.dma_semaphore, #tpu.memory_space<semaphore_mem>>) src(%dma_wait3A_19 : memref<25088xi32, #tpu.memory_space<hbm>>) dst(%arg7 : memref<25088xi32, #tpu.memory_space<vmem>>)
    %parallel_loop3A_20 = arith.constant 0 : i32
    %parallel_loop3A_21 = arith.constant 1568 : i32
    %parallel_loop3A_22 = arith.constant 1 : i32
    scf.for %parallel_loop3A_25 = %parallel_loop3A_20 to %parallel_loop3A_21 step %parallel_loop3A_22  : i32 {
      %parallel_loop3A_26 = arith.constant 16 : i32
      %parallel_loop3A_27 = arith.muli %parallel_loop3A_25, %parallel_loop3A_26 : i32
      %parallel_loop3A_28 = arith.index_cast %parallel_loop3A_27 : i32 to index
      %parallel_loop3A_29 = tpu.vector_load %arg7[%parallel_loop3A_28] {strides = array<i32>} : memref<25088xi32, #tpu.memory_space<vmem>>, vector<16xi32>,
      tpu.vector_store_idx %arg6[%parallel_loop3A_29], %broadcast_in_dim3A_3 {add = true} : memref<50176xf32, #tpu.memory_space<vmem>>[vector<16xi32>], vector<16xf32>,
    } {sc.loop_unroll_factor = 7 : i64, sc.parallel_access}
    %mul3A_23 = arith.constant 50176 : i32
    %mul3A_24 = arith.muli %add3A, %mul3A_23 : i32
    "tpu.region"() ({
      %run_scoped3A = tpu.sem_alloc : memref<!tpu.dma_semaphore, #tpu.memory_space<semaphore_mem>>
      %dma_start3A_25 = tpu.memref_slice %arg5[%mul3A_24] : memref<1605632xf32, #tpu.memory_space<hbm>> -> memref<50176xf32, #tpu.memory_space<hbm>>
      %dma_start3A_26 = tpu.memref_slice %arg5[%mul3A_24] : memref<1605632xf32, #tpu.memory_space<hbm>> -> memref<50176xf32, #tpu.memory_space<hbm>>
      tpu.enqueue_dma source(%arg6 : memref<50176xf32, #tpu.memory_space<vmem>>) target(%dma_start3A_26 : memref<50176xf32, #tpu.memory_space<hbm>>) target_semaphore(%run_scoped3A : memref<!tpu.dma_semaphore, #tpu.memory_space<semaphore_mem>>)
      %dma_wait3A_27 = tpu.memref_slice %arg5[%mul3A_24] : memref<1605632xf32, #tpu.memory_space<hbm>> -> memref<50176xf32, #tpu.memory_space<hbm>>
      %dma_wait3A_28 = tpu.memref_slice %arg5[%mul3A_24] : memref<1605632xf32, #tpu.memory_space<hbm>> -> memref<50176xf32, #tpu.memory_space<hbm>>
      tpu.wait_dma2 semaphore(%run_scoped3A : memref<!tpu.dma_semaphore, #tpu.memory_space<semaphore_mem>>) src(%arg6 : memref<50176xf32, #tpu.memory_space<vmem>>) dst(%dma_wait3A_28 : memref<50176xf32, #tpu.memory_space<hbm>>)
      tpu.yield
    }) : () -> ()
    return
  }
}

#map = affine_map<(d0, d1) -> (0, 0)>
#map1 = affine_map<(d0, d1) -> (0)>
module attributes {stable_mosaic.version = 14 : i64} {
  func.func @k(%arg0: i32, %arg1: i32, %arg2: memref<50000x128xf32, #tpu.memory_space<hbm>>, %arg3: memref<4096xi32, #tpu.memory_space<hbm>>, %arg4: memref<4096xi32, #tpu.memory_space<hbm>>, %arg5: memref<4096xf32, #tpu.memory_space<hbm>>, %arg6: memref<128xi32, #tpu.memory_space<vmem>>, %arg7: memref<128xi32, #tpu.memory_space<vmem>>, %arg8: memref<128x128xf32, #tpu.memory_space<vmem>>, %arg9: memref<128x128xf32, #tpu.memory_space<vmem>>, %arg10: memref<128xf32, #tpu.memory_space<vmem>>, %arg11: memref<!tpu.dma_semaphore, #tpu.memory_space<semaphore_mem>>) attributes {dimension_semantics = [#tpu.dimension_semantics<core_parallel>, #tpu.dimension_semantics<subcore_parallel>], iteration_bounds = array<i64: 2, 16>, scalar_prefetch = 0 : i64, scratch_operands = 6 : i64, tpu.core_type = #tpu.core_type<sc_vector_subcore>, window_params = [{transform_indices = #map}, {transform_indices = #map1}, {transform_indices = #map1}, {transform_indices = #map1}]} {
    %mul3A = arith.constant 16 : i32
    %mul3A_0 = arith.muli %arg0, %mul3A : i32
    %add3A = arith.addi %mul3A_0, %arg1 : i32
    %mul3A_1 = arith.constant 128 : i32
    %mul3A_2 = arith.muli %add3A, %mul3A_1 : i32
    "tpu.region"() ({
      %run_scoped3A = tpu.sem_alloc : memref<!tpu.dma_semaphore, #tpu.memory_space<semaphore_mem>>
      %dma_start3A_114 = tpu.memref_slice %arg3[%mul3A_2] : memref<4096xi32, #tpu.memory_space<hbm>> -> memref<128xi32, #tpu.memory_space<hbm>>
      %dma_start3A_115 = tpu.memref_slice %arg3[%mul3A_2] : memref<4096xi32, #tpu.memory_space<hbm>> -> memref<128xi32, #tpu.memory_space<hbm>>
      tpu.enqueue_dma source(%dma_start3A_115 : memref<128xi32, #tpu.memory_space<hbm>>) target(%arg6 : memref<128xi32, #tpu.memory_space<vmem>>) target_semaphore(%run_scoped3A : memref<!tpu.dma_semaphore, #tpu.memory_space<semaphore_mem>>)
      %dma_wait3A_116 = tpu.memref_slice %arg3[%mul3A_2] : memref<4096xi32, #tpu.memory_space<hbm>> -> memref<128xi32, #tpu.memory_space<hbm>>
      %dma_wait3A_117 = tpu.memref_slice %arg3[%mul3A_2] : memref<4096xi32, #tpu.memory_space<hbm>> -> memref<128xi32, #tpu.memory_space<hbm>>
      tpu.wait_dma2 semaphore(%run_scoped3A : memref<!tpu.dma_semaphore, #tpu.memory_space<semaphore_mem>>) src(%dma_wait3A_117 : memref<128xi32, #tpu.memory_space<hbm>>) dst(%arg6 : memref<128xi32, #tpu.memory_space<vmem>>)
      tpu.yield
    }) : () -> ()
    "tpu.region"() ({
      %run_scoped3A = tpu.sem_alloc : memref<!tpu.dma_semaphore, #tpu.memory_space<semaphore_mem>>
      %dma_start3A_114 = tpu.memref_slice %arg4[%mul3A_2] : memref<4096xi32, #tpu.memory_space<hbm>> -> memref<128xi32, #tpu.memory_space<hbm>>
      %dma_start3A_115 = tpu.memref_slice %arg4[%mul3A_2] : memref<4096xi32, #tpu.memory_space<hbm>> -> memref<128xi32, #tpu.memory_space<hbm>>
      tpu.enqueue_dma source(%dma_start3A_115 : memref<128xi32, #tpu.memory_space<hbm>>) target(%arg7 : memref<128xi32, #tpu.memory_space<vmem>>) target_semaphore(%run_scoped3A : memref<!tpu.dma_semaphore, #tpu.memory_space<semaphore_mem>>)
      %dma_wait3A_116 = tpu.memref_slice %arg4[%mul3A_2] : memref<4096xi32, #tpu.memory_space<hbm>> -> memref<128xi32, #tpu.memory_space<hbm>>
      %dma_wait3A_117 = tpu.memref_slice %arg4[%mul3A_2] : memref<4096xi32, #tpu.memory_space<hbm>> -> memref<128xi32, #tpu.memory_space<hbm>>
      tpu.wait_dma2 semaphore(%run_scoped3A : memref<!tpu.dma_semaphore, #tpu.memory_space<semaphore_mem>>) src(%dma_wait3A_117 : memref<128xi32, #tpu.memory_space<hbm>>) dst(%arg7 : memref<128xi32, #tpu.memory_space<vmem>>)
      tpu.yield
    }) : () -> ()
    %dma_start3A = arith.constant 0 : i32
    %dma_start3A_3 = arith.constant 0 : i32
    %dma_start3A_4 = tpu.memref_slice %arg2[%dma_start3A, %dma_start3A_3] : memref<50000x128xf32, #tpu.memory_space<hbm>> -> memref<50000x128xf32, #tpu.memory_space<hbm>>
    tpu.enqueue_indirect_dma source(%dma_start3A_4 : memref<50000x128xf32, #tpu.memory_space<hbm>>) target(%arg8 : memref<128x128xf32, #tpu.memory_space<vmem>>) offsets(%arg6 : memref<128xi32, #tpu.memory_space<vmem>>) semaphore(%arg11 : memref<!tpu.dma_semaphore, #tpu.memory_space<semaphore_mem>>)
    %dma_wait3A = arith.constant 0 : i32
    %dma_wait3A_5 = arith.constant 0 : i32
    %dma_wait3A_6 = tpu.memref_slice %arg2[%dma_wait3A, %dma_wait3A_5] : memref<50000x128xf32, #tpu.memory_space<hbm>> -> memref<50000x128xf32, #tpu.memory_space<hbm>>
    tpu.wait_indirect_dma semaphore(%arg11 : memref<!tpu.dma_semaphore, #tpu.memory_space<semaphore_mem>>) src(%dma_wait3A_6 : memref<50000x128xf32, #tpu.memory_space<hbm>>) dst(%arg8 : memref<128x128xf32, #tpu.memory_space<vmem>>)
    %dma_start3A_7 = arith.constant 0 : i32
    %dma_start3A_8 = arith.constant 0 : i32
    %dma_start3A_9 = tpu.memref_slice %arg2[%dma_start3A_7, %dma_start3A_8] : memref<50000x128xf32, #tpu.memory_space<hbm>> -> memref<50000x128xf32, #tpu.memory_space<hbm>>
    tpu.enqueue_indirect_dma source(%dma_start3A_9 : memref<50000x128xf32, #tpu.memory_space<hbm>>) target(%arg9 : memref<128x128xf32, #tpu.memory_space<vmem>>) offsets(%arg7 : memref<128xi32, #tpu.memory_space<vmem>>) semaphore(%arg11 : memref<!tpu.dma_semaphore, #tpu.memory_space<semaphore_mem>>)
    %dma_wait3A_10 = arith.constant 0 : i32
    %dma_wait3A_11 = arith.constant 0 : i32
    %dma_wait3A_12 = tpu.memref_slice %arg2[%dma_wait3A_10, %dma_wait3A_11] : memref<50000x128xf32, #tpu.memory_space<hbm>> -> memref<50000x128xf32, #tpu.memory_space<hbm>>
    tpu.wait_indirect_dma semaphore(%arg11 : memref<!tpu.dma_semaphore, #tpu.memory_space<semaphore_mem>>) src(%dma_wait3A_12 : memref<50000x128xf32, #tpu.memory_space<hbm>>) dst(%arg9 : memref<128x128xf32, #tpu.memory_space<vmem>>)
    %iota3A = tpu.iota {dimensions = array<i32: 0>} : vector<16xi32>
    %add3A_13 = arith.constant 0 : i32
    %add3A_14 = vector.broadcast %add3A_13 : i32 to vector<16xi32>
    %add3A_15 = arith.addi %iota3A, %add3A_14 : vector<16xi32>
    %broadcast_in_dim3A = arith.constant 0.000000e+00 : f32
    %broadcast_in_dim3A_16 = vector.broadcast %broadcast_in_dim3A : f32 to vector<16xf32>
    %scan3A = arith.constant 0 : i32
    %scan3A_17 = arith.constant 64 : i32
    %scan3A_18 = arith.addi %scan3A, %scan3A_17 : i32
    %scan3A_19 = arith.constant 1 : i32
    %scan3A_20 = scf.for %scan3A_114 = %scan3A to %scan3A_18 step %scan3A_19 iter_args(%scan3A_115 = %broadcast_in_dim3A_16) -> (vector<16xf32>)  : i32 {
      %broadcast_in_dim3A_116 = arith.constant 0 : i32
      %broadcast_in_dim3A_117 = vector.broadcast %broadcast_in_dim3A_116 : i32 to vector<16xi32>
      %add3A_118 = vector.broadcast %scan3A_114 : i32 to vector<16xi32>
      %add3A_119 = arith.addi %broadcast_in_dim3A_117, %add3A_118 : vector<16xi32>
      %gather3A = tpu.vector_load_idx %arg8[%add3A_15, %add3A_119] : memref<128x128xf32, #tpu.memory_space<vmem>>[vector<16xi32>, vector<16xi32>], vector<16xf32>,
      %gather3A_120 = tpu.vector_load_idx %arg9[%add3A_15, %add3A_119] : memref<128x128xf32, #tpu.memory_space<vmem>>[vector<16xi32>, vector<16xi32>], vector<16xf32>,
      %mul3A_121 = arith.mulf %gather3A, %gather3A_120 : vector<16xf32>
      %add3A_122 = arith.addf %scan3A_115, %mul3A_121 : vector<16xf32>
      scf.yield %add3A_122 : vector<16xf32>
    }
    %scan3A_21 = arith.constant 64 : i32
    %swap3A = arith.constant 0 : index
    %swap3A_22 = tpu.vector_load %arg10[%swap3A] {strides = array<i32>} : memref<128xf32, #tpu.memory_space<vmem>>, vector<16xf32>,
    tpu.vector_store %arg10[%swap3A], %scan3A_20 {strides = array<i32>} : memref<128xf32, #tpu.memory_space<vmem>>, vector<16xf32>,
    %add3A_23 = arith.constant 16 : i32
    %add3A_24 = vector.broadcast %add3A_23 : i32 to vector<16xi32>
    %add3A_25 = arith.addi %iota3A, %add3A_24 : vector<16xi32>
    %broadcast_in_dim3A_26 = arith.constant 0.000000e+00 : f32
    %broadcast_in_dim3A_27 = vector.broadcast %broadcast_in_dim3A_26 : f32 to vector<16xf32>
    %scan3A_28 = arith.constant 0 : i32
    %scan3A_29 = arith.constant 64 : i32
    %scan3A_30 = arith.addi %scan3A_28, %scan3A_29 : i32
    %scan3A_31 = arith.constant 1 : i32
    %scan3A_32 = scf.for %scan3A_114 = %scan3A_28 to %scan3A_30 step %scan3A_31 iter_args(%scan3A_115 = %broadcast_in_dim3A_27) -> (vector<16xf32>)  : i32 {
      %broadcast_in_dim3A_116 = arith.constant 0 : i32
      %broadcast_in_dim3A_117 = vector.broadcast %broadcast_in_dim3A_116 : i32 to vector<16xi32>
      %add3A_118 = vector.broadcast %scan3A_114 : i32 to vector<16xi32>
      %add3A_119 = arith.addi %broadcast_in_dim3A_117, %add3A_118 : vector<16xi32>
      %gather3A = tpu.vector_load_idx %arg8[%add3A_25, %add3A_119] : memref<128x128xf32, #tpu.memory_space<vmem>>[vector<16xi32>, vector<16xi32>], vector<16xf32>,
      %gather3A_120 = tpu.vector_load_idx %arg9[%add3A_25, %add3A_119] : memref<128x128xf32, #tpu.memory_space<vmem>>[vector<16xi32>, vector<16xi32>], vector<16xf32>,
      %mul3A_121 = arith.mulf %gather3A, %gather3A_120 : vector<16xf32>
      %add3A_122 = arith.addf %scan3A_115, %mul3A_121 : vector<16xf32>
      scf.yield %add3A_122 : vector<16xf32>
    }
    %scan3A_33 = arith.constant 64 : i32
    %swap3A_34 = arith.constant 16 : index
    %swap3A_35 = tpu.vector_load %arg10[%swap3A_34] {strides = array<i32>} : memref<128xf32, #tpu.memory_space<vmem>>, vector<16xf32>,
    tpu.vector_store %arg10[%swap3A_34], %scan3A_32 {strides = array<i32>} : memref<128xf32, #tpu.memory_space<vmem>>, vector<16xf32>,
    %add3A_36 = arith.constant 32 : i32
    %add3A_37 = vector.broadcast %add3A_36 : i32 to vector<16xi32>
    %add3A_38 = arith.addi %iota3A, %add3A_37 : vector<16xi32>
    %broadcast_in_dim3A_39 = arith.constant 0.000000e+00 : f32
    %broadcast_in_dim3A_40 = vector.broadcast %broadcast_in_dim3A_39 : f32 to vector<16xf32>
    %scan3A_41 = arith.constant 0 : i32
    %scan3A_42 = arith.constant 64 : i32
    %scan3A_43 = arith.addi %scan3A_41, %scan3A_42 : i32
    %scan3A_44 = arith.constant 1 : i32
    %scan3A_45 = scf.for %scan3A_114 = %scan3A_41 to %scan3A_43 step %scan3A_44 iter_args(%scan3A_115 = %broadcast_in_dim3A_40) -> (vector<16xf32>)  : i32 {
      %broadcast_in_dim3A_116 = arith.constant 0 : i32
      %broadcast_in_dim3A_117 = vector.broadcast %broadcast_in_dim3A_116 : i32 to vector<16xi32>
      %add3A_118 = vector.broadcast %scan3A_114 : i32 to vector<16xi32>
      %add3A_119 = arith.addi %broadcast_in_dim3A_117, %add3A_118 : vector<16xi32>
      %gather3A = tpu.vector_load_idx %arg8[%add3A_38, %add3A_119] : memref<128x128xf32, #tpu.memory_space<vmem>>[vector<16xi32>, vector<16xi32>], vector<16xf32>,
      %gather3A_120 = tpu.vector_load_idx %arg9[%add3A_38, %add3A_119] : memref<128x128xf32, #tpu.memory_space<vmem>>[vector<16xi32>, vector<16xi32>], vector<16xf32>,
      %mul3A_121 = arith.mulf %gather3A, %gather3A_120 : vector<16xf32>
      %add3A_122 = arith.addf %scan3A_115, %mul3A_121 : vector<16xf32>
      scf.yield %add3A_122 : vector<16xf32>
    }
    %scan3A_46 = arith.constant 64 : i32
    %swap3A_47 = arith.constant 32 : index
    %swap3A_48 = tpu.vector_load %arg10[%swap3A_47] {strides = array<i32>} : memref<128xf32, #tpu.memory_space<vmem>>, vector<16xf32>,
    tpu.vector_store %arg10[%swap3A_47], %scan3A_45 {strides = array<i32>} : memref<128xf32, #tpu.memory_space<vmem>>, vector<16xf32>,
    %add3A_49 = arith.constant 48 : i32
    %add3A_50 = vector.broadcast %add3A_49 : i32 to vector<16xi32>
    %add3A_51 = arith.addi %iota3A, %add3A_50 : vector<16xi32>
    %broadcast_in_dim3A_52 = arith.constant 0.000000e+00 : f32
    %broadcast_in_dim3A_53 = vector.broadcast %broadcast_in_dim3A_52 : f32 to vector<16xf32>
    %scan3A_54 = arith.constant 0 : i32
    %scan3A_55 = arith.constant 64 : i32
    %scan3A_56 = arith.addi %scan3A_54, %scan3A_55 : i32
    %scan3A_57 = arith.constant 1 : i32
    %scan3A_58 = scf.for %scan3A_114 = %scan3A_54 to %scan3A_56 step %scan3A_57 iter_args(%scan3A_115 = %broadcast_in_dim3A_53) -> (vector<16xf32>)  : i32 {
      %broadcast_in_dim3A_116 = arith.constant 0 : i32
      %broadcast_in_dim3A_117 = vector.broadcast %broadcast_in_dim3A_116 : i32 to vector<16xi32>
      %add3A_118 = vector.broadcast %scan3A_114 : i32 to vector<16xi32>
      %add3A_119 = arith.addi %broadcast_in_dim3A_117, %add3A_118 : vector<16xi32>
      %gather3A = tpu.vector_load_idx %arg8[%add3A_51, %add3A_119] : memref<128x128xf32, #tpu.memory_space<vmem>>[vector<16xi32>, vector<16xi32>], vector<16xf32>,
      %gather3A_120 = tpu.vector_load_idx %arg9[%add3A_51, %add3A_119] : memref<128x128xf32, #tpu.memory_space<vmem>>[vector<16xi32>, vector<16xi32>], vector<16xf32>,
      %mul3A_121 = arith.mulf %gather3A, %gather3A_120 : vector<16xf32>
      %add3A_122 = arith.addf %scan3A_115, %mul3A_121 : vector<16xf32>
      scf.yield %add3A_122 : vector<16xf32>
    }
    %scan3A_59 = arith.constant 64 : i32
    %swap3A_60 = arith.constant 48 : index
    %swap3A_61 = tpu.vector_load %arg10[%swap3A_60] {strides = array<i32>} : memref<128xf32, #tpu.memory_space<vmem>>, vector<16xf32>,
    tpu.vector_store %arg10[%swap3A_60], %scan3A_58 {strides = array<i32>} : memref<128xf32, #tpu.memory_space<vmem>>, vector<16xf32>,
    %add3A_62 = arith.constant 64 : i32
    %add3A_63 = vector.broadcast %add3A_62 : i32 to vector<16xi32>
    %add3A_64 = arith.addi %iota3A, %add3A_63 : vector<16xi32>
    %broadcast_in_dim3A_65 = arith.constant 0.000000e+00 : f32
    %broadcast_in_dim3A_66 = vector.broadcast %broadcast_in_dim3A_65 : f32 to vector<16xf32>
    %scan3A_67 = arith.constant 0 : i32
    %scan3A_68 = arith.constant 64 : i32
    %scan3A_69 = arith.addi %scan3A_67, %scan3A_68 : i32
    %scan3A_70 = arith.constant 1 : i32
    %scan3A_71 = scf.for %scan3A_114 = %scan3A_67 to %scan3A_69 step %scan3A_70 iter_args(%scan3A_115 = %broadcast_in_dim3A_66) -> (vector<16xf32>)  : i32 {
      %broadcast_in_dim3A_116 = arith.constant 0 : i32
      %broadcast_in_dim3A_117 = vector.broadcast %broadcast_in_dim3A_116 : i32 to vector<16xi32>
      %add3A_118 = vector.broadcast %scan3A_114 : i32 to vector<16xi32>
      %add3A_119 = arith.addi %broadcast_in_dim3A_117, %add3A_118 : vector<16xi32>
      %gather3A = tpu.vector_load_idx %arg8[%add3A_64, %add3A_119] : memref<128x128xf32, #tpu.memory_space<vmem>>[vector<16xi32>, vector<16xi32>], vector<16xf32>,
      %gather3A_120 = tpu.vector_load_idx %arg9[%add3A_64, %add3A_119] : memref<128x128xf32, #tpu.memory_space<vmem>>[vector<16xi32>, vector<16xi32>], vector<16xf32>,
      %mul3A_121 = arith.mulf %gather3A, %gather3A_120 : vector<16xf32>
      %add3A_122 = arith.addf %scan3A_115, %mul3A_121 : vector<16xf32>
      scf.yield %add3A_122 : vector<16xf32>
    }
    %scan3A_72 = arith.constant 64 : i32
    %swap3A_73 = arith.constant 64 : index
    %swap3A_74 = tpu.vector_load %arg10[%swap3A_73] {strides = array<i32>} : memref<128xf32, #tpu.memory_space<vmem>>, vector<16xf32>,
    tpu.vector_store %arg10[%swap3A_73], %scan3A_71 {strides = array<i32>} : memref<128xf32, #tpu.memory_space<vmem>>, vector<16xf32>,
    %add3A_75 = arith.constant 80 : i32
    %add3A_76 = vector.broadcast %add3A_75 : i32 to vector<16xi32>
    %add3A_77 = arith.addi %iota3A, %add3A_76 : vector<16xi32>
    %broadcast_in_dim3A_78 = arith.constant 0.000000e+00 : f32
    %broadcast_in_dim3A_79 = vector.broadcast %broadcast_in_dim3A_78 : f32 to vector<16xf32>
    %scan3A_80 = arith.constant 0 : i32
    %scan3A_81 = arith.constant 64 : i32
    %scan3A_82 = arith.addi %scan3A_80, %scan3A_81 : i32
    %scan3A_83 = arith.constant 1 : i32
    %scan3A_84 = scf.for %scan3A_114 = %scan3A_80 to %scan3A_82 step %scan3A_83 iter_args(%scan3A_115 = %broadcast_in_dim3A_79) -> (vector<16xf32>)  : i32 {
      %broadcast_in_dim3A_116 = arith.constant 0 : i32
      %broadcast_in_dim3A_117 = vector.broadcast %broadcast_in_dim3A_116 : i32 to vector<16xi32>
      %add3A_118 = vector.broadcast %scan3A_114 : i32 to vector<16xi32>
      %add3A_119 = arith.addi %broadcast_in_dim3A_117, %add3A_118 : vector<16xi32>
      %gather3A = tpu.vector_load_idx %arg8[%add3A_77, %add3A_119] : memref<128x128xf32, #tpu.memory_space<vmem>>[vector<16xi32>, vector<16xi32>], vector<16xf32>,
      %gather3A_120 = tpu.vector_load_idx %arg9[%add3A_77, %add3A_119] : memref<128x128xf32, #tpu.memory_space<vmem>>[vector<16xi32>, vector<16xi32>], vector<16xf32>,
      %mul3A_121 = arith.mulf %gather3A, %gather3A_120 : vector<16xf32>
      %add3A_122 = arith.addf %scan3A_115, %mul3A_121 : vector<16xf32>
      scf.yield %add3A_122 : vector<16xf32>
    }
    %scan3A_85 = arith.constant 64 : i32
    %swap3A_86 = arith.constant 80 : index
    %swap3A_87 = tpu.vector_load %arg10[%swap3A_86] {strides = array<i32>} : memref<128xf32, #tpu.memory_space<vmem>>, vector<16xf32>,
    tpu.vector_store %arg10[%swap3A_86], %scan3A_84 {strides = array<i32>} : memref<128xf32, #tpu.memory_space<vmem>>, vector<16xf32>,
    %add3A_88 = arith.constant 96 : i32
    %add3A_89 = vector.broadcast %add3A_88 : i32 to vector<16xi32>
    %add3A_90 = arith.addi %iota3A, %add3A_89 : vector<16xi32>
    %broadcast_in_dim3A_91 = arith.constant 0.000000e+00 : f32
    %broadcast_in_dim3A_92 = vector.broadcast %broadcast_in_dim3A_91 : f32 to vector<16xf32>
    %scan3A_93 = arith.constant 0 : i32
    %scan3A_94 = arith.constant 64 : i32
    %scan3A_95 = arith.addi %scan3A_93, %scan3A_94 : i32
    %scan3A_96 = arith.constant 1 : i32
    %scan3A_97 = scf.for %scan3A_114 = %scan3A_93 to %scan3A_95 step %scan3A_96 iter_args(%scan3A_115 = %broadcast_in_dim3A_92) -> (vector<16xf32>)  : i32 {
      %broadcast_in_dim3A_116 = arith.constant 0 : i32
      %broadcast_in_dim3A_117 = vector.broadcast %broadcast_in_dim3A_116 : i32 to vector<16xi32>
      %add3A_118 = vector.broadcast %scan3A_114 : i32 to vector<16xi32>
      %add3A_119 = arith.addi %broadcast_in_dim3A_117, %add3A_118 : vector<16xi32>
      %gather3A = tpu.vector_load_idx %arg8[%add3A_90, %add3A_119] : memref<128x128xf32, #tpu.memory_space<vmem>>[vector<16xi32>, vector<16xi32>], vector<16xf32>,
      %gather3A_120 = tpu.vector_load_idx %arg9[%add3A_90, %add3A_119] : memref<128x128xf32, #tpu.memory_space<vmem>>[vector<16xi32>, vector<16xi32>], vector<16xf32>,
      %mul3A_121 = arith.mulf %gather3A, %gather3A_120 : vector<16xf32>
      %add3A_122 = arith.addf %scan3A_115, %mul3A_121 : vector<16xf32>
      scf.yield %add3A_122 : vector<16xf32>
    }
    %scan3A_98 = arith.constant 64 : i32
    %swap3A_99 = arith.constant 96 : index
    %swap3A_100 = tpu.vector_load %arg10[%swap3A_99] {strides = array<i32>} : memref<128xf32, #tpu.memory_space<vmem>>, vector<16xf32>,
    tpu.vector_store %arg10[%swap3A_99], %scan3A_97 {strides = array<i32>} : memref<128xf32, #tpu.memory_space<vmem>>, vector<16xf32>,
    %add3A_101 = arith.constant 112 : i32
    %add3A_102 = vector.broadcast %add3A_101 : i32 to vector<16xi32>
    %add3A_103 = arith.addi %iota3A, %add3A_102 : vector<16xi32>
    %broadcast_in_dim3A_104 = arith.constant 0.000000e+00 : f32
    %broadcast_in_dim3A_105 = vector.broadcast %broadcast_in_dim3A_104 : f32 to vector<16xf32>
    %scan3A_106 = arith.constant 0 : i32
    %scan3A_107 = arith.constant 64 : i32
    %scan3A_108 = arith.addi %scan3A_106, %scan3A_107 : i32
    %scan3A_109 = arith.constant 1 : i32
    %scan3A_110 = scf.for %scan3A_114 = %scan3A_106 to %scan3A_108 step %scan3A_109 iter_args(%scan3A_115 = %broadcast_in_dim3A_105) -> (vector<16xf32>)  : i32 {
      %broadcast_in_dim3A_116 = arith.constant 0 : i32
      %broadcast_in_dim3A_117 = vector.broadcast %broadcast_in_dim3A_116 : i32 to vector<16xi32>
      %add3A_118 = vector.broadcast %scan3A_114 : i32 to vector<16xi32>
      %add3A_119 = arith.addi %broadcast_in_dim3A_117, %add3A_118 : vector<16xi32>
      %gather3A = tpu.vector_load_idx %arg8[%add3A_103, %add3A_119] : memref<128x128xf32, #tpu.memory_space<vmem>>[vector<16xi32>, vector<16xi32>], vector<16xf32>,
      %gather3A_120 = tpu.vector_load_idx %arg9[%add3A_103, %add3A_119] : memref<128x128xf32, #tpu.memory_space<vmem>>[vector<16xi32>, vector<16xi32>], vector<16xf32>,
      %mul3A_121 = arith.mulf %gather3A, %gather3A_120 : vector<16xf32>
      %add3A_122 = arith.addf %scan3A_115, %mul3A_121 : vector<16xf32>
      scf.yield %add3A_122 : vector<16xf32>
    }
    %scan3A_111 = arith.constant 64 : i32
    %swap3A_112 = arith.constant 112 : index
    %swap3A_113 = tpu.vector_load %arg10[%swap3A_112] {strides = array<i32>} : memref<128xf32, #tpu.memory_space<vmem>>, vector<16xf32>,
    tpu.vector_store %arg10[%swap3A_112], %scan3A_110 {strides = array<i32>} : memref<128xf32, #tpu.memory_space<vmem>>, vector<16xf32>,
    "tpu.region"() ({
      %run_scoped3A = tpu.sem_alloc : memref<!tpu.dma_semaphore, #tpu.memory_space<semaphore_mem>>
      %dma_start3A_114 = tpu.memref_slice %arg5[%mul3A_2] : memref<4096xf32, #tpu.memory_space<hbm>> -> memref<128xf32, #tpu.memory_space<hbm>>
      %dma_start3A_115 = tpu.memref_slice %arg5[%mul3A_2] : memref<4096xf32, #tpu.memory_space<hbm>> -> memref<128xf32, #tpu.memory_space<hbm>>
      tpu.enqueue_dma source(%arg10 : memref<128xf32, #tpu.memory_space<vmem>>) target(%dma_start3A_115 : memref<128xf32, #tpu.memory_space<hbm>>) target_semaphore(%run_scoped3A : memref<!tpu.dma_semaphore, #tpu.memory_space<semaphore_mem>>)
      %dma_wait3A_116 = tpu.memref_slice %arg5[%mul3A_2] : memref<4096xf32, #tpu.memory_space<hbm>> -> memref<128xf32, #tpu.memory_space<hbm>>
      %dma_wait3A_117 = tpu.memref_slice %arg5[%mul3A_2] : memref<4096xf32, #tpu.memory_space<hbm>> -> memref<128xf32, #tpu.memory_space<hbm>>
      tpu.wait_dma2 semaphore(%run_scoped3A : memref<!tpu.dma_semaphore, #tpu.memory_space<semaphore_mem>>) src(%arg10 : memref<128xf32, #tpu.memory_space<vmem>>) dst(%dma_wait3A_117 : memref<128xf32, #tpu.memory_space<hbm>>)
      tpu.yield
    }) : () -> ()
    return
  }
}

#map = affine_map<(d0, d1) -> (0)>
module attributes {stable_mosaic.version = 14 : i64} {
  func.func @k(%arg0: i32, %arg1: i32, %arg2: memref<3200000xf32, #tpu.memory_space<hbm>>, %arg3: memref<800000xi32, #tpu.memory_space<hbm>>, %arg4: memref<50000xf32, #tpu.memory_space<hbm>>, %arg5: memref<3200000xf32, #tpu.memory_space<hbm>>, %arg6: memref<800000xi32, #tpu.memory_space<hbm>>, %arg7: memref<50000xf32, #tpu.memory_space<hbm>>, %arg8: memref<3200000xf32, #tpu.memory_space<hbm>>, %arg9: memref<3200000xf32, #tpu.memory_space<hbm>>, %arg10: memref<50000xf32, #tpu.memory_space<vmem>>, %arg11: memref<50000xf32, #tpu.memory_space<vmem>>, %arg12: memref<10000xi32, #tpu.memory_space<vmem>>, %arg13: memref<10000xi32, #tpu.memory_space<vmem>>, %arg14: memref<10000xf32, #tpu.memory_space<vmem>>, %arg15: memref<!tpu.dma_semaphore, #tpu.memory_space<semaphore_mem>>, %arg16: memref<!tpu.dma_semaphore, #tpu.memory_space<semaphore_mem>>, %arg17: memref<!tpu.dma_semaphore, #tpu.memory_space<semaphore_mem>>) attributes {dimension_semantics = [#tpu.dimension_semantics<core_parallel>, #tpu.dimension_semantics<subcore_parallel>], iteration_bounds = array<i64: 2, 16>, scalar_prefetch = 0 : i64, scratch_operands = 8 : i64, tpu.core_type = #tpu.core_type<sc_vector_subcore>, window_params = [{transform_indices = #map}, {transform_indices = #map}, {transform_indices = #map}, {transform_indices = #map}, {transform_indices = #map}, {transform_indices = #map}, {transform_indices = #map}, {transform_indices = #map}]} {
    %mul3A = arith.constant 16 : i32
    %mul3A_0 = arith.muli %arg0, %mul3A : i32
    %add3A = arith.addi %mul3A_0, %arg1 : i32
    %mul3A_1 = arith.constant 2 : i32
    %mul3A_2 = arith.muli %add3A, %mul3A_1 : i32
    %add3A_3 = arith.constant 0 : i32
    %add3A_4 = arith.addi %mul3A_2, %add3A_3 : i32
    %dma_start3A = arith.constant 0 : i32
    %dma_start3A_5 = tpu.memref_slice %arg3[%dma_start3A] : memref<800000xi32, #tpu.memory_space<hbm>> -> memref<10000xi32, #tpu.memory_space<hbm>>
    %dma_start3A_6 = arith.constant 0 : i32
    %dma_start3A_7 = tpu.memref_slice %arg3[%dma_start3A_6] : memref<800000xi32, #tpu.memory_space<hbm>> -> memref<10000xi32, #tpu.memory_space<hbm>>
    tpu.enqueue_dma source(%dma_start3A_7 : memref<10000xi32, #tpu.memory_space<hbm>>) target(%arg12 : memref<10000xi32, #tpu.memory_space<vmem>>) target_semaphore(%arg15 : memref<!tpu.dma_semaphore, #tpu.memory_space<semaphore_mem>>)
    %mul3A_8 = arith.constant 50000 : i32
    %mul3A_9 = arith.muli %add3A_4, %mul3A_8 : i32
    "tpu.region"() ({
      %run_scoped3A = tpu.sem_alloc : memref<!tpu.dma_semaphore, #tpu.memory_space<semaphore_mem>>
      %dma_start3A_121 = tpu.memref_slice %arg2[%mul3A_9] : memref<3200000xf32, #tpu.memory_space<hbm>> -> memref<50000xf32, #tpu.memory_space<hbm>>
      %dma_start3A_122 = tpu.memref_slice %arg2[%mul3A_9] : memref<3200000xf32, #tpu.memory_space<hbm>> -> memref<50000xf32, #tpu.memory_space<hbm>>
      tpu.enqueue_dma source(%dma_start3A_122 : memref<50000xf32, #tpu.memory_space<hbm>>) target(%arg10 : memref<50000xf32, #tpu.memory_space<vmem>>) target_semaphore(%run_scoped3A : memref<!tpu.dma_semaphore, #tpu.memory_space<semaphore_mem>>)
      %dma_wait3A_123 = tpu.memref_slice %arg2[%mul3A_9] : memref<3200000xf32, #tpu.memory_space<hbm>> -> memref<50000xf32, #tpu.memory_space<hbm>>
      %dma_wait3A_124 = tpu.memref_slice %arg2[%mul3A_9] : memref<3200000xf32, #tpu.memory_space<hbm>> -> memref<50000xf32, #tpu.memory_space<hbm>>
      tpu.wait_dma2 semaphore(%run_scoped3A : memref<!tpu.dma_semaphore, #tpu.memory_space<semaphore_mem>>) src(%dma_wait3A_124 : memref<50000xf32, #tpu.memory_space<hbm>>) dst(%arg10 : memref<50000xf32, #tpu.memory_space<vmem>>)
      tpu.yield
    }) : () -> ()
    %parallel_loop3A = arith.constant 0 : i32
    %parallel_loop3A_10 = arith.constant 3125 : i32
    %parallel_loop3A_11 = arith.constant 1 : i32
    scf.for %parallel_loop3A_121 = %parallel_loop3A to %parallel_loop3A_10 step %parallel_loop3A_11  : i32 {
      %parallel_loop3A_122 = arith.constant 0.000000e+00 : f32
      %parallel_loop3A_123 = vector.broadcast %parallel_loop3A_122 : f32 to vector<16xf32>
      %parallel_loop3A_124 = arith.constant 16 : i32
      %parallel_loop3A_125 = arith.muli %parallel_loop3A_121, %parallel_loop3A_124 : i32
      %parallel_loop3A_126 = arith.index_cast %parallel_loop3A_125 : i32 to index
      %parallel_loop3A_127 = tpu.vector_load %arg11[%parallel_loop3A_126] {strides = array<i32>} : memref<50000xf32, #tpu.memory_space<vmem>>, vector<16xf32>,
      tpu.vector_store %arg11[%parallel_loop3A_126], %parallel_loop3A_123 {strides = array<i32>} : memref<50000xf32, #tpu.memory_space<vmem>>, vector<16xf32>,
    } {sc.loop_unroll_factor = 5 : i64, sc.parallel_access}
    %scan3A = arith.constant 0 : i32
    %scan3A_12 = arith.constant 40 : i32
    %scan3A_13 = arith.addi %scan3A, %scan3A_12 : i32
    %scan3A_14 = arith.constant 1 : i32
    scf.for %scan3A_121 = %scan3A to %scan3A_13 step %scan3A_14  : i32 {
      %mul3A_122 = arith.constant 1 : i32
      %mul3A_123 = arith.muli %scan3A_121, %mul3A_122 : i32
      %add3A_124 = arith.constant 0 : i32
      %add3A_125 = arith.addi %add3A_124, %mul3A_123 : i32
      %mul3A_126 = arith.constant 2 : i32
      %mul3A_127 = arith.muli %add3A_125, %mul3A_126 : i32
      %dma_wait3A_128 = arith.constant 0 : i32
      %dma_wait3A_129 = tpu.memref_slice %arg3[%dma_wait3A_128] : memref<800000xi32, #tpu.memory_space<hbm>> -> memref<10000xi32, #tpu.memory_space<hbm>>
      %dma_wait3A_130 = arith.constant 0 : i32
      %dma_wait3A_131 = tpu.memref_slice %arg3[%dma_wait3A_130] : memref<800000xi32, #tpu.memory_space<hbm>> -> memref<10000xi32, #tpu.memory_space<hbm>>
      tpu.wait_dma2 semaphore(%arg15 : memref<!tpu.dma_semaphore, #tpu.memory_space<semaphore_mem>>) src(%dma_wait3A_131 : memref<10000xi32, #tpu.memory_space<hbm>>) dst(%arg12 : memref<10000xi32, #tpu.memory_space<vmem>>)
      %add3A_132 = arith.constant 1 : i32
      %add3A_133 = arith.addi %mul3A_127, %add3A_132 : i32
      %mul3A_134 = arith.constant 10000 : i32
      %mul3A_135 = arith.muli %add3A_133, %mul3A_134 : i32
      %dma_start3A_136 = tpu.memref_slice %arg3[%mul3A_135] : memref<800000xi32, #tpu.memory_space<hbm>> -> memref<10000xi32, #tpu.memory_space<hbm>>
      %dma_start3A_137 = tpu.memref_slice %arg3[%mul3A_135] : memref<800000xi32, #tpu.memory_space<hbm>> -> memref<10000xi32, #tpu.memory_space<hbm>>
      tpu.enqueue_dma source(%dma_start3A_137 : memref<10000xi32, #tpu.memory_space<hbm>>) target(%arg13 : memref<10000xi32, #tpu.memory_space<vmem>>) target_semaphore(%arg16 : memref<!tpu.dma_semaphore, #tpu.memory_space<semaphore_mem>>)
      %parallel_loop3A_138 = arith.constant 0 : i32
      %parallel_loop3A_139 = arith.constant 625 : i32
      %parallel_loop3A_140 = arith.constant 1 : i32
      scf.for %parallel_loop3A_150 = %parallel_loop3A_138 to %parallel_loop3A_139 step %parallel_loop3A_140  : i32 {
        %parallel_loop3A_151 = arith.constant 16 : i32
        %parallel_loop3A_152 = arith.muli %parallel_loop3A_150, %parallel_loop3A_151 : i32
        %parallel_loop3A_153 = arith.index_cast %parallel_loop3A_152 : i32 to index
        %parallel_loop3A_154 = tpu.vector_load %arg12[%parallel_loop3A_153] {strides = array<i32>} : memref<10000xi32, #tpu.memory_space<vmem>>, vector<16xi32>,
        %parallel_loop3A_155 = arith.constant 65535 : i32
        %parallel_loop3A_156 = vector.broadcast %parallel_loop3A_155 : i32 to vector<16xi32>
        %parallel_loop3A_157 = arith.andi %parallel_loop3A_154, %parallel_loop3A_156 : vector<16xi32>
        %parallel_loop3A_158 = arith.constant 16 : i32
        %parallel_loop3A_159 = vector.broadcast %parallel_loop3A_158 : i32 to vector<16xi32>
        %parallel_loop3A_160 = arith.shrsi %parallel_loop3A_154, %parallel_loop3A_159 : vector<16xi32>
        %parallel_loop3A_161 = arith.constant 65535 : i32
        %parallel_loop3A_162 = vector.broadcast %parallel_loop3A_161 : i32 to vector<16xi32>
        %parallel_loop3A_163 = arith.andi %parallel_loop3A_160, %parallel_loop3A_162 : vector<16xi32>
        %parallel_loop3A_164 = tpu.vector_load_idx %arg10[%parallel_loop3A_157] : memref<50000xf32, #tpu.memory_space<vmem>>[vector<16xi32>], vector<16xf32>,
        tpu.vector_store_idx %arg11[%parallel_loop3A_163], %parallel_loop3A_164 {add = true} : memref<50000xf32, #tpu.memory_space<vmem>>[vector<16xi32>], vector<16xf32>,
      } {sc.loop_unroll_factor = 5 : i64, sc.parallel_access}
      %dma_wait3A_141 = arith.constant 0 : i32
      %dma_wait3A_142 = tpu.memref_slice %arg3[%dma_wait3A_141] : memref<800000xi32, #tpu.memory_space<hbm>> -> memref<10000xi32, #tpu.memory_space<hbm>>
      %dma_wait3A_143 = arith.constant 0 : i32
      %dma_wait3A_144 = tpu.memref_slice %arg3[%dma_wait3A_143] : memref<800000xi32, #tpu.memory_space<hbm>> -> memref<10000xi32, #tpu.memory_space<hbm>>
      tpu.wait_dma2 semaphore(%arg16 : memref<!tpu.dma_semaphore, #tpu.memory_space<semaphore_mem>>) src(%dma_wait3A_144 : memref<10000xi32, #tpu.memory_space<hbm>>) dst(%arg13 : memref<10000xi32, #tpu.memory_space<vmem>>)
      %lt3A = arith.constant 39 : i32
      %lt3A_145 = arith.cmpi slt, %add3A_125, %lt3A : i32
      %convert_element_type3A = arith.extui %lt3A_145 : i1 to i32
      %cond3A = arith.constant 0 : i32
      %cond3A_146 = arith.cmpi ne, %convert_element_type3A, %cond3A : i32
      scf.if %cond3A_146 {
        %add3A_150 = arith.constant 2 : i32
        %add3A_151 = arith.addi %mul3A_127, %add3A_150 : i32
        %mul3A_152 = arith.constant 10000 : i32
        %mul3A_153 = arith.muli %add3A_151, %mul3A_152 : i32
        %dma_start3A_154 = tpu.memref_slice %arg3[%mul3A_153] : memref<800000xi32, #tpu.memory_space<hbm>> -> memref<10000xi32, #tpu.memory_space<hbm>>
        %dma_start3A_155 = tpu.memref_slice %arg3[%mul3A_153] : memref<800000xi32, #tpu.memory_space<hbm>> -> memref<10000xi32, #tpu.memory_space<hbm>>
        tpu.enqueue_dma source(%dma_start3A_155 : memref<10000xi32, #tpu.memory_space<hbm>>) target(%arg12 : memref<10000xi32, #tpu.memory_space<vmem>>) target_semaphore(%arg15 : memref<!tpu.dma_semaphore, #tpu.memory_space<semaphore_mem>>)
      } else {
      }
      %parallel_loop3A_147 = arith.constant 0 : i32
      %parallel_loop3A_148 = arith.constant 625 : i32
      %parallel_loop3A_149 = arith.constant 1 : i32
      scf.for %parallel_loop3A_150 = %parallel_loop3A_147 to %parallel_loop3A_148 step %parallel_loop3A_149  : i32 {
        %parallel_loop3A_151 = arith.constant 16 : i32
        %parallel_loop3A_152 = arith.muli %parallel_loop3A_150, %parallel_loop3A_151 : i32
        %parallel_loop3A_153 = arith.index_cast %parallel_loop3A_152 : i32 to index
        %parallel_loop3A_154 = tpu.vector_load %arg13[%parallel_loop3A_153] {strides = array<i32>} : memref<10000xi32, #tpu.memory_space<vmem>>, vector<16xi32>,
        %parallel_loop3A_155 = arith.constant 65535 : i32
        %parallel_loop3A_156 = vector.broadcast %parallel_loop3A_155 : i32 to vector<16xi32>
        %parallel_loop3A_157 = arith.andi %parallel_loop3A_154, %parallel_loop3A_156 : vector<16xi32>
        %parallel_loop3A_158 = arith.constant 16 : i32
        %parallel_loop3A_159 = vector.broadcast %parallel_loop3A_158 : i32 to vector<16xi32>
        %parallel_loop3A_160 = arith.shrsi %parallel_loop3A_154, %parallel_loop3A_159 : vector<16xi32>
        %parallel_loop3A_161 = arith.constant 65535 : i32
        %parallel_loop3A_162 = vector.broadcast %parallel_loop3A_161 : i32 to vector<16xi32>
        %parallel_loop3A_163 = arith.andi %parallel_loop3A_160, %parallel_loop3A_162 : vector<16xi32>
        %parallel_loop3A_164 = tpu.vector_load_idx %arg10[%parallel_loop3A_157] : memref<50000xf32, #tpu.memory_space<vmem>>[vector<16xi32>], vector<16xf32>,
        tpu.vector_store_idx %arg11[%parallel_loop3A_163], %parallel_loop3A_164 {add = true} : memref<50000xf32, #tpu.memory_space<vmem>>[vector<16xi32>], vector<16xf32>,
      } {sc.loop_unroll_factor = 5 : i64, sc.parallel_access}
    }
    %scan3A_15 = arith.constant 40 : i32
    %scan3A_16 = arith.constant 0 : i32
    %scan3A_17 = arith.constant 5 : i32
    %scan3A_18 = arith.addi %scan3A_16, %scan3A_17 : i32
    %scan3A_19 = arith.constant 1 : i32
    scf.for %scan3A_121 = %scan3A_16 to %scan3A_18 step %scan3A_19  : i32 {
      %mul3A_122 = arith.constant 1 : i32
      %mul3A_123 = arith.muli %scan3A_121, %mul3A_122 : i32
      %add3A_124 = arith.constant 0 : i32
      %add3A_125 = arith.addi %add3A_124, %mul3A_123 : i32
      %mul3A_126 = arith.constant 10000 : i32
      %mul3A_127 = arith.muli %add3A_125, %mul3A_126 : i32
      "tpu.region"() ({
        %run_scoped3A = tpu.sem_alloc : memref<!tpu.dma_semaphore, #tpu.memory_space<semaphore_mem>>
        %dma_start3A_131 = tpu.memref_slice %arg4[%mul3A_127] : memref<50000xf32, #tpu.memory_space<hbm>> -> memref<10000xf32, #tpu.memory_space<hbm>>
        %dma_start3A_132 = tpu.memref_slice %arg4[%mul3A_127] : memref<50000xf32, #tpu.memory_space<hbm>> -> memref<10000xf32, #tpu.memory_space<hbm>>
        tpu.enqueue_dma source(%dma_start3A_132 : memref<10000xf32, #tpu.memory_space<hbm>>) target(%arg14 : memref<10000xf32, #tpu.memory_space<vmem>>) target_semaphore(%run_scoped3A : memref<!tpu.dma_semaphore, #tpu.memory_space<semaphore_mem>>)
        %dma_wait3A_133 = tpu.memref_slice %arg4[%mul3A_127] : memref<50000xf32, #tpu.memory_space<hbm>> -> memref<10000xf32, #tpu.memory_space<hbm>>
        %dma_wait3A_134 = tpu.memref_slice %arg4[%mul3A_127] : memref<50000xf32, #tpu.memory_space<hbm>> -> memref<10000xf32, #tpu.memory_space<hbm>>
        tpu.wait_dma2 semaphore(%run_scoped3A : memref<!tpu.dma_semaphore, #tpu.memory_space<semaphore_mem>>) src(%dma_wait3A_134 : memref<10000xf32, #tpu.memory_space<hbm>>) dst(%arg14 : memref<10000xf32, #tpu.memory_space<vmem>>)
        tpu.yield
      }) : () -> ()
      %parallel_loop3A_128 = arith.constant 0 : i32
      %parallel_loop3A_129 = arith.constant 625 : i32
      %parallel_loop3A_130 = arith.constant 1 : i32
      scf.for %parallel_loop3A_131 = %parallel_loop3A_128 to %parallel_loop3A_129 step %parallel_loop3A_130  : i32 {
        %parallel_loop3A_132 = arith.constant 10000 : i32
        %parallel_loop3A_133 = arith.muli %add3A_125, %parallel_loop3A_132 : i32
        %parallel_loop3A_134 = arith.constant 16 : i32
        %parallel_loop3A_135 = arith.muli %parallel_loop3A_131, %parallel_loop3A_134 : i32
        %parallel_loop3A_136 = arith.addi %parallel_loop3A_133, %parallel_loop3A_135 : i32
        %parallel_loop3A_137 = arith.index_cast %parallel_loop3A_136 : i32 to index
        %parallel_loop3A_138 = tpu.vector_load %arg11[%parallel_loop3A_137] {strides = array<i32>} : memref<50000xf32, #tpu.memory_space<vmem>>, vector<16xf32>,
        %parallel_loop3A_139 = arith.constant 16 : i32
        %parallel_loop3A_140 = arith.muli %parallel_loop3A_131, %parallel_loop3A_139 : i32
        %parallel_loop3A_141 = arith.index_cast %parallel_loop3A_140 : i32 to index
        %parallel_loop3A_142 = tpu.vector_load %arg14[%parallel_loop3A_141] {strides = array<i32>} : memref<10000xf32, #tpu.memory_space<vmem>>, vector<16xf32>,
        %parallel_loop3A_143 = arith.mulf %parallel_loop3A_138, %parallel_loop3A_142 : vector<16xf32>
        %parallel_loop3A_144 = arith.index_cast %parallel_loop3A_136 : i32 to index
        %parallel_loop3A_145 = tpu.vector_load %arg11[%parallel_loop3A_144] {strides = array<i32>} : memref<50000xf32, #tpu.memory_space<vmem>>, vector<16xf32>,
        tpu.vector_store %arg11[%parallel_loop3A_144], %parallel_loop3A_143 {strides = array<i32>} : memref<50000xf32, #tpu.memory_space<vmem>>, vector<16xf32>,
      } {sc.loop_unroll_factor = 5 : i64, sc.parallel_access}
    }
    %scan3A_20 = arith.constant 5 : i32
    %mul3A_21 = arith.constant 50000 : i32
    %mul3A_22 = arith.muli %add3A_4, %mul3A_21 : i32
    %dma_start3A_23 = tpu.memref_slice %arg8[%mul3A_22] : memref<3200000xf32, #tpu.memory_space<hbm>> -> memref<50000xf32, #tpu.memory_space<hbm>>
    %dma_start3A_24 = tpu.memref_slice %arg8[%mul3A_22] : memref<3200000xf32, #tpu.memory_space<hbm>> -> memref<50000xf32, #tpu.memory_space<hbm>>
    tpu.enqueue_dma source(%arg11 : memref<50000xf32, #tpu.memory_space<vmem>>) target(%dma_start3A_24 : memref<50000xf32, #tpu.memory_space<hbm>>) target_semaphore(%arg17 : memref<!tpu.dma_semaphore, #tpu.memory_space<semaphore_mem>>)
    %mul3A_25 = arith.constant 2 : i32
    %mul3A_26 = arith.muli %add3A, %mul3A_25 : i32
    %add3A_27 = arith.constant 1 : i32
    %add3A_28 = arith.addi %mul3A_26, %add3A_27 : i32
    %dma_start3A_29 = arith.constant 0 : i32
    %dma_start3A_30 = tpu.memref_slice %arg3[%dma_start3A_29] : memref<800000xi32, #tpu.memory_space<hbm>> -> memref<10000xi32, #tpu.memory_space<hbm>>
    %dma_start3A_31 = arith.constant 0 : i32
    %dma_start3A_32 = tpu.memref_slice %arg3[%dma_start3A_31] : memref<800000xi32, #tpu.memory_space<hbm>> -> memref<10000xi32, #tpu.memory_space<hbm>>
    tpu.enqueue_dma source(%dma_start3A_32 : memref<10000xi32, #tpu.memory_space<hbm>>) target(%arg12 : memref<10000xi32, #tpu.memory_space<vmem>>) target_semaphore(%arg15 : memref<!tpu.dma_semaphore, #tpu.memory_space<semaphore_mem>>)
    %mul3A_33 = arith.constant 50000 : i32
    %mul3A_34 = arith.muli %add3A_28, %mul3A_33 : i32
    "tpu.region"() ({
      %run_scoped3A = tpu.sem_alloc : memref<!tpu.dma_semaphore, #tpu.memory_space<semaphore_mem>>
      %dma_start3A_121 = tpu.memref_slice %arg2[%mul3A_34] : memref<3200000xf32, #tpu.memory_space<hbm>> -> memref<50000xf32, #tpu.memory_space<hbm>>
      %dma_start3A_122 = tpu.memref_slice %arg2[%mul3A_34] : memref<3200000xf32, #tpu.memory_space<hbm>> -> memref<50000xf32, #tpu.memory_space<hbm>>
      tpu.enqueue_dma source(%dma_start3A_122 : memref<50000xf32, #tpu.memory_space<hbm>>) target(%arg10 : memref<50000xf32, #tpu.memory_space<vmem>>) target_semaphore(%run_scoped3A : memref<!tpu.dma_semaphore, #tpu.memory_space<semaphore_mem>>)
      %dma_wait3A_123 = tpu.memref_slice %arg2[%mul3A_34] : memref<3200000xf32, #tpu.memory_space<hbm>> -> memref<50000xf32, #tpu.memory_space<hbm>>
      %dma_wait3A_124 = tpu.memref_slice %arg2[%mul3A_34] : memref<3200000xf32, #tpu.memory_space<hbm>> -> memref<50000xf32, #tpu.memory_space<hbm>>
      tpu.wait_dma2 semaphore(%run_scoped3A : memref<!tpu.dma_semaphore, #tpu.memory_space<semaphore_mem>>) src(%dma_wait3A_124 : memref<50000xf32, #tpu.memory_space<hbm>>) dst(%arg10 : memref<50000xf32, #tpu.memory_space<vmem>>)
      tpu.yield
    }) : () -> ()
    %mul3A_35 = arith.constant 50000 : i32
    %mul3A_36 = arith.muli %add3A_4, %mul3A_35 : i32
    %dma_wait3A = tpu.memref_slice %arg8[%mul3A_36] : memref<3200000xf32, #tpu.memory_space<hbm>> -> memref<50000xf32, #tpu.memory_space<hbm>>
    %dma_wait3A_37 = tpu.memref_slice %arg8[%mul3A_36] : memref<3200000xf32, #tpu.memory_space<hbm>> -> memref<50000xf32, #tpu.memory_space<hbm>>
    tpu.wait_dma2 semaphore(%arg17 : memref<!tpu.dma_semaphore, #tpu.memory_space<semaphore_mem>>) src(%arg11 : memref<50000xf32, #tpu.memory_space<vmem>>) dst(%dma_wait3A_37 : memref<50000xf32, #tpu.memory_space<hbm>>)
    %parallel_loop3A_38 = arith.constant 0 : i32
    %parallel_loop3A_39 = arith.constant 3125 : i32
    %parallel_loop3A_40 = arith.constant 1 : i32
    scf.for %parallel_loop3A_121 = %parallel_loop3A_38 to %parallel_loop3A_39 step %parallel_loop3A_40  : i32 {
      %parallel_loop3A_122 = arith.constant 0.000000e+00 : f32
      %parallel_loop3A_123 = vector.broadcast %parallel_loop3A_122 : f32 to vector<16xf32>
      %parallel_loop3A_124 = arith.constant 16 : i32
      %parallel_loop3A_125 = arith.muli %parallel_loop3A_121, %parallel_loop3A_124 : i32
      %parallel_loop3A_126 = arith.index_cast %parallel_loop3A_125 : i32 to index
      %parallel_loop3A_127 = tpu.vector_load %arg11[%parallel_loop3A_126] {strides = array<i32>} : memref<50000xf32, #tpu.memory_space<vmem>>, vector<16xf32>,
      tpu.vector_store %arg11[%parallel_loop3A_126], %parallel_loop3A_123 {strides = array<i32>} : memref<50000xf32, #tpu.memory_space<vmem>>, vector<16xf32>,
    } {sc.loop_unroll_factor = 5 : i64, sc.parallel_access}
    %scan3A_41 = arith.constant 0 : i32
    %scan3A_42 = arith.constant 40 : i32
    %scan3A_43 = arith.addi %scan3A_41, %scan3A_42 : i32
    %scan3A_44 = arith.constant 1 : i32
    scf.for %scan3A_121 = %scan3A_41 to %scan3A_43 step %scan3A_44  : i32 {
      %mul3A_122 = arith.constant 1 : i32
      %mul3A_123 = arith.muli %scan3A_121, %mul3A_122 : i32
      %add3A_124 = arith.constant 0 : i32
      %add3A_125 = arith.addi %add3A_124, %mul3A_123 : i32
      %mul3A_126 = arith.constant 2 : i32
      %mul3A_127 = arith.muli %add3A_125, %mul3A_126 : i32
      %dma_wait3A_128 = arith.constant 0 : i32
      %dma_wait3A_129 = tpu.memref_slice %arg3[%dma_wait3A_128] : memref<800000xi32, #tpu.memory_space<hbm>> -> memref<10000xi32, #tpu.memory_space<hbm>>
      %dma_wait3A_130 = arith.constant 0 : i32
      %dma_wait3A_131 = tpu.memref_slice %arg3[%dma_wait3A_130] : memref<800000xi32, #tpu.memory_space<hbm>> -> memref<10000xi32, #tpu.memory_space<hbm>>
      tpu.wait_dma2 semaphore(%arg15 : memref<!tpu.dma_semaphore, #tpu.memory_space<semaphore_mem>>) src(%dma_wait3A_131 : memref<10000xi32, #tpu.memory_space<hbm>>) dst(%arg12 : memref<10000xi32, #tpu.memory_space<vmem>>)
      %add3A_132 = arith.constant 1 : i32
      %add3A_133 = arith.addi %mul3A_127, %add3A_132 : i32
      %mul3A_134 = arith.constant 10000 : i32
      %mul3A_135 = arith.muli %add3A_133, %mul3A_134 : i32
      %dma_start3A_136 = tpu.memref_slice %arg3[%mul3A_135] : memref<800000xi32, #tpu.memory_space<hbm>> -> memref<10000xi32, #tpu.memory_space<hbm>>
      %dma_start3A_137 = tpu.memref_slice %arg3[%mul3A_135] : memref<800000xi32, #tpu.memory_space<hbm>> -> memref<10000xi32, #tpu.memory_space<hbm>>
      tpu.enqueue_dma source(%dma_start3A_137 : memref<10000xi32, #tpu.memory_space<hbm>>) target(%arg13 : memref<10000xi32, #tpu.memory_space<vmem>>) target_semaphore(%arg16 : memref<!tpu.dma_semaphore, #tpu.memory_space<semaphore_mem>>)
      %parallel_loop3A_138 = arith.constant 0 : i32
      %parallel_loop3A_139 = arith.constant 625 : i32
      %parallel_loop3A_140 = arith.constant 1 : i32
      scf.for %parallel_loop3A_150 = %parallel_loop3A_138 to %parallel_loop3A_139 step %parallel_loop3A_140  : i32 {
        %parallel_loop3A_151 = arith.constant 16 : i32
        %parallel_loop3A_152 = arith.muli %parallel_loop3A_150, %parallel_loop3A_151 : i32
        %parallel_loop3A_153 = arith.index_cast %parallel_loop3A_152 : i32 to index
        %parallel_loop3A_154 = tpu.vector_load %arg12[%parallel_loop3A_153] {strides = array<i32>} : memref<10000xi32, #tpu.memory_space<vmem>>, vector<16xi32>,
        %parallel_loop3A_155 = arith.constant 65535 : i32
        %parallel_loop3A_156 = vector.broadcast %parallel_loop3A_155 : i32 to vector<16xi32>
        %parallel_loop3A_157 = arith.andi %parallel_loop3A_154, %parallel_loop3A_156 : vector<16xi32>
        %parallel_loop3A_158 = arith.constant 16 : i32
        %parallel_loop3A_159 = vector.broadcast %parallel_loop3A_158 : i32 to vector<16xi32>
        %parallel_loop3A_160 = arith.shrsi %parallel_loop3A_154, %parallel_loop3A_159 : vector<16xi32>
        %parallel_loop3A_161 = arith.constant 65535 : i32
        %parallel_loop3A_162 = vector.broadcast %parallel_loop3A_161 : i32 to vector<16xi32>
        %parallel_loop3A_163 = arith.andi %parallel_loop3A_160, %parallel_loop3A_162 : vector<16xi32>
        %parallel_loop3A_164 = tpu.vector_load_idx %arg10[%parallel_loop3A_157] : memref<50000xf32, #tpu.memory_space<vmem>>[vector<16xi32>], vector<16xf32>,
        tpu.vector_store_idx %arg11[%parallel_loop3A_163], %parallel_loop3A_164 {add = true} : memref<50000xf32, #tpu.memory_space<vmem>>[vector<16xi32>], vector<16xf32>,
      } {sc.loop_unroll_factor = 5 : i64, sc.parallel_access}
      %dma_wait3A_141 = arith.constant 0 : i32
      %dma_wait3A_142 = tpu.memref_slice %arg3[%dma_wait3A_141] : memref<800000xi32, #tpu.memory_space<hbm>> -> memref<10000xi32, #tpu.memory_space<hbm>>
      %dma_wait3A_143 = arith.constant 0 : i32
      %dma_wait3A_144 = tpu.memref_slice %arg3[%dma_wait3A_143] : memref<800000xi32, #tpu.memory_space<hbm>> -> memref<10000xi32, #tpu.memory_space<hbm>>
      tpu.wait_dma2 semaphore(%arg16 : memref<!tpu.dma_semaphore, #tpu.memory_space<semaphore_mem>>) src(%dma_wait3A_144 : memref<10000xi32, #tpu.memory_space<hbm>>) dst(%arg13 : memref<10000xi32, #tpu.memory_space<vmem>>)
      %lt3A = arith.constant 39 : i32
      %lt3A_145 = arith.cmpi slt, %add3A_125, %lt3A : i32
      %convert_element_type3A = arith.extui %lt3A_145 : i1 to i32
      %cond3A = arith.constant 0 : i32
      %cond3A_146 = arith.cmpi ne, %convert_element_type3A, %cond3A : i32
      scf.if %cond3A_146 {
        %add3A_150 = arith.constant 2 : i32
        %add3A_151 = arith.addi %mul3A_127, %add3A_150 : i32
        %mul3A_152 = arith.constant 10000 : i32
        %mul3A_153 = arith.muli %add3A_151, %mul3A_152 : i32
        %dma_start3A_154 = tpu.memref_slice %arg3[%mul3A_153] : memref<800000xi32, #tpu.memory_space<hbm>> -> memref<10000xi32, #tpu.memory_space<hbm>>
        %dma_start3A_155 = tpu.memref_slice %arg3[%mul3A_153] : memref<800000xi32, #tpu.memory_space<hbm>> -> memref<10000xi32, #tpu.memory_space<hbm>>
        tpu.enqueue_dma source(%dma_start3A_155 : memref<10000xi32, #tpu.memory_space<hbm>>) target(%arg12 : memref<10000xi32, #tpu.memory_space<vmem>>) target_semaphore(%arg15 : memref<!tpu.dma_semaphore, #tpu.memory_space<semaphore_mem>>)
      } else {
      }
      %parallel_loop3A_147 = arith.constant 0 : i32
      %parallel_loop3A_148 = arith.constant 625 : i32
      %parallel_loop3A_149 = arith.constant 1 : i32
      scf.for %parallel_loop3A_150 = %parallel_loop3A_147 to %parallel_loop3A_148 step %parallel_loop3A_149  : i32 {
        %parallel_loop3A_151 = arith.constant 16 : i32
        %parallel_loop3A_152 = arith.muli %parallel_loop3A_150, %parallel_loop3A_151 : i32
        %parallel_loop3A_153 = arith.index_cast %parallel_loop3A_152 : i32 to index
        %parallel_loop3A_154 = tpu.vector_load %arg13[%parallel_loop3A_153] {strides = array<i32>} : memref<10000xi32, #tpu.memory_space<vmem>>, vector<16xi32>,
        %parallel_loop3A_155 = arith.constant 65535 : i32
        %parallel_loop3A_156 = vector.broadcast %parallel_loop3A_155 : i32 to vector<16xi32>
        %parallel_loop3A_157 = arith.andi %parallel_loop3A_154, %parallel_loop3A_156 : vector<16xi32>
        %parallel_loop3A_158 = arith.constant 16 : i32
        %parallel_loop3A_159 = vector.broadcast %parallel_loop3A_158 : i32 to vector<16xi32>
        %parallel_loop3A_160 = arith.shrsi %parallel_loop3A_154, %parallel_loop3A_159 : vector<16xi32>
        %parallel_loop3A_161 = arith.constant 65535 : i32
        %parallel_loop3A_162 = vector.broadcast %parallel_loop3A_161 : i32 to vector<16xi32>
        %parallel_loop3A_163 = arith.andi %parallel_loop3A_160, %parallel_loop3A_162 : vector<16xi32>
        %parallel_loop3A_164 = tpu.vector_load_idx %arg10[%parallel_loop3A_157] : memref<50000xf32, #tpu.memory_space<vmem>>[vector<16xi32>], vector<16xf32>,
        tpu.vector_store_idx %arg11[%parallel_loop3A_163], %parallel_loop3A_164 {add = true} : memref<50000xf32, #tpu.memory_space<vmem>>[vector<16xi32>], vector<16xf32>,
      } {sc.loop_unroll_factor = 5 : i64, sc.parallel_access}
    }
    %scan3A_45 = arith.constant 40 : i32
    %scan3A_46 = arith.constant 0 : i32
    %scan3A_47 = arith.constant 5 : i32
    %scan3A_48 = arith.addi %scan3A_46, %scan3A_47 : i32
    %scan3A_49 = arith.constant 1 : i32
    scf.for %scan3A_121 = %scan3A_46 to %scan3A_48 step %scan3A_49  : i32 {
      %mul3A_122 = arith.constant 1 : i32
      %mul3A_123 = arith.muli %scan3A_121, %mul3A_122 : i32
      %add3A_124 = arith.constant 0 : i32
      %add3A_125 = arith.addi %add3A_124, %mul3A_123 : i32
      %mul3A_126 = arith.constant 10000 : i32
      %mul3A_127 = arith.muli %add3A_125, %mul3A_126 : i32
      "tpu.region"() ({
        %run_scoped3A = tpu.sem_alloc : memref<!tpu.dma_semaphore, #tpu.memory_space<semaphore_mem>>
        %dma_start3A_131 = tpu.memref_slice %arg4[%mul3A_127] : memref<50000xf32, #tpu.memory_space<hbm>> -> memref<10000xf32, #tpu.memory_space<hbm>>
        %dma_start3A_132 = tpu.memref_slice %arg4[%mul3A_127] : memref<50000xf32, #tpu.memory_space<hbm>> -> memref<10000xf32, #tpu.memory_space<hbm>>
        tpu.enqueue_dma source(%dma_start3A_132 : memref<10000xf32, #tpu.memory_space<hbm>>) target(%arg14 : memref<10000xf32, #tpu.memory_space<vmem>>) target_semaphore(%run_scoped3A : memref<!tpu.dma_semaphore, #tpu.memory_space<semaphore_mem>>)
        %dma_wait3A_133 = tpu.memref_slice %arg4[%mul3A_127] : memref<50000xf32, #tpu.memory_space<hbm>> -> memref<10000xf32, #tpu.memory_space<hbm>>
        %dma_wait3A_134 = tpu.memref_slice %arg4[%mul3A_127] : memref<50000xf32, #tpu.memory_space<hbm>> -> memref<10000xf32, #tpu.memory_space<hbm>>
        tpu.wait_dma2 semaphore(%run_scoped3A : memref<!tpu.dma_semaphore, #tpu.memory_space<semaphore_mem>>) src(%dma_wait3A_134 : memref<10000xf32, #tpu.memory_space<hbm>>) dst(%arg14 : memref<10000xf32, #tpu.memory_space<vmem>>)
        tpu.yield
      }) : () -> ()
      %parallel_loop3A_128 = arith.constant 0 : i32
      %parallel_loop3A_129 = arith.constant 625 : i32
      %parallel_loop3A_130 = arith.constant 1 : i32
      scf.for %parallel_loop3A_131 = %parallel_loop3A_128 to %parallel_loop3A_129 step %parallel_loop3A_130  : i32 {
        %parallel_loop3A_132 = arith.constant 10000 : i32
        %parallel_loop3A_133 = arith.muli %add3A_125, %parallel_loop3A_132 : i32
        %parallel_loop3A_134 = arith.constant 16 : i32
        %parallel_loop3A_135 = arith.muli %parallel_loop3A_131, %parallel_loop3A_134 : i32
        %parallel_loop3A_136 = arith.addi %parallel_loop3A_133, %parallel_loop3A_135 : i32
        %parallel_loop3A_137 = arith.index_cast %parallel_loop3A_136 : i32 to index
        %parallel_loop3A_138 = tpu.vector_load %arg11[%parallel_loop3A_137] {strides = array<i32>} : memref<50000xf32, #tpu.memory_space<vmem>>, vector<16xf32>,
        %parallel_loop3A_139 = arith.constant 16 : i32
        %parallel_loop3A_140 = arith.muli %parallel_loop3A_131, %parallel_loop3A_139 : i32
        %parallel_loop3A_141 = arith.index_cast %parallel_loop3A_140 : i32 to index
        %parallel_loop3A_142 = tpu.vector_load %arg14[%parallel_loop3A_141] {strides = array<i32>} : memref<10000xf32, #tpu.memory_space<vmem>>, vector<16xf32>,
        %parallel_loop3A_143 = arith.mulf %parallel_loop3A_138, %parallel_loop3A_142 : vector<16xf32>
        %parallel_loop3A_144 = arith.index_cast %parallel_loop3A_136 : i32 to index
        %parallel_loop3A_145 = tpu.vector_load %arg11[%parallel_loop3A_144] {strides = array<i32>} : memref<50000xf32, #tpu.memory_space<vmem>>, vector<16xf32>,
        tpu.vector_store %arg11[%parallel_loop3A_144], %parallel_loop3A_143 {strides = array<i32>} : memref<50000xf32, #tpu.memory_space<vmem>>, vector<16xf32>,
      } {sc.loop_unroll_factor = 5 : i64, sc.parallel_access}
    }
    %scan3A_50 = arith.constant 5 : i32
    %mul3A_51 = arith.constant 50000 : i32
    %mul3A_52 = arith.muli %add3A_28, %mul3A_51 : i32
    %dma_start3A_53 = tpu.memref_slice %arg8[%mul3A_52] : memref<3200000xf32, #tpu.memory_space<hbm>> -> memref<50000xf32, #tpu.memory_space<hbm>>
    %dma_start3A_54 = tpu.memref_slice %arg8[%mul3A_52] : memref<3200000xf32, #tpu.memory_space<hbm>> -> memref<50000xf32, #tpu.memory_space<hbm>>
    tpu.enqueue_dma source(%arg11 : memref<50000xf32, #tpu.memory_space<vmem>>) target(%dma_start3A_54 : memref<50000xf32, #tpu.memory_space<hbm>>) target_semaphore(%arg17 : memref<!tpu.dma_semaphore, #tpu.memory_space<semaphore_mem>>)
    %mul3A_55 = arith.constant 2 : i32
    %mul3A_56 = arith.muli %add3A, %mul3A_55 : i32
    %add3A_57 = arith.constant 0 : i32
    %add3A_58 = arith.addi %mul3A_56, %add3A_57 : i32
    %dma_start3A_59 = arith.constant 0 : i32
    %dma_start3A_60 = tpu.memref_slice %arg6[%dma_start3A_59] : memref<800000xi32, #tpu.memory_space<hbm>> -> memref<10000xi32, #tpu.memory_space<hbm>>
    %dma_start3A_61 = arith.constant 0 : i32
    %dma_start3A_62 = tpu.memref_slice %arg6[%dma_start3A_61] : memref<800000xi32, #tpu.memory_space<hbm>> -> memref<10000xi32, #tpu.memory_space<hbm>>
    tpu.enqueue_dma source(%dma_start3A_62 : memref<10000xi32, #tpu.memory_space<hbm>>) target(%arg12 : memref<10000xi32, #tpu.memory_space<vmem>>) target_semaphore(%arg15 : memref<!tpu.dma_semaphore, #tpu.memory_space<semaphore_mem>>)
    %mul3A_63 = arith.constant 50000 : i32
    %mul3A_64 = arith.muli %add3A_58, %mul3A_63 : i32
    "tpu.region"() ({
      %run_scoped3A = tpu.sem_alloc : memref<!tpu.dma_semaphore, #tpu.memory_space<semaphore_mem>>
      %dma_start3A_121 = tpu.memref_slice %arg5[%mul3A_64] : memref<3200000xf32, #tpu.memory_space<hbm>> -> memref<50000xf32, #tpu.memory_space<hbm>>
      %dma_start3A_122 = tpu.memref_slice %arg5[%mul3A_64] : memref<3200000xf32, #tpu.memory_space<hbm>> -> memref<50000xf32, #tpu.memory_space<hbm>>
      tpu.enqueue_dma source(%dma_start3A_122 : memref<50000xf32, #tpu.memory_space<hbm>>) target(%arg10 : memref<50000xf32, #tpu.memory_space<vmem>>) target_semaphore(%run_scoped3A : memref<!tpu.dma_semaphore, #tpu.memory_space<semaphore_mem>>)
      %dma_wait3A_123 = tpu.memref_slice %arg5[%mul3A_64] : memref<3200000xf32, #tpu.memory_space<hbm>> -> memref<50000xf32, #tpu.memory_space<hbm>>
      %dma_wait3A_124 = tpu.memref_slice %arg5[%mul3A_64] : memref<3200000xf32, #tpu.memory_space<hbm>> -> memref<50000xf32, #tpu.memory_space<hbm>>
      tpu.wait_dma2 semaphore(%run_scoped3A : memref<!tpu.dma_semaphore, #tpu.memory_space<semaphore_mem>>) src(%dma_wait3A_124 : memref<50000xf32, #tpu.memory_space<hbm>>) dst(%arg10 : memref<50000xf32, #tpu.memory_space<vmem>>)
      tpu.yield
    }) : () -> ()
    %mul3A_65 = arith.constant 50000 : i32
    %mul3A_66 = arith.muli %add3A_28, %mul3A_65 : i32
    %dma_wait3A_67 = tpu.memref_slice %arg8[%mul3A_66] : memref<3200000xf32, #tpu.memory_space<hbm>> -> memref<50000xf32, #tpu.memory_space<hbm>>
    %dma_wait3A_68 = tpu.memref_slice %arg8[%mul3A_66] : memref<3200000xf32, #tpu.memory_space<hbm>> -> memref<50000xf32, #tpu.memory_space<hbm>>
    tpu.wait_dma2 semaphore(%arg17 : memref<!tpu.dma_semaphore, #tpu.memory_space<semaphore_mem>>) src(%arg11 : memref<50000xf32, #tpu.memory_space<vmem>>) dst(%dma_wait3A_68 : memref<50000xf32, #tpu.memory_space<hbm>>)
    %parallel_loop3A_69 = arith.constant 0 : i32
    %parallel_loop3A_70 = arith.constant 3125 : i32
    %parallel_loop3A_71 = arith.constant 1 : i32
    scf.for %parallel_loop3A_121 = %parallel_loop3A_69 to %parallel_loop3A_70 step %parallel_loop3A_71  : i32 {
      %parallel_loop3A_122 = arith.constant 0.000000e+00 : f32
      %parallel_loop3A_123 = vector.broadcast %parallel_loop3A_122 : f32 to vector<16xf32>
      %parallel_loop3A_124 = arith.constant 16 : i32
      %parallel_loop3A_125 = arith.muli %parallel_loop3A_121, %parallel_loop3A_124 : i32
      %parallel_loop3A_126 = arith.index_cast %parallel_loop3A_125 : i32 to index
      %parallel_loop3A_127 = tpu.vector_load %arg11[%parallel_loop3A_126] {strides = array<i32>} : memref<50000xf32, #tpu.memory_space<vmem>>, vector<16xf32>,
      tpu.vector_store %arg11[%parallel_loop3A_126], %parallel_loop3A_123 {strides = array<i32>} : memref<50000xf32, #tpu.memory_space<vmem>>, vector<16xf32>,
    } {sc.loop_unroll_factor = 5 : i64, sc.parallel_access}
    %scan3A_72 = arith.constant 0 : i32
    %scan3A_73 = arith.constant 40 : i32
    %scan3A_74 = arith.addi %scan3A_72, %scan3A_73 : i32
    %scan3A_75 = arith.constant 1 : i32
    scf.for %scan3A_121 = %scan3A_72 to %scan3A_74 step %scan3A_75  : i32 {
      %mul3A_122 = arith.constant 1 : i32
      %mul3A_123 = arith.muli %scan3A_121, %mul3A_122 : i32
      %add3A_124 = arith.constant 0 : i32
      %add3A_125 = arith.addi %add3A_124, %mul3A_123 : i32
      %mul3A_126 = arith.constant 2 : i32
      %mul3A_127 = arith.muli %add3A_125, %mul3A_126 : i32
      %dma_wait3A_128 = arith.constant 0 : i32
      %dma_wait3A_129 = tpu.memref_slice %arg6[%dma_wait3A_128] : memref<800000xi32, #tpu.memory_space<hbm>> -> memref<10000xi32, #tpu.memory_space<hbm>>
      %dma_wait3A_130 = arith.constant 0 : i32
      %dma_wait3A_131 = tpu.memref_slice %arg6[%dma_wait3A_130] : memref<800000xi32, #tpu.memory_space<hbm>> -> memref<10000xi32, #tpu.memory_space<hbm>>
      tpu.wait_dma2 semaphore(%arg15 : memref<!tpu.dma_semaphore, #tpu.memory_space<semaphore_mem>>) src(%dma_wait3A_131 : memref<10000xi32, #tpu.memory_space<hbm>>) dst(%arg12 : memref<10000xi32, #tpu.memory_space<vmem>>)
      %add3A_132 = arith.constant 1 : i32
      %add3A_133 = arith.addi %mul3A_127, %add3A_132 : i32
      %mul3A_134 = arith.constant 10000 : i32
      %mul3A_135 = arith.muli %add3A_133, %mul3A_134 : i32
      %dma_start3A_136 = tpu.memref_slice %arg6[%mul3A_135] : memref<800000xi32, #tpu.memory_space<hbm>> -> memref<10000xi32, #tpu.memory_space<hbm>>
      %dma_start3A_137 = tpu.memref_slice %arg6[%mul3A_135] : memref<800000xi32, #tpu.memory_space<hbm>> -> memref<10000xi32, #tpu.memory_space<hbm>>
      tpu.enqueue_dma source(%dma_start3A_137 : memref<10000xi32, #tpu.memory_space<hbm>>) target(%arg13 : memref<10000xi32, #tpu.memory_space<vmem>>) target_semaphore(%arg16 : memref<!tpu.dma_semaphore, #tpu.memory_space<semaphore_mem>>)
      %parallel_loop3A_138 = arith.constant 0 : i32
      %parallel_loop3A_139 = arith.constant 625 : i32
      %parallel_loop3A_140 = arith.constant 1 : i32
      scf.for %parallel_loop3A_150 = %parallel_loop3A_138 to %parallel_loop3A_139 step %parallel_loop3A_140  : i32 {
        %parallel_loop3A_151 = arith.constant 16 : i32
        %parallel_loop3A_152 = arith.muli %parallel_loop3A_150, %parallel_loop3A_151 : i32
        %parallel_loop3A_153 = arith.index_cast %parallel_loop3A_152 : i32 to index
        %parallel_loop3A_154 = tpu.vector_load %arg12[%parallel_loop3A_153] {strides = array<i32>} : memref<10000xi32, #tpu.memory_space<vmem>>, vector<16xi32>,
        %parallel_loop3A_155 = arith.constant 65535 : i32
        %parallel_loop3A_156 = vector.broadcast %parallel_loop3A_155 : i32 to vector<16xi32>
        %parallel_loop3A_157 = arith.andi %parallel_loop3A_154, %parallel_loop3A_156 : vector<16xi32>
        %parallel_loop3A_158 = arith.constant 16 : i32
        %parallel_loop3A_159 = vector.broadcast %parallel_loop3A_158 : i32 to vector<16xi32>
        %parallel_loop3A_160 = arith.shrsi %parallel_loop3A_154, %parallel_loop3A_159 : vector<16xi32>
        %parallel_loop3A_161 = arith.constant 65535 : i32
        %parallel_loop3A_162 = vector.broadcast %parallel_loop3A_161 : i32 to vector<16xi32>
        %parallel_loop3A_163 = arith.andi %parallel_loop3A_160, %parallel_loop3A_162 : vector<16xi32>
        %parallel_loop3A_164 = tpu.vector_load_idx %arg10[%parallel_loop3A_157] : memref<50000xf32, #tpu.memory_space<vmem>>[vector<16xi32>], vector<16xf32>,
        tpu.vector_store_idx %arg11[%parallel_loop3A_163], %parallel_loop3A_164 {add = true} : memref<50000xf32, #tpu.memory_space<vmem>>[vector<16xi32>], vector<16xf32>,
      } {sc.loop_unroll_factor = 5 : i64, sc.parallel_access}
      %dma_wait3A_141 = arith.constant 0 : i32
      %dma_wait3A_142 = tpu.memref_slice %arg6[%dma_wait3A_141] : memref<800000xi32, #tpu.memory_space<hbm>> -> memref<10000xi32, #tpu.memory_space<hbm>>
      %dma_wait3A_143 = arith.constant 0 : i32
      %dma_wait3A_144 = tpu.memref_slice %arg6[%dma_wait3A_143] : memref<800000xi32, #tpu.memory_space<hbm>> -> memref<10000xi32, #tpu.memory_space<hbm>>
      tpu.wait_dma2 semaphore(%arg16 : memref<!tpu.dma_semaphore, #tpu.memory_space<semaphore_mem>>) src(%dma_wait3A_144 : memref<10000xi32, #tpu.memory_space<hbm>>) dst(%arg13 : memref<10000xi32, #tpu.memory_space<vmem>>)
      %lt3A = arith.constant 39 : i32
      %lt3A_145 = arith.cmpi slt, %add3A_125, %lt3A : i32
      %convert_element_type3A = arith.extui %lt3A_145 : i1 to i32
      %cond3A = arith.constant 0 : i32
      %cond3A_146 = arith.cmpi ne, %convert_element_type3A, %cond3A : i32
      scf.if %cond3A_146 {
        %add3A_150 = arith.constant 2 : i32
        %add3A_151 = arith.addi %mul3A_127, %add3A_150 : i32
        %mul3A_152 = arith.constant 10000 : i32
        %mul3A_153 = arith.muli %add3A_151, %mul3A_152 : i32
        %dma_start3A_154 = tpu.memref_slice %arg6[%mul3A_153] : memref<800000xi32, #tpu.memory_space<hbm>> -> memref<10000xi32, #tpu.memory_space<hbm>>
        %dma_start3A_155 = tpu.memref_slice %arg6[%mul3A_153] : memref<800000xi32, #tpu.memory_space<hbm>> -> memref<10000xi32, #tpu.memory_space<hbm>>
        tpu.enqueue_dma source(%dma_start3A_155 : memref<10000xi32, #tpu.memory_space<hbm>>) target(%arg12 : memref<10000xi32, #tpu.memory_space<vmem>>) target_semaphore(%arg15 : memref<!tpu.dma_semaphore, #tpu.memory_space<semaphore_mem>>)
      } else {
      }
      %parallel_loop3A_147 = arith.constant 0 : i32
      %parallel_loop3A_148 = arith.constant 625 : i32
      %parallel_loop3A_149 = arith.constant 1 : i32
      scf.for %parallel_loop3A_150 = %parallel_loop3A_147 to %parallel_loop3A_148 step %parallel_loop3A_149  : i32 {
        %parallel_loop3A_151 = arith.constant 16 : i32
        %parallel_loop3A_152 = arith.muli %parallel_loop3A_150, %parallel_loop3A_151 : i32
        %parallel_loop3A_153 = arith.index_cast %parallel_loop3A_152 : i32 to index
        %parallel_loop3A_154 = tpu.vector_load %arg13[%parallel_loop3A_153] {strides = array<i32>} : memref<10000xi32, #tpu.memory_space<vmem>>, vector<16xi32>,
        %parallel_loop3A_155 = arith.constant 65535 : i32
        %parallel_loop3A_156 = vector.broadcast %parallel_loop3A_155 : i32 to vector<16xi32>
        %parallel_loop3A_157 = arith.andi %parallel_loop3A_154, %parallel_loop3A_156 : vector<16xi32>
        %parallel_loop3A_158 = arith.constant 16 : i32
        %parallel_loop3A_159 = vector.broadcast %parallel_loop3A_158 : i32 to vector<16xi32>
        %parallel_loop3A_160 = arith.shrsi %parallel_loop3A_154, %parallel_loop3A_159 : vector<16xi32>
        %parallel_loop3A_161 = arith.constant 65535 : i32
        %parallel_loop3A_162 = vector.broadcast %parallel_loop3A_161 : i32 to vector<16xi32>
        %parallel_loop3A_163 = arith.andi %parallel_loop3A_160, %parallel_loop3A_162 : vector<16xi32>
        %parallel_loop3A_164 = tpu.vector_load_idx %arg10[%parallel_loop3A_157] : memref<50000xf32, #tpu.memory_space<vmem>>[vector<16xi32>], vector<16xf32>,
        tpu.vector_store_idx %arg11[%parallel_loop3A_163], %parallel_loop3A_164 {add = true} : memref<50000xf32, #tpu.memory_space<vmem>>[vector<16xi32>], vector<16xf32>,
      } {sc.loop_unroll_factor = 5 : i64, sc.parallel_access}
    }
    %scan3A_76 = arith.constant 40 : i32
    %scan3A_77 = arith.constant 0 : i32
    %scan3A_78 = arith.constant 5 : i32
    %scan3A_79 = arith.addi %scan3A_77, %scan3A_78 : i32
    %scan3A_80 = arith.constant 1 : i32
    scf.for %scan3A_121 = %scan3A_77 to %scan3A_79 step %scan3A_80  : i32 {
      %mul3A_122 = arith.constant 1 : i32
      %mul3A_123 = arith.muli %scan3A_121, %mul3A_122 : i32
      %add3A_124 = arith.constant 0 : i32
      %add3A_125 = arith.addi %add3A_124, %mul3A_123 : i32
      %mul3A_126 = arith.constant 10000 : i32
      %mul3A_127 = arith.muli %add3A_125, %mul3A_126 : i32
      "tpu.region"() ({
        %run_scoped3A = tpu.sem_alloc : memref<!tpu.dma_semaphore, #tpu.memory_space<semaphore_mem>>
        %dma_start3A_131 = tpu.memref_slice %arg7[%mul3A_127] : memref<50000xf32, #tpu.memory_space<hbm>> -> memref<10000xf32, #tpu.memory_space<hbm>>
        %dma_start3A_132 = tpu.memref_slice %arg7[%mul3A_127] : memref<50000xf32, #tpu.memory_space<hbm>> -> memref<10000xf32, #tpu.memory_space<hbm>>
        tpu.enqueue_dma source(%dma_start3A_132 : memref<10000xf32, #tpu.memory_space<hbm>>) target(%arg14 : memref<10000xf32, #tpu.memory_space<vmem>>) target_semaphore(%run_scoped3A : memref<!tpu.dma_semaphore, #tpu.memory_space<semaphore_mem>>)
        %dma_wait3A_133 = tpu.memref_slice %arg7[%mul3A_127] : memref<50000xf32, #tpu.memory_space<hbm>> -> memref<10000xf32, #tpu.memory_space<hbm>>
        %dma_wait3A_134 = tpu.memref_slice %arg7[%mul3A_127] : memref<50000xf32, #tpu.memory_space<hbm>> -> memref<10000xf32, #tpu.memory_space<hbm>>
        tpu.wait_dma2 semaphore(%run_scoped3A : memref<!tpu.dma_semaphore, #tpu.memory_space<semaphore_mem>>) src(%dma_wait3A_134 : memref<10000xf32, #tpu.memory_space<hbm>>) dst(%arg14 : memref<10000xf32, #tpu.memory_space<vmem>>)
        tpu.yield
      }) : () -> ()
      %parallel_loop3A_128 = arith.constant 0 : i32
      %parallel_loop3A_129 = arith.constant 625 : i32
      %parallel_loop3A_130 = arith.constant 1 : i32
      scf.for %parallel_loop3A_131 = %parallel_loop3A_128 to %parallel_loop3A_129 step %parallel_loop3A_130  : i32 {
        %parallel_loop3A_132 = arith.constant 10000 : i32
        %parallel_loop3A_133 = arith.muli %add3A_125, %parallel_loop3A_132 : i32
        %parallel_loop3A_134 = arith.constant 16 : i32
        %parallel_loop3A_135 = arith.muli %parallel_loop3A_131, %parallel_loop3A_134 : i32
        %parallel_loop3A_136 = arith.addi %parallel_loop3A_133, %parallel_loop3A_135 : i32
        %parallel_loop3A_137 = arith.index_cast %parallel_loop3A_136 : i32 to index
        %parallel_loop3A_138 = tpu.vector_load %arg11[%parallel_loop3A_137] {strides = array<i32>} : memref<50000xf32, #tpu.memory_space<vmem>>, vector<16xf32>,
        %parallel_loop3A_139 = arith.constant 16 : i32
        %parallel_loop3A_140 = arith.muli %parallel_loop3A_131, %parallel_loop3A_139 : i32
        %parallel_loop3A_141 = arith.index_cast %parallel_loop3A_140 : i32 to index
        %parallel_loop3A_142 = tpu.vector_load %arg14[%parallel_loop3A_141] {strides = array<i32>} : memref<10000xf32, #tpu.memory_space<vmem>>, vector<16xf32>,
        %parallel_loop3A_143 = arith.mulf %parallel_loop3A_138, %parallel_loop3A_142 : vector<16xf32>
        %parallel_loop3A_144 = arith.index_cast %parallel_loop3A_136 : i32 to index
        %parallel_loop3A_145 = tpu.vector_load %arg11[%parallel_loop3A_144] {strides = array<i32>} : memref<50000xf32, #tpu.memory_space<vmem>>, vector<16xf32>,
        tpu.vector_store %arg11[%parallel_loop3A_144], %parallel_loop3A_143 {strides = array<i32>} : memref<50000xf32, #tpu.memory_space<vmem>>, vector<16xf32>,
      } {sc.loop_unroll_factor = 5 : i64, sc.parallel_access}
    }
    %scan3A_81 = arith.constant 5 : i32
    %mul3A_82 = arith.constant 50000 : i32
    %mul3A_83 = arith.muli %add3A_58, %mul3A_82 : i32
    %dma_start3A_84 = tpu.memref_slice %arg9[%mul3A_83] : memref<3200000xf32, #tpu.memory_space<hbm>> -> memref<50000xf32, #tpu.memory_space<hbm>>
    %dma_start3A_85 = tpu.memref_slice %arg9[%mul3A_83] : memref<3200000xf32, #tpu.memory_space<hbm>> -> memref<50000xf32, #tpu.memory_space<hbm>>
    tpu.enqueue_dma source(%arg11 : memref<50000xf32, #tpu.memory_space<vmem>>) target(%dma_start3A_85 : memref<50000xf32, #tpu.memory_space<hbm>>) target_semaphore(%arg17 : memref<!tpu.dma_semaphore, #tpu.memory_space<semaphore_mem>>)
    %mul3A_86 = arith.constant 2 : i32
    %mul3A_87 = arith.muli %add3A, %mul3A_86 : i32
    %add3A_88 = arith.constant 1 : i32
    %add3A_89 = arith.addi %mul3A_87, %add3A_88 : i32
    %dma_start3A_90 = arith.constant 0 : i32
    %dma_start3A_91 = tpu.memref_slice %arg6[%dma_start3A_90] : memref<800000xi32, #tpu.memory_space<hbm>> -> memref<10000xi32, #tpu.memory_space<hbm>>
    %dma_start3A_92 = arith.constant 0 : i32
    %dma_start3A_93 = tpu.memref_slice %arg6[%dma_start3A_92] : memref<800000xi32, #tpu.memory_space<hbm>> -> memref<10000xi32, #tpu.memory_space<hbm>>
    tpu.enqueue_dma source(%dma_start3A_93 : memref<10000xi32, #tpu.memory_space<hbm>>) target(%arg12 : memref<10000xi32, #tpu.memory_space<vmem>>) target_semaphore(%arg15 : memref<!tpu.dma_semaphore, #tpu.memory_space<semaphore_mem>>)
    %mul3A_94 = arith.constant 50000 : i32
    %mul3A_95 = arith.muli %add3A_89, %mul3A_94 : i32
    "tpu.region"() ({
      %run_scoped3A = tpu.sem_alloc : memref<!tpu.dma_semaphore, #tpu.memory_space<semaphore_mem>>
      %dma_start3A_121 = tpu.memref_slice %arg5[%mul3A_95] : memref<3200000xf32, #tpu.memory_space<hbm>> -> memref<50000xf32, #tpu.memory_space<hbm>>
      %dma_start3A_122 = tpu.memref_slice %arg5[%mul3A_95] : memref<3200000xf32, #tpu.memory_space<hbm>> -> memref<50000xf32, #tpu.memory_space<hbm>>
      tpu.enqueue_dma source(%dma_start3A_122 : memref<50000xf32, #tpu.memory_space<hbm>>) target(%arg10 : memref<50000xf32, #tpu.memory_space<vmem>>) target_semaphore(%run_scoped3A : memref<!tpu.dma_semaphore, #tpu.memory_space<semaphore_mem>>)
      %dma_wait3A_123 = tpu.memref_slice %arg5[%mul3A_95] : memref<3200000xf32, #tpu.memory_space<hbm>> -> memref<50000xf32, #tpu.memory_space<hbm>>
      %dma_wait3A_124 = tpu.memref_slice %arg5[%mul3A_95] : memref<3200000xf32, #tpu.memory_space<hbm>> -> memref<50000xf32, #tpu.memory_space<hbm>>
      tpu.wait_dma2 semaphore(%run_scoped3A : memref<!tpu.dma_semaphore, #tpu.memory_space<semaphore_mem>>) src(%dma_wait3A_124 : memref<50000xf32, #tpu.memory_space<hbm>>) dst(%arg10 : memref<50000xf32, #tpu.memory_space<vmem>>)
      tpu.yield
    }) : () -> ()
    %mul3A_96 = arith.constant 50000 : i32
    %mul3A_97 = arith.muli %add3A_58, %mul3A_96 : i32
    %dma_wait3A_98 = tpu.memref_slice %arg9[%mul3A_97] : memref<3200000xf32, #tpu.memory_space<hbm>> -> memref<50000xf32, #tpu.memory_space<hbm>>
    %dma_wait3A_99 = tpu.memref_slice %arg9[%mul3A_97] : memref<3200000xf32, #tpu.memory_space<hbm>> -> memref<50000xf32, #tpu.memory_space<hbm>>
    tpu.wait_dma2 semaphore(%arg17 : memref<!tpu.dma_semaphore, #tpu.memory_space<semaphore_mem>>) src(%arg11 : memref<50000xf32, #tpu.memory_space<vmem>>) dst(%dma_wait3A_99 : memref<50000xf32, #tpu.memory_space<hbm>>)
    %parallel_loop3A_100 = arith.constant 0 : i32
    %parallel_loop3A_101 = arith.constant 3125 : i32
    %parallel_loop3A_102 = arith.constant 1 : i32
    scf.for %parallel_loop3A_121 = %parallel_loop3A_100 to %parallel_loop3A_101 step %parallel_loop3A_102  : i32 {
      %parallel_loop3A_122 = arith.constant 0.000000e+00 : f32
      %parallel_loop3A_123 = vector.broadcast %parallel_loop3A_122 : f32 to vector<16xf32>
      %parallel_loop3A_124 = arith.constant 16 : i32
      %parallel_loop3A_125 = arith.muli %parallel_loop3A_121, %parallel_loop3A_124 : i32
      %parallel_loop3A_126 = arith.index_cast %parallel_loop3A_125 : i32 to index
      %parallel_loop3A_127 = tpu.vector_load %arg11[%parallel_loop3A_126] {strides = array<i32>} : memref<50000xf32, #tpu.memory_space<vmem>>, vector<16xf32>,
      tpu.vector_store %arg11[%parallel_loop3A_126], %parallel_loop3A_123 {strides = array<i32>} : memref<50000xf32, #tpu.memory_space<vmem>>, vector<16xf32>,
    } {sc.loop_unroll_factor = 5 : i64, sc.parallel_access}
    %scan3A_103 = arith.constant 0 : i32
    %scan3A_104 = arith.constant 40 : i32
    %scan3A_105 = arith.addi %scan3A_103, %scan3A_104 : i32
    %scan3A_106 = arith.constant 1 : i32
    scf.for %scan3A_121 = %scan3A_103 to %scan3A_105 step %scan3A_106  : i32 {
      %mul3A_122 = arith.constant 1 : i32
      %mul3A_123 = arith.muli %scan3A_121, %mul3A_122 : i32
      %add3A_124 = arith.constant 0 : i32
      %add3A_125 = arith.addi %add3A_124, %mul3A_123 : i32
      %mul3A_126 = arith.constant 2 : i32
      %mul3A_127 = arith.muli %add3A_125, %mul3A_126 : i32
      %dma_wait3A_128 = arith.constant 0 : i32
      %dma_wait3A_129 = tpu.memref_slice %arg6[%dma_wait3A_128] : memref<800000xi32, #tpu.memory_space<hbm>> -> memref<10000xi32, #tpu.memory_space<hbm>>
      %dma_wait3A_130 = arith.constant 0 : i32
      %dma_wait3A_131 = tpu.memref_slice %arg6[%dma_wait3A_130] : memref<800000xi32, #tpu.memory_space<hbm>> -> memref<10000xi32, #tpu.memory_space<hbm>>
      tpu.wait_dma2 semaphore(%arg15 : memref<!tpu.dma_semaphore, #tpu.memory_space<semaphore_mem>>) src(%dma_wait3A_131 : memref<10000xi32, #tpu.memory_space<hbm>>) dst(%arg12 : memref<10000xi32, #tpu.memory_space<vmem>>)
      %add3A_132 = arith.constant 1 : i32
      %add3A_133 = arith.addi %mul3A_127, %add3A_132 : i32
      %mul3A_134 = arith.constant 10000 : i32
      %mul3A_135 = arith.muli %add3A_133, %mul3A_134 : i32
      %dma_start3A_136 = tpu.memref_slice %arg6[%mul3A_135] : memref<800000xi32, #tpu.memory_space<hbm>> -> memref<10000xi32, #tpu.memory_space<hbm>>
      %dma_start3A_137 = tpu.memref_slice %arg6[%mul3A_135] : memref<800000xi32, #tpu.memory_space<hbm>> -> memref<10000xi32, #tpu.memory_space<hbm>>
      tpu.enqueue_dma source(%dma_start3A_137 : memref<10000xi32, #tpu.memory_space<hbm>>) target(%arg13 : memref<10000xi32, #tpu.memory_space<vmem>>) target_semaphore(%arg16 : memref<!tpu.dma_semaphore, #tpu.memory_space<semaphore_mem>>)
      %parallel_loop3A_138 = arith.constant 0 : i32
      %parallel_loop3A_139 = arith.constant 625 : i32
      %parallel_loop3A_140 = arith.constant 1 : i32
      scf.for %parallel_loop3A_150 = %parallel_loop3A_138 to %parallel_loop3A_139 step %parallel_loop3A_140  : i32 {
        %parallel_loop3A_151 = arith.constant 16 : i32
        %parallel_loop3A_152 = arith.muli %parallel_loop3A_150, %parallel_loop3A_151 : i32
        %parallel_loop3A_153 = arith.index_cast %parallel_loop3A_152 : i32 to index
        %parallel_loop3A_154 = tpu.vector_load %arg12[%parallel_loop3A_153] {strides = array<i32>} : memref<10000xi32, #tpu.memory_space<vmem>>, vector<16xi32>,
        %parallel_loop3A_155 = arith.constant 65535 : i32
        %parallel_loop3A_156 = vector.broadcast %parallel_loop3A_155 : i32 to vector<16xi32>
        %parallel_loop3A_157 = arith.andi %parallel_loop3A_154, %parallel_loop3A_156 : vector<16xi32>
        %parallel_loop3A_158 = arith.constant 16 : i32
        %parallel_loop3A_159 = vector.broadcast %parallel_loop3A_158 : i32 to vector<16xi32>
        %parallel_loop3A_160 = arith.shrsi %parallel_loop3A_154, %parallel_loop3A_159 : vector<16xi32>
        %parallel_loop3A_161 = arith.constant 65535 : i32
        %parallel_loop3A_162 = vector.broadcast %parallel_loop3A_161 : i32 to vector<16xi32>
        %parallel_loop3A_163 = arith.andi %parallel_loop3A_160, %parallel_loop3A_162 : vector<16xi32>
        %parallel_loop3A_164 = tpu.vector_load_idx %arg10[%parallel_loop3A_157] : memref<50000xf32, #tpu.memory_space<vmem>>[vector<16xi32>], vector<16xf32>,
        tpu.vector_store_idx %arg11[%parallel_loop3A_163], %parallel_loop3A_164 {add = true} : memref<50000xf32, #tpu.memory_space<vmem>>[vector<16xi32>], vector<16xf32>,
      } {sc.loop_unroll_factor = 5 : i64, sc.parallel_access}
      %dma_wait3A_141 = arith.constant 0 : i32
      %dma_wait3A_142 = tpu.memref_slice %arg6[%dma_wait3A_141] : memref<800000xi32, #tpu.memory_space<hbm>> -> memref<10000xi32, #tpu.memory_space<hbm>>
      %dma_wait3A_143 = arith.constant 0 : i32
      %dma_wait3A_144 = tpu.memref_slice %arg6[%dma_wait3A_143] : memref<800000xi32, #tpu.memory_space<hbm>> -> memref<10000xi32, #tpu.memory_space<hbm>>
      tpu.wait_dma2 semaphore(%arg16 : memref<!tpu.dma_semaphore, #tpu.memory_space<semaphore_mem>>) src(%dma_wait3A_144 : memref<10000xi32, #tpu.memory_space<hbm>>) dst(%arg13 : memref<10000xi32, #tpu.memory_space<vmem>>)
      %lt3A = arith.constant 39 : i32
      %lt3A_145 = arith.cmpi slt, %add3A_125, %lt3A : i32
      %convert_element_type3A = arith.extui %lt3A_145 : i1 to i32
      %cond3A = arith.constant 0 : i32
      %cond3A_146 = arith.cmpi ne, %convert_element_type3A, %cond3A : i32
      scf.if %cond3A_146 {
        %add3A_150 = arith.constant 2 : i32
        %add3A_151 = arith.addi %mul3A_127, %add3A_150 : i32
        %mul3A_152 = arith.constant 10000 : i32
        %mul3A_153 = arith.muli %add3A_151, %mul3A_152 : i32
        %dma_start3A_154 = tpu.memref_slice %arg6[%mul3A_153] : memref<800000xi32, #tpu.memory_space<hbm>> -> memref<10000xi32, #tpu.memory_space<hbm>>
        %dma_start3A_155 = tpu.memref_slice %arg6[%mul3A_153] : memref<800000xi32, #tpu.memory_space<hbm>> -> memref<10000xi32, #tpu.memory_space<hbm>>
        tpu.enqueue_dma source(%dma_start3A_155 : memref<10000xi32, #tpu.memory_space<hbm>>) target(%arg12 : memref<10000xi32, #tpu.memory_space<vmem>>) target_semaphore(%arg15 : memref<!tpu.dma_semaphore, #tpu.memory_space<semaphore_mem>>)
      } else {
      }
      %parallel_loop3A_147 = arith.constant 0 : i32
      %parallel_loop3A_148 = arith.constant 625 : i32
      %parallel_loop3A_149 = arith.constant 1 : i32
      scf.for %parallel_loop3A_150 = %parallel_loop3A_147 to %parallel_loop3A_148 step %parallel_loop3A_149  : i32 {
        %parallel_loop3A_151 = arith.constant 16 : i32
        %parallel_loop3A_152 = arith.muli %parallel_loop3A_150, %parallel_loop3A_151 : i32
        %parallel_loop3A_153 = arith.index_cast %parallel_loop3A_152 : i32 to index
        %parallel_loop3A_154 = tpu.vector_load %arg13[%parallel_loop3A_153] {strides = array<i32>} : memref<10000xi32, #tpu.memory_space<vmem>>, vector<16xi32>,
        %parallel_loop3A_155 = arith.constant 65535 : i32
        %parallel_loop3A_156 = vector.broadcast %parallel_loop3A_155 : i32 to vector<16xi32>
        %parallel_loop3A_157 = arith.andi %parallel_loop3A_154, %parallel_loop3A_156 : vector<16xi32>
        %parallel_loop3A_158 = arith.constant 16 : i32
        %parallel_loop3A_159 = vector.broadcast %parallel_loop3A_158 : i32 to vector<16xi32>
        %parallel_loop3A_160 = arith.shrsi %parallel_loop3A_154, %parallel_loop3A_159 : vector<16xi32>
        %parallel_loop3A_161 = arith.constant 65535 : i32
        %parallel_loop3A_162 = vector.broadcast %parallel_loop3A_161 : i32 to vector<16xi32>
        %parallel_loop3A_163 = arith.andi %parallel_loop3A_160, %parallel_loop3A_162 : vector<16xi32>
        %parallel_loop3A_164 = tpu.vector_load_idx %arg10[%parallel_loop3A_157] : memref<50000xf32, #tpu.memory_space<vmem>>[vector<16xi32>], vector<16xf32>,
        tpu.vector_store_idx %arg11[%parallel_loop3A_163], %parallel_loop3A_164 {add = true} : memref<50000xf32, #tpu.memory_space<vmem>>[vector<16xi32>], vector<16xf32>,
      } {sc.loop_unroll_factor = 5 : i64, sc.parallel_access}
    }
    %scan3A_107 = arith.constant 40 : i32
    %scan3A_108 = arith.constant 0 : i32
    %scan3A_109 = arith.constant 5 : i32
    %scan3A_110 = arith.addi %scan3A_108, %scan3A_109 : i32
    %scan3A_111 = arith.constant 1 : i32
    scf.for %scan3A_121 = %scan3A_108 to %scan3A_110 step %scan3A_111  : i32 {
      %mul3A_122 = arith.constant 1 : i32
      %mul3A_123 = arith.muli %scan3A_121, %mul3A_122 : i32
      %add3A_124 = arith.constant 0 : i32
      %add3A_125 = arith.addi %add3A_124, %mul3A_123 : i32
      %mul3A_126 = arith.constant 10000 : i32
      %mul3A_127 = arith.muli %add3A_125, %mul3A_126 : i32
      "tpu.region"() ({
        %run_scoped3A = tpu.sem_alloc : memref<!tpu.dma_semaphore, #tpu.memory_space<semaphore_mem>>
        %dma_start3A_131 = tpu.memref_slice %arg7[%mul3A_127] : memref<50000xf32, #tpu.memory_space<hbm>> -> memref<10000xf32, #tpu.memory_space<hbm>>
        %dma_start3A_132 = tpu.memref_slice %arg7[%mul3A_127] : memref<50000xf32, #tpu.memory_space<hbm>> -> memref<10000xf32, #tpu.memory_space<hbm>>
        tpu.enqueue_dma source(%dma_start3A_132 : memref<10000xf32, #tpu.memory_space<hbm>>) target(%arg14 : memref<10000xf32, #tpu.memory_space<vmem>>) target_semaphore(%run_scoped3A : memref<!tpu.dma_semaphore, #tpu.memory_space<semaphore_mem>>)
        %dma_wait3A_133 = tpu.memref_slice %arg7[%mul3A_127] : memref<50000xf32, #tpu.memory_space<hbm>> -> memref<10000xf32, #tpu.memory_space<hbm>>
        %dma_wait3A_134 = tpu.memref_slice %arg7[%mul3A_127] : memref<50000xf32, #tpu.memory_space<hbm>> -> memref<10000xf32, #tpu.memory_space<hbm>>
        tpu.wait_dma2 semaphore(%run_scoped3A : memref<!tpu.dma_semaphore, #tpu.memory_space<semaphore_mem>>) src(%dma_wait3A_134 : memref<10000xf32, #tpu.memory_space<hbm>>) dst(%arg14 : memref<10000xf32, #tpu.memory_space<vmem>>)
        tpu.yield
      }) : () -> ()
      %parallel_loop3A_128 = arith.constant 0 : i32
      %parallel_loop3A_129 = arith.constant 625 : i32
      %parallel_loop3A_130 = arith.constant 1 : i32
      scf.for %parallel_loop3A_131 = %parallel_loop3A_128 to %parallel_loop3A_129 step %parallel_loop3A_130  : i32 {
        %parallel_loop3A_132 = arith.constant 10000 : i32
        %parallel_loop3A_133 = arith.muli %add3A_125, %parallel_loop3A_132 : i32
        %parallel_loop3A_134 = arith.constant 16 : i32
        %parallel_loop3A_135 = arith.muli %parallel_loop3A_131, %parallel_loop3A_134 : i32
        %parallel_loop3A_136 = arith.addi %parallel_loop3A_133, %parallel_loop3A_135 : i32
        %parallel_loop3A_137 = arith.index_cast %parallel_loop3A_136 : i32 to index
        %parallel_loop3A_138 = tpu.vector_load %arg11[%parallel_loop3A_137] {strides = array<i32>} : memref<50000xf32, #tpu.memory_space<vmem>>, vector<16xf32>,
        %parallel_loop3A_139 = arith.constant 16 : i32
        %parallel_loop3A_140 = arith.muli %parallel_loop3A_131, %parallel_loop3A_139 : i32
        %parallel_loop3A_141 = arith.index_cast %parallel_loop3A_140 : i32 to index
        %parallel_loop3A_142 = tpu.vector_load %arg14[%parallel_loop3A_141] {strides = array<i32>} : memref<10000xf32, #tpu.memory_space<vmem>>, vector<16xf32>,
        %parallel_loop3A_143 = arith.mulf %parallel_loop3A_138, %parallel_loop3A_142 : vector<16xf32>
        %parallel_loop3A_144 = arith.index_cast %parallel_loop3A_136 : i32 to index
        %parallel_loop3A_145 = tpu.vector_load %arg11[%parallel_loop3A_144] {strides = array<i32>} : memref<50000xf32, #tpu.memory_space<vmem>>, vector<16xf32>,
        tpu.vector_store %arg11[%parallel_loop3A_144], %parallel_loop3A_143 {strides = array<i32>} : memref<50000xf32, #tpu.memory_space<vmem>>, vector<16xf32>,
      } {sc.loop_unroll_factor = 5 : i64, sc.parallel_access}
    }
    %scan3A_112 = arith.constant 5 : i32
    %mul3A_113 = arith.constant 50000 : i32
    %mul3A_114 = arith.muli %add3A_89, %mul3A_113 : i32
    %dma_start3A_115 = tpu.memref_slice %arg9[%mul3A_114] : memref<3200000xf32, #tpu.memory_space<hbm>> -> memref<50000xf32, #tpu.memory_space<hbm>>
    %dma_start3A_116 = tpu.memref_slice %arg9[%mul3A_114] : memref<3200000xf32, #tpu.memory_space<hbm>> -> memref<50000xf32, #tpu.memory_space<hbm>>
    tpu.enqueue_dma source(%arg11 : memref<50000xf32, #tpu.memory_space<vmem>>) target(%dma_start3A_116 : memref<50000xf32, #tpu.memory_space<hbm>>) target_semaphore(%arg17 : memref<!tpu.dma_semaphore, #tpu.memory_space<semaphore_mem>>)
    %mul3A_117 = arith.constant 50000 : i32
    %mul3A_118 = arith.muli %add3A_89, %mul3A_117 : i32
    %dma_wait3A_119 = tpu.memref_slice %arg9[%mul3A_118] : memref<3200000xf32, #tpu.memory_space<hbm>> -> memref<50000xf32, #tpu.memory_space<hbm>>
    %dma_wait3A_120 = tpu.memref_slice %arg9[%mul3A_118] : memref<3200000xf32, #tpu.memory_space<hbm>> -> memref<50000xf32, #tpu.memory_space<hbm>>
    tpu.wait_dma2 semaphore(%arg17 : memref<!tpu.dma_semaphore, #tpu.memory_space<semaphore_mem>>) src(%arg11 : memref<50000xf32, #tpu.memory_space<vmem>>) dst(%dma_wait3A_120 : memref<50000xf32, #tpu.memory_space<hbm>>)
    return
  }
}

#map = affine_map<(d0, d1) -> (0)>
module attributes {stable_mosaic.version = 14 : i64} {
  func.func @k(%arg0: i32, %arg1: i32, %arg2: memref<3200000xf32, #tpu.memory_space<hbm>>, %arg3: memref<800000xi32, #tpu.memory_space<hbm>>, %arg4: memref<50000xf32, #tpu.memory_space<hbm>>, %arg5: memref<3200000xf32, #tpu.memory_space<hbm>>, %arg6: memref<800000xi32, #tpu.memory_space<hbm>>, %arg7: memref<50000xf32, #tpu.memory_space<hbm>>, %arg8: memref<3200000xf32, #tpu.memory_space<hbm>>, %arg9: memref<3200000xf32, #tpu.memory_space<hbm>>, %arg10: memref<50000xf32, #tpu.memory_space<vmem>>, %arg11: memref<50000xf32, #tpu.memory_space<vmem>>, %arg12: memref<10000xi32, #tpu.memory_space<vmem>>, %arg13: memref<10000xi32, #tpu.memory_space<vmem>>, %arg14: memref<10000xf32, #tpu.memory_space<vmem>>, %arg15: memref<!tpu.dma_semaphore, #tpu.memory_space<semaphore_mem>>, %arg16: memref<!tpu.dma_semaphore, #tpu.memory_space<semaphore_mem>>, %arg17: memref<!tpu.dma_semaphore, #tpu.memory_space<semaphore_mem>>) attributes {dimension_semantics = [#tpu.dimension_semantics<core_parallel>, #tpu.dimension_semantics<subcore_parallel>], iteration_bounds = array<i64: 2, 16>, scalar_prefetch = 0 : i64, scratch_operands = 8 : i64, tpu.core_type = #tpu.core_type<sc_vector_subcore>, window_params = [{transform_indices = #map}, {transform_indices = #map}, {transform_indices = #map}, {transform_indices = #map}, {transform_indices = #map}, {transform_indices = #map}, {transform_indices = #map}, {transform_indices = #map}]} {
    %mul3A = arith.constant 16 : i32
    %mul3A_0 = arith.muli %arg0, %mul3A : i32
    %add3A = arith.addi %mul3A_0, %arg1 : i32
    %mul3A_1 = arith.constant 2 : i32
    %mul3A_2 = arith.muli %add3A, %mul3A_1 : i32
    %add3A_3 = arith.constant 0 : i32
    %add3A_4 = arith.addi %mul3A_2, %add3A_3 : i32
    %dma_start3A = arith.constant 0 : i32
    %dma_start3A_5 = tpu.memref_slice %arg3[%dma_start3A] : memref<800000xi32, #tpu.memory_space<hbm>> -> memref<10000xi32, #tpu.memory_space<hbm>>
    %dma_start3A_6 = arith.constant 0 : i32
    %dma_start3A_7 = tpu.memref_slice %arg3[%dma_start3A_6] : memref<800000xi32, #tpu.memory_space<hbm>> -> memref<10000xi32, #tpu.memory_space<hbm>>
    tpu.enqueue_dma source(%dma_start3A_7 : memref<10000xi32, #tpu.memory_space<hbm>>) target(%arg12 : memref<10000xi32, #tpu.memory_space<vmem>>) target_semaphore(%arg15 : memref<!tpu.dma_semaphore, #tpu.memory_space<semaphore_mem>>)
    %mul3A_8 = arith.constant 50000 : i32
    %mul3A_9 = arith.muli %add3A_4, %mul3A_8 : i32
    "tpu.region"() ({
      %run_scoped3A = tpu.sem_alloc : memref<!tpu.dma_semaphore, #tpu.memory_space<semaphore_mem>>
      %dma_start3A_121 = tpu.memref_slice %arg2[%mul3A_9] : memref<3200000xf32, #tpu.memory_space<hbm>> -> memref<50000xf32, #tpu.memory_space<hbm>>
      %dma_start3A_122 = tpu.memref_slice %arg2[%mul3A_9] : memref<3200000xf32, #tpu.memory_space<hbm>> -> memref<50000xf32, #tpu.memory_space<hbm>>
      tpu.enqueue_dma source(%dma_start3A_122 : memref<50000xf32, #tpu.memory_space<hbm>>) target(%arg10 : memref<50000xf32, #tpu.memory_space<vmem>>) target_semaphore(%run_scoped3A : memref<!tpu.dma_semaphore, #tpu.memory_space<semaphore_mem>>)
      %dma_wait3A_123 = tpu.memref_slice %arg2[%mul3A_9] : memref<3200000xf32, #tpu.memory_space<hbm>> -> memref<50000xf32, #tpu.memory_space<hbm>>
      %dma_wait3A_124 = tpu.memref_slice %arg2[%mul3A_9] : memref<3200000xf32, #tpu.memory_space<hbm>> -> memref<50000xf32, #tpu.memory_space<hbm>>
      tpu.wait_dma2 semaphore(%run_scoped3A : memref<!tpu.dma_semaphore, #tpu.memory_space<semaphore_mem>>) src(%dma_wait3A_124 : memref<50000xf32, #tpu.memory_space<hbm>>) dst(%arg10 : memref<50000xf32, #tpu.memory_space<vmem>>)
      tpu.yield
    }) : () -> ()
    %parallel_loop3A = arith.constant 0 : i32
    %parallel_loop3A_10 = arith.constant 3125 : i32
    %parallel_loop3A_11 = arith.constant 1 : i32
    scf.for %parallel_loop3A_121 = %parallel_loop3A to %parallel_loop3A_10 step %parallel_loop3A_11  : i32 {
      %parallel_loop3A_122 = arith.constant 0.000000e+00 : f32
      %parallel_loop3A_123 = vector.broadcast %parallel_loop3A_122 : f32 to vector<16xf32>
      %parallel_loop3A_124 = arith.constant 16 : i32
      %parallel_loop3A_125 = arith.muli %parallel_loop3A_121, %parallel_loop3A_124 : i32
      %parallel_loop3A_126 = arith.index_cast %parallel_loop3A_125 : i32 to index
      %parallel_loop3A_127 = tpu.vector_load %arg11[%parallel_loop3A_126] {strides = array<i32>} : memref<50000xf32, #tpu.memory_space<vmem>>, vector<16xf32>,
      tpu.vector_store %arg11[%parallel_loop3A_126], %parallel_loop3A_123 {strides = array<i32>} : memref<50000xf32, #tpu.memory_space<vmem>>, vector<16xf32>,
    } {sc.loop_unroll_factor = 5 : i64, sc.parallel_access}
    %scan3A = arith.constant 0 : i32
    %scan3A_12 = arith.constant 40 : i32
    %scan3A_13 = arith.addi %scan3A, %scan3A_12 : i32
    %scan3A_14 = arith.constant 1 : i32
    scf.for %scan3A_121 = %scan3A to %scan3A_13 step %scan3A_14  : i32 {
      %mul3A_122 = arith.constant 1 : i32
      %mul3A_123 = arith.muli %scan3A_121, %mul3A_122 : i32
      %add3A_124 = arith.constant 0 : i32
      %add3A_125 = arith.addi %add3A_124, %mul3A_123 : i32
      %mul3A_126 = arith.constant 2 : i32
      %mul3A_127 = arith.muli %add3A_125, %mul3A_126 : i32
      %dma_wait3A_128 = arith.constant 0 : i32
      %dma_wait3A_129 = tpu.memref_slice %arg3[%dma_wait3A_128] : memref<800000xi32, #tpu.memory_space<hbm>> -> memref<10000xi32, #tpu.memory_space<hbm>>
      %dma_wait3A_130 = arith.constant 0 : i32
      %dma_wait3A_131 = tpu.memref_slice %arg3[%dma_wait3A_130] : memref<800000xi32, #tpu.memory_space<hbm>> -> memref<10000xi32, #tpu.memory_space<hbm>>
      tpu.wait_dma2 semaphore(%arg15 : memref<!tpu.dma_semaphore, #tpu.memory_space<semaphore_mem>>) src(%dma_wait3A_131 : memref<10000xi32, #tpu.memory_space<hbm>>) dst(%arg12 : memref<10000xi32, #tpu.memory_space<vmem>>)
      %add3A_132 = arith.constant 1 : i32
      %add3A_133 = arith.addi %mul3A_127, %add3A_132 : i32
      %mul3A_134 = arith.constant 10000 : i32
      %mul3A_135 = arith.muli %add3A_133, %mul3A_134 : i32
      %dma_start3A_136 = tpu.memref_slice %arg3[%mul3A_135] : memref<800000xi32, #tpu.memory_space<hbm>> -> memref<10000xi32, #tpu.memory_space<hbm>>
      %dma_start3A_137 = tpu.memref_slice %arg3[%mul3A_135] : memref<800000xi32, #tpu.memory_space<hbm>> -> memref<10000xi32, #tpu.memory_space<hbm>>
      tpu.enqueue_dma source(%dma_start3A_137 : memref<10000xi32, #tpu.memory_space<hbm>>) target(%arg13 : memref<10000xi32, #tpu.memory_space<vmem>>) target_semaphore(%arg16 : memref<!tpu.dma_semaphore, #tpu.memory_space<semaphore_mem>>)
      %parallel_loop3A_138 = arith.constant 0 : i32
      %parallel_loop3A_139 = arith.constant 625 : i32
      %parallel_loop3A_140 = arith.constant 1 : i32
      scf.for %parallel_loop3A_150 = %parallel_loop3A_138 to %parallel_loop3A_139 step %parallel_loop3A_140  : i32 {
        %parallel_loop3A_151 = arith.constant 16 : i32
        %parallel_loop3A_152 = arith.muli %parallel_loop3A_150, %parallel_loop3A_151 : i32
        %parallel_loop3A_153 = arith.index_cast %parallel_loop3A_152 : i32 to index
        %parallel_loop3A_154 = tpu.vector_load %arg12[%parallel_loop3A_153] {strides = array<i32>} : memref<10000xi32, #tpu.memory_space<vmem>>, vector<16xi32>,
        %parallel_loop3A_155 = arith.constant 65535 : i32
        %parallel_loop3A_156 = vector.broadcast %parallel_loop3A_155 : i32 to vector<16xi32>
        %parallel_loop3A_157 = arith.andi %parallel_loop3A_154, %parallel_loop3A_156 : vector<16xi32>
        %parallel_loop3A_158 = arith.constant 16 : i32
        %parallel_loop3A_159 = vector.broadcast %parallel_loop3A_158 : i32 to vector<16xi32>
        %parallel_loop3A_160 = arith.shrsi %parallel_loop3A_154, %parallel_loop3A_159 : vector<16xi32>
        %parallel_loop3A_161 = arith.constant 65535 : i32
        %parallel_loop3A_162 = vector.broadcast %parallel_loop3A_161 : i32 to vector<16xi32>
        %parallel_loop3A_163 = arith.andi %parallel_loop3A_160, %parallel_loop3A_162 : vector<16xi32>
        %parallel_loop3A_164 = tpu.vector_load_idx %arg10[%parallel_loop3A_157] : memref<50000xf32, #tpu.memory_space<vmem>>[vector<16xi32>], vector<16xf32>,
        tpu.vector_store_idx %arg11[%parallel_loop3A_163], %parallel_loop3A_164 {add = true} : memref<50000xf32, #tpu.memory_space<vmem>>[vector<16xi32>], vector<16xf32>,
      } {sc.loop_unroll_factor = 5 : i64, sc.parallel_access}
      %dma_wait3A_141 = arith.constant 0 : i32
      %dma_wait3A_142 = tpu.memref_slice %arg3[%dma_wait3A_141] : memref<800000xi32, #tpu.memory_space<hbm>> -> memref<10000xi32, #tpu.memory_space<hbm>>
      %dma_wait3A_143 = arith.constant 0 : i32
      %dma_wait3A_144 = tpu.memref_slice %arg3[%dma_wait3A_143] : memref<800000xi32, #tpu.memory_space<hbm>> -> memref<10000xi32, #tpu.memory_space<hbm>>
      tpu.wait_dma2 semaphore(%arg16 : memref<!tpu.dma_semaphore, #tpu.memory_space<semaphore_mem>>) src(%dma_wait3A_144 : memref<10000xi32, #tpu.memory_space<hbm>>) dst(%arg13 : memref<10000xi32, #tpu.memory_space<vmem>>)
      %lt3A = arith.constant 39 : i32
      %lt3A_145 = arith.cmpi slt, %add3A_125, %lt3A : i32
      %convert_element_type3A = arith.extui %lt3A_145 : i1 to i32
      %cond3A = arith.constant 0 : i32
      %cond3A_146 = arith.cmpi ne, %convert_element_type3A, %cond3A : i32
      scf.if %cond3A_146 {
        %add3A_150 = arith.constant 2 : i32
        %add3A_151 = arith.addi %mul3A_127, %add3A_150 : i32
        %mul3A_152 = arith.constant 10000 : i32
        %mul3A_153 = arith.muli %add3A_151, %mul3A_152 : i32
        %dma_start3A_154 = tpu.memref_slice %arg3[%mul3A_153] : memref<800000xi32, #tpu.memory_space<hbm>> -> memref<10000xi32, #tpu.memory_space<hbm>>
        %dma_start3A_155 = tpu.memref_slice %arg3[%mul3A_153] : memref<800000xi32, #tpu.memory_space<hbm>> -> memref<10000xi32, #tpu.memory_space<hbm>>
        tpu.enqueue_dma source(%dma_start3A_155 : memref<10000xi32, #tpu.memory_space<hbm>>) target(%arg12 : memref<10000xi32, #tpu.memory_space<vmem>>) target_semaphore(%arg15 : memref<!tpu.dma_semaphore, #tpu.memory_space<semaphore_mem>>)
      } else {
      }
      %parallel_loop3A_147 = arith.constant 0 : i32
      %parallel_loop3A_148 = arith.constant 625 : i32
      %parallel_loop3A_149 = arith.constant 1 : i32
      scf.for %parallel_loop3A_150 = %parallel_loop3A_147 to %parallel_loop3A_148 step %parallel_loop3A_149  : i32 {
        %parallel_loop3A_151 = arith.constant 16 : i32
        %parallel_loop3A_152 = arith.muli %parallel_loop3A_150, %parallel_loop3A_151 : i32
        %parallel_loop3A_153 = arith.index_cast %parallel_loop3A_152 : i32 to index
        %parallel_loop3A_154 = tpu.vector_load %arg13[%parallel_loop3A_153] {strides = array<i32>} : memref<10000xi32, #tpu.memory_space<vmem>>, vector<16xi32>,
        %parallel_loop3A_155 = arith.constant 65535 : i32
        %parallel_loop3A_156 = vector.broadcast %parallel_loop3A_155 : i32 to vector<16xi32>
        %parallel_loop3A_157 = arith.andi %parallel_loop3A_154, %parallel_loop3A_156 : vector<16xi32>
        %parallel_loop3A_158 = arith.constant 16 : i32
        %parallel_loop3A_159 = vector.broadcast %parallel_loop3A_158 : i32 to vector<16xi32>
        %parallel_loop3A_160 = arith.shrsi %parallel_loop3A_154, %parallel_loop3A_159 : vector<16xi32>
        %parallel_loop3A_161 = arith.constant 65535 : i32
        %parallel_loop3A_162 = vector.broadcast %parallel_loop3A_161 : i32 to vector<16xi32>
        %parallel_loop3A_163 = arith.andi %parallel_loop3A_160, %parallel_loop3A_162 : vector<16xi32>
        %parallel_loop3A_164 = tpu.vector_load_idx %arg10[%parallel_loop3A_157] : memref<50000xf32, #tpu.memory_space<vmem>>[vector<16xi32>], vector<16xf32>,
        tpu.vector_store_idx %arg11[%parallel_loop3A_163], %parallel_loop3A_164 {add = true} : memref<50000xf32, #tpu.memory_space<vmem>>[vector<16xi32>], vector<16xf32>,
      } {sc.loop_unroll_factor = 5 : i64, sc.parallel_access}
    }
    %scan3A_15 = arith.constant 40 : i32
    %scan3A_16 = arith.constant 0 : i32
    %scan3A_17 = arith.constant 5 : i32
    %scan3A_18 = arith.addi %scan3A_16, %scan3A_17 : i32
    %scan3A_19 = arith.constant 1 : i32
    scf.for %scan3A_121 = %scan3A_16 to %scan3A_18 step %scan3A_19  : i32 {
      %mul3A_122 = arith.constant 1 : i32
      %mul3A_123 = arith.muli %scan3A_121, %mul3A_122 : i32
      %add3A_124 = arith.constant 0 : i32
      %add3A_125 = arith.addi %add3A_124, %mul3A_123 : i32
      %mul3A_126 = arith.constant 10000 : i32
      %mul3A_127 = arith.muli %add3A_125, %mul3A_126 : i32
      "tpu.region"() ({
        %run_scoped3A = tpu.sem_alloc : memref<!tpu.dma_semaphore, #tpu.memory_space<semaphore_mem>>
        %dma_start3A_131 = tpu.memref_slice %arg4[%mul3A_127] : memref<50000xf32, #tpu.memory_space<hbm>> -> memref<10000xf32, #tpu.memory_space<hbm>>
        %dma_start3A_132 = tpu.memref_slice %arg4[%mul3A_127] : memref<50000xf32, #tpu.memory_space<hbm>> -> memref<10000xf32, #tpu.memory_space<hbm>>
        tpu.enqueue_dma source(%dma_start3A_132 : memref<10000xf32, #tpu.memory_space<hbm>>) target(%arg14 : memref<10000xf32, #tpu.memory_space<vmem>>) target_semaphore(%run_scoped3A : memref<!tpu.dma_semaphore, #tpu.memory_space<semaphore_mem>>)
        %dma_wait3A_133 = tpu.memref_slice %arg4[%mul3A_127] : memref<50000xf32, #tpu.memory_space<hbm>> -> memref<10000xf32, #tpu.memory_space<hbm>>
        %dma_wait3A_134 = tpu.memref_slice %arg4[%mul3A_127] : memref<50000xf32, #tpu.memory_space<hbm>> -> memref<10000xf32, #tpu.memory_space<hbm>>
        tpu.wait_dma2 semaphore(%run_scoped3A : memref<!tpu.dma_semaphore, #tpu.memory_space<semaphore_mem>>) src(%dma_wait3A_134 : memref<10000xf32, #tpu.memory_space<hbm>>) dst(%arg14 : memref<10000xf32, #tpu.memory_space<vmem>>)
        tpu.yield
      }) : () -> ()
      %parallel_loop3A_128 = arith.constant 0 : i32
      %parallel_loop3A_129 = arith.constant 625 : i32
      %parallel_loop3A_130 = arith.constant 1 : i32
      scf.for %parallel_loop3A_131 = %parallel_loop3A_128 to %parallel_loop3A_129 step %parallel_loop3A_130  : i32 {
        %parallel_loop3A_132 = arith.constant 10000 : i32
        %parallel_loop3A_133 = arith.muli %add3A_125, %parallel_loop3A_132 : i32
        %parallel_loop3A_134 = arith.constant 16 : i32
        %parallel_loop3A_135 = arith.muli %parallel_loop3A_131, %parallel_loop3A_134 : i32
        %parallel_loop3A_136 = arith.addi %parallel_loop3A_133, %parallel_loop3A_135 : i32
        %parallel_loop3A_137 = arith.index_cast %parallel_loop3A_136 : i32 to index
        %parallel_loop3A_138 = tpu.vector_load %arg11[%parallel_loop3A_137] {strides = array<i32>} : memref<50000xf32, #tpu.memory_space<vmem>>, vector<16xf32>,
        %parallel_loop3A_139 = arith.constant 16 : i32
        %parallel_loop3A_140 = arith.muli %parallel_loop3A_131, %parallel_loop3A_139 : i32
        %parallel_loop3A_141 = arith.index_cast %parallel_loop3A_140 : i32 to index
        %parallel_loop3A_142 = tpu.vector_load %arg14[%parallel_loop3A_141] {strides = array<i32>} : memref<10000xf32, #tpu.memory_space<vmem>>, vector<16xf32>,
        %parallel_loop3A_143 = arith.mulf %parallel_loop3A_138, %parallel_loop3A_142 : vector<16xf32>
        %parallel_loop3A_144 = arith.index_cast %parallel_loop3A_136 : i32 to index
        %parallel_loop3A_145 = tpu.vector_load %arg11[%parallel_loop3A_144] {strides = array<i32>} : memref<50000xf32, #tpu.memory_space<vmem>>, vector<16xf32>,
        tpu.vector_store %arg11[%parallel_loop3A_144], %parallel_loop3A_143 {strides = array<i32>} : memref<50000xf32, #tpu.memory_space<vmem>>, vector<16xf32>,
      } {sc.loop_unroll_factor = 5 : i64, sc.parallel_access}
    }
    %scan3A_20 = arith.constant 5 : i32
    %mul3A_21 = arith.constant 50000 : i32
    %mul3A_22 = arith.muli %add3A_4, %mul3A_21 : i32
    %dma_start3A_23 = tpu.memref_slice %arg8[%mul3A_22] : memref<3200000xf32, #tpu.memory_space<hbm>> -> memref<50000xf32, #tpu.memory_space<hbm>>
    %dma_start3A_24 = tpu.memref_slice %arg8[%mul3A_22] : memref<3200000xf32, #tpu.memory_space<hbm>> -> memref<50000xf32, #tpu.memory_space<hbm>>
    tpu.enqueue_dma source(%arg11 : memref<50000xf32, #tpu.memory_space<vmem>>) target(%dma_start3A_24 : memref<50000xf32, #tpu.memory_space<hbm>>) target_semaphore(%arg17 : memref<!tpu.dma_semaphore, #tpu.memory_space<semaphore_mem>>)
    %mul3A_25 = arith.constant 2 : i32
    %mul3A_26 = arith.muli %add3A, %mul3A_25 : i32
    %add3A_27 = arith.constant 1 : i32
    %add3A_28 = arith.addi %mul3A_26, %add3A_27 : i32
    %dma_start3A_29 = arith.constant 0 : i32
    %dma_start3A_30 = tpu.memref_slice %arg3[%dma_start3A_29] : memref<800000xi32, #tpu.memory_space<hbm>> -> memref<10000xi32, #tpu.memory_space<hbm>>
    %dma_start3A_31 = arith.constant 0 : i32
    %dma_start3A_32 = tpu.memref_slice %arg3[%dma_start3A_31] : memref<800000xi32, #tpu.memory_space<hbm>> -> memref<10000xi32, #tpu.memory_space<hbm>>
    tpu.enqueue_dma source(%dma_start3A_32 : memref<10000xi32, #tpu.memory_space<hbm>>) target(%arg12 : memref<10000xi32, #tpu.memory_space<vmem>>) target_semaphore(%arg15 : memref<!tpu.dma_semaphore, #tpu.memory_space<semaphore_mem>>)
    %mul3A_33 = arith.constant 50000 : i32
    %mul3A_34 = arith.muli %add3A_28, %mul3A_33 : i32
    "tpu.region"() ({
      %run_scoped3A = tpu.sem_alloc : memref<!tpu.dma_semaphore, #tpu.memory_space<semaphore_mem>>
      %dma_start3A_121 = tpu.memref_slice %arg2[%mul3A_34] : memref<3200000xf32, #tpu.memory_space<hbm>> -> memref<50000xf32, #tpu.memory_space<hbm>>
      %dma_start3A_122 = tpu.memref_slice %arg2[%mul3A_34] : memref<3200000xf32, #tpu.memory_space<hbm>> -> memref<50000xf32, #tpu.memory_space<hbm>>
      tpu.enqueue_dma source(%dma_start3A_122 : memref<50000xf32, #tpu.memory_space<hbm>>) target(%arg10 : memref<50000xf32, #tpu.memory_space<vmem>>) target_semaphore(%run_scoped3A : memref<!tpu.dma_semaphore, #tpu.memory_space<semaphore_mem>>)
      %dma_wait3A_123 = tpu.memref_slice %arg2[%mul3A_34] : memref<3200000xf32, #tpu.memory_space<hbm>> -> memref<50000xf32, #tpu.memory_space<hbm>>
      %dma_wait3A_124 = tpu.memref_slice %arg2[%mul3A_34] : memref<3200000xf32, #tpu.memory_space<hbm>> -> memref<50000xf32, #tpu.memory_space<hbm>>
      tpu.wait_dma2 semaphore(%run_scoped3A : memref<!tpu.dma_semaphore, #tpu.memory_space<semaphore_mem>>) src(%dma_wait3A_124 : memref<50000xf32, #tpu.memory_space<hbm>>) dst(%arg10 : memref<50000xf32, #tpu.memory_space<vmem>>)
      tpu.yield
    }) : () -> ()
    %mul3A_35 = arith.constant 50000 : i32
    %mul3A_36 = arith.muli %add3A_4, %mul3A_35 : i32
    %dma_wait3A = tpu.memref_slice %arg8[%mul3A_36] : memref<3200000xf32, #tpu.memory_space<hbm>> -> memref<50000xf32, #tpu.memory_space<hbm>>
    %dma_wait3A_37 = tpu.memref_slice %arg8[%mul3A_36] : memref<3200000xf32, #tpu.memory_space<hbm>> -> memref<50000xf32, #tpu.memory_space<hbm>>
    tpu.wait_dma2 semaphore(%arg17 : memref<!tpu.dma_semaphore, #tpu.memory_space<semaphore_mem>>) src(%arg11 : memref<50000xf32, #tpu.memory_space<vmem>>) dst(%dma_wait3A_37 : memref<50000xf32, #tpu.memory_space<hbm>>)
    %parallel_loop3A_38 = arith.constant 0 : i32
    %parallel_loop3A_39 = arith.constant 3125 : i32
    %parallel_loop3A_40 = arith.constant 1 : i32
    scf.for %parallel_loop3A_121 = %parallel_loop3A_38 to %parallel_loop3A_39 step %parallel_loop3A_40  : i32 {
      %parallel_loop3A_122 = arith.constant 0.000000e+00 : f32
      %parallel_loop3A_123 = vector.broadcast %parallel_loop3A_122 : f32 to vector<16xf32>
      %parallel_loop3A_124 = arith.constant 16 : i32
      %parallel_loop3A_125 = arith.muli %parallel_loop3A_121, %parallel_loop3A_124 : i32
      %parallel_loop3A_126 = arith.index_cast %parallel_loop3A_125 : i32 to index
      %parallel_loop3A_127 = tpu.vector_load %arg11[%parallel_loop3A_126] {strides = array<i32>} : memref<50000xf32, #tpu.memory_space<vmem>>, vector<16xf32>,
      tpu.vector_store %arg11[%parallel_loop3A_126], %parallel_loop3A_123 {strides = array<i32>} : memref<50000xf32, #tpu.memory_space<vmem>>, vector<16xf32>,
    } {sc.loop_unroll_factor = 5 : i64, sc.parallel_access}
    %scan3A_41 = arith.constant 0 : i32
    %scan3A_42 = arith.constant 40 : i32
    %scan3A_43 = arith.addi %scan3A_41, %scan3A_42 : i32
    %scan3A_44 = arith.constant 1 : i32
    scf.for %scan3A_121 = %scan3A_41 to %scan3A_43 step %scan3A_44  : i32 {
      %mul3A_122 = arith.constant 1 : i32
      %mul3A_123 = arith.muli %scan3A_121, %mul3A_122 : i32
      %add3A_124 = arith.constant 0 : i32
      %add3A_125 = arith.addi %add3A_124, %mul3A_123 : i32
      %mul3A_126 = arith.constant 2 : i32
      %mul3A_127 = arith.muli %add3A_125, %mul3A_126 : i32
      %dma_wait3A_128 = arith.constant 0 : i32
      %dma_wait3A_129 = tpu.memref_slice %arg3[%dma_wait3A_128] : memref<800000xi32, #tpu.memory_space<hbm>> -> memref<10000xi32, #tpu.memory_space<hbm>>
      %dma_wait3A_130 = arith.constant 0 : i32
      %dma_wait3A_131 = tpu.memref_slice %arg3[%dma_wait3A_130] : memref<800000xi32, #tpu.memory_space<hbm>> -> memref<10000xi32, #tpu.memory_space<hbm>>
      tpu.wait_dma2 semaphore(%arg15 : memref<!tpu.dma_semaphore, #tpu.memory_space<semaphore_mem>>) src(%dma_wait3A_131 : memref<10000xi32, #tpu.memory_space<hbm>>) dst(%arg12 : memref<10000xi32, #tpu.memory_space<vmem>>)
      %add3A_132 = arith.constant 1 : i32
      %add3A_133 = arith.addi %mul3A_127, %add3A_132 : i32
      %mul3A_134 = arith.constant 10000 : i32
      %mul3A_135 = arith.muli %add3A_133, %mul3A_134 : i32
      %dma_start3A_136 = tpu.memref_slice %arg3[%mul3A_135] : memref<800000xi32, #tpu.memory_space<hbm>> -> memref<10000xi32, #tpu.memory_space<hbm>>
      %dma_start3A_137 = tpu.memref_slice %arg3[%mul3A_135] : memref<800000xi32, #tpu.memory_space<hbm>> -> memref<10000xi32, #tpu.memory_space<hbm>>
      tpu.enqueue_dma source(%dma_start3A_137 : memref<10000xi32, #tpu.memory_space<hbm>>) target(%arg13 : memref<10000xi32, #tpu.memory_space<vmem>>) target_semaphore(%arg16 : memref<!tpu.dma_semaphore, #tpu.memory_space<semaphore_mem>>)
      %parallel_loop3A_138 = arith.constant 0 : i32
      %parallel_loop3A_139 = arith.constant 625 : i32
      %parallel_loop3A_140 = arith.constant 1 : i32
      scf.for %parallel_loop3A_150 = %parallel_loop3A_138 to %parallel_loop3A_139 step %parallel_loop3A_140  : i32 {
        %parallel_loop3A_151 = arith.constant 16 : i32
        %parallel_loop3A_152 = arith.muli %parallel_loop3A_150, %parallel_loop3A_151 : i32
        %parallel_loop3A_153 = arith.index_cast %parallel_loop3A_152 : i32 to index
        %parallel_loop3A_154 = tpu.vector_load %arg12[%parallel_loop3A_153] {strides = array<i32>} : memref<10000xi32, #tpu.memory_space<vmem>>, vector<16xi32>,
        %parallel_loop3A_155 = arith.constant 65535 : i32
        %parallel_loop3A_156 = vector.broadcast %parallel_loop3A_155 : i32 to vector<16xi32>
        %parallel_loop3A_157 = arith.andi %parallel_loop3A_154, %parallel_loop3A_156 : vector<16xi32>
        %parallel_loop3A_158 = arith.constant 16 : i32
        %parallel_loop3A_159 = vector.broadcast %parallel_loop3A_158 : i32 to vector<16xi32>
        %parallel_loop3A_160 = arith.shrsi %parallel_loop3A_154, %parallel_loop3A_159 : vector<16xi32>
        %parallel_loop3A_161 = arith.constant 65535 : i32
        %parallel_loop3A_162 = vector.broadcast %parallel_loop3A_161 : i32 to vector<16xi32>
        %parallel_loop3A_163 = arith.andi %parallel_loop3A_160, %parallel_loop3A_162 : vector<16xi32>
        %parallel_loop3A_164 = tpu.vector_load_idx %arg10[%parallel_loop3A_157] : memref<50000xf32, #tpu.memory_space<vmem>>[vector<16xi32>], vector<16xf32>,
        tpu.vector_store_idx %arg11[%parallel_loop3A_163], %parallel_loop3A_164 {add = true} : memref<50000xf32, #tpu.memory_space<vmem>>[vector<16xi32>], vector<16xf32>,
      } {sc.loop_unroll_factor = 5 : i64, sc.parallel_access}
      %dma_wait3A_141 = arith.constant 0 : i32
      %dma_wait3A_142 = tpu.memref_slice %arg3[%dma_wait3A_141] : memref<800000xi32, #tpu.memory_space<hbm>> -> memref<10000xi32, #tpu.memory_space<hbm>>
      %dma_wait3A_143 = arith.constant 0 : i32
      %dma_wait3A_144 = tpu.memref_slice %arg3[%dma_wait3A_143] : memref<800000xi32, #tpu.memory_space<hbm>> -> memref<10000xi32, #tpu.memory_space<hbm>>
      tpu.wait_dma2 semaphore(%arg16 : memref<!tpu.dma_semaphore, #tpu.memory_space<semaphore_mem>>) src(%dma_wait3A_144 : memref<10000xi32, #tpu.memory_space<hbm>>) dst(%arg13 : memref<10000xi32, #tpu.memory_space<vmem>>)
      %lt3A = arith.constant 39 : i32
      %lt3A_145 = arith.cmpi slt, %add3A_125, %lt3A : i32
      %convert_element_type3A = arith.extui %lt3A_145 : i1 to i32
      %cond3A = arith.constant 0 : i32
      %cond3A_146 = arith.cmpi ne, %convert_element_type3A, %cond3A : i32
      scf.if %cond3A_146 {
        %add3A_150 = arith.constant 2 : i32
        %add3A_151 = arith.addi %mul3A_127, %add3A_150 : i32
        %mul3A_152 = arith.constant 10000 : i32
        %mul3A_153 = arith.muli %add3A_151, %mul3A_152 : i32
        %dma_start3A_154 = tpu.memref_slice %arg3[%mul3A_153] : memref<800000xi32, #tpu.memory_space<hbm>> -> memref<10000xi32, #tpu.memory_space<hbm>>
        %dma_start3A_155 = tpu.memref_slice %arg3[%mul3A_153] : memref<800000xi32, #tpu.memory_space<hbm>> -> memref<10000xi32, #tpu.memory_space<hbm>>
        tpu.enqueue_dma source(%dma_start3A_155 : memref<10000xi32, #tpu.memory_space<hbm>>) target(%arg12 : memref<10000xi32, #tpu.memory_space<vmem>>) target_semaphore(%arg15 : memref<!tpu.dma_semaphore, #tpu.memory_space<semaphore_mem>>)
      } else {
      }
      %parallel_loop3A_147 = arith.constant 0 : i32
      %parallel_loop3A_148 = arith.constant 625 : i32
      %parallel_loop3A_149 = arith.constant 1 : i32
      scf.for %parallel_loop3A_150 = %parallel_loop3A_147 to %parallel_loop3A_148 step %parallel_loop3A_149  : i32 {
        %parallel_loop3A_151 = arith.constant 16 : i32
        %parallel_loop3A_152 = arith.muli %parallel_loop3A_150, %parallel_loop3A_151 : i32
        %parallel_loop3A_153 = arith.index_cast %parallel_loop3A_152 : i32 to index
        %parallel_loop3A_154 = tpu.vector_load %arg13[%parallel_loop3A_153] {strides = array<i32>} : memref<10000xi32, #tpu.memory_space<vmem>>, vector<16xi32>,
        %parallel_loop3A_155 = arith.constant 65535 : i32
        %parallel_loop3A_156 = vector.broadcast %parallel_loop3A_155 : i32 to vector<16xi32>
        %parallel_loop3A_157 = arith.andi %parallel_loop3A_154, %parallel_loop3A_156 : vector<16xi32>
        %parallel_loop3A_158 = arith.constant 16 : i32
        %parallel_loop3A_159 = vector.broadcast %parallel_loop3A_158 : i32 to vector<16xi32>
        %parallel_loop3A_160 = arith.shrsi %parallel_loop3A_154, %parallel_loop3A_159 : vector<16xi32>
        %parallel_loop3A_161 = arith.constant 65535 : i32
        %parallel_loop3A_162 = vector.broadcast %parallel_loop3A_161 : i32 to vector<16xi32>
        %parallel_loop3A_163 = arith.andi %parallel_loop3A_160, %parallel_loop3A_162 : vector<16xi32>
        %parallel_loop3A_164 = tpu.vector_load_idx %arg10[%parallel_loop3A_157] : memref<50000xf32, #tpu.memory_space<vmem>>[vector<16xi32>], vector<16xf32>,
        tpu.vector_store_idx %arg11[%parallel_loop3A_163], %parallel_loop3A_164 {add = true} : memref<50000xf32, #tpu.memory_space<vmem>>[vector<16xi32>], vector<16xf32>,
      } {sc.loop_unroll_factor = 5 : i64, sc.parallel_access}
    }
    %scan3A_45 = arith.constant 40 : i32
    %scan3A_46 = arith.constant 0 : i32
    %scan3A_47 = arith.constant 5 : i32
    %scan3A_48 = arith.addi %scan3A_46, %scan3A_47 : i32
    %scan3A_49 = arith.constant 1 : i32
    scf.for %scan3A_121 = %scan3A_46 to %scan3A_48 step %scan3A_49  : i32 {
      %mul3A_122 = arith.constant 1 : i32
      %mul3A_123 = arith.muli %scan3A_121, %mul3A_122 : i32
      %add3A_124 = arith.constant 0 : i32
      %add3A_125 = arith.addi %add3A_124, %mul3A_123 : i32
      %mul3A_126 = arith.constant 10000 : i32
      %mul3A_127 = arith.muli %add3A_125, %mul3A_126 : i32
      "tpu.region"() ({
        %run_scoped3A = tpu.sem_alloc : memref<!tpu.dma_semaphore, #tpu.memory_space<semaphore_mem>>
        %dma_start3A_131 = tpu.memref_slice %arg4[%mul3A_127] : memref<50000xf32, #tpu.memory_space<hbm>> -> memref<10000xf32, #tpu.memory_space<hbm>>
        %dma_start3A_132 = tpu.memref_slice %arg4[%mul3A_127] : memref<50000xf32, #tpu.memory_space<hbm>> -> memref<10000xf32, #tpu.memory_space<hbm>>
        tpu.enqueue_dma source(%dma_start3A_132 : memref<10000xf32, #tpu.memory_space<hbm>>) target(%arg14 : memref<10000xf32, #tpu.memory_space<vmem>>) target_semaphore(%run_scoped3A : memref<!tpu.dma_semaphore, #tpu.memory_space<semaphore_mem>>)
        %dma_wait3A_133 = tpu.memref_slice %arg4[%mul3A_127] : memref<50000xf32, #tpu.memory_space<hbm>> -> memref<10000xf32, #tpu.memory_space<hbm>>
        %dma_wait3A_134 = tpu.memref_slice %arg4[%mul3A_127] : memref<50000xf32, #tpu.memory_space<hbm>> -> memref<10000xf32, #tpu.memory_space<hbm>>
        tpu.wait_dma2 semaphore(%run_scoped3A : memref<!tpu.dma_semaphore, #tpu.memory_space<semaphore_mem>>) src(%dma_wait3A_134 : memref<10000xf32, #tpu.memory_space<hbm>>) dst(%arg14 : memref<10000xf32, #tpu.memory_space<vmem>>)
        tpu.yield
      }) : () -> ()
      %parallel_loop3A_128 = arith.constant 0 : i32
      %parallel_loop3A_129 = arith.constant 625 : i32
      %parallel_loop3A_130 = arith.constant 1 : i32
      scf.for %parallel_loop3A_131 = %parallel_loop3A_128 to %parallel_loop3A_129 step %parallel_loop3A_130  : i32 {
        %parallel_loop3A_132 = arith.constant 10000 : i32
        %parallel_loop3A_133 = arith.muli %add3A_125, %parallel_loop3A_132 : i32
        %parallel_loop3A_134 = arith.constant 16 : i32
        %parallel_loop3A_135 = arith.muli %parallel_loop3A_131, %parallel_loop3A_134 : i32
        %parallel_loop3A_136 = arith.addi %parallel_loop3A_133, %parallel_loop3A_135 : i32
        %parallel_loop3A_137 = arith.index_cast %parallel_loop3A_136 : i32 to index
        %parallel_loop3A_138 = tpu.vector_load %arg11[%parallel_loop3A_137] {strides = array<i32>} : memref<50000xf32, #tpu.memory_space<vmem>>, vector<16xf32>,
        %parallel_loop3A_139 = arith.constant 16 : i32
        %parallel_loop3A_140 = arith.muli %parallel_loop3A_131, %parallel_loop3A_139 : i32
        %parallel_loop3A_141 = arith.index_cast %parallel_loop3A_140 : i32 to index
        %parallel_loop3A_142 = tpu.vector_load %arg14[%parallel_loop3A_141] {strides = array<i32>} : memref<10000xf32, #tpu.memory_space<vmem>>, vector<16xf32>,
        %parallel_loop3A_143 = arith.mulf %parallel_loop3A_138, %parallel_loop3A_142 : vector<16xf32>
        %parallel_loop3A_144 = arith.index_cast %parallel_loop3A_136 : i32 to index
        %parallel_loop3A_145 = tpu.vector_load %arg11[%parallel_loop3A_144] {strides = array<i32>} : memref<50000xf32, #tpu.memory_space<vmem>>, vector<16xf32>,
        tpu.vector_store %arg11[%parallel_loop3A_144], %parallel_loop3A_143 {strides = array<i32>} : memref<50000xf32, #tpu.memory_space<vmem>>, vector<16xf32>,
      } {sc.loop_unroll_factor = 5 : i64, sc.parallel_access}
    }
    %scan3A_50 = arith.constant 5 : i32
    %mul3A_51 = arith.constant 50000 : i32
    %mul3A_52 = arith.muli %add3A_28, %mul3A_51 : i32
    %dma_start3A_53 = tpu.memref_slice %arg8[%mul3A_52] : memref<3200000xf32, #tpu.memory_space<hbm>> -> memref<50000xf32, #tpu.memory_space<hbm>>
    %dma_start3A_54 = tpu.memref_slice %arg8[%mul3A_52] : memref<3200000xf32, #tpu.memory_space<hbm>> -> memref<50000xf32, #tpu.memory_space<hbm>>
    tpu.enqueue_dma source(%arg11 : memref<50000xf32, #tpu.memory_space<vmem>>) target(%dma_start3A_54 : memref<50000xf32, #tpu.memory_space<hbm>>) target_semaphore(%arg17 : memref<!tpu.dma_semaphore, #tpu.memory_space<semaphore_mem>>)
    %mul3A_55 = arith.constant 2 : i32
    %mul3A_56 = arith.muli %add3A, %mul3A_55 : i32
    %add3A_57 = arith.constant 0 : i32
    %add3A_58 = arith.addi %mul3A_56, %add3A_57 : i32
    %dma_start3A_59 = arith.constant 0 : i32
    %dma_start3A_60 = tpu.memref_slice %arg6[%dma_start3A_59] : memref<800000xi32, #tpu.memory_space<hbm>> -> memref<10000xi32, #tpu.memory_space<hbm>>
    %dma_start3A_61 = arith.constant 0 : i32
    %dma_start3A_62 = tpu.memref_slice %arg6[%dma_start3A_61] : memref<800000xi32, #tpu.memory_space<hbm>> -> memref<10000xi32, #tpu.memory_space<hbm>>
    tpu.enqueue_dma source(%dma_start3A_62 : memref<10000xi32, #tpu.memory_space<hbm>>) target(%arg12 : memref<10000xi32, #tpu.memory_space<vmem>>) target_semaphore(%arg15 : memref<!tpu.dma_semaphore, #tpu.memory_space<semaphore_mem>>)
    %mul3A_63 = arith.constant 50000 : i32
    %mul3A_64 = arith.muli %add3A_58, %mul3A_63 : i32
    "tpu.region"() ({
      %run_scoped3A = tpu.sem_alloc : memref<!tpu.dma_semaphore, #tpu.memory_space<semaphore_mem>>
      %dma_start3A_121 = tpu.memref_slice %arg5[%mul3A_64] : memref<3200000xf32, #tpu.memory_space<hbm>> -> memref<50000xf32, #tpu.memory_space<hbm>>
      %dma_start3A_122 = tpu.memref_slice %arg5[%mul3A_64] : memref<3200000xf32, #tpu.memory_space<hbm>> -> memref<50000xf32, #tpu.memory_space<hbm>>
      tpu.enqueue_dma source(%dma_start3A_122 : memref<50000xf32, #tpu.memory_space<hbm>>) target(%arg10 : memref<50000xf32, #tpu.memory_space<vmem>>) target_semaphore(%run_scoped3A : memref<!tpu.dma_semaphore, #tpu.memory_space<semaphore_mem>>)
      %dma_wait3A_123 = tpu.memref_slice %arg5[%mul3A_64] : memref<3200000xf32, #tpu.memory_space<hbm>> -> memref<50000xf32, #tpu.memory_space<hbm>>
      %dma_wait3A_124 = tpu.memref_slice %arg5[%mul3A_64] : memref<3200000xf32, #tpu.memory_space<hbm>> -> memref<50000xf32, #tpu.memory_space<hbm>>
      tpu.wait_dma2 semaphore(%run_scoped3A : memref<!tpu.dma_semaphore, #tpu.memory_space<semaphore_mem>>) src(%dma_wait3A_124 : memref<50000xf32, #tpu.memory_space<hbm>>) dst(%arg10 : memref<50000xf32, #tpu.memory_space<vmem>>)
      tpu.yield
    }) : () -> ()
    %mul3A_65 = arith.constant 50000 : i32
    %mul3A_66 = arith.muli %add3A_28, %mul3A_65 : i32
    %dma_wait3A_67 = tpu.memref_slice %arg8[%mul3A_66] : memref<3200000xf32, #tpu.memory_space<hbm>> -> memref<50000xf32, #tpu.memory_space<hbm>>
    %dma_wait3A_68 = tpu.memref_slice %arg8[%mul3A_66] : memref<3200000xf32, #tpu.memory_space<hbm>> -> memref<50000xf32, #tpu.memory_space<hbm>>
    tpu.wait_dma2 semaphore(%arg17 : memref<!tpu.dma_semaphore, #tpu.memory_space<semaphore_mem>>) src(%arg11 : memref<50000xf32, #tpu.memory_space<vmem>>) dst(%dma_wait3A_68 : memref<50000xf32, #tpu.memory_space<hbm>>)
    %parallel_loop3A_69 = arith.constant 0 : i32
    %parallel_loop3A_70 = arith.constant 3125 : i32
    %parallel_loop3A_71 = arith.constant 1 : i32
    scf.for %parallel_loop3A_121 = %parallel_loop3A_69 to %parallel_loop3A_70 step %parallel_loop3A_71  : i32 {
      %parallel_loop3A_122 = arith.constant 0.000000e+00 : f32
      %parallel_loop3A_123 = vector.broadcast %parallel_loop3A_122 : f32 to vector<16xf32>
      %parallel_loop3A_124 = arith.constant 16 : i32
      %parallel_loop3A_125 = arith.muli %parallel_loop3A_121, %parallel_loop3A_124 : i32
      %parallel_loop3A_126 = arith.index_cast %parallel_loop3A_125 : i32 to index
      %parallel_loop3A_127 = tpu.vector_load %arg11[%parallel_loop3A_126] {strides = array<i32>} : memref<50000xf32, #tpu.memory_space<vmem>>, vector<16xf32>,
      tpu.vector_store %arg11[%parallel_loop3A_126], %parallel_loop3A_123 {strides = array<i32>} : memref<50000xf32, #tpu.memory_space<vmem>>, vector<16xf32>,
    } {sc.loop_unroll_factor = 5 : i64, sc.parallel_access}
    %scan3A_72 = arith.constant 0 : i32
    %scan3A_73 = arith.constant 40 : i32
    %scan3A_74 = arith.addi %scan3A_72, %scan3A_73 : i32
    %scan3A_75 = arith.constant 1 : i32
    scf.for %scan3A_121 = %scan3A_72 to %scan3A_74 step %scan3A_75  : i32 {
      %mul3A_122 = arith.constant 1 : i32
      %mul3A_123 = arith.muli %scan3A_121, %mul3A_122 : i32
      %add3A_124 = arith.constant 0 : i32
      %add3A_125 = arith.addi %add3A_124, %mul3A_123 : i32
      %mul3A_126 = arith.constant 2 : i32
      %mul3A_127 = arith.muli %add3A_125, %mul3A_126 : i32
      %dma_wait3A_128 = arith.constant 0 : i32
      %dma_wait3A_129 = tpu.memref_slice %arg6[%dma_wait3A_128] : memref<800000xi32, #tpu.memory_space<hbm>> -> memref<10000xi32, #tpu.memory_space<hbm>>
      %dma_wait3A_130 = arith.constant 0 : i32
      %dma_wait3A_131 = tpu.memref_slice %arg6[%dma_wait3A_130] : memref<800000xi32, #tpu.memory_space<hbm>> -> memref<10000xi32, #tpu.memory_space<hbm>>
      tpu.wait_dma2 semaphore(%arg15 : memref<!tpu.dma_semaphore, #tpu.memory_space<semaphore_mem>>) src(%dma_wait3A_131 : memref<10000xi32, #tpu.memory_space<hbm>>) dst(%arg12 : memref<10000xi32, #tpu.memory_space<vmem>>)
      %add3A_132 = arith.constant 1 : i32
      %add3A_133 = arith.addi %mul3A_127, %add3A_132 : i32
      %mul3A_134 = arith.constant 10000 : i32
      %mul3A_135 = arith.muli %add3A_133, %mul3A_134 : i32
      %dma_start3A_136 = tpu.memref_slice %arg6[%mul3A_135] : memref<800000xi32, #tpu.memory_space<hbm>> -> memref<10000xi32, #tpu.memory_space<hbm>>
      %dma_start3A_137 = tpu.memref_slice %arg6[%mul3A_135] : memref<800000xi32, #tpu.memory_space<hbm>> -> memref<10000xi32, #tpu.memory_space<hbm>>
      tpu.enqueue_dma source(%dma_start3A_137 : memref<10000xi32, #tpu.memory_space<hbm>>) target(%arg13 : memref<10000xi32, #tpu.memory_space<vmem>>) target_semaphore(%arg16 : memref<!tpu.dma_semaphore, #tpu.memory_space<semaphore_mem>>)
      %parallel_loop3A_138 = arith.constant 0 : i32
      %parallel_loop3A_139 = arith.constant 625 : i32
      %parallel_loop3A_140 = arith.constant 1 : i32
      scf.for %parallel_loop3A_150 = %parallel_loop3A_138 to %parallel_loop3A_139 step %parallel_loop3A_140  : i32 {
        %parallel_loop3A_151 = arith.constant 16 : i32
        %parallel_loop3A_152 = arith.muli %parallel_loop3A_150, %parallel_loop3A_151 : i32
        %parallel_loop3A_153 = arith.index_cast %parallel_loop3A_152 : i32 to index
        %parallel_loop3A_154 = tpu.vector_load %arg12[%parallel_loop3A_153] {strides = array<i32>} : memref<10000xi32, #tpu.memory_space<vmem>>, vector<16xi32>,
        %parallel_loop3A_155 = arith.constant 65535 : i32
        %parallel_loop3A_156 = vector.broadcast %parallel_loop3A_155 : i32 to vector<16xi32>
        %parallel_loop3A_157 = arith.andi %parallel_loop3A_154, %parallel_loop3A_156 : vector<16xi32>
        %parallel_loop3A_158 = arith.constant 16 : i32
        %parallel_loop3A_159 = vector.broadcast %parallel_loop3A_158 : i32 to vector<16xi32>
        %parallel_loop3A_160 = arith.shrsi %parallel_loop3A_154, %parallel_loop3A_159 : vector<16xi32>
        %parallel_loop3A_161 = arith.constant 65535 : i32
        %parallel_loop3A_162 = vector.broadcast %parallel_loop3A_161 : i32 to vector<16xi32>
        %parallel_loop3A_163 = arith.andi %parallel_loop3A_160, %parallel_loop3A_162 : vector<16xi32>
        %parallel_loop3A_164 = tpu.vector_load_idx %arg10[%parallel_loop3A_157] : memref<50000xf32, #tpu.memory_space<vmem>>[vector<16xi32>], vector<16xf32>,
        tpu.vector_store_idx %arg11[%parallel_loop3A_163], %parallel_loop3A_164 {add = true} : memref<50000xf32, #tpu.memory_space<vmem>>[vector<16xi32>], vector<16xf32>,
      } {sc.loop_unroll_factor = 5 : i64, sc.parallel_access}
      %dma_wait3A_141 = arith.constant 0 : i32
      %dma_wait3A_142 = tpu.memref_slice %arg6[%dma_wait3A_141] : memref<800000xi32, #tpu.memory_space<hbm>> -> memref<10000xi32, #tpu.memory_space<hbm>>
      %dma_wait3A_143 = arith.constant 0 : i32
      %dma_wait3A_144 = tpu.memref_slice %arg6[%dma_wait3A_143] : memref<800000xi32, #tpu.memory_space<hbm>> -> memref<10000xi32, #tpu.memory_space<hbm>>
      tpu.wait_dma2 semaphore(%arg16 : memref<!tpu.dma_semaphore, #tpu.memory_space<semaphore_mem>>) src(%dma_wait3A_144 : memref<10000xi32, #tpu.memory_space<hbm>>) dst(%arg13 : memref<10000xi32, #tpu.memory_space<vmem>>)
      %lt3A = arith.constant 39 : i32
      %lt3A_145 = arith.cmpi slt, %add3A_125, %lt3A : i32
      %convert_element_type3A = arith.extui %lt3A_145 : i1 to i32
      %cond3A = arith.constant 0 : i32
      %cond3A_146 = arith.cmpi ne, %convert_element_type3A, %cond3A : i32
      scf.if %cond3A_146 {
        %add3A_150 = arith.constant 2 : i32
        %add3A_151 = arith.addi %mul3A_127, %add3A_150 : i32
        %mul3A_152 = arith.constant 10000 : i32
        %mul3A_153 = arith.muli %add3A_151, %mul3A_152 : i32
        %dma_start3A_154 = tpu.memref_slice %arg6[%mul3A_153] : memref<800000xi32, #tpu.memory_space<hbm>> -> memref<10000xi32, #tpu.memory_space<hbm>>
        %dma_start3A_155 = tpu.memref_slice %arg6[%mul3A_153] : memref<800000xi32, #tpu.memory_space<hbm>> -> memref<10000xi32, #tpu.memory_space<hbm>>
        tpu.enqueue_dma source(%dma_start3A_155 : memref<10000xi32, #tpu.memory_space<hbm>>) target(%arg12 : memref<10000xi32, #tpu.memory_space<vmem>>) target_semaphore(%arg15 : memref<!tpu.dma_semaphore, #tpu.memory_space<semaphore_mem>>)
      } else {
      }
      %parallel_loop3A_147 = arith.constant 0 : i32
      %parallel_loop3A_148 = arith.constant 625 : i32
      %parallel_loop3A_149 = arith.constant 1 : i32
      scf.for %parallel_loop3A_150 = %parallel_loop3A_147 to %parallel_loop3A_148 step %parallel_loop3A_149  : i32 {
        %parallel_loop3A_151 = arith.constant 16 : i32
        %parallel_loop3A_152 = arith.muli %parallel_loop3A_150, %parallel_loop3A_151 : i32
        %parallel_loop3A_153 = arith.index_cast %parallel_loop3A_152 : i32 to index
        %parallel_loop3A_154 = tpu.vector_load %arg13[%parallel_loop3A_153] {strides = array<i32>} : memref<10000xi32, #tpu.memory_space<vmem>>, vector<16xi32>,
        %parallel_loop3A_155 = arith.constant 65535 : i32
        %parallel_loop3A_156 = vector.broadcast %parallel_loop3A_155 : i32 to vector<16xi32>
        %parallel_loop3A_157 = arith.andi %parallel_loop3A_154, %parallel_loop3A_156 : vector<16xi32>
        %parallel_loop3A_158 = arith.constant 16 : i32
        %parallel_loop3A_159 = vector.broadcast %parallel_loop3A_158 : i32 to vector<16xi32>
        %parallel_loop3A_160 = arith.shrsi %parallel_loop3A_154, %parallel_loop3A_159 : vector<16xi32>
        %parallel_loop3A_161 = arith.constant 65535 : i32
        %parallel_loop3A_162 = vector.broadcast %parallel_loop3A_161 : i32 to vector<16xi32>
        %parallel_loop3A_163 = arith.andi %parallel_loop3A_160, %parallel_loop3A_162 : vector<16xi32>
        %parallel_loop3A_164 = tpu.vector_load_idx %arg10[%parallel_loop3A_157] : memref<50000xf32, #tpu.memory_space<vmem>>[vector<16xi32>], vector<16xf32>,
        tpu.vector_store_idx %arg11[%parallel_loop3A_163], %parallel_loop3A_164 {add = true} : memref<50000xf32, #tpu.memory_space<vmem>>[vector<16xi32>], vector<16xf32>,
      } {sc.loop_unroll_factor = 5 : i64, sc.parallel_access}
    }
    %scan3A_76 = arith.constant 40 : i32
    %scan3A_77 = arith.constant 0 : i32
    %scan3A_78 = arith.constant 5 : i32
    %scan3A_79 = arith.addi %scan3A_77, %scan3A_78 : i32
    %scan3A_80 = arith.constant 1 : i32
    scf.for %scan3A_121 = %scan3A_77 to %scan3A_79 step %scan3A_80  : i32 {
      %mul3A_122 = arith.constant 1 : i32
      %mul3A_123 = arith.muli %scan3A_121, %mul3A_122 : i32
      %add3A_124 = arith.constant 0 : i32
      %add3A_125 = arith.addi %add3A_124, %mul3A_123 : i32
      %mul3A_126 = arith.constant 10000 : i32
      %mul3A_127 = arith.muli %add3A_125, %mul3A_126 : i32
      "tpu.region"() ({
        %run_scoped3A = tpu.sem_alloc : memref<!tpu.dma_semaphore, #tpu.memory_space<semaphore_mem>>
        %dma_start3A_131 = tpu.memref_slice %arg7[%mul3A_127] : memref<50000xf32, #tpu.memory_space<hbm>> -> memref<10000xf32, #tpu.memory_space<hbm>>
        %dma_start3A_132 = tpu.memref_slice %arg7[%mul3A_127] : memref<50000xf32, #tpu.memory_space<hbm>> -> memref<10000xf32, #tpu.memory_space<hbm>>
        tpu.enqueue_dma source(%dma_start3A_132 : memref<10000xf32, #tpu.memory_space<hbm>>) target(%arg14 : memref<10000xf32, #tpu.memory_space<vmem>>) target_semaphore(%run_scoped3A : memref<!tpu.dma_semaphore, #tpu.memory_space<semaphore_mem>>)
        %dma_wait3A_133 = tpu.memref_slice %arg7[%mul3A_127] : memref<50000xf32, #tpu.memory_space<hbm>> -> memref<10000xf32, #tpu.memory_space<hbm>>
        %dma_wait3A_134 = tpu.memref_slice %arg7[%mul3A_127] : memref<50000xf32, #tpu.memory_space<hbm>> -> memref<10000xf32, #tpu.memory_space<hbm>>
        tpu.wait_dma2 semaphore(%run_scoped3A : memref<!tpu.dma_semaphore, #tpu.memory_space<semaphore_mem>>) src(%dma_wait3A_134 : memref<10000xf32, #tpu.memory_space<hbm>>) dst(%arg14 : memref<10000xf32, #tpu.memory_space<vmem>>)
        tpu.yield
      }) : () -> ()
      %parallel_loop3A_128 = arith.constant 0 : i32
      %parallel_loop3A_129 = arith.constant 625 : i32
      %parallel_loop3A_130 = arith.constant 1 : i32
      scf.for %parallel_loop3A_131 = %parallel_loop3A_128 to %parallel_loop3A_129 step %parallel_loop3A_130  : i32 {
        %parallel_loop3A_132 = arith.constant 10000 : i32
        %parallel_loop3A_133 = arith.muli %add3A_125, %parallel_loop3A_132 : i32
        %parallel_loop3A_134 = arith.constant 16 : i32
        %parallel_loop3A_135 = arith.muli %parallel_loop3A_131, %parallel_loop3A_134 : i32
        %parallel_loop3A_136 = arith.addi %parallel_loop3A_133, %parallel_loop3A_135 : i32
        %parallel_loop3A_137 = arith.index_cast %parallel_loop3A_136 : i32 to index
        %parallel_loop3A_138 = tpu.vector_load %arg11[%parallel_loop3A_137] {strides = array<i32>} : memref<50000xf32, #tpu.memory_space<vmem>>, vector<16xf32>,
        %parallel_loop3A_139 = arith.constant 16 : i32
        %parallel_loop3A_140 = arith.muli %parallel_loop3A_131, %parallel_loop3A_139 : i32
        %parallel_loop3A_141 = arith.index_cast %parallel_loop3A_140 : i32 to index
        %parallel_loop3A_142 = tpu.vector_load %arg14[%parallel_loop3A_141] {strides = array<i32>} : memref<10000xf32, #tpu.memory_space<vmem>>, vector<16xf32>,
        %parallel_loop3A_143 = arith.mulf %parallel_loop3A_138, %parallel_loop3A_142 : vector<16xf32>
        %parallel_loop3A_144 = arith.index_cast %parallel_loop3A_136 : i32 to index
        %parallel_loop3A_145 = tpu.vector_load %arg11[%parallel_loop3A_144] {strides = array<i32>} : memref<50000xf32, #tpu.memory_space<vmem>>, vector<16xf32>,
        tpu.vector_store %arg11[%parallel_loop3A_144], %parallel_loop3A_143 {strides = array<i32>} : memref<50000xf32, #tpu.memory_space<vmem>>, vector<16xf32>,
      } {sc.loop_unroll_factor = 5 : i64, sc.parallel_access}
    }
    %scan3A_81 = arith.constant 5 : i32
    %mul3A_82 = arith.constant 50000 : i32
    %mul3A_83 = arith.muli %add3A_58, %mul3A_82 : i32
    %dma_start3A_84 = tpu.memref_slice %arg9[%mul3A_83] : memref<3200000xf32, #tpu.memory_space<hbm>> -> memref<50000xf32, #tpu.memory_space<hbm>>
    %dma_start3A_85 = tpu.memref_slice %arg9[%mul3A_83] : memref<3200000xf32, #tpu.memory_space<hbm>> -> memref<50000xf32, #tpu.memory_space<hbm>>
    tpu.enqueue_dma source(%arg11 : memref<50000xf32, #tpu.memory_space<vmem>>) target(%dma_start3A_85 : memref<50000xf32, #tpu.memory_space<hbm>>) target_semaphore(%arg17 : memref<!tpu.dma_semaphore, #tpu.memory_space<semaphore_mem>>)
    %mul3A_86 = arith.constant 2 : i32
    %mul3A_87 = arith.muli %add3A, %mul3A_86 : i32
    %add3A_88 = arith.constant 1 : i32
    %add3A_89 = arith.addi %mul3A_87, %add3A_88 : i32
    %dma_start3A_90 = arith.constant 0 : i32
    %dma_start3A_91 = tpu.memref_slice %arg6[%dma_start3A_90] : memref<800000xi32, #tpu.memory_space<hbm>> -> memref<10000xi32, #tpu.memory_space<hbm>>
    %dma_start3A_92 = arith.constant 0 : i32
    %dma_start3A_93 = tpu.memref_slice %arg6[%dma_start3A_92] : memref<800000xi32, #tpu.memory_space<hbm>> -> memref<10000xi32, #tpu.memory_space<hbm>>
    tpu.enqueue_dma source(%dma_start3A_93 : memref<10000xi32, #tpu.memory_space<hbm>>) target(%arg12 : memref<10000xi32, #tpu.memory_space<vmem>>) target_semaphore(%arg15 : memref<!tpu.dma_semaphore, #tpu.memory_space<semaphore_mem>>)
    %mul3A_94 = arith.constant 50000 : i32
    %mul3A_95 = arith.muli %add3A_89, %mul3A_94 : i32
    "tpu.region"() ({
      %run_scoped3A = tpu.sem_alloc : memref<!tpu.dma_semaphore, #tpu.memory_space<semaphore_mem>>
      %dma_start3A_121 = tpu.memref_slice %arg5[%mul3A_95] : memref<3200000xf32, #tpu.memory_space<hbm>> -> memref<50000xf32, #tpu.memory_space<hbm>>
      %dma_start3A_122 = tpu.memref_slice %arg5[%mul3A_95] : memref<3200000xf32, #tpu.memory_space<hbm>> -> memref<50000xf32, #tpu.memory_space<hbm>>
      tpu.enqueue_dma source(%dma_start3A_122 : memref<50000xf32, #tpu.memory_space<hbm>>) target(%arg10 : memref<50000xf32, #tpu.memory_space<vmem>>) target_semaphore(%run_scoped3A : memref<!tpu.dma_semaphore, #tpu.memory_space<semaphore_mem>>)
      %dma_wait3A_123 = tpu.memref_slice %arg5[%mul3A_95] : memref<3200000xf32, #tpu.memory_space<hbm>> -> memref<50000xf32, #tpu.memory_space<hbm>>
      %dma_wait3A_124 = tpu.memref_slice %arg5[%mul3A_95] : memref<3200000xf32, #tpu.memory_space<hbm>> -> memref<50000xf32, #tpu.memory_space<hbm>>
      tpu.wait_dma2 semaphore(%run_scoped3A : memref<!tpu.dma_semaphore, #tpu.memory_space<semaphore_mem>>) src(%dma_wait3A_124 : memref<50000xf32, #tpu.memory_space<hbm>>) dst(%arg10 : memref<50000xf32, #tpu.memory_space<vmem>>)
      tpu.yield
    }) : () -> ()
    %mul3A_96 = arith.constant 50000 : i32
    %mul3A_97 = arith.muli %add3A_58, %mul3A_96 : i32
    %dma_wait3A_98 = tpu.memref_slice %arg9[%mul3A_97] : memref<3200000xf32, #tpu.memory_space<hbm>> -> memref<50000xf32, #tpu.memory_space<hbm>>
    %dma_wait3A_99 = tpu.memref_slice %arg9[%mul3A_97] : memref<3200000xf32, #tpu.memory_space<hbm>> -> memref<50000xf32, #tpu.memory_space<hbm>>
    tpu.wait_dma2 semaphore(%arg17 : memref<!tpu.dma_semaphore, #tpu.memory_space<semaphore_mem>>) src(%arg11 : memref<50000xf32, #tpu.memory_space<vmem>>) dst(%dma_wait3A_99 : memref<50000xf32, #tpu.memory_space<hbm>>)
    %parallel_loop3A_100 = arith.constant 0 : i32
    %parallel_loop3A_101 = arith.constant 3125 : i32
    %parallel_loop3A_102 = arith.constant 1 : i32
    scf.for %parallel_loop3A_121 = %parallel_loop3A_100 to %parallel_loop3A_101 step %parallel_loop3A_102  : i32 {
      %parallel_loop3A_122 = arith.constant 0.000000e+00 : f32
      %parallel_loop3A_123 = vector.broadcast %parallel_loop3A_122 : f32 to vector<16xf32>
      %parallel_loop3A_124 = arith.constant 16 : i32
      %parallel_loop3A_125 = arith.muli %parallel_loop3A_121, %parallel_loop3A_124 : i32
      %parallel_loop3A_126 = arith.index_cast %parallel_loop3A_125 : i32 to index
      %parallel_loop3A_127 = tpu.vector_load %arg11[%parallel_loop3A_126] {strides = array<i32>} : memref<50000xf32, #tpu.memory_space<vmem>>, vector<16xf32>,
      tpu.vector_store %arg11[%parallel_loop3A_126], %parallel_loop3A_123 {strides = array<i32>} : memref<50000xf32, #tpu.memory_space<vmem>>, vector<16xf32>,
    } {sc.loop_unroll_factor = 5 : i64, sc.parallel_access}
    %scan3A_103 = arith.constant 0 : i32
    %scan3A_104 = arith.constant 40 : i32
    %scan3A_105 = arith.addi %scan3A_103, %scan3A_104 : i32
    %scan3A_106 = arith.constant 1 : i32
    scf.for %scan3A_121 = %scan3A_103 to %scan3A_105 step %scan3A_106  : i32 {
      %mul3A_122 = arith.constant 1 : i32
      %mul3A_123 = arith.muli %scan3A_121, %mul3A_122 : i32
      %add3A_124 = arith.constant 0 : i32
      %add3A_125 = arith.addi %add3A_124, %mul3A_123 : i32
      %mul3A_126 = arith.constant 2 : i32
      %mul3A_127 = arith.muli %add3A_125, %mul3A_126 : i32
      %dma_wait3A_128 = arith.constant 0 : i32
      %dma_wait3A_129 = tpu.memref_slice %arg6[%dma_wait3A_128] : memref<800000xi32, #tpu.memory_space<hbm>> -> memref<10000xi32, #tpu.memory_space<hbm>>
      %dma_wait3A_130 = arith.constant 0 : i32
      %dma_wait3A_131 = tpu.memref_slice %arg6[%dma_wait3A_130] : memref<800000xi32, #tpu.memory_space<hbm>> -> memref<10000xi32, #tpu.memory_space<hbm>>
      tpu.wait_dma2 semaphore(%arg15 : memref<!tpu.dma_semaphore, #tpu.memory_space<semaphore_mem>>) src(%dma_wait3A_131 : memref<10000xi32, #tpu.memory_space<hbm>>) dst(%arg12 : memref<10000xi32, #tpu.memory_space<vmem>>)
      %add3A_132 = arith.constant 1 : i32
      %add3A_133 = arith.addi %mul3A_127, %add3A_132 : i32
      %mul3A_134 = arith.constant 10000 : i32
      %mul3A_135 = arith.muli %add3A_133, %mul3A_134 : i32
      %dma_start3A_136 = tpu.memref_slice %arg6[%mul3A_135] : memref<800000xi32, #tpu.memory_space<hbm>> -> memref<10000xi32, #tpu.memory_space<hbm>>
      %dma_start3A_137 = tpu.memref_slice %arg6[%mul3A_135] : memref<800000xi32, #tpu.memory_space<hbm>> -> memref<10000xi32, #tpu.memory_space<hbm>>
      tpu.enqueue_dma source(%dma_start3A_137 : memref<10000xi32, #tpu.memory_space<hbm>>) target(%arg13 : memref<10000xi32, #tpu.memory_space<vmem>>) target_semaphore(%arg16 : memref<!tpu.dma_semaphore, #tpu.memory_space<semaphore_mem>>)
      %parallel_loop3A_138 = arith.constant 0 : i32
      %parallel_loop3A_139 = arith.constant 625 : i32
      %parallel_loop3A_140 = arith.constant 1 : i32
      scf.for %parallel_loop3A_150 = %parallel_loop3A_138 to %parallel_loop3A_139 step %parallel_loop3A_140  : i32 {
        %parallel_loop3A_151 = arith.constant 16 : i32
        %parallel_loop3A_152 = arith.muli %parallel_loop3A_150, %parallel_loop3A_151 : i32
        %parallel_loop3A_153 = arith.index_cast %parallel_loop3A_152 : i32 to index
        %parallel_loop3A_154 = tpu.vector_load %arg12[%parallel_loop3A_153] {strides = array<i32>} : memref<10000xi32, #tpu.memory_space<vmem>>, vector<16xi32>,
        %parallel_loop3A_155 = arith.constant 65535 : i32
        %parallel_loop3A_156 = vector.broadcast %parallel_loop3A_155 : i32 to vector<16xi32>
        %parallel_loop3A_157 = arith.andi %parallel_loop3A_154, %parallel_loop3A_156 : vector<16xi32>
        %parallel_loop3A_158 = arith.constant 16 : i32
        %parallel_loop3A_159 = vector.broadcast %parallel_loop3A_158 : i32 to vector<16xi32>
        %parallel_loop3A_160 = arith.shrsi %parallel_loop3A_154, %parallel_loop3A_159 : vector<16xi32>
        %parallel_loop3A_161 = arith.constant 65535 : i32
        %parallel_loop3A_162 = vector.broadcast %parallel_loop3A_161 : i32 to vector<16xi32>
        %parallel_loop3A_163 = arith.andi %parallel_loop3A_160, %parallel_loop3A_162 : vector<16xi32>
        %parallel_loop3A_164 = tpu.vector_load_idx %arg10[%parallel_loop3A_157] : memref<50000xf32, #tpu.memory_space<vmem>>[vector<16xi32>], vector<16xf32>,
        tpu.vector_store_idx %arg11[%parallel_loop3A_163], %parallel_loop3A_164 {add = true} : memref<50000xf32, #tpu.memory_space<vmem>>[vector<16xi32>], vector<16xf32>,
      } {sc.loop_unroll_factor = 5 : i64, sc.parallel_access}
      %dma_wait3A_141 = arith.constant 0 : i32
      %dma_wait3A_142 = tpu.memref_slice %arg6[%dma_wait3A_141] : memref<800000xi32, #tpu.memory_space<hbm>> -> memref<10000xi32, #tpu.memory_space<hbm>>
      %dma_wait3A_143 = arith.constant 0 : i32
      %dma_wait3A_144 = tpu.memref_slice %arg6[%dma_wait3A_143] : memref<800000xi32, #tpu.memory_space<hbm>> -> memref<10000xi32, #tpu.memory_space<hbm>>
      tpu.wait_dma2 semaphore(%arg16 : memref<!tpu.dma_semaphore, #tpu.memory_space<semaphore_mem>>) src(%dma_wait3A_144 : memref<10000xi32, #tpu.memory_space<hbm>>) dst(%arg13 : memref<10000xi32, #tpu.memory_space<vmem>>)
      %lt3A = arith.constant 39 : i32
      %lt3A_145 = arith.cmpi slt, %add3A_125, %lt3A : i32
      %convert_element_type3A = arith.extui %lt3A_145 : i1 to i32
      %cond3A = arith.constant 0 : i32
      %cond3A_146 = arith.cmpi ne, %convert_element_type3A, %cond3A : i32
      scf.if %cond3A_146 {
        %add3A_150 = arith.constant 2 : i32
        %add3A_151 = arith.addi %mul3A_127, %add3A_150 : i32
        %mul3A_152 = arith.constant 10000 : i32
        %mul3A_153 = arith.muli %add3A_151, %mul3A_152 : i32
        %dma_start3A_154 = tpu.memref_slice %arg6[%mul3A_153] : memref<800000xi32, #tpu.memory_space<hbm>> -> memref<10000xi32, #tpu.memory_space<hbm>>
        %dma_start3A_155 = tpu.memref_slice %arg6[%mul3A_153] : memref<800000xi32, #tpu.memory_space<hbm>> -> memref<10000xi32, #tpu.memory_space<hbm>>
        tpu.enqueue_dma source(%dma_start3A_155 : memref<10000xi32, #tpu.memory_space<hbm>>) target(%arg12 : memref<10000xi32, #tpu.memory_space<vmem>>) target_semaphore(%arg15 : memref<!tpu.dma_semaphore, #tpu.memory_space<semaphore_mem>>)
      } else {
      }
      %parallel_loop3A_147 = arith.constant 0 : i32
      %parallel_loop3A_148 = arith.constant 625 : i32
      %parallel_loop3A_149 = arith.constant 1 : i32
      scf.for %parallel_loop3A_150 = %parallel_loop3A_147 to %parallel_loop3A_148 step %parallel_loop3A_149  : i32 {
        %parallel_loop3A_151 = arith.constant 16 : i32
        %parallel_loop3A_152 = arith.muli %parallel_loop3A_150, %parallel_loop3A_151 : i32
        %parallel_loop3A_153 = arith.index_cast %parallel_loop3A_152 : i32 to index
        %parallel_loop3A_154 = tpu.vector_load %arg13[%parallel_loop3A_153] {strides = array<i32>} : memref<10000xi32, #tpu.memory_space<vmem>>, vector<16xi32>,
        %parallel_loop3A_155 = arith.constant 65535 : i32
        %parallel_loop3A_156 = vector.broadcast %parallel_loop3A_155 : i32 to vector<16xi32>
        %parallel_loop3A_157 = arith.andi %parallel_loop3A_154, %parallel_loop3A_156 : vector<16xi32>
        %parallel_loop3A_158 = arith.constant 16 : i32
        %parallel_loop3A_159 = vector.broadcast %parallel_loop3A_158 : i32 to vector<16xi32>
        %parallel_loop3A_160 = arith.shrsi %parallel_loop3A_154, %parallel_loop3A_159 : vector<16xi32>
        %parallel_loop3A_161 = arith.constant 65535 : i32
        %parallel_loop3A_162 = vector.broadcast %parallel_loop3A_161 : i32 to vector<16xi32>
        %parallel_loop3A_163 = arith.andi %parallel_loop3A_160, %parallel_loop3A_162 : vector<16xi32>
        %parallel_loop3A_164 = tpu.vector_load_idx %arg10[%parallel_loop3A_157] : memref<50000xf32, #tpu.memory_space<vmem>>[vector<16xi32>], vector<16xf32>,
        tpu.vector_store_idx %arg11[%parallel_loop3A_163], %parallel_loop3A_164 {add = true} : memref<50000xf32, #tpu.memory_space<vmem>>[vector<16xi32>], vector<16xf32>,
      } {sc.loop_unroll_factor = 5 : i64, sc.parallel_access}
    }
    %scan3A_107 = arith.constant 40 : i32
    %scan3A_108 = arith.constant 0 : i32
    %scan3A_109 = arith.constant 5 : i32
    %scan3A_110 = arith.addi %scan3A_108, %scan3A_109 : i32
    %scan3A_111 = arith.constant 1 : i32
    scf.for %scan3A_121 = %scan3A_108 to %scan3A_110 step %scan3A_111  : i32 {
      %mul3A_122 = arith.constant 1 : i32
      %mul3A_123 = arith.muli %scan3A_121, %mul3A_122 : i32
      %add3A_124 = arith.constant 0 : i32
      %add3A_125 = arith.addi %add3A_124, %mul3A_123 : i32
      %mul3A_126 = arith.constant 10000 : i32
      %mul3A_127 = arith.muli %add3A_125, %mul3A_126 : i32
      "tpu.region"() ({
        %run_scoped3A = tpu.sem_alloc : memref<!tpu.dma_semaphore, #tpu.memory_space<semaphore_mem>>
        %dma_start3A_131 = tpu.memref_slice %arg7[%mul3A_127] : memref<50000xf32, #tpu.memory_space<hbm>> -> memref<10000xf32, #tpu.memory_space<hbm>>
        %dma_start3A_132 = tpu.memref_slice %arg7[%mul3A_127] : memref<50000xf32, #tpu.memory_space<hbm>> -> memref<10000xf32, #tpu.memory_space<hbm>>
        tpu.enqueue_dma source(%dma_start3A_132 : memref<10000xf32, #tpu.memory_space<hbm>>) target(%arg14 : memref<10000xf32, #tpu.memory_space<vmem>>) target_semaphore(%run_scoped3A : memref<!tpu.dma_semaphore, #tpu.memory_space<semaphore_mem>>)
        %dma_wait3A_133 = tpu.memref_slice %arg7[%mul3A_127] : memref<50000xf32, #tpu.memory_space<hbm>> -> memref<10000xf32, #tpu.memory_space<hbm>>
        %dma_wait3A_134 = tpu.memref_slice %arg7[%mul3A_127] : memref<50000xf32, #tpu.memory_space<hbm>> -> memref<10000xf32, #tpu.memory_space<hbm>>
        tpu.wait_dma2 semaphore(%run_scoped3A : memref<!tpu.dma_semaphore, #tpu.memory_space<semaphore_mem>>) src(%dma_wait3A_134 : memref<10000xf32, #tpu.memory_space<hbm>>) dst(%arg14 : memref<10000xf32, #tpu.memory_space<vmem>>)
        tpu.yield
      }) : () -> ()
      %parallel_loop3A_128 = arith.constant 0 : i32
      %parallel_loop3A_129 = arith.constant 625 : i32
      %parallel_loop3A_130 = arith.constant 1 : i32
      scf.for %parallel_loop3A_131 = %parallel_loop3A_128 to %parallel_loop3A_129 step %parallel_loop3A_130  : i32 {
        %parallel_loop3A_132 = arith.constant 10000 : i32
        %parallel_loop3A_133 = arith.muli %add3A_125, %parallel_loop3A_132 : i32
        %parallel_loop3A_134 = arith.constant 16 : i32
        %parallel_loop3A_135 = arith.muli %parallel_loop3A_131, %parallel_loop3A_134 : i32
        %parallel_loop3A_136 = arith.addi %parallel_loop3A_133, %parallel_loop3A_135 : i32
        %parallel_loop3A_137 = arith.index_cast %parallel_loop3A_136 : i32 to index
        %parallel_loop3A_138 = tpu.vector_load %arg11[%parallel_loop3A_137] {strides = array<i32>} : memref<50000xf32, #tpu.memory_space<vmem>>, vector<16xf32>,
        %parallel_loop3A_139 = arith.constant 16 : i32
        %parallel_loop3A_140 = arith.muli %parallel_loop3A_131, %parallel_loop3A_139 : i32
        %parallel_loop3A_141 = arith.index_cast %parallel_loop3A_140 : i32 to index
        %parallel_loop3A_142 = tpu.vector_load %arg14[%parallel_loop3A_141] {strides = array<i32>} : memref<10000xf32, #tpu.memory_space<vmem>>, vector<16xf32>,
        %parallel_loop3A_143 = arith.mulf %parallel_loop3A_138, %parallel_loop3A_142 : vector<16xf32>
        %parallel_loop3A_144 = arith.index_cast %parallel_loop3A_136 : i32 to index
        %parallel_loop3A_145 = tpu.vector_load %arg11[%parallel_loop3A_144] {strides = array<i32>} : memref<50000xf32, #tpu.memory_space<vmem>>, vector<16xf32>,
        tpu.vector_store %arg11[%parallel_loop3A_144], %parallel_loop3A_143 {strides = array<i32>} : memref<50000xf32, #tpu.memory_space<vmem>>, vector<16xf32>,
      } {sc.loop_unroll_factor = 5 : i64, sc.parallel_access}
    }
    %scan3A_112 = arith.constant 5 : i32
    %mul3A_113 = arith.constant 50000 : i32
    %mul3A_114 = arith.muli %add3A_89, %mul3A_113 : i32
    %dma_start3A_115 = tpu.memref_slice %arg9[%mul3A_114] : memref<3200000xf32, #tpu.memory_space<hbm>> -> memref<50000xf32, #tpu.memory_space<hbm>>
    %dma_start3A_116 = tpu.memref_slice %arg9[%mul3A_114] : memref<3200000xf32, #tpu.memory_space<hbm>> -> memref<50000xf32, #tpu.memory_space<hbm>>
    tpu.enqueue_dma source(%arg11 : memref<50000xf32, #tpu.memory_space<vmem>>) target(%dma_start3A_116 : memref<50000xf32, #tpu.memory_space<hbm>>) target_semaphore(%arg17 : memref<!tpu.dma_semaphore, #tpu.memory_space<semaphore_mem>>)
    %mul3A_117 = arith.constant 50000 : i32
    %mul3A_118 = arith.muli %add3A_89, %mul3A_117 : i32
    %dma_wait3A_119 = tpu.memref_slice %arg9[%mul3A_118] : memref<3200000xf32, #tpu.memory_space<hbm>> -> memref<50000xf32, #tpu.memory_space<hbm>>
    %dma_wait3A_120 = tpu.memref_slice %arg9[%mul3A_118] : memref<3200000xf32, #tpu.memory_space<hbm>> -> memref<50000xf32, #tpu.memory_space<hbm>>
    tpu.wait_dma2 semaphore(%arg17 : memref<!tpu.dma_semaphore, #tpu.memory_space<semaphore_mem>>) src(%arg11 : memref<50000xf32, #tpu.memory_space<vmem>>) dst(%dma_wait3A_120 : memref<50000xf32, #tpu.memory_space<hbm>>)
    return
  }
}

module attributes {stable_mosaic.version = 14 : i64} {
  func.func @_pack_body(%arg0: i32, %arg1: memref<2x6400xi32, #tpu.memory_space<vmem>>, %arg2: memref<2x6400xi32, #tpu.memory_space<vmem>>, %arg3: memref<1x6400xi32, #tpu.memory_space<vmem>>, %arg4: memref<1x6400xi32, #tpu.memory_space<vmem>>) attributes {dimension_semantics = [#tpu.dimension_semantics<arbitrary>], iteration_bounds = array<i64: 125>, scalar_prefetch = 0 : i64, scratch_operands = 0 : i64, tpu.core_type = #tpu.core_type<tc>, window_params = [{transform_indices = @transform_0, window_bounds = array<i64: 2, 6400>}, {transform_indices = @transform_1, window_bounds = array<i64: 2, 6400>}, {transform_indices = @transform_2, window_bounds = array<i64: 1, 6400>}, {transform_indices = @transform_3, window_bounds = array<i64: 1, 6400>}]} {
    %get3A = arith.constant 0 : index
    %get3A_0 = arith.constant 0 : index
    %get3A_1 = vector.load %arg1[%get3A, %get3A_0] : memref<2x6400xi32, #tpu.memory_space<vmem>>, vector<1x6400xi32>
    %get3A_2 = arith.constant 1 : index
    %get3A_3 = arith.constant 0 : index
    %get3A_4 = vector.load %arg1[%get3A_2, %get3A_3] : memref<2x6400xi32, #tpu.memory_space<vmem>>, vector<1x6400xi32>
    %shift_left3A = arith.constant 16 : i32
    %shift_left3A_5 = vector.broadcast %shift_left3A : i32 to vector<1x6400xi32>
    %shift_left3A_6 = arith.shli %get3A_4, %shift_left3A_5 : vector<1x6400xi32>
    %or3A = arith.ori %get3A_1, %shift_left3A_6 : vector<1x6400xi32>
    %swap3A = arith.constant 0 : index
    %swap3A_7 = arith.constant 0 : index
    %swap3A_8 = vector.load %arg3[%swap3A, %swap3A_7] : memref<1x6400xi32, #tpu.memory_space<vmem>>, vector<1x6400xi32>
    tpu.vector_store %arg3[%swap3A, %swap3A_7], %or3A {strides = array<i32>} : memref<1x6400xi32, #tpu.memory_space<vmem>>, vector<1x6400xi32>,
    %get3A_9 = arith.constant 0 : index
    %get3A_10 = arith.constant 0 : index
    %get3A_11 = vector.load %arg2[%get3A_9, %get3A_10] : memref<2x6400xi32, #tpu.memory_space<vmem>>, vector<1x6400xi32>
    %get3A_12 = arith.constant 1 : index
    %get3A_13 = arith.constant 0 : index
    %get3A_14 = vector.load %arg2[%get3A_12, %get3A_13] : memref<2x6400xi32, #tpu.memory_space<vmem>>, vector<1x6400xi32>
    %shift_left3A_15 = arith.constant 16 : i32
    %shift_left3A_16 = vector.broadcast %shift_left3A_15 : i32 to vector<1x6400xi32>
    %shift_left3A_17 = arith.shli %get3A_14, %shift_left3A_16 : vector<1x6400xi32>
    %or3A_18 = arith.ori %get3A_11, %shift_left3A_17 : vector<1x6400xi32>
    %swap3A_19 = arith.constant 0 : index
    %swap3A_20 = arith.constant 0 : index
    %swap3A_21 = vector.load %arg4[%swap3A_19, %swap3A_20] : memref<1x6400xi32, #tpu.memory_space<vmem>>, vector<1x6400xi32>
    tpu.vector_store %arg4[%swap3A_19, %swap3A_20], %or3A_18 {strides = array<i32>} : memref<1x6400xi32, #tpu.memory_space<vmem>>, vector<1x6400xi32>,
    return
  }
  func.func @transform_0(%arg0: i32) -> (i32, i32) {
    %c0_i32 = arith.constant 0 : i32
    %c0_i32_0 = arith.constant 0 : i32
    return %c0_i32, %arg0 : i32, i32
  }
  func.func @transform_1(%arg0: i32) -> (i32, i32) {
    %c0_i32 = arith.constant 0 : i32
    %c0_i32_0 = arith.constant 0 : i32
    return %c0_i32, %arg0 : i32, i32
  }
  func.func @transform_2(%arg0: i32) -> (i32, i32) {
    %c0_i32 = arith.constant 0 : i32
    %c0_i32_0 = arith.constant 0 : i32
    return %c0_i32, %arg0 : i32, i32
  }
  func.func @transform_3(%arg0: i32) -> (i32, i32) {
    %c0_i32 = arith.constant 0 : i32
    %c0_i32_0 = arith.constant 0 : i32
    return %c0_i32, %arg0 : i32, i32
  }
}

module attributes {stable_mosaic.version = 14 : i64} {
  func.func @_prep_body(%arg0: i32, %arg1: memref<32x50000xf32, #tpu.memory_space<vmem>>, %arg2: memref<32x50000xf32, #tpu.memory_space<vmem>>, %arg3: memref<8x50000xf32, #tpu.memory_space<vmem>>, %arg4: memref<8x50000xf32, #tpu.memory_space<vmem>>, %arg5: memref<8x50000xf32, #tpu.memory_space<vmem>>, %arg6: memref<1x50000xf32, #tpu.memory_space<vmem>>, %arg7: memref<1x50000xf32, #tpu.memory_space<vmem>>, %arg8: memref<1x50000xf32, #tpu.memory_space<vmem>>, %arg9: memref<1x50000xf32, #tpu.memory_space<vmem>>) attributes {dimension_semantics = [#tpu.dimension_semantics<arbitrary>], iteration_bounds = array<i64: 8>, scalar_prefetch = 0 : i64, scratch_operands = 0 : i64, tpu.core_type = #tpu.core_type<tc>, window_params = [{pipeline_mode = #tpu.pipeline_mode<synchronous>, transform_indices = @transform_0, window_bounds = array<i64: 32, 50000>}, {pipeline_mode = #tpu.pipeline_mode<synchronous>, transform_indices = @transform_1, window_bounds = array<i64: 32, 50000>}, {transform_indices = @transform_2, window_bounds = array<i64: 8, 50000>}, {transform_indices = @transform_3, window_bounds = array<i64: 8, 50000>}, {transform_indices = @transform_4, window_bounds = array<i64: 8, 50000>}, {pipeline_mode = #tpu.pipeline_mode<synchronous>, transform_indices = @transform_5, window_bounds = array<i64: 1, 50000>}, {pipeline_mode = #tpu.pipeline_mode<synchronous>, transform_indices = @transform_6, window_bounds = array<i64: 1, 50000>}, {pipeline_mode = #tpu.pipeline_mode<synchronous>, transform_indices = @transform_7, window_bounds = array<i64: 1, 50000>}, {pipeline_mode = #tpu.pipeline_mode<synchronous>, transform_indices = @transform_8, window_bounds = array<i64: 1, 50000>}]} {
    %get3A = arith.constant 0 : index
    %get3A_0 = arith.constant 0 : index
    %get3A_1 = vector.load %arg3[%get3A, %get3A_0] : memref<8x50000xf32, #tpu.memory_space<vmem>>, vector<8x50000xf32>
    %get3A_2 = arith.constant 0 : index
    %get3A_3 = arith.constant 0 : index
    %get3A_4 = vector.load %arg1[%get3A_2, %get3A_3] : memref<32x50000xf32, #tpu.memory_space<vmem>>, vector<32x50000xf32>
    %reduce_sum3A = arith.constant dense<0.000000e+00> : vector<50000xf32>
    %reduce_sum3A_5 = vector.multi_reduction <add>, %get3A_4, %reduce_sum3A [0] : vector<32x50000xf32> to vector<50000xf32>
    %broadcast_in_dim3A = vector.shape_cast %reduce_sum3A_5 : vector<50000xf32> to vector<1x50000xf32>
    %gt3A = arith.constant 0.000000e+00 : f32
    %gt3A_6 = vector.broadcast %gt3A : f32 to vector<1x50000xf32>
    %gt3A_7 = arith.cmpf ogt, %broadcast_in_dim3A, %gt3A_6 : vector<1x50000xf32>
    %rsqrt3A = math.rsqrt %broadcast_in_dim3A : vector<1x50000xf32>
    %jit3A = arith.constant 0.000000e+00 : f32
    %broadcast_in_dim3A_8 = vector.broadcast %jit3A : f32 to vector<1x50000xf32>
    %select_n3A = arith.select %gt3A_7, %rsqrt3A, %broadcast_in_dim3A_8 : vector<1x50000xi1>, vector<1x50000xf32>
    %mul3A = vector.broadcast %select_n3A : vector<1x50000xf32> to vector<8x50000xf32>
    %mul3A_9 = arith.mulf %get3A_1, %mul3A : vector<8x50000xf32>
    %swap3A = arith.constant 0 : index
    %swap3A_10 = arith.constant 0 : index
    %swap3A_11 = vector.load %arg4[%swap3A, %swap3A_10] : memref<8x50000xf32, #tpu.memory_space<vmem>>, vector<8x50000xf32>
    tpu.vector_store %arg4[%swap3A, %swap3A_10], %mul3A_9 {strides = array<i32>} : memref<8x50000xf32, #tpu.memory_space<vmem>>, vector<8x50000xf32>,
    %mul3A_12 = arith.mulf %select_n3A, %select_n3A : vector<1x50000xf32>
    %swap3A_13 = arith.constant 0 : index
    %swap3A_14 = arith.constant 0 : index
    %swap3A_15 = vector.load %arg6[%swap3A_13, %swap3A_14] : memref<1x50000xf32, #tpu.memory_space<vmem>>, vector<1x50000xf32>
    tpu.vector_store %arg6[%swap3A_13, %swap3A_14], %mul3A_12 {strides = array<i32>} : memref<1x50000xf32, #tpu.memory_space<vmem>>, vector<1x50000xf32>,
    %swap3A_16 = arith.constant 0 : index
    %swap3A_17 = arith.constant 0 : index
    %swap3A_18 = vector.load %arg8[%swap3A_16, %swap3A_17] : memref<1x50000xf32, #tpu.memory_space<vmem>>, vector<1x50000xf32>
    tpu.vector_store %arg8[%swap3A_16, %swap3A_17], %select_n3A {strides = array<i32>} : memref<1x50000xf32, #tpu.memory_space<vmem>>, vector<1x50000xf32>,
    %get3A_19 = arith.constant 0 : index
    %get3A_20 = arith.constant 0 : index
    %get3A_21 = vector.load %arg2[%get3A_19, %get3A_20] : memref<32x50000xf32, #tpu.memory_space<vmem>>, vector<32x50000xf32>
    %reduce_sum3A_22 = arith.constant dense<0.000000e+00> : vector<50000xf32>
    %reduce_sum3A_23 = vector.multi_reduction <add>, %get3A_21, %reduce_sum3A_22 [0] : vector<32x50000xf32> to vector<50000xf32>
    %broadcast_in_dim3A_24 = vector.shape_cast %reduce_sum3A_23 : vector<50000xf32> to vector<1x50000xf32>
    %gt3A_25 = arith.constant 0.000000e+00 : f32
    %gt3A_26 = vector.broadcast %gt3A_25 : f32 to vector<1x50000xf32>
    %gt3A_27 = arith.cmpf ogt, %broadcast_in_dim3A_24, %gt3A_26 : vector<1x50000xf32>
    %rsqrt3A_28 = math.rsqrt %broadcast_in_dim3A_24 : vector<1x50000xf32>
    %jit3A_29 = arith.constant 0.000000e+00 : f32
    %broadcast_in_dim3A_30 = vector.broadcast %jit3A_29 : f32 to vector<1x50000xf32>
    %select_n3A_31 = arith.select %gt3A_27, %rsqrt3A_28, %broadcast_in_dim3A_30 : vector<1x50000xi1>, vector<1x50000xf32>
    %mul3A_32 = vector.broadcast %select_n3A_31 : vector<1x50000xf32> to vector<8x50000xf32>
    %mul3A_33 = arith.mulf %get3A_1, %mul3A_32 : vector<8x50000xf32>
    %swap3A_34 = arith.constant 0 : index
    %swap3A_35 = arith.constant 0 : index
    %swap3A_36 = vector.load %arg5[%swap3A_34, %swap3A_35] : memref<8x50000xf32, #tpu.memory_space<vmem>>, vector<8x50000xf32>
    tpu.vector_store %arg5[%swap3A_34, %swap3A_35], %mul3A_33 {strides = array<i32>} : memref<8x50000xf32, #tpu.memory_space<vmem>>, vector<8x50000xf32>,
    %mul3A_37 = arith.mulf %select_n3A_31, %select_n3A_31 : vector<1x50000xf32>
    %swap3A_38 = arith.constant 0 : index
    %swap3A_39 = arith.constant 0 : index
    %swap3A_40 = vector.load %arg7[%swap3A_38, %swap3A_39] : memref<1x50000xf32, #tpu.memory_space<vmem>>, vector<1x50000xf32>
    tpu.vector_store %arg7[%swap3A_38, %swap3A_39], %mul3A_37 {strides = array<i32>} : memref<1x50000xf32, #tpu.memory_space<vmem>>, vector<1x50000xf32>,
    %swap3A_41 = arith.constant 0 : index
    %swap3A_42 = arith.constant 0 : index
    %swap3A_43 = vector.load %arg9[%swap3A_41, %swap3A_42] : memref<1x50000xf32, #tpu.memory_space<vmem>>, vector<1x50000xf32>
    tpu.vector_store %arg9[%swap3A_41, %swap3A_42], %select_n3A_31 {strides = array<i32>} : memref<1x50000xf32, #tpu.memory_space<vmem>>, vector<1x50000xf32>,
    return
  }
  func.func @transform_0(%arg0: i32) -> (i32, i32) {
    %c0_i32 = arith.constant 0 : i32
    %c0_i32_0 = arith.constant 0 : i32
    %c0_i32_1 = arith.constant 0 : i32
    return %c0_i32, %c0_i32_0 : i32, i32
  }
  func.func @transform_1(%arg0: i32) -> (i32, i32) {
    %c0_i32 = arith.constant 0 : i32
    %c0_i32_0 = arith.constant 0 : i32
    %c0_i32_1 = arith.constant 0 : i32
    return %c0_i32, %c0_i32_0 : i32, i32
  }
  func.func @transform_2(%arg0: i32) -> (i32, i32) {
    %c0_i32 = arith.constant 0 : i32
    %c0_i32_0 = arith.constant 0 : i32
    return %arg0, %c0_i32 : i32, i32
  }
  func.func @transform_3(%arg0: i32) -> (i32, i32) {
    %c0_i32 = arith.constant 0 : i32
    %c0_i32_0 = arith.constant 0 : i32
    return %arg0, %c0_i32 : i32, i32
  }
  func.func @transform_4(%arg0: i32) -> (i32, i32) {
    %c0_i32 = arith.constant 0 : i32
    %c0_i32_0 = arith.constant 0 : i32
    return %arg0, %c0_i32 : i32, i32
  }
  func.func @transform_5(%arg0: i32) -> (i32, i32) {
    %c0_i32 = arith.constant 0 : i32
    %c0_i32_0 = arith.constant 0 : i32
    %c0_i32_1 = arith.constant 0 : i32
    return %c0_i32, %c0_i32_0 : i32, i32
  }
  func.func @transform_6(%arg0: i32) -> (i32, i32) {
    %c0_i32 = arith.constant 0 : i32
    %c0_i32_0 = arith.constant 0 : i32
    %c0_i32_1 = arith.constant 0 : i32
    return %c0_i32, %c0_i32_0 : i32, i32
  }
  func.func @transform_7(%arg0: i32) -> (i32, i32) {
    %c0_i32 = arith.constant 0 : i32
    %c0_i32_0 = arith.constant 0 : i32
    %c0_i32_1 = arith.constant 0 : i32
    return %c0_i32, %c0_i32_0 : i32, i32
  }
  func.func @transform_8(%arg0: i32) -> (i32, i32) {
    %c0_i32 = arith.constant 0 : i32
    %c0_i32_0 = arith.constant 0 : i32
    %c0_i32_1 = arith.constant 0 : i32
    return %c0_i32, %c0_i32_0 : i32, i32
  }
}

module attributes {stable_mosaic.version = 14 : i64} {
  func.func @_attn_body(%arg0: i32, %arg1: memref<1000x64xf32, #tpu.memory_space<vmem>>, %arg2: memref<1000x64xf32, #tpu.memory_space<vmem>>, %arg3: memref<64x64xf32, #tpu.memory_space<vmem>>, %arg4: memref<64x1xf32, #tpu.memory_space<vmem>>, %arg5: memref<1000x128xf32, #tpu.memory_space<vmem>>) attributes {dimension_semantics = [#tpu.dimension_semantics<arbitrary>], iteration_bounds = array<i64: 50>, scalar_prefetch = 0 : i64, scratch_operands = 0 : i64, tpu.core_type = #tpu.core_type<tc>, window_params = [{transform_indices = @transform_0, window_bounds = array<i64: 1000, 64>}, {transform_indices = @transform_1, window_bounds = array<i64: 1000, 64>}, {pipeline_mode = #tpu.pipeline_mode<synchronous>, transform_indices = @transform_2, window_bounds = array<i64: 64, 64>}, {pipeline_mode = #tpu.pipeline_mode<synchronous>, transform_indices = @transform_3, window_bounds = array<i64: 64, 1>}, {transform_indices = @transform_4, window_bounds = array<i64: 1000, 128>}]} {
    %get3A = arith.constant 0 : index
    %get3A_0 = arith.constant 0 : index
    %get3A_1 = vector.load %arg3[%get3A, %get3A_0] : memref<64x64xf32, #tpu.memory_space<vmem>>, vector<64x64xf32>
    %get3A_2 = arith.constant 0 : index
    %get3A_3 = arith.constant 0 : index
    %get3A_4 = vector.load %arg4[%get3A_2, %get3A_3] : memref<64x1xf32, #tpu.memory_space<vmem>>, vector<64x1xf32>
    %dot_general3A = arith.constant dense<0.000000e+00> : vector<64x1xf32>
    %dot_general3A_5 = tpu.matmul %get3A_1, %get3A_4, %dot_general3A {dimension_numbers = #tpu.dot_dimension_numbers<[1], [0], [0], [1], [0, 0, 1, 1], [], []>, transpose_lhs_hint = false} : vector<64x64xf32>, vector<64x1xf32>, vector<64x1xf32> -> vector<64x1xf32>
    %get3A_6 = arith.constant 0 : index
    %get3A_7 = arith.constant 0 : index
    %get3A_8 = vector.load %arg1[%get3A_6, %get3A_7] : memref<1000x64xf32, #tpu.memory_space<vmem>>, vector<1000x64xf32>
    %get3A_9 = arith.constant 0 : index
    %get3A_10 = arith.constant 0 : index
    %get3A_11 = vector.load %arg2[%get3A_9, %get3A_10] : memref<1000x64xf32, #tpu.memory_space<vmem>>, vector<1000x64xf32>
    %dot_general3A_12 = arith.constant dense<0.000000e+00> : vector<1000x1xf32>
    %dot_general3A_13 = tpu.matmul %get3A_8, %dot_general3A_5, %dot_general3A_12 {dimension_numbers = #tpu.dot_dimension_numbers<[1], [0], [0], [1], [0, 0, 1, 1], [], []>, transpose_lhs_hint = false} : vector<1000x64xf32>, vector<64x1xf32>, vector<1000x1xf32> -> vector<1000x1xf32>
    %dot_general3A_14 = arith.constant dense<0.000000e+00> : vector<1000x1xf32>
    %dot_general3A_15 = tpu.matmul %get3A_11, %dot_general3A_5, %dot_general3A_14 {dimension_numbers = #tpu.dot_dimension_numbers<[1], [0], [0], [1], [0, 0, 1, 1], [], []>, transpose_lhs_hint = false} : vector<1000x64xf32>, vector<64x1xf32>, vector<1000x1xf32> -> vector<1000x1xf32>
    %max3A = arith.maximumf %dot_general3A_13, %dot_general3A_15 : vector<1000x1xf32>
    %sub3A = arith.subf %dot_general3A_13, %max3A : vector<1000x1xf32>
    %exp3A = math.exp %sub3A : vector<1000x1xf32>
    %sub3A_16 = arith.subf %dot_general3A_15, %max3A : vector<1000x1xf32>
    %exp3A_17 = math.exp %sub3A_16 : vector<1000x1xf32>
    %add3A = arith.addf %exp3A, %exp3A_17 : vector<1000x1xf32>
    %div3A = arith.divf %exp3A, %add3A : vector<1000x1xf32>
    %mul3A = vector.broadcast %div3A : vector<1000x1xf32> to vector<1000x64xf32>
    %mul3A_18 = arith.mulf %mul3A, %get3A_8 : vector<1000x64xf32>
    %sub3A_19 = arith.constant 1.000000e+00 : f32
    %sub3A_20 = vector.broadcast %sub3A_19 : f32 to vector<1000x1xf32>
    %sub3A_21 = arith.subf %sub3A_20, %div3A : vector<1000x1xf32>
    %mul3A_22 = vector.broadcast %sub3A_21 : vector<1000x1xf32> to vector<1000x64xf32>
    %mul3A_23 = arith.mulf %mul3A_22, %get3A_11 : vector<1000x64xf32>
    %add3A_24 = arith.addf %mul3A_18, %mul3A_23 : vector<1000x64xf32>
    %broadcast_in_dim3A = arith.constant 0.000000e+00 : f32
    %broadcast_in_dim3A_25 = vector.broadcast %broadcast_in_dim3A : f32 to vector<1000x64xf32>
    %concatenate3A = tpu.concatenate %add3A_24, %broadcast_in_dim3A_25 in 1 : vector<1000x64xf32>, vector<1000x64xf32> -> vector<1000x128xf32>
    %swap3A = arith.constant 0 : index
    %swap3A_26 = arith.constant 0 : index
    %swap3A_27 = vector.load %arg5[%swap3A, %swap3A_26] : memref<1000x128xf32, #tpu.memory_space<vmem>>, vector<1000x128xf32>
    tpu.vector_store %arg5[%swap3A, %swap3A_26], %concatenate3A {strides = array<i32>} : memref<1000x128xf32, #tpu.memory_space<vmem>>, vector<1000x128xf32>,
    return
  }
  func.func @transform_0(%arg0: i32) -> (i32, i32) {
    %c0_i32 = arith.constant 0 : i32
    %c0_i32_0 = arith.constant 0 : i32
    return %arg0, %c0_i32 : i32, i32
  }
  func.func @transform_1(%arg0: i32) -> (i32, i32) {
    %c0_i32 = arith.constant 0 : i32
    %c0_i32_0 = arith.constant 0 : i32
    return %arg0, %c0_i32 : i32, i32
  }
  func.func @transform_2(%arg0: i32) -> (i32, i32) {
    %c0_i32 = arith.constant 0 : i32
    %c0_i32_0 = arith.constant 0 : i32
    %c0_i32_1 = arith.constant 0 : i32
    return %c0_i32, %c0_i32_0 : i32, i32
  }
  func.func @transform_3(%arg0: i32) -> (i32, i32) {
    %c0_i32 = arith.constant 0 : i32
    %c0_i32_0 = arith.constant 0 : i32
    %c0_i32_1 = arith.constant 0 : i32
    return %c0_i32, %c0_i32_0 : i32, i32
  }
  func.func @transform_4(%arg0: i32) -> (i32, i32) {
    %c0_i32 = arith.constant 0 : i32
    %c0_i32_0 = arith.constant 0 : i32
    return %arg0, %c0_i32 : i32, i32
  }
}

</mosaic_0001>

<sc_bundles>
// kernel: kernel.12.cloned.1.call-start
scs
__scs_entry_jumppad:
0x0: {  	(pc) =	sbr.rel $0x88, $3  }
0x1: {  	(tag) =	ssettag $0x0;
	lr =	simm.s32 $0x1  }
0x2: {  	[smem:$0x3F9A] =	sst lr;
	_ =	strace $0xD0000000  }
0x3: {  	_ = 	snop  }
0x4: {  	_ = 	snop  }
0x5: {  	_ = 	snop  }
0x6: {  	_ = 	snop  }
0x7: {  	_ = 	snop  }
__scs_overlays_trampoline_lowered:
0x8: {  	[smem:$0x3FA9] =	sst s0  }
0x9: {  	[smem:$0x3FAA] =	sst s1  }
0xa: {  	[smem:$0x3FAB] =	sst s2  }
0xb: {  	[smem:$0x3FAC] =	sst s3  }
0xc: {  	[smem:$0x3FAD] =	sst s4  }
0xd: {  	[smem:$0x3FAE] =	sst s5  }
0xe: {  	[smem:$0x3FAF] =	sst s6  }
0xf: {  	[smem:$0x3FB0] =	sst s7  }
0x10: {  	[smem:$0x3FB1] =	sst s8  }
0x11: {  	[smem:$0x3FB2] =	sst s9;
	s0 =	simm.s32 @!p0 $0x0  }
0x12: {  	s1 =	sld [smem:$0x3F98];
	s0 =	simm.s32 @p0 $0x1  }
0x13: {  	[smem:$0x3FB3] =	sst s0;
	s0 =	simm.s32 @!p1 $0x0  }
0x14: {  	s2 =	sld [smem:$0x3F97];
	s0 =	simm.s32 @p1 $0x1  }
0x15: {  	[smem:$0x3FB4] =	sst s0;
	s0 =	simm.s32 @!p2 $0x0  }
0x16: {  	s3 =	sld [smem:$0x3FDB];
	s0 =	simm.s32 @p2 $0x1  }
0x17: {  	s4 =	simm.s32 $0x1BF5;
	[smem:$0x3FB6] =	sst s0  }
0x18: {  	s0 =	sld [smem:$0x3F99];
	_ =	swait.ge [sflag:s4], $0x0  }
0x19: {  	s7 =	sld [smem:$0x3F9A]  }
0x1a: {  	s8 =	sadd.s32 $0xFFFFE003, lr  }
0x1b: {  	s9 =	sadd.s32 $0xFFFFFEF7, lr;
	s5 =	simm.s32 $0xFFFFFFFF;
	p2 =	slt.u32 s8, $0xFFFFF086  }
0x1c: {  	p1 =	slt.u32 s9, $0xF7A;
	s5 =	simm.s32 @!p2 $0x0  }
0x1d: {  	s5 =	simm.s32 @p1 $0x1;
	p0 =	seq.s32 s7, s2  }
0x1e: {  	s7 =	smul.u32 @!p0 $0xF7A, s2;
	p2 =	seq.s32 @!p0 s5, $0x0  }
0x1f: {  	s9 =	smul.u32 $0xF7A, s1;
	s8 =	simm.s32 @!p0 $0x1BF5;
	p2 =	por !p2, p0  }
0x20: {  	[sflag:s8] =	ssyncset.s32 @!p0 $0xFFFFF086;
	s6 =	sadd.s32 @!p0 s3, s7;
	s7 =	simm.s32 @!p0 $0x108  }
0x21: {  	s3 =	sadd.s32 s3, s9;
	s6 =	sadd.s32 @!p0 $0x88, s6;
	s7 =	simm.s32 @p2 $0x1082  }
0x22: {  	[simem:s7], [sflag:s8] =	dma.local @!p0 [hbm:s6], $0xF7A  }
0x23: {  	s9 =	sor.u32 $0xD0000000, s2;
	s6 =	simm.s32 $0x108;
	_ =	swait.ge @!p0 [sflag:s8], $0x0  }
0x24: {  	s3 =	sadd.s32 $0x88, s3;
	s6 =	simm.s32 @!p1 $0x1082;
	[sflag:s4] =	ssyncset.s32 $0xFFFFF086  }
0x25: {  	[simem:s6], [sflag:s4] =	dma.local [hbm:s3], $0xF7A  }
0x26: {  	[smem:$0x3F9A] =	sst s1;
	(tag) =	ssettag s2;
	_ =	strace s9  }
0x27: {  	s1 =	sld [smem:$0x3FAA]  }
0x28: {  	s2 =	sld [smem:$0x3FAB]  }
0x29: {  	s4 =	sld [smem:$0x3FAD]  }
0x2a: {  	p0 =	seq.s32 s5, $0x0;
	s5 =	sld [smem:$0x3FAE]  }
0x2b: {  	s6 =	sld [smem:$0x3FAF]  }
0x2c: {  	s7 =	sld [smem:$0x3FB0]  }
0x2d: {  	s3 =	simm.s32 $0x108;
	s8 =	sld [smem:$0x3FB1]  }
0x2e: {  	s3 =	simm.s32 @!p0 $0x1082;
	s9 =	sld [smem:$0x3FB2]  }
0x2f: {  	lr =	sadd.s32 s0, s3;
	s0 =	sld [smem:$0x3FA9]  }
0x30: {  	s3 =	sld [smem:$0x3FAC]  }
0x31: {  	[smem:$0x3FB5] =	sst s10  }
0x32: {  	s10 =	sld [smem:$0x3FB3];
	_ =	sdelay $0x3  }
0x33: {  	p0 =	seq.s32 s10, $0x1;
	s10 =	sld [smem:$0x3FB5];
	_ =	sdelay $0x3  }
0x34: {  	[smem:$0x3FB5] =	sst s10  }
0x35: {  	s10 =	sld [smem:$0x3FB4];
	_ =	sdelay $0x3  }
0x36: {  	p1 =	seq.s32 s10, $0x1;
	s10 =	sld [smem:$0x3FB5];
	_ =	sdelay $0x3  }
0x37: {  	[smem:$0x3FB5] =	sst s10  }
0x38: {  	s10 =	sld [smem:$0x3FB6]  }
0x39: {  	_ = 	snop;
	(pc) =	sbr.ind lr, $3  }
0x3a: {  	_ = 	snop  }
0x3b: {  	_ = 	snop  }
0x3c: {  	p2 =	seq.s32 s10, $0x1;
	s10 =	sld [smem:$0x3FB5]  }
0x3d: {  	_ =	shalt  }
0x3e: {  	_ =	shalt  }
0x3f: {  	_ =	shalt  }
0x40: {  	_ =	shalt  }
0x41: {  	_ =	shalt  }
0x42: {  	_ =	shalt  }
0x43: {  	_ =	shalt  }
0x44: {  	_ =	shalt  }
0x45: {  	_ =	shalt  }
0x46: {  	_ =	shalt  }
0x47: {  	_ =	shalt  }
0x48: {  	_ =	shalt  }
0x49: {  	_ =	shalt  }
0x4a: {  	_ =	shalt  }
0x4b: {  	_ =	shalt  }
0x4c: {  	_ =	shalt  }
0x4d: {  	_ =	shalt  }
0x4e: {  	_ =	shalt  }
0x4f: {  	_ =	shalt  }
0x50: {  	_ =	shalt  }
0x51: {  	_ =	shalt  }
0x52: {  	_ =	shalt  }
0x53: {  	_ =	shalt  }
0x54: {  	_ =	shalt  }
0x55: {  	_ =	shalt  }
0x56: {  	_ =	shalt  }
0x57: {  	_ =	shalt  }
0x58: {  	_ =	shalt  }
0x59: {  	_ =	shalt  }
0x5a: {  	_ =	shalt  }
0x5b: {  	_ =	shalt  }
0x5c: {  	_ =	shalt  }
0x5d: {  	_ =	shalt  }
0x5e: {  	_ =	shalt  }
0x5f: {  	_ =	shalt  }
0x60: {  	_ =	shalt  }
0x61: {  	_ =	shalt  }
0x62: {  	_ =	shalt  }
0x63: {  	_ =	shalt  }
0x64: {  	_ =	shalt  }
0x65: {  	_ =	shalt  }
0x66: {  	_ =	shalt  }
0x67: {  	_ =	shalt  }
0x68: {  	_ =	shalt  }
0x69: {  	_ =	shalt  }
0x6a: {  	_ =	shalt  }
0x6b: {  	_ =	shalt  }
0x6c: {  	_ =	shalt  }
0x6d: {  	_ =	shalt  }
0x6e: {  	_ =	shalt  }
0x6f: {  	_ =	shalt  }
0x70: {  	_ =	shalt  }
0x71: {  	_ =	shalt  }
0x72: {  	_ =	shalt  }
0x73: {  	_ =	shalt  }
0x74: {  	_ =	shalt  }
0x75: {  	_ =	shalt  }
0x76: {  	_ =	shalt  }
0x77: {  	_ =	shalt  }
0x78: {  	_ =	shalt  }
0x79: {  	_ =	shalt  }
0x7a: {  	_ =	shalt  }
0x7b: {  	_ =	shalt  }
0x7c: {  	_ =	shalt  }
0x7d: {  	_ =	shalt  }
0x7e: {  	_ =	shalt  }
0x7f: {  	_ =	shalt  }
0x80: {  	_ =	shalt  }
0x81: {  	_ =	shalt  }
0x82: {  	_ =	shalt  }
0x83: {  	_ =	shalt  }
0x84: {  	_ =	shalt  }
0x85: {  	_ =	shalt  }
0x86: {  	_ =	shalt  }
0x87: {  	_ =	shalt  }
.Lfunc_end0:
.L_simem_size_0:
called_computation.1_lowered:
.L_overlay_start_0:
0x88: {  	s2 =	sld [smem:$0x3FD9]  }
0x89: {  	s3 =	sld [smem:$0x3FFE];
	_ =	sdelay $0x1  }
0x8a: {  	s1 =	srdreg.scid  }
0x8b: {  	s0 =	sand.u32 $0x1, s1  }
0x8c: {  	s14 =	sshll.u32 s0, $0xA;
	s2 =	sadd.s32 s3, s2  }
0x8d: {  	s2 =	sadd.s32 s2, s14  }
0x8e: {  	[smem:$0x3FC1] =	sst s2  }
0x8f: {  	_ = 	snop  }
0x90: {  	s2 =	sld [smem:$0x3FD0];
	_ =	sdelay $0x2  }
0x91: {  	s15 =	simm.s32 $0xA;
	s4 =	simm.s32 $0x10  }
0x92: {  	[smem:s4], [sflag:s15] =	dma.local [hbm:s2], $0x1  }
0x93: {  	_ =	swait.eq [sflag:s15], $0x1  }
0x94: {  	[sflag:s15] =	ssyncset.done $0x0  }
0x95: {  	s16 =	sld [smem:$0x11];
	[sflag:s15] =	ssyncadd.s32 $0xFFFFFFFF  }
0x96: {  	s17 =	sld [smem:$0x12];
	(tm) =	ssettm $0x1  }
0x97: {  	s18 =	sld [smem:$0x3FFB];
	_ =	sdelay $0x3  }
0x98: {  	_ =	strace s18  }
0x99: {  	s4 =	sld [smem:$0x3FFC];
	_ =	sdelay $0x3  }
0x9a: {  	_ =	strace s4  }
0x9b: {  	s4 =	sld [smem:$0x3FFD];
	_ =	sdelay $0x3  }
0x9c: {  	_ =	strace s4  }
0x9d: {  	_ =	strace $0x8FFFFFFF  }
0x9e: {  	s19 =	sld [smem:$0x3FDB];
	_ =	sdelay $0x1  }
0x9f: {  	s5 =	simm.s32 $_scs_section_size  }
0xa0: {  	s6 =	simm.s32 $_size__tile_overlayer_lowered;
	s7 =	simm.s32 $_tile_overlayer_lowered  }
0xa1: {  	s22 =	simm.s32 $0x1BFF;
	s21 =	sshll.u32 s7, $0x1;
	s4 =	sadd.s32 s5, s19  }
0xa2: {  	s8 =	simm.s32 $0x0;
	s20 =	sshll.u32 s6, $0x1;
	s6 =	sadd.s32 s21, s4  }
0xa3: {  	[timem:s8], [sflag:s22] =	dma.local [hbm:s6], s20  }
0xa4: {  	_ =	swait.ge [sflag:s22], s20  }
0xa5: {  	s5 =	ssub.s32 $0x0, s20;
	[sflag:s22] =	ssyncset.done $0x0  }
0xa6: {  	[sflag:s22] =	ssyncadd.s32 s5;
	_ =	sdelay $0x1  }
0xa7: {  	s23 =	simm.s32 $0x1B8B  }
0xa8: {  	_ =	swait.ge [sflag:s23], $0x1  }
0xa9: {  	[sflag:s23] =	ssyncset.done $0x0  }
0xaa: {  	s25 =	simm.s32 $0x1B8E;
	s24 =	sld [smem:$0x3FFE];
	[sflag:s23] =	ssyncadd.s32 $0xFFFFFFFF  }
0xab: {  	s26 =	simm.s32 $execute0_lowered;
	[smem:$0x3FD2] =	sst s25  }
0xac: {  	s6 =	sshll.u32 s26, $0x1;
	_ =	strace $0x80000049;
	[dreg:$0x1] =	wrdreg $0xFFFFFFFF  }
0xad: {  	s28 =	simm.s32 $_size_execute0_lowered;
	s4 =	sadd.s32 s4, s6;
	[dreg:$0x0] =	wrdreg $0x0  }
0xae: {  	s6 =	sshll.u32 s28, $0x1;
	[dreg:$0x2] =	wrdreg s4  }
0xaf: {  	[dreg:$0x3] =	wrdreg s6  }
0xb0: {  	[dreg:$0x4] =	wrdreg $0xC0  }
0xb1: {  	_ =	task [dreg:s8], $0x5FFFF  }
0xb2: {  	[dreg:$0x1] =	wrdreg $0xFFFFFFFF  }
0xb3: {  	[dreg:$0x0] =	wrdreg $0x60  }
0xb4: {  	[dreg:$0x2] =	wrdreg s24  }
0xb5: {  	[dreg:$0x3] =	wrdreg s17  }
0xb6: {  	[dreg:$0x4] =	wrdreg s16  }
0xb7: {  	[dreg:$0x5] =	wrdreg $0x9  }
0xb8: {  	_ =	task.clear_ibuf [dreg:s8], $0x6FFFF;
	_ =	strace $0x90000049  }
0xb9: {  	s29 =	simm.s32 $0x9;
	_ =	strace $0x8000004B  }
0xba: {  	_ =	swait.ge [sflag:s29], $0x1  }
0xbb: {  	[sflag:s29] =	ssyncadd.s32 $0xFFFFFFFF  }
0xbc: {  	_ =	strace $0x9000004B  }
0xbd: {  	_ =	sfence  }
0xbe: {  	s30 =	sld [smem:$0x0];
	_ =	sdelay $0x2  }
0xbf: {  	s31 =	sshll.u32 s1, $0xD;
	s1 =	sshrl.u32 s1, $0x2  }
0xc0: {  	s3 =	sand.u32 $0x4000, s31;
	s1 =	sadd.s32 s1, s30  }
0xc1: {  	s0 =	sor.u32 s3, s0;
	s1 =	sshll.u32 s1, $0x11  }
0xc2: {  	s0 =	sor.u32 s1, s0  }
0xc3: {  	s0 =	sadd.s32 $0x8F2B, s0  }
0xc4: {  	[sflag:s0] =	ssyncadd.remote.s32 $0x1  }
0xc5: {  	_ =	sfence.sel $0xFFFF  }
0xc6: {  	[dreg:$0x0] =	wrdreg $0xFFFFFFFF;
	(pc) =	sbr.abs _section_cstart, $3  }
0xc7: {  	[dreg:$0x1] =	wrdreg $0xFFFFFFFF  }
0xc8: {  	_ =	task.clear_ibuf [dreg:s8], $0x2FFFF;
	_ =	strace $0x9FFFFFFF  }
0xc9: {  	(tm) =	ssettm $0x7FFFFFFF  }
tec
execute0_lowered:
.L_overlay_start_1:
0x0: {  	(tag) =	ssettag $0x1  }
0x1: {  	s7 =	rddreg [dreg:$0x0]  }
0x2: {  	s13 =	rddreg [dreg:$0x1]  }
0x3: {  	s10 =	rddreg [dreg:$0x2];
	s1 =	srdreg.scid  }
0x4: {  	s0 =	rddreg [dreg:$0x3];
	s2 =	simm.s32 $0x0;
	s18 =	simm.s32 $0x1  }
0x5: {  	s19 =	simm.s32 $0x1AE80;
	s20 =	simm.s32 $0xC380;
	s21 =	simm.s32 $0x2  }
0x6: {  	s22 =	simm.s32 $0x1D600;
	s23 =	simm.s32 $0x3;
	s24 =	simm.s32 $0x0  }
0x7: {  	s8 =	sand.u32 $0x1, s1;
	[smem:$0x7FF] =	sst s2;
	s1 =	stileid.u32  }
0x8: {  	s9 =	sadd.s32 $0x63600, s7;
	s4 =	sadd.s32 $0x1600, s7;
	s3 =	sshll.u32 s8, $0x4  }
0x9: {  	s5 =	sadd.s32 $0x4AE00, s7;
	s6 =	sadd.s32 $0x3000, s7;
	s11 =	sor.u32 s1, s3  }
0xa: {  	s16 =	sadd.s32 $0xC5200, s7;
	s8 =	ssub.s32 $0x2, s8;
	s12 =	smul.u32 $0x186A0, s11  }
0xb: {  	_ =	strace $0x8000004A;
	s14 =	sshrl.u32 s8, $0x1;
	s15 =	smul.u32 $0x30D4, s11  }
0xc: {  	s3 =	sadd.s32 $0x32600, s7;
	s17 =	ssub.s32 s8, s14;
	s30 =	sshrl.u32 s12, $0x3  }
0xd: {  	s7 =	sadd.s32 s9, s15;
	s8 =	sadd.s32 s10, s15;
	s11 =	sadd.s32 s13, s15  }
0xe: {  	s12 =	sadd.s32 s16, s15;
	s15 =	smax.u32 s17, $0x1;
	s31 =	sadd.s32 $0x186A, s30  }
0xf: {  	s17 =	simm.s32 $0x4;
	s9 =	sadd.s32 s9, s31;
	s10 =	sadd.s32 s10, s31  }
0x10: {  	v0 =	vimm.f32 $0.0e+00;
	s13 =	sadd.s32 s13, s31;
	s14 =	sadd.s32 s16, s31;
	s16 =	simm.s32 $0x18700  }
.LBB2_1:
0x11: {  	[tilespmem:s16], [sflag:$0x1] =	stream.linear.gather [hbm4b:s3+s2], $0x2710, $0x38;
	[tilespmem:$0x1FD80] =	vst v63  }
0x12: {  	_ = 	snop  }
0x13: {  	[tilespmem:s2], [sflag:$0x4] =	stream.linear.gather [hbm4b:s7+s2], $0xC350, $0x38;
	[tilespmem:$0x1FD80] =	vst v63  }
0x14: {  	_ =	swait.ge [sflag:s17], $0xC350  }
0x15: {  	[sflag:s17] =	ssyncset.done $0x0  }
0x16: {  	s25 =	simm.s32 $0xC3A0;
	[sflag:s17] =	ssyncadd.s32 $0xFFFF3CB0  }
0x17: {  	[tilespmem:s25+$0xFFFFFFE0] =	vst v0  }
0x18: {  	[tilespmem:s25+$0x20] =	vst v0  }
0x19: {  	[tilespmem:s25+$0x10] =	vst v0  }
0x1a: {  	s26 =	simm.s32 $0x0;
	[tilespmem:s25+$0x0] =	vst v0  }
.LBB2_2:
0x1b: {  	s26 =	sadd.s32 $0x5, s26  }
0x1c: {  	[tilespmem:s25+$0xFFFFFFF0] =	vst v0;
	s25 =	sadd.s32 $0x50, s25;
	p0 =	slt.u32 s26, $0xC30  }
.Ltmp0:
0x1d: {  	[tilespmem:s25+$0xFFFFFFE0] =	vst v0;
	(pc) =	sbr.rel @p0 .LBB2_2-.Ltmp0, $4  }
0x1e: {  	_ = 	snop  }
0x1f: {  	[tilespmem:s25+$0x20] =	vst v0  }
0x20: {  	[tilespmem:s25+$0x10] =	vst v0  }
0x21: {  	[tilespmem:s25+$0x0] =	vst v0  }
0x22: {  	[tilespmem:s25+$0xFFFFFFF0] =	vst v0;
	s25 =	simm.s32 $0x0  }
.LBB2_4:
0x23: {  	s26 =	smul.u32 $0x4E20, s25;
	_ =	sdelay $0x1  }
0x24: {  	_ =	swait.ge [sflag:s18], $0x2710;
	s28 =	sshrl.u32 s26, $0x3  }
0x25: {  	[sflag:s18] =	ssyncset.done $0x0;
	s28 =	sadd.s32 s3, s28  }
0x26: {  	[sflag:s18] =	ssyncadd.s32 $0xFFFFD8F0;
	s28 =	sadd.s32 $0x4E2, s28  }
0x27: {  	[tilespmem:s19], [sflag:$0x2] =	stream.linear.gather [hbm4b:s28+s2], $0x2710, $0x38;
	[tilespmem:$0x1FD80] =	vst v63  }
0x28: {  	s28 =	simm.s32 $0x18720  }
0x29: {  	v1 =	vld [tilespmem:s28+$0x20];
	_ =	sdelay $0x1  }
0x2a: {  	v2 =	vld [tilespmem:s28+$0xFFFFFFF0]  }
0x2b: {  	v3 =	vld [tilespmem:s28+$0x0]  }
0x2c: {  	v4 =	vld [tilespmem:s28+$0x10]  }
0x2d: {  	v8 =	vld [tilespmem:s28+$0xFFFFFFE0];
	s28 =	simm.s32 $0x18770;
	v5 =	vand.u32 $0xFFFF, v1  }
0x2e: {  	v12 =	vld [tilespmem:s28+$0x20]  }
0x2f: {  	v13 =	vld [tilespmem:s28+$0xFFFFFFF0];
	v6 =	vand.u32 $0xFFFF, v2  }
0x30: {  	v14 =	vld [tilespmem:s28+$0x0];
	v7 =	vand.u32 $0xFFFF, v3  }
0x31: {  	v15 =	vld [tilespmem:s28+$0x10];
	v9 =	vand.u32 $0xFFFF, v4  }
0x32: {  	v1 =	vshrl.u32 v1, $0x10;
	v5 =	vld.idx.msk [tilespmem:v5+s2+$0x0], $0xffff  }
0x33: {  	v16 =	vld [tilespmem:s28+$0xFFFFFFE0];
	v10 =	vand.u32 $0xFFFF, v8  }
0x34: {  	v2 =	vshrl.u32 v2, $0x10;
	v6 =	vld.idx.msk [tilespmem:v6+s2+$0x0], $0xffff  }
0x35: {  	v3 =	vshrl.u32 v3, $0x10;
	v7 =	vld.idx.msk [tilespmem:v7+s2+$0x0], $0xffff  }
0x36: {  	v4 =	vshrl.u32 v4, $0x10;
	v9 =	vld.idx.msk [tilespmem:v9+s2+$0x0], $0xffff  }
0x37: {  	[tilespmem:v1+s20+$0x0] =	vst.idx.add.f32.msk $0xffff, v5;
	v1 =	vand.u32 $0xFFFF, v12  }
0x38: {  	v17 =	vand.u32 $0xFFFF, v14;
	v5 =	vld.idx.msk [tilespmem:v10+s2+$0x0], $0xffff  }
0x39: {  	v18 =	vand.u32 $0xFFFF, v15;
	[tilespmem:v2+s20+$0x0] =	vst.idx.add.f32.msk $0xffff, v6  }
0x3a: {  	v10 =	vand.u32 $0xFFFF, v13;
	[tilespmem:v3+s20+$0x0] =	vst.idx.add.f32.msk $0xffff, v7  }
0x3b: {  	[tilespmem:v4+s20+$0x0] =	vst.idx.add.f32.msk $0xffff, v9  }
0x3c: {  	v12 =	vshrl.u32 v12, $0x10;
	v11 =	vld.idx.msk [tilespmem:v1+s2+$0x0], $0xffff  }
0x3d: {  	v9 =	vld.idx.msk [tilespmem:v17+s2+$0x0], $0xffff  }
0x3e: {  	v2 =	vshrl.u32 v13, $0x10;
	v3 =	vshrl.u32 v14, $0x10;
	v4 =	vshrl.u32 v15, $0x10;
	v7 =	vld.idx.msk [tilespmem:v18+s2+$0x0], $0xffff  }
0x3f: {  	s29 =	simm.s32 $0x187C0;
	s28 =	simm.s32 $0x5;
	v6 =	vshrl.u32 v16, $0x10;
	v1 =	vshrl.u32 v8, $0x10;
	v8 =	vld.idx.msk [tilespmem:v10+s2+$0x0], $0xffff;
	v10 =	vand.u32 $0xFFFF, v16  }
.LBB2_5:
0x40: {  	v13 =	vld [tilespmem:s29+$0x20];
	s28 =	sadd.s32 $0x5, s28  }
0x41: {  	p0 =	slt.u32 s28, $0x26C;
	[tilespmem:v12+s20+$0x0] =	vst.idx.add.f32.msk $0xffff, v11  }
0x42: {  	v11 =	vld [tilespmem:s29+$0xFFFFFFF0]  }
0x43: {  	v12 =	vld [tilespmem:s29+$0x0]  }
0x44: {  	v14 =	vld [tilespmem:s29+$0x10]  }
0x45: {  	v15 =	vld [tilespmem:s29+$0xFFFFFFE0];
	v16 =	vand.u32 $0xFFFF, v13  }
0x46: {  	v17 =	vld.idx.msk [tilespmem:v10+s2+$0x0], $0xffff  }
0x47: {  	v10 =	vshrl.u32 v11, $0x10;
	v18 =	vand.u32 $0xFFFF, v11;
	[tilespmem:v1+s20+$0x0] =	vst.idx.add.f32.msk $0xffff, v5;
	v1 =	vmov v6  }
0x48: {  	v5 =	vshrl.u32 v12, $0x10;
	v19 =	vand.u32 $0xFFFF, v12;
	[tilespmem:v2+s20+$0x0] =	vst.idx.add.f32.msk $0xffff, v8;
	v2 =	vmov v10  }
0x49: {  	v8 =	vshrl.u32 v14, $0x10;
	v14 =	vand.u32 $0xFFFF, v14;
	[tilespmem:v3+s20+$0x0] =	vst.idx.add.f32.msk $0xffff, v9;
	v3 =	vmov v5  }
.Ltmp1:
0x4a: {  	v6 =	vshrl.u32 v15, $0x10;
	v10 =	vand.u32 $0xFFFF, v15;
	v11 =	vld.idx.msk [tilespmem:v16+s2+$0x0], $0xffff;
	(pc) =	sbr.rel @p0 .LBB2_5-.Ltmp1, $4  }
0x4b: {  	v12 =	vshrl.u32 v13, $0x10;
	[tilespmem:v4+s20+$0x0] =	vst.idx.add.f32.msk $0xffff, v7;
	v4 =	vmov v8  }
0x4c: {  	v5 =	vmov v17;
	v8 =	vld.idx.msk [tilespmem:v18+s2+$0x0], $0xffff  }
0x4d: {  	v9 =	vld.idx.msk [tilespmem:v19+s2+$0x0], $0xffff  }
0x4e: {  	s29 =	sadd.s32 $0x50, s29;
	v7 =	vld.idx.msk [tilespmem:v14+s2+$0x0], $0xffff  }
0x4f: {  	_ =	sdelay $0x3  }
0x50: {  	[tilespmem:v12+s20+$0x0] =	vst.idx.add.f32.msk $0xffff, v11  }
0x51: {  	v10 =	vld.idx.msk [tilespmem:v10+s2+$0x0], $0xffff  }
0x52: {  	[tilespmem:v1+s20+$0x0] =	vst.idx.add.f32.msk $0xffff, v5  }
0x53: {  	[tilespmem:v2+s20+$0x0] =	vst.idx.add.f32.msk $0xffff, v8  }
0x54: {  	[tilespmem:v3+s20+$0x0] =	vst.idx.add.f32.msk $0xffff, v9  }
0x55: {  	[tilespmem:v4+s20+$0x0] =	vst.idx.add.f32.msk $0xffff, v7  }
0x56: {  	p0 =	seq.s32 s25, $0x27;
	[tilespmem:v6+s20+$0x0] =	vst.idx.add.f32.msk $0xffff, v10  }
0x57: {  	s30 =	simm.s32 $0x1AEA0;
	s26 =	sshrl.u32 @!p0 s26, $0x3;
	_ =	swait.ge [sflag:s21], $0x2710  }
0x58: {  	s28 =	simm.s32 @!p0 $0x0;
	s26 =	sadd.s32 @!p0 s3, s26;
	[sflag:s21] =	ssyncset.done $0x0  }
0x59: {  	s29 =	simm.s32 @!p0 $0x18700;
	s26 =	sadd.s32 @!p0 $0x9C4, s26;
	[sflag:s21] =	ssyncadd.s32 $0xFFFFD8F0  }
0x5a: {  	[tilespmem:s29], [sflag:$0x1] =	stream.linear.gather @!p0 [hbm4b:s26+s28], $0x2710, $0x38;
	[tilespmem:$0x1FD80] =	vst v63  }
0x5b: {  	v1 =	vld [tilespmem:s30+$0x20]  }
0x5c: {  	v2 =	vld [tilespmem:s30+$0xFFFFFFF0];
	_ =	sdelay $0x1  }
0x5d: {  	v3 =	vld [tilespmem:s30+$0x0]  }
0x5e: {  	v4 =	vld [tilespmem:s30+$0x10]  }
0x5f: {  	s31 =	simm.s32 $0x1AEF0;
	v8 =	vld [tilespmem:s30+$0xFFFFFFE0];
	v5 =	vand.u32 $0xFFFF, v1  }
0x60: {  	v12 =	vld [tilespmem:s31+$0x20];
	v6 =	vand.u32 $0xFFFF, v2  }
0x61: {  	v13 =	vld [tilespmem:s31+$0xFFFFFFF0]  }
0x62: {  	v14 =	vld [tilespmem:s31+$0x0];
	v7 =	vand.u32 $0xFFFF, v3  }
0x63: {  	v15 =	vld [tilespmem:s31+$0x10];
	v9 =	vand.u32 $0xFFFF, v4  }
0x64: {  	v1 =	vshrl.u32 v1, $0x10;
	v5 =	vld.idx.msk [tilespmem:v5+s2+$0x0], $0xffff  }
0x65: {  	v10 =	vld.idx.msk [tilespmem:v6+s2+$0x0], $0xffff;
	v6 =	vand.u32 $0xFFFF, v8  }
0x66: {  	v16 =	vld [tilespmem:s31+$0xFFFFFFE0];
	v2 =	vshrl.u32 v2, $0x10  }
0x67: {  	v3 =	vshrl.u32 v3, $0x10;
	v7 =	vld.idx.msk [tilespmem:v7+s2+$0x0], $0xffff  }
0x68: {  	v4 =	vshrl.u32 v4, $0x10;
	v9 =	vld.idx.msk [tilespmem:v9+s2+$0x0], $0xffff  }
0x69: {  	[tilespmem:v1+s20+$0x0] =	vst.idx.add.f32.msk $0xffff, v5;
	v1 =	vand.u32 $0xFFFF, v12  }
0x6a: {  	v17 =	vand.u32 $0xFFFF, v14;
	v6 =	vld.idx.msk [tilespmem:v6+s2+$0x0], $0xffff  }
0x6b: {  	v18 =	vand.u32 $0xFFFF, v15;
	[tilespmem:v2+s20+$0x0] =	vst.idx.add.f32.msk $0xffff, v10  }
0x6c: {  	v5 =	vand.u32 $0xFFFF, v13;
	[tilespmem:v3+s20+$0x0] =	vst.idx.add.f32.msk $0xffff, v7  }
0x6d: {  	[tilespmem:v4+s20+$0x0] =	vst.idx.add.f32.msk $0xffff, v9  }
0x6e: {  	v12 =	vshrl.u32 v12, $0x10;
	v11 =	vld.idx.msk [tilespmem:v1+s2+$0x0], $0xffff  }
0x6f: {  	v9 =	vld.idx.msk [tilespmem:v17+s2+$0x0], $0xffff  }
0x70: {  	v3 =	vshrl.u32 v13, $0x10;
	v4 =	vshrl.u32 v14, $0x10;
	v2 =	vshrl.u32 v15, $0x10;
	v7 =	vld.idx.msk [tilespmem:v18+s2+$0x0], $0xffff  }
0x71: {  	s26 =	simm.s32 $0x5;
	s28 =	simm.s32 $0x1AF40;
	v10 =	vand.u32 $0xFFFF, v16;
	v1 =	vshrl.u32 v8, $0x10;
	v8 =	vld.idx.msk [tilespmem:v5+s2+$0x0], $0xffff;
	v5 =	vshrl.u32 v16, $0x10  }
.LBB2_7:
0x72: {  	v13 =	vld [tilespmem:s28+$0x20];
	s26 =	sadd.s32 $0x5, s26  }
0x73: {  	p0 =	slt.u32 s26, $0x26C;
	[tilespmem:v12+s20+$0x0] =	vst.idx.add.f32.msk $0xffff, v11  }
0x74: {  	v11 =	vld [tilespmem:s28+$0xFFFFFFF0]  }
0x75: {  	v12 =	vld [tilespmem:s28+$0x0]  }
0x76: {  	v14 =	vld [tilespmem:s28+$0x10]  }
0x77: {  	v15 =	vld [tilespmem:s28+$0xFFFFFFE0];
	v16 =	vand.u32 $0xFFFF, v13  }
0x78: {  	v17 =	vld.idx.msk [tilespmem:v10+s2+$0x0], $0xffff  }
0x79: {  	v10 =	vshrl.u32 v11, $0x10;
	v18 =	vand.u32 $0xFFFF, v11;
	[tilespmem:v1+s20+$0x0] =	vst.idx.add.f32.msk $0xffff, v6;
	v1 =	vmov v5  }
0x7a: {  	v5 =	vshrl.u32 v12, $0x10;
	v19 =	vand.u32 $0xFFFF, v12;
	[tilespmem:v3+s20+$0x0] =	vst.idx.add.f32.msk $0xffff, v8;
	v3 =	vmov v10  }
0x7b: {  	v6 =	vshrl.u32 v14, $0x10;
	v14 =	vand.u32 $0xFFFF, v14;
	[tilespmem:v4+s20+$0x0] =	vst.idx.add.f32.msk $0xffff, v9;
	v4 =	vmov v5  }
.Ltmp2:
0x7c: {  	v5 =	vshrl.u32 v15, $0x10;
	v10 =	vand.u32 $0xFFFF, v15;
	v11 =	vld.idx.msk [tilespmem:v16+s2+$0x0], $0xffff;
	(pc) =	sbr.rel @p0 .LBB2_7-.Ltmp2, $4  }
0x7d: {  	v12 =	vshrl.u32 v13, $0x10;
	[tilespmem:v2+s20+$0x0] =	vst.idx.add.f32.msk $0xffff, v7;
	v2 =	vmov v6  }
0x7e: {  	v8 =	vld.idx.msk [tilespmem:v18+s2+$0x0], $0xffff;
	v6 =	vmov v17  }
0x7f: {  	v9 =	vld.idx.msk [tilespmem:v19+s2+$0x0], $0xffff  }
0x80: {  	s28 =	sadd.s32 $0x50, s28;
	v7 =	vld.idx.msk [tilespmem:v14+s2+$0x0], $0xffff  }
0x81: {  	_ =	sdelay $0x3  }
0x82: {  	[tilespmem:v12+s20+$0x0] =	vst.idx.add.f32.msk $0xffff, v11;
	s25 =	sadd.s32 $0x1, s25  }
0x83: {  	v10 =	vld.idx.msk [tilespmem:v10+s2+$0x0], $0xffff;
	p0 =	sne.s32 s25, $0x28  }
.Ltmp3:
0x84: {  	[tilespmem:v1+s20+$0x0] =	vst.idx.add.f32.msk $0xffff, v6;
	(pc) =	sbr.rel @p0 .LBB2_4-.Ltmp3, $4  }
0x85: {  	[tilespmem:v3+s20+$0x0] =	vst.idx.add.f32.msk $0xffff, v8  }
0x86: {  	[tilespmem:v4+s20+$0x0] =	vst.idx.add.f32.msk $0xffff, v9  }
0x87: {  	[tilespmem:v2+s20+$0x0] =	vst.idx.add.f32.msk $0xffff, v7  }
0x88: {  	[tilespmem:v5+s20+$0x0] =	vst.idx.add.f32.msk $0xffff, v10  }
0x89: {  	s25 =	simm.s32 $0x0;
	s26 =	simm.s32 $0xC3A0  }
.LBB2_10:
0x8a: {  	s28 =	smul.u32 $0x2710, s25;
	_ =	sdelay $0x1  }
0x8b: {  	s28 =	sshrl.u32 s28, $0x3  }
0x8c: {  	s28 =	sadd.s32 s4, s28  }
0x8d: {  	[tilespmem:s22], [sflag:$0x4] =	stream.linear.gather [hbm4b:s28+s2], $0x2710, $0x38;
	[tilespmem:$0x1FD80] =	vst v63  }
0x8e: {  	_ =	swait.ge [sflag:s17], $0x2710  }
0x8f: {  	[sflag:s17] =	ssyncset.done $0x0  }
0x90: {  	[sflag:s17] =	ssyncadd.s32 $0xFFFFD8F0  }
0x91: {  	s28 =	simm.s32 $0x1D620;
	v3 =	vld [tilespmem:s26+$0x20]  }
0x92: {  	v5 =	vld [tilespmem:s28+$0x20]  }
0x93: {  	v1 =	vld [tilespmem:s28+$0xFFFFFFE0]  }
0x94: {  	v7 =	vld [tilespmem:s26+$0xFFFFFFF0]  }
0x95: {  	v8 =	vld [tilespmem:s28+$0xFFFFFFF0]  }
0x96: {  	v2 =	vld [tilespmem:s26+$0x0]  }
0x97: {  	v4 =	vld [tilespmem:s28+$0x0]  }
0x98: {  	v6 =	vmul.f32 v5, v3;
	v3 =	vld [tilespmem:s26+$0x10]  }
0x99: {  	v5 =	vld [tilespmem:s28+$0x10]  }
0x9a: {  	s30 =	simm.s32 $0x0;
	s31 =	sadd.s32 $0x50, s26;
	s29 =	smov.u32 s26;
	v7 =	vmul.f32 v8, v7;
	[tilespmem:s26+$0x20] =	vst v6;
	v6 =	vld [tilespmem:s26+$0xFFFFFFE0]  }
.LBB2_11:
0x9b: {  	v8 =	vld [tilespmem:s31+$0x20];
	s28 =	sadd.s32 $0x50, s28  }
0x9c: {  	s30 =	sadd.s32 $0x5, s30;
	v9 =	vld [tilespmem:s28+$0x20];
	[tilespmem:s29+$0xFFFFFFF0] =	vst v7;
	v2 =	vmul.f32 v4, v2  }
0x9d: {  	p0 =	slt.u32 s30, $0x26C;
	v7 =	vld [tilespmem:s28+$0xFFFFFFE0]  }
0x9e: {  	v10 =	vld [tilespmem:s31+$0xFFFFFFF0];
	[tilespmem:s29+$0x0] =	vst v2;
	v3 =	vmul.f32 v5, v3  }
0x9f: {  	v11 =	vld [tilespmem:s28+$0xFFFFFFF0];
	v5 =	vmul.f32 v1, v6  }
.Ltmp4:
0xa0: {  	v2 =	vld [tilespmem:s31+$0x0];
	[tilespmem:s29+$0x10] =	vst v3;
	(pc) =	sbr.rel @p0 .LBB2_11-.Ltmp4, $4  }
0xa1: {  	v4 =	vld [tilespmem:s28+$0x0];
	v6 =	vmul.f32 v9, v8;
	[tilespmem:s29+$0xFFFFFFE0] =	vst v5;
	s29 =	smov.u32 s31  }
0xa2: {  	v3 =	vld [tilespmem:s31+$0x10];
	v1 =	vmov v7  }
0xa3: {  	v5 =	vld [tilespmem:s28+$0x10];
	[tilespmem:s31+$0x20] =	vst v6  }
0xa4: {  	s31 =	sadd.s32 $0x50, s31;
	v6 =	vld [tilespmem:s29+$0xFFFFFFE0];
	v7 =	vmul.f32 v11, v10  }
0xa5: {  	s25 =	sadd.s32 $0x1, s25  }
0xa6: {  	p0 =	sne.s32 s25, $0x5  }
.Ltmp5:
0xa7: {  	v2 =	vmul.f32 v4, v2;
	(pc) =	sbr.rel @p0 .LBB2_10-.Ltmp5, $4  }
0xa8: {  	[tilespmem:s29+$0xFFFFFFF0] =	vst v7;
	v3 =	vmul.f32 v5, v3  }
0xa9: {  	[tilespmem:s29+$0x0] =	vst v2;
	v1 =	vmul.f32 v1, v6  }
0xaa: {  	[tilespmem:s29+$0x10] =	vst v3  }
0xab: {  	s26 =	sadd.s32 $0x2710, s26;
	[tilespmem:s29+$0xFFFFFFE0] =	vst v1  }
0xac: {  	[hbm4b:s8+s2] =	stream.linear.scatter [tilespmem:s20], [sflag:$0x3], $0xC350, $0x38;
	[tilespmem:$0x1FD80] =	vst v63  }
0xad: {  	_ = 	snop  }
0xae: {  	[tilespmem:s16], [sflag:$0x1] =	stream.linear.gather [hbm4b:s3+s2], $0x2710, $0x38;
	[tilespmem:$0x1FD80] =	vst v63  }
0xaf: {  	_ = 	snop  }
0xb0: {  	[tilespmem:s2], [sflag:$0x4] =	stream.linear.gather [hbm4b:s9+s2], $0xC350, $0x38;
	[tilespmem:$0x1FD80] =	vst v63  }
0xb1: {  	_ =	swait.ge [sflag:s17], $0xC350  }
0xb2: {  	[sflag:s17] =	ssyncset.done $0x0  }
0xb3: {  	[sflag:s17] =	ssyncadd.s32 $0xFFFF3CB0  }
0xb4: {  	_ =	swait.ge [sflag:s23], $0xC350  }
0xb5: {  	[sflag:s23] =	ssyncset.done $0x0  }
0xb6: {  	s25 =	simm.s32 $0xC3A0;
	[sflag:s23] =	ssyncadd.s32 $0xFFFF3CB0  }
0xb7: {  	[tilespmem:s25+$0xFFFFFFE0] =	vst v0  }
0xb8: {  	[tilespmem:s25+$0x20] =	vst v0  }
0xb9: {  	[tilespmem:s25+$0x10] =	vst v0  }
0xba: {  	s26 =	simm.s32 $0x0;
	[tilespmem:s25+$0x0] =	vst v0  }
.LBB2_14:
0xbb: {  	s26 =	sadd.s32 $0x5, s26  }
0xbc: {  	[tilespmem:s25+$0xFFFFFFF0] =	vst v0;
	s25 =	sadd.s32 $0x50, s25;
	p0 =	slt.u32 s26, $0xC30  }
.Ltmp6:
0xbd: {  	[tilespmem:s25+$0xFFFFFFE0] =	vst v0;
	(pc) =	sbr.rel @p0 .LBB2_14-.Ltmp6, $4  }
0xbe: {  	_ = 	snop  }
0xbf: {  	[tilespmem:s25+$0x20] =	vst v0  }
0xc0: {  	[tilespmem:s25+$0x10] =	vst v0  }
0xc1: {  	[tilespmem:s25+$0x0] =	vst v0  }
0xc2: {  	[tilespmem:s25+$0xFFFFFFF0] =	vst v0;
	s25 =	simm.s32 $0x0  }
.LBB2_16:
0xc3: {  	s26 =	smul.u32 $0x4E20, s25;
	_ =	sdelay $0x1  }
0xc4: {  	_ =	swait.ge [sflag:s18], $0x2710;
	s28 =	sshrl.u32 s26, $0x3  }
0xc5: {  	[sflag:s18] =	ssyncset.done $0x0;
	s28 =	sadd.s32 s3, s28  }
0xc6: {  	[sflag:s18] =	ssyncadd.s32 $0xFFFFD8F0;
	s28 =	sadd.s32 $0x4E2, s28  }
0xc7: {  	[tilespmem:s19], [sflag:$0x2] =	stream.linear.gather [hbm4b:s28+s2], $0x2710, $0x38;
	[tilespmem:$0x1FD80] =	vst v63  }
0xc8: {  	s28 =	simm.s32 $0x18720  }
0xc9: {  	v1 =	vld [tilespmem:s28+$0x20];
	_ =	sdelay $0x1  }
0xca: {  	v2 =	vld [tilespmem:s28+$0xFFFFFFF0]  }
0xcb: {  	v3 =	vld [tilespmem:s28+$0x0]  }
0xcc: {  	v4 =	vld [tilespmem:s28+$0x10]  }
0xcd: {  	v8 =	vld [tilespmem:s28+$0xFFFFFFE0];
	s28 =	simm.s32 $0x18770;
	v5 =	vand.u32 $0xFFFF, v1  }
0xce: {  	v12 =	vld [tilespmem:s28+$0x20]  }
0xcf: {  	v13 =	vld [tilespmem:s28+$0xFFFFFFF0];
	v6 =	vand.u32 $0xFFFF, v2  }
0xd0: {  	v14 =	vld [tilespmem:s28+$0x0];
	v7 =	vand.u32 $0xFFFF, v3  }
0xd1: {  	v15 =	vld [tilespmem:s28+$0x10];
	v9 =	vand.u32 $0xFFFF, v4  }
0xd2: {  	v1 =	vshrl.u32 v1, $0x10;
	v5 =	vld.idx.msk [tilespmem:v5+s2+$0x0], $0xffff  }
0xd3: {  	v16 =	vld [tilespmem:s28+$0xFFFFFFE0];
	v10 =	vand.u32 $0xFFFF, v8  }
0xd4: {  	v2 =	vshrl.u32 v2, $0x10;
	v6 =	vld.idx.msk [tilespmem:v6+s2+$0x0], $0xffff  }
0xd5: {  	v3 =	vshrl.u32 v3, $0x10;
	v7 =	vld.idx.msk [tilespmem:v7+s2+$0x0], $0xffff  }
0xd6: {  	v4 =	vshrl.u32 v4, $0x10;
	v9 =	vld.idx.msk [tilespmem:v9+s2+$0x0], $0xffff  }
0xd7: {  	[tilespmem:v1+s20+$0x0] =	vst.idx.add.f32.msk $0xffff, v5;
	v1 =	vand.u32 $0xFFFF, v12  }
0xd8: {  	v17 =	vand.u32 $0xFFFF, v14;
	v5 =	vld.idx.msk [tilespmem:v10+s2+$0x0], $0xffff  }
0xd9: {  	v18 =	vand.u32 $0xFFFF, v15;
	[tilespmem:v2+s20+$0x0] =	vst.idx.add.f32.msk $0xffff, v6  }
0xda: {  	v10 =	vand.u32 $0xFFFF, v13;
	[tilespmem:v3+s20+$0x0] =	vst.idx.add.f32.msk $0xffff, v7  }
0xdb: {  	[tilespmem:v4+s20+$0x0] =	vst.idx.add.f32.msk $0xffff, v9  }
0xdc: {  	v12 =	vshrl.u32 v12, $0x10;
	v11 =	vld.idx.msk [tilespmem:v1+s2+$0x0], $0xffff  }
0xdd: {  	v9 =	vld.idx.msk [tilespmem:v17+s2+$0x0], $0xffff  }
0xde: {  	v2 =	vshrl.u32 v13, $0x10;
	v3 =	vshrl.u32 v14, $0x10;
	v4 =	vshrl.u32 v15, $0x10;
	v7 =	vld.idx.msk [tilespmem:v18+s2+$0x0], $0xffff  }
0xdf: {  	s29 =	simm.s32 $0x187C0;
	s28 =	simm.s32 $0x5;
	v6 =	vshrl.u32 v16, $0x10;
	v1 =	vshrl.u32 v8, $0x10;
	v8 =	vld.idx.msk [tilespmem:v10+s2+$0x0], $0xffff;
	v10 =	vand.u32 $0xFFFF, v16  }
.LBB2_17:
0xe0: {  	v13 =	vld [tilespmem:s29+$0x20];
	s28 =	sadd.s32 $0x5, s28  }
0xe1: {  	p0 =	slt.u32 s28, $0x26C;
	[tilespmem:v12+s20+$0x0] =	vst.idx.add.f32.msk $0xffff, v11  }
0xe2: {  	v11 =	vld [tilespmem:s29+$0xFFFFFFF0]  }
0xe3: {  	v12 =	vld [tilespmem:s29+$0x0]  }
0xe4: {  	v14 =	vld [tilespmem:s29+$0x10]  }
0xe5: {  	v15 =	vld [tilespmem:s29+$0xFFFFFFE0];
	v16 =	vand.u32 $0xFFFF, v13  }
0xe6: {  	v17 =	vld.idx.msk [tilespmem:v10+s2+$0x0], $0xffff  }
0xe7: {  	v10 =	vshrl.u32 v11, $0x10;
	v18 =	vand.u32 $0xFFFF, v11;
	[tilespmem:v1+s20+$0x0] =	vst.idx.add.f32.msk $0xffff, v5;
	v1 =	vmov v6  }
0xe8: {  	v5 =	vshrl.u32 v12, $0x10;
	v19 =	vand.u32 $0xFFFF, v12;
	[tilespmem:v2+s20+$0x0] =	vst.idx.add.f32.msk $0xffff, v8;
	v2 =	vmov v10  }
0xe9: {  	v8 =	vshrl.u32 v14, $0x10;
	v14 =	vand.u32 $0xFFFF, v14;
	[tilespmem:v3+s20+$0x0] =	vst.idx.add.f32.msk $0xffff, v9;
	v3 =	vmov v5  }
.Ltmp7:
0xea: {  	v6 =	vshrl.u32 v15, $0x10;
	v10 =	vand.u32 $0xFFFF, v15;
	v11 =	vld.idx.msk [tilespmem:v16+s2+$0x0], $0xffff;
	(pc) =	sbr.rel @p0 .LBB2_17-.Ltmp7, $4  }
0xeb: {  	v12 =	vshrl.u32 v13, $0x10;
	[tilespmem:v4+s20+$0x0] =	vst.idx.add.f32.msk $0xffff, v7;
	v4 =	vmov v8  }
0xec: {  	v5 =	vmov v17;
	v8 =	vld.idx.msk [tilespmem:v18+s2+$0x0], $0xffff  }
0xed: {  	v9 =	vld.idx.msk [tilespmem:v19+s2+$0x0], $0xffff  }
0xee: {  	s29 =	sadd.s32 $0x50, s29;
	v7 =	vld.idx.msk [tilespmem:v14+s2+$0x0], $0xffff  }
0xef: {  	_ =	sdelay $0x3  }
0xf0: {  	[tilespmem:v12+s20+$0x0] =	vst.idx.add.f32.msk $0xffff, v11  }
0xf1: {  	v10 =	vld.idx.msk [tilespmem:v10+s2+$0x0], $0xffff  }
0xf2: {  	[tilespmem:v1+s20+$0x0] =	vst.idx.add.f32.msk $0xffff, v5  }
0xf3: {  	[tilespmem:v2+s20+$0x0] =	vst.idx.add.f32.msk $0xffff, v8  }
0xf4: {  	[tilespmem:v3+s20+$0x0] =	vst.idx.add.f32.msk $0xffff, v9  }
0xf5: {  	[tilespmem:v4+s20+$0x0] =	vst.idx.add.f32.msk $0xffff, v7  }
0xf6: {  	p0 =	seq.s32 s25, $0x27;
	[tilespmem:v6+s20+$0x0] =	vst.idx.add.f32.msk $0xffff, v10  }
0xf7: {  	s30 =	simm.s32 $0x1AEA0;
	s26 =	sshrl.u32 @!p0 s26, $0x3;
	_ =	swait.ge [sflag:s21], $0x2710  }
0xf8: {  	s28 =	simm.s32 @!p0 $0x0;
	s26 =	sadd.s32 @!p0 s3, s26;
	[sflag:s21] =	ssyncset.done $0x0  }
0xf9: {  	s29 =	simm.s32 @!p0 $0x18700;
	s26 =	sadd.s32 @!p0 $0x9C4, s26;
	[sflag:s21] =	ssyncadd.s32 $0xFFFFD8F0  }
0xfa: {  	[tilespmem:s29], [sflag:$0x1] =	stream.linear.gather @!p0 [hbm4b:s26+s28], $0x2710, $0x38;
	[tilespmem:$0x1FD80] =	vst v63  }
0xfb: {  	v1 =	vld [tilespmem:s30+$0x20]  }
0xfc: {  	v2 =	vld [tilespmem:s30+$0xFFFFFFF0];
	_ =	sdelay $0x1  }
0xfd: {  	v3 =	vld [tilespmem:s30+$0x0]  }
0xfe: {  	v4 =	vld [tilespmem:s30+$0x10]  }
0xff: {  	s31 =	simm.s32 $0x1AEF0;
	v8 =	vld [tilespmem:s30+$0xFFFFFFE0];
	v5 =	vand.u32 $0xFFFF, v1  }
0x100: {  	v12 =	vld [tilespmem:s31+$0x20];
	v6 =	vand.u32 $0xFFFF, v2  }
0x101: {  	v13 =	vld [tilespmem:s31+$0xFFFFFFF0]  }
0x102: {  	v14 =	vld [tilespmem:s31+$0x0];
	v7 =	vand.u32 $0xFFFF, v3  }
0x103: {  	v15 =	vld [tilespmem:s31+$0x10];
	v9 =	vand.u32 $0xFFFF, v4  }
0x104: {  	v1 =	vshrl.u32 v1, $0x10;
	v5 =	vld.idx.msk [tilespmem:v5+s2+$0x0], $0xffff  }
0x105: {  	v10 =	vld.idx.msk [tilespmem:v6+s2+$0x0], $0xffff;
	v6 =	vand.u32 $0xFFFF, v8  }
0x106: {  	v16 =	vld [tilespmem:s31+$0xFFFFFFE0];
	v2 =	vshrl.u32 v2, $0x10  }
0x107: {  	v3 =	vshrl.u32 v3, $0x10;
	v7 =	vld.idx.msk [tilespmem:v7+s2+$0x0], $0xffff  }
0x108: {  	v4 =	vshrl.u32 v4, $0x10;
	v9 =	vld.idx.msk [tilespmem:v9+s2+$0x0], $0xffff  }
0x109: {  	[tilespmem:v1+s20+$0x0] =	vst.idx.add.f32.msk $0xffff, v5;
	v1 =	vand.u32 $0xFFFF, v12  }
0x10a: {  	v17 =	vand.u32 $0xFFFF, v14;
	v6 =	vld.idx.msk [tilespmem:v6+s2+$0x0], $0xffff  }
0x10b: {  	v18 =	vand.u32 $0xFFFF, v15;
	[tilespmem:v2+s20+$0x0] =	vst.idx.add.f32.msk $0xffff, v10  }
0x10c: {  	v5 =	vand.u32 $0xFFFF, v13;
	[tilespmem:v3+s20+$0x0] =	vst.idx.add.f32.msk $0xffff, v7  }
0x10d: {  	[tilespmem:v4+s20+$0x0] =	vst.idx.add.f32.msk $0xffff, v9  }
0x10e: {  	v12 =	vshrl.u32 v12, $0x10;
	v11 =	vld.idx.msk [tilespmem:v1+s2+$0x0], $0xffff  }
0x10f: {  	v9 =	vld.idx.msk [tilespmem:v17+s2+$0x0], $0xffff  }
0x110: {  	v3 =	vshrl.u32 v13, $0x10;
	v4 =	vshrl.u32 v14, $0x10;
	v2 =	vshrl.u32 v15, $0x10;
	v7 =	vld.idx.msk [tilespmem:v18+s2+$0x0], $0xffff  }
0x111: {  	s26 =	simm.s32 $0x5;
	s28 =	simm.s32 $0x1AF40;
	v10 =	vand.u32 $0xFFFF, v16;
	v1 =	vshrl.u32 v8, $0x10;
	v8 =	vld.idx.msk [tilespmem:v5+s2+$0x0], $0xffff;
	v5 =	vshrl.u32 v16, $0x10  }
.LBB2_19:
0x112: {  	v13 =	vld [tilespmem:s28+$0x20];
	s26 =	sadd.s32 $0x5, s26  }
0x113: {  	p0 =	slt.u32 s26, $0x26C;
	[tilespmem:v12+s20+$0x0] =	vst.idx.add.f32.msk $0xffff, v11  }
0x114: {  	v11 =	vld [tilespmem:s28+$0xFFFFFFF0]  }
0x115: {  	v12 =	vld [tilespmem:s28+$0x0]  }
0x116: {  	v14 =	vld [tilespmem:s28+$0x10]  }
0x117: {  	v15 =	vld [tilespmem:s28+$0xFFFFFFE0];
	v16 =	vand.u32 $0xFFFF, v13  }
0x118: {  	v17 =	vld.idx.msk [tilespmem:v10+s2+$0x0], $0xffff  }
0x119: {  	v10 =	vshrl.u32 v11, $0x10;
	v18 =	vand.u32 $0xFFFF, v11;
	[tilespmem:v1+s20+$0x0] =	vst.idx.add.f32.msk $0xffff, v6;
	v1 =	vmov v5  }
0x11a: {  	v5 =	vshrl.u32 v12, $0x10;
	v19 =	vand.u32 $0xFFFF, v12;
	[tilespmem:v3+s20+$0x0] =	vst.idx.add.f32.msk $0xffff, v8;
	v3 =	vmov v10  }
0x11b: {  	v6 =	vshrl.u32 v14, $0x10;
	v14 =	vand.u32 $0xFFFF, v14;
	[tilespmem:v4+s20+$0x0] =	vst.idx.add.f32.msk $0xffff, v9;
	v4 =	vmov v5  }
.Ltmp8:
0x11c: {  	v5 =	vshrl.u32 v15, $0x10;
	v10 =	vand.u32 $0xFFFF, v15;
	v11 =	vld.idx.msk [tilespmem:v16+s2+$0x0], $0xffff;
	(pc) =	sbr.rel @p0 .LBB2_19-.Ltmp8, $4  }
0x11d: {  	v12 =	vshrl.u32 v13, $0x10;
	[tilespmem:v2+s20+$0x0] =	vst.idx.add.f32.msk $0xffff, v7;
	v2 =	vmov v6  }
0x11e: {  	v8 =	vld.idx.msk [tilespmem:v18+s2+$0x0], $0xffff;
	v6 =	vmov v17  }
0x11f: {  	v9 =	vld.idx.msk [tilespmem:v19+s2+$0x0], $0xffff  }
0x120: {  	s28 =	sadd.s32 $0x50, s28;
	v7 =	vld.idx.msk [tilespmem:v14+s2+$0x0], $0xffff  }
0x121: {  	_ =	sdelay $0x3  }
0x122: {  	[tilespmem:v12+s20+$0x0] =	vst.idx.add.f32.msk $0xffff, v11;
	s25 =	sadd.s32 $0x1, s25  }
0x123: {  	v10 =	vld.idx.msk [tilespmem:v10+s2+$0x0], $0xffff;
	p0 =	sne.s32 s25, $0x28  }
.Ltmp9:
0x124: {  	[tilespmem:v1+s20+$0x0] =	vst.idx.add.f32.msk $0xffff, v6;
	(pc) =	sbr.rel @p0 .LBB2_16-.Ltmp9, $4  }
0x125: {  	[tilespmem:v3+s20+$0x0] =	vst.idx.add.f32.msk $0xffff, v8  }
0x126: {  	[tilespmem:v4+s20+$0x0] =	vst.idx.add.f32.msk $0xffff, v9  }
0x127: {  	[tilespmem:v2+s20+$0x0] =	vst.idx.add.f32.msk $0xffff, v7  }
0x128: {  	[tilespmem:v5+s20+$0x0] =	vst.idx.add.f32.msk $0xffff, v10  }
0x129: {  	s25 =	simm.s32 $0x0;
	s26 =	simm.s32 $0xC3A0  }
.LBB2_22:
0x12a: {  	s28 =	smul.u32 $0x2710, s25;
	_ =	sdelay $0x1  }
0x12b: {  	s28 =	sshrl.u32 s28, $0x3  }
0x12c: {  	s28 =	sadd.s32 s4, s28  }
0x12d: {  	[tilespmem:s22], [sflag:$0x4] =	stream.linear.gather [hbm4b:s28+s2], $0x2710, $0x38;
	[tilespmem:$0x1FD80] =	vst v63  }
0x12e: {  	_ =	swait.ge [sflag:s17], $0x2710  }
0x12f: {  	[sflag:s17] =	ssyncset.done $0x0  }
0x130: {  	[sflag:s17] =	ssyncadd.s32 $0xFFFFD8F0  }
0x131: {  	s28 =	simm.s32 $0x1D620;
	v3 =	vld [tilespmem:s26+$0x20]  }
0x132: {  	v5 =	vld [tilespmem:s28+$0x20]  }
0x133: {  	v1 =	vld [tilespmem:s28+$0xFFFFFFE0]  }
0x134: {  	v7 =	vld [tilespmem:s26+$0xFFFFFFF0]  }
0x135: {  	v8 =	vld [tilespmem:s28+$0xFFFFFFF0]  }
0x136: {  	v2 =	vld [tilespmem:s26+$0x0]  }
0x137: {  	v4 =	vld [tilespmem:s28+$0x0]  }
0x138: {  	v6 =	vmul.f32 v5, v3;
	v3 =	vld [tilespmem:s26+$0x10]  }
0x139: {  	v5 =	vld [tilespmem:s28+$0x10]  }
0x13a: {  	s30 =	simm.s32 $0x0;
	s31 =	sadd.s32 $0x50, s26;
	s29 =	smov.u32 s26;
	v7 =	vmul.f32 v8, v7;
	[tilespmem:s26+$0x20] =	vst v6;
	v6 =	vld [tilespmem:s26+$0xFFFFFFE0]  }
.LBB2_23:
0x13b: {  	v8 =	vld [tilespmem:s31+$0x20];
	s28 =	sadd.s32 $0x50, s28  }
0x13c: {  	s30 =	sadd.s32 $0x5, s30;
	v9 =	vld [tilespmem:s28+$0x20];
	[tilespmem:s29+$0xFFFFFFF0] =	vst v7;
	v2 =	vmul.f32 v4, v2  }
0x13d: {  	p0 =	slt.u32 s30, $0x26C;
	v7 =	vld [tilespmem:s28+$0xFFFFFFE0]  }
0x13e: {  	v10 =	vld [tilespmem:s31+$0xFFFFFFF0];
	[tilespmem:s29+$0x0] =	vst v2;
	v3 =	vmul.f32 v5, v3  }
0x13f: {  	v11 =	vld [tilespmem:s28+$0xFFFFFFF0];
	v5 =	vmul.f32 v1, v6  }
.Ltmp10:
0x140: {  	v2 =	vld [tilespmem:s31+$0x0];
	[tilespmem:s29+$0x10] =	vst v3;
	(pc) =	sbr.rel @p0 .LBB2_23-.Ltmp10, $4  }
0x141: {  	v4 =	vld [tilespmem:s28+$0x0];
	v6 =	vmul.f32 v9, v8;
	[tilespmem:s29+$0xFFFFFFE0] =	vst v5;
	s29 =	smov.u32 s31  }
0x142: {  	v3 =	vld [tilespmem:s31+$0x10];
	v1 =	vmov v7  }
0x143: {  	v5 =	vld [tilespmem:s28+$0x10];
	[tilespmem:s31+$0x20] =	vst v6  }
0x144: {  	s31 =	sadd.s32 $0x50, s31;
	v6 =	vld [tilespmem:s29+$0xFFFFFFE0];
	v7 =	vmul.f32 v11, v10  }
0x145: {  	s25 =	sadd.s32 $0x1, s25  }
0x146: {  	p0 =	sne.s32 s25, $0x5  }
.Ltmp11:
0x147: {  	v2 =	vmul.f32 v4, v2;
	(pc) =	sbr.rel @p0 .LBB2_22-.Ltmp11, $4  }
0x148: {  	[tilespmem:s29+$0xFFFFFFF0] =	vst v7;
	v3 =	vmul.f32 v5, v3  }
0x149: {  	[tilespmem:s29+$0x0] =	vst v2;
	v1 =	vmul.f32 v1, v6  }
0x14a: {  	[tilespmem:s29+$0x10] =	vst v3  }
0x14b: {  	s26 =	sadd.s32 $0x2710, s26;
	[tilespmem:s29+$0xFFFFFFE0] =	vst v1  }
0x14c: {  	[hbm4b:s10+s2] =	stream.linear.scatter [tilespmem:s20], [sflag:$0x3], $0xC350, $0x38;
	[tilespmem:$0x1FD80] =	vst v63  }
0x14d: {  	_ = 	snop  }
0x14e: {  	[tilespmem:s16], [sflag:$0x1] =	stream.linear.gather [hbm4b:s5+s2], $0x2710, $0x38;
	[tilespmem:$0x1FD80] =	vst v63  }
0x14f: {  	_ = 	snop  }
0x150: {  	[tilespmem:s2], [sflag:$0x4] =	stream.linear.gather [hbm4b:s11+s2], $0xC350, $0x38;
	[tilespmem:$0x1FD80] =	vst v63  }
0x151: {  	_ =	swait.ge [sflag:s17], $0xC350  }
0x152: {  	[sflag:s17] =	ssyncset.done $0x0  }
0x153: {  	[sflag:s17] =	ssyncadd.s32 $0xFFFF3CB0  }
0x154: {  	_ =	swait.ge [sflag:s23], $0xC350  }
0x155: {  	[sflag:s23] =	ssyncset.done $0x0  }
0x156: {  	s25 =	simm.s32 $0xC3A0;
	[sflag:s23] =	ssyncadd.s32 $0xFFFF3CB0  }
0x157: {  	[tilespmem:s25+$0xFFFFFFE0] =	vst v0  }
0x158: {  	[tilespmem:s25+$0x20] =	vst v0  }
0x159: {  	[tilespmem:s25+$0x10] =	vst v0  }
0x15a: {  	s26 =	simm.s32 $0x0;
	[tilespmem:s25+$0x0] =	vst v0  }
.LBB2_26:
0x15b: {  	s26 =	sadd.s32 $0x5, s26  }
0x15c: {  	[tilespmem:s25+$0xFFFFFFF0] =	vst v0;
	s25 =	sadd.s32 $0x50, s25;
	p0 =	slt.u32 s26, $0xC30  }
.Ltmp12:
0x15d: {  	[tilespmem:s25+$0xFFFFFFE0] =	vst v0;
	(pc) =	sbr.rel @p0 .LBB2_26-.Ltmp12, $4  }
0x15e: {  	_ = 	snop  }
0x15f: {  	[tilespmem:s25+$0x20] =	vst v0  }
0x160: {  	[tilespmem:s25+$0x10] =	vst v0  }
0x161: {  	[tilespmem:s25+$0x0] =	vst v0  }
0x162: {  	[tilespmem:s25+$0xFFFFFFF0] =	vst v0;
	s25 =	simm.s32 $0x0  }
.LBB2_28:
0x163: {  	s26 =	smul.u32 $0x4E20, s25;
	_ =	sdelay $0x1  }
0x164: {  	_ =	swait.ge [sflag:s18], $0x2710;
	s28 =	sshrl.u32 s26, $0x3  }
0x165: {  	[sflag:s18] =	ssyncset.done $0x0;
	s28 =	sadd.s32 s5, s28  }
0x166: {  	[sflag:s18] =	ssyncadd.s32 $0xFFFFD8F0;
	s28 =	sadd.s32 $0x4E2, s28  }
0x167: {  	[tilespmem:s19], [sflag:$0x2] =	stream.linear.gather [hbm4b:s28+s2], $0x2710, $0x38;
	[tilespmem:$0x1FD80] =	vst v63  }
0x168: {  	s28 =	simm.s32 $0x18720  }
0x169: {  	v1 =	vld [tilespmem:s28+$0x20];
	_ =	sdelay $0x1  }
0x16a: {  	v2 =	vld [tilespmem:s28+$0xFFFFFFF0]  }
0x16b: {  	v3 =	vld [tilespmem:s28+$0x0]  }
0x16c: {  	v4 =	vld [tilespmem:s28+$0x10]  }
0x16d: {  	v8 =	vld [tilespmem:s28+$0xFFFFFFE0];
	s28 =	simm.s32 $0x18770;
	v5 =	vand.u32 $0xFFFF, v1  }
0x16e: {  	v12 =	vld [tilespmem:s28+$0x20]  }
0x16f: {  	v13 =	vld [tilespmem:s28+$0xFFFFFFF0];
	v6 =	vand.u32 $0xFFFF, v2  }
0x170: {  	v14 =	vld [tilespmem:s28+$0x0];
	v7 =	vand.u32 $0xFFFF, v3  }
0x171: {  	v15 =	vld [tilespmem:s28+$0x10];
	v9 =	vand.u32 $0xFFFF, v4  }
0x172: {  	v1 =	vshrl.u32 v1, $0x10;
	v5 =	vld.idx.msk [tilespmem:v5+s2+$0x0], $0xffff  }
0x173: {  	v16 =	vld [tilespmem:s28+$0xFFFFFFE0];
	v10 =	vand.u32 $0xFFFF, v8  }
0x174: {  	v2 =	vshrl.u32 v2, $0x10;
	v6 =	vld.idx.msk [tilespmem:v6+s2+$0x0], $0xffff  }
0x175: {  	v3 =	vshrl.u32 v3, $0x10;
	v7 =	vld.idx.msk [tilespmem:v7+s2+$0x0], $0xffff  }
0x176: {  	v4 =	vshrl.u32 v4, $0x10;
	v9 =	vld.idx.msk [tilespmem:v9+s2+$0x0], $0xffff  }
0x177: {  	[tilespmem:v1+s20+$0x0] =	vst.idx.add.f32.msk $0xffff, v5;
	v1 =	vand.u32 $0xFFFF, v12  }
0x178: {  	v17 =	vand.u32 $0xFFFF, v14;
	v5 =	vld.idx.msk [tilespmem:v10+s2+$0x0], $0xffff  }
0x179: {  	v18 =	vand.u32 $0xFFFF, v15;
	[tilespmem:v2+s20+$0x0] =	vst.idx.add.f32.msk $0xffff, v6  }
0x17a: {  	v10 =	vand.u32 $0xFFFF, v13;
	[tilespmem:v3+s20+$0x0] =	vst.idx.add.f32.msk $0xffff, v7  }
0x17b: {  	[tilespmem:v4+s20+$0x0] =	vst.idx.add.f32.msk $0xffff, v9  }
0x17c: {  	v12 =	vshrl.u32 v12, $0x10;
	v11 =	vld.idx.msk [tilespmem:v1+s2+$0x0], $0xffff  }
0x17d: {  	v9 =	vld.idx.msk [tilespmem:v17+s2+$0x0], $0xffff  }
0x17e: {  	v2 =	vshrl.u32 v13, $0x10;
	v3 =	vshrl.u32 v14, $0x10;
	v4 =	vshrl.u32 v15, $0x10;
	v7 =	vld.idx.msk [tilespmem:v18+s2+$0x0], $0xffff  }
0x17f: {  	s29 =	simm.s32 $0x187C0;
	s28 =	simm.s32 $0x5;
	v6 =	vshrl.u32 v16, $0x10;
	v1 =	vshrl.u32 v8, $0x10;
	v8 =	vld.idx.msk [tilespmem:v10+s2+$0x0], $0xffff;
	v10 =	vand.u32 $0xFFFF, v16  }
.LBB2_29:
0x180: {  	v13 =	vld [tilespmem:s29+$0x20];
	s28 =	sadd.s32 $0x5, s28  }
0x181: {  	p0 =	slt.u32 s28, $0x26C;
	[tilespmem:v12+s20+$0x0] =	vst.idx.add.f32.msk $0xffff, v11  }
0x182: {  	v11 =	vld [tilespmem:s29+$0xFFFFFFF0]  }
0x183: {  	v12 =	vld [tilespmem:s29+$0x0]  }
0x184: {  	v14 =	vld [tilespmem:s29+$0x10]  }
0x185: {  	v15 =	vld [tilespmem:s29+$0xFFFFFFE0];
	v16 =	vand.u32 $0xFFFF, v13  }
0x186: {  	v17 =	vld.idx.msk [tilespmem:v10+s2+$0x0], $0xffff  }
0x187: {  	v10 =	vshrl.u32 v11, $0x10;
	v18 =	vand.u32 $0xFFFF, v11;
	[tilespmem:v1+s20+$0x0] =	vst.idx.add.f32.msk $0xffff, v5;
	v1 =	vmov v6  }
0x188: {  	v5 =	vshrl.u32 v12, $0x10;
	v19 =	vand.u32 $0xFFFF, v12;
	[tilespmem:v2+s20+$0x0] =	vst.idx.add.f32.msk $0xffff, v8;
	v2 =	vmov v10  }
0x189: {  	v8 =	vshrl.u32 v14, $0x10;
	v14 =	vand.u32 $0xFFFF, v14;
	[tilespmem:v3+s20+$0x0] =	vst.idx.add.f32.msk $0xffff, v9;
	v3 =	vmov v5  }
.Ltmp13:
0x18a: {  	v6 =	vshrl.u32 v15, $0x10;
	v10 =	vand.u32 $0xFFFF, v15;
	v11 =	vld.idx.msk [tilespmem:v16+s2+$0x0], $0xffff;
	(pc) =	sbr.rel @p0 .LBB2_29-.Ltmp13, $4  }
0x18b: {  	v12 =	vshrl.u32 v13, $0x10;
	[tilespmem:v4+s20+$0x0] =	vst.idx.add.f32.msk $0xffff, v7;
	v4 =	vmov v8  }
0x18c: {  	v5 =	vmov v17;
	v8 =	vld.idx.msk [tilespmem:v18+s2+$0x0], $0xffff  }
0x18d: {  	v9 =	vld.idx.msk [tilespmem:v19+s2+$0x0], $0xffff  }
0x18e: {  	s29 =	sadd.s32 $0x50, s29;
	v7 =	vld.idx.msk [tilespmem:v14+s2+$0x0], $0xffff  }
0x18f: {  	_ =	sdelay $0x3  }
0x190: {  	[tilespmem:v12+s20+$0x0] =	vst.idx.add.f32.msk $0xffff, v11  }
0x191: {  	v10 =	vld.idx.msk [tilespmem:v10+s2+$0x0], $0xffff  }
0x192: {  	[tilespmem:v1+s20+$0x0] =	vst.idx.add.f32.msk $0xffff, v5  }
0x193: {  	[tilespmem:v2+s20+$0x0] =	vst.idx.add.f32.msk $0xffff, v8  }
0x194: {  	[tilespmem:v3+s20+$0x0] =	vst.idx.add.f32.msk $0xffff, v9  }
0x195: {  	[tilespmem:v4+s20+$0x0] =	vst.idx.add.f32.msk $0xffff, v7  }
0x196: {  	p0 =	seq.s32 s25, $0x27;
	[tilespmem:v6+s20+$0x0] =	vst.idx.add.f32.msk $0xffff, v10  }
0x197: {  	s30 =	simm.s32 $0x1AEA0;
	s26 =	sshrl.u32 @!p0 s26, $0x3;
	_ =	swait.ge [sflag:s21], $0x2710  }
0x198: {  	s28 =	simm.s32 @!p0 $0x0;
	s26 =	sadd.s32 @!p0 s5, s26;
	[sflag:s21] =	ssyncset.done $0x0  }
0x199: {  	s29 =	simm.s32 @!p0 $0x18700;
	s26 =	sadd.s32 @!p0 $0x9C4, s26;
	[sflag:s21] =	ssyncadd.s32 $0xFFFFD8F0  }
0x19a: {  	[tilespmem:s29], [sflag:$0x1] =	stream.linear.gather @!p0 [hbm4b:s26+s28], $0x2710, $0x38;
	[tilespmem:$0x1FD80] =	vst v63  }
0x19b: {  	v1 =	vld [tilespmem:s30+$0x20]  }
0x19c: {  	v2 =	vld [tilespmem:s30+$0xFFFFFFF0];
	_ =	sdelay $0x1  }
0x19d: {  	v3 =	vld [tilespmem:s30+$0x0]  }
0x19e: {  	v4 =	vld [tilespmem:s30+$0x10]  }
0x19f: {  	s31 =	simm.s32 $0x1AEF0;
	v8 =	vld [tilespmem:s30+$0xFFFFFFE0];
	v5 =	vand.u32 $0xFFFF, v1  }
0x1a0: {  	v12 =	vld [tilespmem:s31+$0x20];
	v6 =	vand.u32 $0xFFFF, v2  }
0x1a1: {  	v13 =	vld [tilespmem:s31+$0xFFFFFFF0]  }
0x1a2: {  	v14 =	vld [tilespmem:s31+$0x0];
	v7 =	vand.u32 $0xFFFF, v3  }
0x1a3: {  	v15 =	vld [tilespmem:s31+$0x10];
	v9 =	vand.u32 $0xFFFF, v4  }
0x1a4: {  	v1 =	vshrl.u32 v1, $0x10;
	v5 =	vld.idx.msk [tilespmem:v5+s2+$0x0], $0xffff  }
0x1a5: {  	v10 =	vld.idx.msk [tilespmem:v6+s2+$0x0], $0xffff;
	v6 =	vand.u32 $0xFFFF, v8  }
0x1a6: {  	v16 =	vld [tilespmem:s31+$0xFFFFFFE0];
	v2 =	vshrl.u32 v2, $0x10  }
0x1a7: {  	v3 =	vshrl.u32 v3, $0x10;
	v7 =	vld.idx.msk [tilespmem:v7+s2+$0x0], $0xffff  }
0x1a8: {  	v4 =	vshrl.u32 v4, $0x10;
	v9 =	vld.idx.msk [tilespmem:v9+s2+$0x0], $0xffff  }
0x1a9: {  	[tilespmem:v1+s20+$0x0] =	vst.idx.add.f32.msk $0xffff, v5;
	v1 =	vand.u32 $0xFFFF, v12  }
0x1aa: {  	v17 =	vand.u32 $0xFFFF, v14;
	v6 =	vld.idx.msk [tilespmem:v6+s2+$0x0], $0xffff  }
0x1ab: {  	v18 =	vand.u32 $0xFFFF, v15;
	[tilespmem:v2+s20+$0x0] =	vst.idx.add.f32.msk $0xffff, v10  }
0x1ac: {  	v5 =	vand.u32 $0xFFFF, v13;
	[tilespmem:v3+s20+$0x0] =	vst.idx.add.f32.msk $0xffff, v7  }
0x1ad: {  	[tilespmem:v4+s20+$0x0] =	vst.idx.add.f32.msk $0xffff, v9  }
0x1ae: {  	v12 =	vshrl.u32 v12, $0x10;
	v11 =	vld.idx.msk [tilespmem:v1+s2+$0x0], $0xffff  }
0x1af: {  	v9 =	vld.idx.msk [tilespmem:v17+s2+$0x0], $0xffff  }
0x1b0: {  	v3 =	vshrl.u32 v13, $0x10;
	v4 =	vshrl.u32 v14, $0x10;
	v2 =	vshrl.u32 v15, $0x10;
	v7 =	vld.idx.msk [tilespmem:v18+s2+$0x0], $0xffff  }
0x1b1: {  	s26 =	simm.s32 $0x5;
	s28 =	simm.s32 $0x1AF40;
	v10 =	vand.u32 $0xFFFF, v16;
	v1 =	vshrl.u32 v8, $0x10;
	v8 =	vld.idx.msk [tilespmem:v5+s2+$0x0], $0xffff;
	v5 =	vshrl.u32 v16, $0x10  }
.LBB2_31:
0x1b2: {  	v13 =	vld [tilespmem:s28+$0x20];
	s26 =	sadd.s32 $0x5, s26  }
0x1b3: {  	p0 =	slt.u32 s26, $0x26C;
	[tilespmem:v12+s20+$0x0] =	vst.idx.add.f32.msk $0xffff, v11  }
0x1b4: {  	v11 =	vld [tilespmem:s28+$0xFFFFFFF0]  }
0x1b5: {  	v12 =	vld [tilespmem:s28+$0x0]  }
0x1b6: {  	v14 =	vld [tilespmem:s28+$0x10]  }
0x1b7: {  	v15 =	vld [tilespmem:s28+$0xFFFFFFE0];
	v16 =	vand.u32 $0xFFFF, v13  }
0x1b8: {  	v17 =	vld.idx.msk [tilespmem:v10+s2+$0x0], $0xffff  }
0x1b9: {  	v10 =	vshrl.u32 v11, $0x10;
	v18 =	vand.u32 $0xFFFF, v11;
	[tilespmem:v1+s20+$0x0] =	vst.idx.add.f32.msk $0xffff, v6;
	v1 =	vmov v5  }
0x1ba: {  	v5 =	vshrl.u32 v12, $0x10;
	v19 =	vand.u32 $0xFFFF, v12;
	[tilespmem:v3+s20+$0x0] =	vst.idx.add.f32.msk $0xffff, v8;
	v3 =	vmov v10  }
0x1bb: {  	v6 =	vshrl.u32 v14, $0x10;
	v14 =	vand.u32 $0xFFFF, v14;
	[tilespmem:v4+s20+$0x0] =	vst.idx.add.f32.msk $0xffff, v9;
	v4 =	vmov v5  }
.Ltmp14:
0x1bc: {  	v5 =	vshrl.u32 v15, $0x10;
	v10 =	vand.u32 $0xFFFF, v15;
	v11 =	vld.idx.msk [tilespmem:v16+s2+$0x0], $0xffff;
	(pc) =	sbr.rel @p0 .LBB2_31-.Ltmp14, $4  }
0x1bd: {  	v12 =	vshrl.u32 v13, $0x10;
	[tilespmem:v2+s20+$0x0] =	vst.idx.add.f32.msk $0xffff, v7;
	v2 =	vmov v6  }
0x1be: {  	v8 =	vld.idx.msk [tilespmem:v18+s2+$0x0], $0xffff;
	v6 =	vmov v17  }
0x1bf: {  	v9 =	vld.idx.msk [tilespmem:v19+s2+$0x0], $0xffff  }
0x1c0: {  	s28 =	sadd.s32 $0x50, s28;
	v7 =	vld.idx.msk [tilespmem:v14+s2+$0x0], $0xffff  }
0x1c1: {  	_ =	sdelay $0x3  }
0x1c2: {  	[tilespmem:v12+s20+$0x0] =	vst.idx.add.f32.msk $0xffff, v11;
	s25 =	sadd.s32 $0x1, s25  }
0x1c3: {  	v10 =	vld.idx.msk [tilespmem:v10+s2+$0x0], $0xffff;
	p0 =	sne.s32 s25, $0x28  }
.Ltmp15:
0x1c4: {  	[tilespmem:v1+s20+$0x0] =	vst.idx.add.f32.msk $0xffff, v6;
	(pc) =	sbr.rel @p0 .LBB2_28-.Ltmp15, $4  }
0x1c5: {  	[tilespmem:v3+s20+$0x0] =	vst.idx.add.f32.msk $0xffff, v8  }
0x1c6: {  	[tilespmem:v4+s20+$0x0] =	vst.idx.add.f32.msk $0xffff, v9  }
0x1c7: {  	[tilespmem:v2+s20+$0x0] =	vst.idx.add.f32.msk $0xffff, v7  }
0x1c8: {  	[tilespmem:v5+s20+$0x0] =	vst.idx.add.f32.msk $0xffff, v10  }
0x1c9: {  	s25 =	simm.s32 $0x0;
	s26 =	simm.s32 $0xC3A0  }
.LBB2_34:
0x1ca: {  	s28 =	smul.u32 $0x2710, s25;
	_ =	sdelay $0x1  }
0x1cb: {  	s28 =	sshrl.u32 s28, $0x3  }
0x1cc: {  	s28 =	sadd.s32 s6, s28  }
0x1cd: {  	[tilespmem:s22], [sflag:$0x4] =	stream.linear.gather [hbm4b:s28+s2], $0x2710, $0x38;
	[tilespmem:$0x1FD80] =	vst v63  }
0x1ce: {  	_ =	swait.ge [sflag:s17], $0x2710  }
0x1cf: {  	[sflag:s17] =	ssyncset.done $0x0  }
0x1d0: {  	[sflag:s17] =	ssyncadd.s32 $0xFFFFD8F0  }
0x1d1: {  	s28 =	simm.s32 $0x1D620;
	v3 =	vld [tilespmem:s26+$0x20]  }
0x1d2: {  	v5 =	vld [tilespmem:s28+$0x20]  }
0x1d3: {  	v1 =	vld [tilespmem:s28+$0xFFFFFFE0]  }
0x1d4: {  	v7 =	vld [tilespmem:s26+$0xFFFFFFF0]  }
0x1d5: {  	v8 =	vld [tilespmem:s28+$0xFFFFFFF0]  }
0x1d6: {  	v2 =	vld [tilespmem:s26+$0x0]  }
0x1d7: {  	v4 =	vld [tilespmem:s28+$0x0]  }
0x1d8: {  	v6 =	vmul.f32 v5, v3;
	v3 =	vld [tilespmem:s26+$0x10]  }
0x1d9: {  	v5 =	vld [tilespmem:s28+$0x10]  }
0x1da: {  	s30 =	simm.s32 $0x0;
	s31 =	sadd.s32 $0x50, s26;
	s29 =	smov.u32 s26;
	v7 =	vmul.f32 v8, v7;
	[tilespmem:s26+$0x20] =	vst v6;
	v6 =	vld [tilespmem:s26+$0xFFFFFFE0]  }
.LBB2_35:
0x1db: {  	v8 =	vld [tilespmem:s31+$0x20];
	s28 =	sadd.s32 $0x50, s28  }
0x1dc: {  	s30 =	sadd.s32 $0x5, s30;
	v9 =	vld [tilespmem:s28+$0x20];
	[tilespmem:s29+$0xFFFFFFF0] =	vst v7;
	v2 =	vmul.f32 v4, v2  }
0x1dd: {  	p0 =	slt.u32 s30, $0x26C;
	v7 =	vld [tilespmem:s28+$0xFFFFFFE0]  }
0x1de: {  	v10 =	vld [tilespmem:s31+$0xFFFFFFF0];
	[tilespmem:s29+$0x0] =	vst v2;
	v3 =	vmul.f32 v5, v3  }
0x1df: {  	v11 =	vld [tilespmem:s28+$0xFFFFFFF0];
	v5 =	vmul.f32 v1, v6  }
.Ltmp16:
0x1e0: {  	v2 =	vld [tilespmem:s31+$0x0];
	[tilespmem:s29+$0x10] =	vst v3;
	(pc) =	sbr.rel @p0 .LBB2_35-.Ltmp16, $4  }
0x1e1: {  	v4 =	vld [tilespmem:s28+$0x0];
	v6 =	vmul.f32 v9, v8;
	[tilespmem:s29+$0xFFFFFFE0] =	vst v5;
	s29 =	smov.u32 s31  }
0x1e2: {  	v3 =	vld [tilespmem:s31+$0x10];
	v1 =	vmov v7  }
0x1e3: {  	v5 =	vld [tilespmem:s28+$0x10];
	[tilespmem:s31+$0x20] =	vst v6  }
0x1e4: {  	s31 =	sadd.s32 $0x50, s31;
	v6 =	vld [tilespmem:s29+$0xFFFFFFE0];
	v7 =	vmul.f32 v11, v10  }
0x1e5: {  	s25 =	sadd.s32 $0x1, s25  }
0x1e6: {  	p0 =	sne.s32 s25, $0x5  }
.Ltmp17:
0x1e7: {  	v2 =	vmul.f32 v4, v2;
	(pc) =	sbr.rel @p0 .LBB2_34-.Ltmp17, $4  }
0x1e8: {  	[tilespmem:s29+$0xFFFFFFF0] =	vst v7;
	v3 =	vmul.f32 v5, v3  }
0x1e9: {  	[tilespmem:s29+$0x0] =	vst v2;
	v1 =	vmul.f32 v1, v6  }
0x1ea: {  	[tilespmem:s29+$0x10] =	vst v3  }
0x1eb: {  	s26 =	sadd.s32 $0x2710, s26;
	[tilespmem:s29+$0xFFFFFFE0] =	vst v1  }
0x1ec: {  	[hbm4b:s12+s2] =	stream.linear.scatter [tilespmem:s20], [sflag:$0x3], $0xC350, $0x38;
	[tilespmem:$0x1FD80] =	vst v63  }
0x1ed: {  	_ = 	snop  }
0x1ee: {  	[tilespmem:s16], [sflag:$0x1] =	stream.linear.gather [hbm4b:s5+s2], $0x2710, $0x38;
	[tilespmem:$0x1FD80] =	vst v63  }
0x1ef: {  	_ = 	snop  }
0x1f0: {  	[tilespmem:s2], [sflag:$0x4] =	stream.linear.gather [hbm4b:s13+s2], $0xC350, $0x38;
	[tilespmem:$0x1FD80] =	vst v63  }
0x1f1: {  	_ =	swait.ge [sflag:s17], $0xC350  }
0x1f2: {  	[sflag:s17] =	ssyncset.done $0x0  }
0x1f3: {  	[sflag:s17] =	ssyncadd.s32 $0xFFFF3CB0  }
0x1f4: {  	_ =	swait.ge [sflag:s23], $0xC350  }
0x1f5: {  	[sflag:s23] =	ssyncset.done $0x0  }
0x1f6: {  	s25 =	simm.s32 $0xC3A0;
	[sflag:s23] =	ssyncadd.s32 $0xFFFF3CB0  }
0x1f7: {  	[tilespmem:s25+$0xFFFFFFE0] =	vst v0  }
0x1f8: {  	[tilespmem:s25+$0x20] =	vst v0  }
0x1f9: {  	[tilespmem:s25+$0x10] =	vst v0  }
0x1fa: {  	s26 =	simm.s32 $0x0;
	[tilespmem:s25+$0x0] =	vst v0  }
.LBB2_38:
0x1fb: {  	s26 =	sadd.s32 $0x5, s26  }
0x1fc: {  	[tilespmem:s25+$0xFFFFFFF0] =	vst v0;
	s25 =	sadd.s32 $0x50, s25;
	p0 =	slt.u32 s26, $0xC30  }
.Ltmp18:
0x1fd: {  	[tilespmem:s25+$0xFFFFFFE0] =	vst v0;
	(pc) =	sbr.rel @p0 .LBB2_38-.Ltmp18, $4  }
0x1fe: {  	_ = 	snop  }
0x1ff: {  	[tilespmem:s25+$0x20] =	vst v0  }
0x200: {  	[tilespmem:s25+$0x10] =	vst v0  }
0x201: {  	[tilespmem:s25+$0x0] =	vst v0  }
0x202: {  	[tilespmem:s25+$0xFFFFFFF0] =	vst v0;
	s25 =	simm.s32 $0x0  }
.LBB2_40:
0x203: {  	s26 =	smul.u32 $0x4E20, s25;
	_ =	sdelay $0x1  }
0x204: {  	_ =	swait.ge [sflag:s18], $0x2710;
	s28 =	sshrl.u32 s26, $0x3  }
0x205: {  	[sflag:s18] =	ssyncset.done $0x0;
	s28 =	sadd.s32 s5, s28  }
0x206: {  	[sflag:s18] =	ssyncadd.s32 $0xFFFFD8F0;
	s28 =	sadd.s32 $0x4E2, s28  }
0x207: {  	[tilespmem:s19], [sflag:$0x2] =	stream.linear.gather [hbm4b:s28+s2], $0x2710, $0x38;
	[tilespmem:$0x1FD80] =	vst v63  }
0x208: {  	s28 =	simm.s32 $0x18720  }
0x209: {  	v1 =	vld [tilespmem:s28+$0x20];
	_ =	sdelay $0x1  }
0x20a: {  	v2 =	vld [tilespmem:s28+$0xFFFFFFF0]  }
0x20b: {  	v3 =	vld [tilespmem:s28+$0x0]  }
0x20c: {  	v4 =	vld [tilespmem:s28+$0x10]  }
0x20d: {  	v8 =	vld [tilespmem:s28+$0xFFFFFFE0];
	s28 =	simm.s32 $0x18770;
	v5 =	vand.u32 $0xFFFF, v1  }
0x20e: {  	v12 =	vld [tilespmem:s28+$0x20]  }
0x20f: {  	v13 =	vld [tilespmem:s28+$0xFFFFFFF0];
	v6 =	vand.u32 $0xFFFF, v2  }
0x210: {  	v14 =	vld [tilespmem:s28+$0x0];
	v7 =	vand.u32 $0xFFFF, v3  }
0x211: {  	v15 =	vld [tilespmem:s28+$0x10];
	v9 =	vand.u32 $0xFFFF, v4  }
0x212: {  	v1 =	vshrl.u32 v1, $0x10;
	v5 =	vld.idx.msk [tilespmem:v5+s2+$0x0], $0xffff  }
0x213: {  	v16 =	vld [tilespmem:s28+$0xFFFFFFE0];
	v10 =	vand.u32 $0xFFFF, v8  }
0x214: {  	v2 =	vshrl.u32 v2, $0x10;
	v6 =	vld.idx.msk [tilespmem:v6+s2+$0x0], $0xffff  }
0x215: {  	v3 =	vshrl.u32 v3, $0x10;
	v7 =	vld.idx.msk [tilespmem:v7+s2+$0x0], $0xffff  }
0x216: {  	v4 =	vshrl.u32 v4, $0x10;
	v9 =	vld.idx.msk [tilespmem:v9+s2+$0x0], $0xffff  }
0x217: {  	[tilespmem:v1+s20+$0x0] =	vst.idx.add.f32.msk $0xffff, v5;
	v1 =	vand.u32 $0xFFFF, v12  }
0x218: {  	v17 =	vand.u32 $0xFFFF, v14;
	v5 =	vld.idx.msk [tilespmem:v10+s2+$0x0], $0xffff  }
0x219: {  	v18 =	vand.u32 $0xFFFF, v15;
	[tilespmem:v2+s20+$0x0] =	vst.idx.add.f32.msk $0xffff, v6  }
0x21a: {  	v10 =	vand.u32 $0xFFFF, v13;
	[tilespmem:v3+s20+$0x0] =	vst.idx.add.f32.msk $0xffff, v7  }
0x21b: {  	[tilespmem:v4+s20+$0x0] =	vst.idx.add.f32.msk $0xffff, v9  }
0x21c: {  	v12 =	vshrl.u32 v12, $0x10;
	v11 =	vld.idx.msk [tilespmem:v1+s2+$0x0], $0xffff  }
0x21d: {  	v9 =	vld.idx.msk [tilespmem:v17+s2+$0x0], $0xffff  }
0x21e: {  	v2 =	vshrl.u32 v13, $0x10;
	v3 =	vshrl.u32 v14, $0x10;
	v4 =	vshrl.u32 v15, $0x10;
	v7 =	vld.idx.msk [tilespmem:v18+s2+$0x0], $0xffff  }
0x21f: {  	s29 =	simm.s32 $0x187C0;
	s28 =	simm.s32 $0x5;
	v6 =	vshrl.u32 v16, $0x10;
	v1 =	vshrl.u32 v8, $0x10;
	v8 =	vld.idx.msk [tilespmem:v10+s2+$0x0], $0xffff;
	v10 =	vand.u32 $0xFFFF, v16  }
.LBB2_41:
0x220: {  	v13 =	vld [tilespmem:s29+$0x20];
	s28 =	sadd.s32 $0x5, s28  }
0x221: {  	p0 =	slt.u32 s28, $0x26C;
	[tilespmem:v12+s20+$0x0] =	vst.idx.add.f32.msk $0xffff, v11  }
0x222: {  	v11 =	vld [tilespmem:s29+$0xFFFFFFF0]  }
0x223: {  	v12 =	vld [tilespmem:s29+$0x0]  }
0x224: {  	v14 =	vld [tilespmem:s29+$0x10]  }
0x225: {  	v15 =	vld [tilespmem:s29+$0xFFFFFFE0];
	v16 =	vand.u32 $0xFFFF, v13  }
0x226: {  	v17 =	vld.idx.msk [tilespmem:v10+s2+$0x0], $0xffff  }
0x227: {  	v10 =	vshrl.u32 v11, $0x10;
	v18 =	vand.u32 $0xFFFF, v11;
	[tilespmem:v1+s20+$0x0] =	vst.idx.add.f32.msk $0xffff, v5;
	v1 =	vmov v6  }
0x228: {  	v5 =	vshrl.u32 v12, $0x10;
	v19 =	vand.u32 $0xFFFF, v12;
	[tilespmem:v2+s20+$0x0] =	vst.idx.add.f32.msk $0xffff, v8;
	v2 =	vmov v10  }
0x229: {  	v8 =	vshrl.u32 v14, $0x10;
	v14 =	vand.u32 $0xFFFF, v14;
	[tilespmem:v3+s20+$0x0] =	vst.idx.add.f32.msk $0xffff, v9;
	v3 =	vmov v5  }
.Ltmp19:
0x22a: {  	v6 =	vshrl.u32 v15, $0x10;
	v10 =	vand.u32 $0xFFFF, v15;
	v11 =	vld.idx.msk [tilespmem:v16+s2+$0x0], $0xffff;
	(pc) =	sbr.rel @p0 .LBB2_41-.Ltmp19, $4  }
0x22b: {  	v12 =	vshrl.u32 v13, $0x10;
	[tilespmem:v4+s20+$0x0] =	vst.idx.add.f32.msk $0xffff, v7;
	v4 =	vmov v8  }
0x22c: {  	v5 =	vmov v17;
	v8 =	vld.idx.msk [tilespmem:v18+s2+$0x0], $0xffff  }
0x22d: {  	v9 =	vld.idx.msk [tilespmem:v19+s2+$0x0], $0xffff  }
0x22e: {  	s29 =	sadd.s32 $0x50, s29;
	v7 =	vld.idx.msk [tilespmem:v14+s2+$0x0], $0xffff  }
0x22f: {  	_ =	sdelay $0x3  }
0x230: {  	[tilespmem:v12+s20+$0x0] =	vst.idx.add.f32.msk $0xffff, v11  }
0x231: {  	v10 =	vld.idx.msk [tilespmem:v10+s2+$0x0], $0xffff  }
0x232: {  	[tilespmem:v1+s20+$0x0] =	vst.idx.add.f32.msk $0xffff, v5  }
0x233: {  	[tilespmem:v2+s20+$0x0] =	vst.idx.add.f32.msk $0xffff, v8  }
0x234: {  	[tilespmem:v3+s20+$0x0] =	vst.idx.add.f32.msk $0xffff, v9  }
0x235: {  	[tilespmem:v4+s20+$0x0] =	vst.idx.add.f32.msk $0xffff, v7  }
0x236: {  	p0 =	seq.s32 s25, $0x27;
	[tilespmem:v6+s20+$0x0] =	vst.idx.add.f32.msk $0xffff, v10  }
0x237: {  	s30 =	simm.s32 $0x1AEA0;
	s26 =	sshrl.u32 @!p0 s26, $0x3;
	_ =	swait.ge [sflag:s21], $0x2710  }
0x238: {  	s28 =	simm.s32 @!p0 $0x0;
	s26 =	sadd.s32 @!p0 s5, s26;
	[sflag:s21] =	ssyncset.done $0x0  }
0x239: {  	s29 =	simm.s32 @!p0 $0x18700;
	s26 =	sadd.s32 @!p0 $0x9C4, s26;
	[sflag:s21] =	ssyncadd.s32 $0xFFFFD8F0  }
0x23a: {  	[tilespmem:s29], [sflag:$0x1] =	stream.linear.gather @!p0 [hbm4b:s26+s28], $0x2710, $0x38;
	[tilespmem:$0x1FD80] =	vst v63  }
0x23b: {  	v1 =	vld [tilespmem:s30+$0x20]  }
0x23c: {  	v2 =	vld [tilespmem:s30+$0xFFFFFFF0];
	_ =	sdelay $0x1  }
0x23d: {  	v3 =	vld [tilespmem:s30+$0x0]  }
0x23e: {  	v4 =	vld [tilespmem:s30+$0x10]  }
0x23f: {  	s31 =	simm.s32 $0x1AEF0;
	v8 =	vld [tilespmem:s30+$0xFFFFFFE0];
	v5 =	vand.u32 $0xFFFF, v1  }
0x240: {  	v12 =	vld [tilespmem:s31+$0x20];
	v6 =	vand.u32 $0xFFFF, v2  }
0x241: {  	v13 =	vld [tilespmem:s31+$0xFFFFFFF0]  }
0x242: {  	v14 =	vld [tilespmem:s31+$0x0];
	v7 =	vand.u32 $0xFFFF, v3  }
0x243: {  	v15 =	vld [tilespmem:s31+$0x10];
	v9 =	vand.u32 $0xFFFF, v4  }
0x244: {  	v1 =	vshrl.u32 v1, $0x10;
	v5 =	vld.idx.msk [tilespmem:v5+s2+$0x0], $0xffff  }
0x245: {  	v10 =	vld.idx.msk [tilespmem:v6+s2+$0x0], $0xffff;
	v6 =	vand.u32 $0xFFFF, v8  }
0x246: {  	v16 =	vld [tilespmem:s31+$0xFFFFFFE0];
	v2 =	vshrl.u32 v2, $0x10  }
0x247: {  	v3 =	vshrl.u32 v3, $0x10;
	v7 =	vld.idx.msk [tilespmem:v7+s2+$0x0], $0xffff  }
0x248: {  	v4 =	vshrl.u32 v4, $0x10;
	v9 =	vld.idx.msk [tilespmem:v9+s2+$0x0], $0xffff  }
0x249: {  	[tilespmem:v1+s20+$0x0] =	vst.idx.add.f32.msk $0xffff, v5;
	v1 =	vand.u32 $0xFFFF, v12  }
0x24a: {  	v17 =	vand.u32 $0xFFFF, v14;
	v6 =	vld.idx.msk [tilespmem:v6+s2+$0x0], $0xffff  }
0x24b: {  	v18 =	vand.u32 $0xFFFF, v15;
	[tilespmem:v2+s20+$0x0] =	vst.idx.add.f32.msk $0xffff, v10  }
0x24c: {  	v5 =	vand.u32 $0xFFFF, v13;
	[tilespmem:v3+s20+$0x0] =	vst.idx.add.f32.msk $0xffff, v7  }
0x24d: {  	[tilespmem:v4+s20+$0x0] =	vst.idx.add.f32.msk $0xffff, v9  }
0x24e: {  	v12 =	vshrl.u32 v12, $0x10;
	v11 =	vld.idx.msk [tilespmem:v1+s2+$0x0], $0xffff  }
0x24f: {  	v9 =	vld.idx.msk [tilespmem:v17+s2+$0x0], $0xffff  }
0x250: {  	v3 =	vshrl.u32 v13, $0x10;
	v4 =	vshrl.u32 v14, $0x10;
	v2 =	vshrl.u32 v15, $0x10;
	v7 =	vld.idx.msk [tilespmem:v18+s2+$0x0], $0xffff  }
0x251: {  	s26 =	simm.s32 $0x5;
	s28 =	simm.s32 $0x1AF40;
	v10 =	vand.u32 $0xFFFF, v16;
	v1 =	vshrl.u32 v8, $0x10;
	v8 =	vld.idx.msk [tilespmem:v5+s2+$0x0], $0xffff;
	v5 =	vshrl.u32 v16, $0x10  }
.LBB2_43:
0x252: {  	v13 =	vld [tilespmem:s28+$0x20];
	s26 =	sadd.s32 $0x5, s26  }
0x253: {  	p0 =	slt.u32 s26, $0x26C;
	[tilespmem:v12+s20+$0x0] =	vst.idx.add.f32.msk $0xffff, v11  }
0x254: {  	v11 =	vld [tilespmem:s28+$0xFFFFFFF0]  }
0x255: {  	v12 =	vld [tilespmem:s28+$0x0]  }
0x256: {  	v14 =	vld [tilespmem:s28+$0x10]  }
0x257: {  	v15 =	vld [tilespmem:s28+$0xFFFFFFE0];
	v16 =	vand.u32 $0xFFFF, v13  }
0x258: {  	v17 =	vld.idx.msk [tilespmem:v10+s2+$0x0], $0xffff  }
0x259: {  	v10 =	vshrl.u32 v11, $0x10;
	v18 =	vand.u32 $0xFFFF, v11;
	[tilespmem:v1+s20+$0x0] =	vst.idx.add.f32.msk $0xffff, v6;
	v1 =	vmov v5  }
0x25a: {  	v5 =	vshrl.u32 v12, $0x10;
	v19 =	vand.u32 $0xFFFF, v12;
	[tilespmem:v3+s20+$0x0] =	vst.idx.add.f32.msk $0xffff, v8;
	v3 =	vmov v10  }
0x25b: {  	v6 =	vshrl.u32 v14, $0x10;
	v14 =	vand.u32 $0xFFFF, v14;
	[tilespmem:v4+s20+$0x0] =	vst.idx.add.f32.msk $0xffff, v9;
	v4 =	vmov v5  }
.Ltmp20:
0x25c: {  	v5 =	vshrl.u32 v15, $0x10;
	v10 =	vand.u32 $0xFFFF, v15;
	v11 =	vld.idx.msk [tilespmem:v16+s2+$0x0], $0xffff;
	(pc) =	sbr.rel @p0 .LBB2_43-.Ltmp20, $4  }
0x25d: {  	v12 =	vshrl.u32 v13, $0x10;
	[tilespmem:v2+s20+$0x0] =	vst.idx.add.f32.msk $0xffff, v7;
	v2 =	vmov v6  }
0x25e: {  	v8 =	vld.idx.msk [tilespmem:v18+s2+$0x0], $0xffff;
	v6 =	vmov v17  }
0x25f: {  	v9 =	vld.idx.msk [tilespmem:v19+s2+$0x0], $0xffff  }
0x260: {  	s28 =	sadd.s32 $0x50, s28;
	v7 =	vld.idx.msk [tilespmem:v14+s2+$0x0], $0xffff  }
0x261: {  	_ =	sdelay $0x3  }
0x262: {  	[tilespmem:v12+s20+$0x0] =	vst.idx.add.f32.msk $0xffff, v11;
	s25 =	sadd.s32 $0x1, s25  }
0x263: {  	v10 =	vld.idx.msk [tilespmem:v10+s2+$0x0], $0xffff;
	p0 =	sne.s32 s25, $0x28  }
.Ltmp21:
0x264: {  	[tilespmem:v1+s20+$0x0] =	vst.idx.add.f32.msk $0xffff, v6;
	(pc) =	sbr.rel @p0 .LBB2_40-.Ltmp21, $4  }
0x265: {  	[tilespmem:v3+s20+$0x0] =	vst.idx.add.f32.msk $0xffff, v8  }
0x266: {  	[tilespmem:v4+s20+$0x0] =	vst.idx.add.f32.msk $0xffff, v9  }
0x267: {  	[tilespmem:v2+s20+$0x0] =	vst.idx.add.f32.msk $0xffff, v7  }
0x268: {  	[tilespmem:v5+s20+$0x0] =	vst.idx.add.f32.msk $0xffff, v10  }
0x269: {  	s25 =	simm.s32 $0x0;
	s26 =	simm.s32 $0xC3A0  }
.LBB2_46:
0x26a: {  	s28 =	smul.u32 $0x2710, s25;
	_ =	sdelay $0x1  }
0x26b: {  	s28 =	sshrl.u32 s28, $0x3  }
0x26c: {  	s28 =	sadd.s32 s6, s28  }
0x26d: {  	[tilespmem:s22], [sflag:$0x4] =	stream.linear.gather [hbm4b:s28+s2], $0x2710, $0x38;
	[tilespmem:$0x1FD80] =	vst v63  }
0x26e: {  	_ =	swait.ge [sflag:s17], $0x2710  }
0x26f: {  	[sflag:s17] =	ssyncset.done $0x0  }
0x270: {  	[sflag:s17] =	ssyncadd.s32 $0xFFFFD8F0  }
0x271: {  	s28 =	simm.s32 $0x1D620;
	v3 =	vld [tilespmem:s26+$0x20]  }
0x272: {  	v5 =	vld [tilespmem:s28+$0x20]  }
0x273: {  	v1 =	vld [tilespmem:s28+$0xFFFFFFE0]  }
0x274: {  	v7 =	vld [tilespmem:s26+$0xFFFFFFF0]  }
0x275: {  	v8 =	vld [tilespmem:s28+$0xFFFFFFF0]  }
0x276: {  	v2 =	vld [tilespmem:s26+$0x0]  }
0x277: {  	v4 =	vld [tilespmem:s28+$0x0]  }
0x278: {  	v6 =	vmul.f32 v5, v3;
	v3 =	vld [tilespmem:s26+$0x10]  }
0x279: {  	v5 =	vld [tilespmem:s28+$0x10]  }
0x27a: {  	s30 =	simm.s32 $0x0;
	s31 =	sadd.s32 $0x50, s26;
	s29 =	smov.u32 s26;
	v7 =	vmul.f32 v8, v7;
	[tilespmem:s26+$0x20] =	vst v6;
	v6 =	vld [tilespmem:s26+$0xFFFFFFE0]  }
.LBB2_47:
0x27b: {  	v8 =	vld [tilespmem:s31+$0x20];
	s28 =	sadd.s32 $0x50, s28  }
0x27c: {  	s30 =	sadd.s32 $0x5, s30;
	v9 =	vld [tilespmem:s28+$0x20];
	[tilespmem:s29+$0xFFFFFFF0] =	vst v7;
	v2 =	vmul.f32 v4, v2  }
0x27d: {  	p0 =	slt.u32 s30, $0x26C;
	v7 =	vld [tilespmem:s28+$0xFFFFFFE0]  }
0x27e: {  	v10 =	vld [tilespmem:s31+$0xFFFFFFF0];
	[tilespmem:s29+$0x0] =	vst v2;
	v3 =	vmul.f32 v5, v3  }
0x27f: {  	v11 =	vld [tilespmem:s28+$0xFFFFFFF0];
	v5 =	vmul.f32 v1, v6  }
.Ltmp22:
0x280: {  	v2 =	vld [tilespmem:s31+$0x0];
	[tilespmem:s29+$0x10] =	vst v3;
	(pc) =	sbr.rel @p0 .LBB2_47-.Ltmp22, $4  }
0x281: {  	v4 =	vld [tilespmem:s28+$0x0];
	v6 =	vmul.f32 v9, v8;
	[tilespmem:s29+$0xFFFFFFE0] =	vst v5;
	s29 =	smov.u32 s31  }
0x282: {  	v3 =	vld [tilespmem:s31+$0x10];
	v1 =	vmov v7  }
0x283: {  	v5 =	vld [tilespmem:s28+$0x10];
	[tilespmem:s31+$0x20] =	vst v6  }
0x284: {  	s31 =	sadd.s32 $0x50, s31;
	v6 =	vld [tilespmem:s29+$0xFFFFFFE0];
	v7 =	vmul.f32 v11, v10  }
0x285: {  	s25 =	sadd.s32 $0x1, s25  }
0x286: {  	p0 =	sne.s32 s25, $0x5  }
.Ltmp23:
0x287: {  	v2 =	vmul.f32 v4, v2;
	(pc) =	sbr.rel @p0 .LBB2_46-.Ltmp23, $4  }
0x288: {  	[tilespmem:s29+$0xFFFFFFF0] =	vst v7;
	v3 =	vmul.f32 v5, v3  }
0x289: {  	[tilespmem:s29+$0x0] =	vst v2;
	v1 =	vmul.f32 v1, v6  }
0x28a: {  	[tilespmem:s29+$0x10] =	vst v3  }
0x28b: {  	s26 =	sadd.s32 $0x2710, s26;
	[tilespmem:s29+$0xFFFFFFE0] =	vst v1  }
0x28c: {  	s24 =	sadd.s32 $0x1, s24  }
0x28d: {  	p0 =	sne.s32 s24, s15  }
.Ltmp24:
0x28e: {  	_ = 	snop;
	(pc) =	sbr.rel @p0 .LBB2_1-.Ltmp24, $4  }
0x28f: {  	[hbm4b:s14+s2] =	stream.linear.scatter [tilespmem:s20], [sflag:$0x3], $0xC350, $0x38;
	[tilespmem:$0x1FD80] =	vst v63  }
0x290: {  	_ =	swait.ge [sflag:s23], $0xC350  }
0x291: {  	[sflag:s23] =	ssyncset.done $0x0  }
0x292: {  	[sflag:s23] =	ssyncadd.s32 $0xFFFF3CB0  }
0x293: {  	_ =	sfence.sel $0x180000  }
0x294: {  	[bflag:$0x0] =	sbarrier.arrive $0xFFFF  }
0x295: {  	p0 =	sne.s32 s1, $0x0;
	_ =	strace $0x9000004A  }
0x296: {  	s0 =	sadd.s32 @!p0 $0x100000, s0;
	[bflag:$0x2] =	sbarrier.arrive $0xFFFF  }
0x297: {  	[sflag:s0] =	ssyncadd.tile.s32 @!p0 $0x1;
	_ =	shalt  }
.Lfunc_end2:
_tile_overlayer_lowered:
.L_overlay_start_2:
0x298: {  	(tag) =	ssettag $0x2  }
0x299: {  	s0 =	rddreg [dreg:$0x0];
	s2 =	stileid.u32  }
0x29a: {  	s1 =	rddreg [dreg:$0x1];
	p0 =	sne.s32 s2, $0x0  }
0x29b: {  	s3 =	rddreg [dreg:$0x2];
	[bflag:$0x3] =	sbarrier.arrive $0xFFFF;
	s2 =	simm.s32 @!p0 $0x1C04  }
0x29c: {  	[timem:s3], [sflag:s2] =	dma.local @!p0 [hbm:s0], s1  }
0x29d: {  	s0 =	simm.s32 @!p0 $0x4  }
0x29e: {  	_ =	swait.ge @!p0 [sflag:s0], s1  }
0x29f: {  	s1 =	ssub.s32 @!p0 $0x0, s1;
	[sflag:s0] =	ssyncset.done @!p0 $0x0  }
0x2a0: {  	[sflag:s0] =	ssyncadd.s32 @!p0 s1  }
0x2a1: {  	[bflag:$0x3] =	sbarrier.arrive $0xFFFF  }
0x2a2: {  	_ =	shalt  }

// kernel: kernel.15.cloned.1.call-start
scs
__scs_entry_jumppad:
0x0: {  	(pc) =	sbr.rel $0x88, $3  }
0x1: {  	(tag) =	ssettag $0x0;
	lr =	simm.s32 $0x1  }
0x2: {  	[smem:$0x3F9A] =	sst lr;
	_ =	strace $0xD0000000  }
0x3: {  	_ = 	snop  }
0x4: {  	_ = 	snop  }
0x5: {  	_ = 	snop  }
0x6: {  	_ = 	snop  }
0x7: {  	_ = 	snop  }
__scs_overlays_trampoline_lowered:
0x8: {  	[smem:$0x3FA9] =	sst s0  }
0x9: {  	[smem:$0x3FAA] =	sst s1  }
0xa: {  	[smem:$0x3FAB] =	sst s2  }
0xb: {  	[smem:$0x3FAC] =	sst s3  }
0xc: {  	[smem:$0x3FAD] =	sst s4  }
0xd: {  	[smem:$0x3FAE] =	sst s5  }
0xe: {  	[smem:$0x3FAF] =	sst s6  }
0xf: {  	[smem:$0x3FB0] =	sst s7  }
0x10: {  	[smem:$0x3FB1] =	sst s8  }
0x11: {  	[smem:$0x3FB2] =	sst s9;
	s0 =	simm.s32 @!p0 $0x0  }
0x12: {  	s1 =	sld [smem:$0x3F98];
	s0 =	simm.s32 @p0 $0x1  }
0x13: {  	[smem:$0x3FB3] =	sst s0;
	s0 =	simm.s32 @!p1 $0x0  }
0x14: {  	s2 =	sld [smem:$0x3F97];
	s0 =	simm.s32 @p1 $0x1  }
0x15: {  	[smem:$0x3FB4] =	sst s0;
	s0 =	simm.s32 @!p2 $0x0  }
0x16: {  	s3 =	sld [smem:$0x3FDB];
	s0 =	simm.s32 @p2 $0x1  }
0x17: {  	s4 =	simm.s32 $0x1BF5;
	[smem:$0x3FB6] =	sst s0  }
0x18: {  	s0 =	sld [smem:$0x3F99];
	_ =	swait.ge [sflag:s4], $0x0  }
0x19: {  	s7 =	sld [smem:$0x3F9A]  }
0x1a: {  	s8 =	sadd.s32 $0xFFFFE003, lr  }
0x1b: {  	s9 =	sadd.s32 $0xFFFFFEF7, lr;
	s5 =	simm.s32 $0xFFFFFFFF;
	p2 =	slt.u32 s8, $0xFFFFF086  }
0x1c: {  	p1 =	slt.u32 s9, $0xF7A;
	s5 =	simm.s32 @!p2 $0x0  }
0x1d: {  	s5 =	simm.s32 @p1 $0x1;
	p0 =	seq.s32 s7, s2  }
0x1e: {  	s7 =	smul.u32 @!p0 $0xF7A, s2;
	p2 =	seq.s32 @!p0 s5, $0x0  }
0x1f: {  	s9 =	smul.u32 $0xF7A, s1;
	s8 =	simm.s32 @!p0 $0x1BF5;
	p2 =	por !p2, p0  }
0x20: {  	[sflag:s8] =	ssyncset.s32 @!p0 $0xFFFFF086;
	s6 =	sadd.s32 @!p0 s3, s7;
	s7 =	simm.s32 @!p0 $0x108  }
0x21: {  	s3 =	sadd.s32 s3, s9;
	s6 =	sadd.s32 @!p0 $0x88, s6;
	s7 =	simm.s32 @p2 $0x1082  }
0x22: {  	[simem:s7], [sflag:s8] =	dma.local @!p0 [hbm:s6], $0xF7A  }
0x23: {  	s9 =	sor.u32 $0xD0000000, s2;
	s6 =	simm.s32 $0x108;
	_ =	swait.ge @!p0 [sflag:s8], $0x0  }
0x24: {  	s3 =	sadd.s32 $0x88, s3;
	s6 =	simm.s32 @!p1 $0x1082;
	[sflag:s4] =	ssyncset.s32 $0xFFFFF086  }
0x25: {  	[simem:s6], [sflag:s4] =	dma.local [hbm:s3], $0xF7A  }
0x26: {  	[smem:$0x3F9A] =	sst s1;
	(tag) =	ssettag s2;
	_ =	strace s9  }
0x27: {  	s1 =	sld [smem:$0x3FAA]  }
0x28: {  	s2 =	sld [smem:$0x3FAB]  }
0x29: {  	s4 =	sld [smem:$0x3FAD]  }
0x2a: {  	p0 =	seq.s32 s5, $0x0;
	s5 =	sld [smem:$0x3FAE]  }
0x2b: {  	s6 =	sld [smem:$0x3FAF]  }
0x2c: {  	s7 =	sld [smem:$0x3FB0]  }
0x2d: {  	s3 =	simm.s32 $0x108;
	s8 =	sld [smem:$0x3FB1]  }
0x2e: {  	s3 =	simm.s32 @!p0 $0x1082;
	s9 =	sld [smem:$0x3FB2]  }
0x2f: {  	lr =	sadd.s32 s0, s3;
	s0 =	sld [smem:$0x3FA9]  }
0x30: {  	s3 =	sld [smem:$0x3FAC]  }
0x31: {  	[smem:$0x3FB5] =	sst s10  }
0x32: {  	s10 =	sld [smem:$0x3FB3];
	_ =	sdelay $0x3  }
0x33: {  	p0 =	seq.s32 s10, $0x1;
	s10 =	sld [smem:$0x3FB5];
	_ =	sdelay $0x3  }
0x34: {  	[smem:$0x3FB5] =	sst s10  }
0x35: {  	s10 =	sld [smem:$0x3FB4];
	_ =	sdelay $0x3  }
0x36: {  	p1 =	seq.s32 s10, $0x1;
	s10 =	sld [smem:$0x3FB5];
	_ =	sdelay $0x3  }
0x37: {  	[smem:$0x3FB5] =	sst s10  }
0x38: {  	s10 =	sld [smem:$0x3FB6]  }
0x39: {  	_ = 	snop;
	(pc) =	sbr.ind lr, $3  }
0x3a: {  	_ = 	snop  }
0x3b: {  	_ = 	snop  }
0x3c: {  	p2 =	seq.s32 s10, $0x1;
	s10 =	sld [smem:$0x3FB5]  }
0x3d: {  	_ =	shalt  }
0x3e: {  	_ =	shalt  }
0x3f: {  	_ =	shalt  }
0x40: {  	_ =	shalt  }
0x41: {  	_ =	shalt  }
0x42: {  	_ =	shalt  }
0x43: {  	_ =	shalt  }
0x44: {  	_ =	shalt  }
0x45: {  	_ =	shalt  }
0x46: {  	_ =	shalt  }
0x47: {  	_ =	shalt  }
0x48: {  	_ =	shalt  }
0x49: {  	_ =	shalt  }
0x4a: {  	_ =	shalt  }
0x4b: {  	_ =	shalt  }
0x4c: {  	_ =	shalt  }
0x4d: {  	_ =	shalt  }
0x4e: {  	_ =	shalt  }
0x4f: {  	_ =	shalt  }
0x50: {  	_ =	shalt  }
0x51: {  	_ =	shalt  }
0x52: {  	_ =	shalt  }
0x53: {  	_ =	shalt  }
0x54: {  	_ =	shalt  }
0x55: {  	_ =	shalt  }
0x56: {  	_ =	shalt  }
0x57: {  	_ =	shalt  }
0x58: {  	_ =	shalt  }
0x59: {  	_ =	shalt  }
0x5a: {  	_ =	shalt  }
0x5b: {  	_ =	shalt  }
0x5c: {  	_ =	shalt  }
0x5d: {  	_ =	shalt  }
0x5e: {  	_ =	shalt  }
0x5f: {  	_ =	shalt  }
0x60: {  	_ =	shalt  }
0x61: {  	_ =	shalt  }
0x62: {  	_ =	shalt  }
0x63: {  	_ =	shalt  }
0x64: {  	_ =	shalt  }
0x65: {  	_ =	shalt  }
0x66: {  	_ =	shalt  }
0x67: {  	_ =	shalt  }
0x68: {  	_ =	shalt  }
0x69: {  	_ =	shalt  }
0x6a: {  	_ =	shalt  }
0x6b: {  	_ =	shalt  }
0x6c: {  	_ =	shalt  }
0x6d: {  	_ =	shalt  }
0x6e: {  	_ =	shalt  }
0x6f: {  	_ =	shalt  }
0x70: {  	_ =	shalt  }
0x71: {  	_ =	shalt  }
0x72: {  	_ =	shalt  }
0x73: {  	_ =	shalt  }
0x74: {  	_ =	shalt  }
0x75: {  	_ =	shalt  }
0x76: {  	_ =	shalt  }
0x77: {  	_ =	shalt  }
0x78: {  	_ =	shalt  }
0x79: {  	_ =	shalt  }
0x7a: {  	_ =	shalt  }
0x7b: {  	_ =	shalt  }
0x7c: {  	_ =	shalt  }
0x7d: {  	_ =	shalt  }
0x7e: {  	_ =	shalt  }
0x7f: {  	_ =	shalt  }
0x80: {  	_ =	shalt  }
0x81: {  	_ =	shalt  }
0x82: {  	_ =	shalt  }
0x83: {  	_ =	shalt  }
0x84: {  	_ =	shalt  }
0x85: {  	_ =	shalt  }
0x86: {  	_ =	shalt  }
0x87: {  	_ =	shalt  }
.Lfunc_end0:
.L_simem_size_0:
called_computation.2_lowered:
.L_overlay_start_0:
0x88: {  	s2 =	sld [smem:$0x3FD9]  }
0x89: {  	s3 =	sld [smem:$0x3FFE];
	_ =	sdelay $0x1  }
0x8a: {  	s1 =	srdreg.scid  }
0x8b: {  	s0 =	sand.u32 $0x1, s1  }
0x8c: {  	s14 =	sshll.u32 s0, $0xA;
	s2 =	sadd.s32 s3, s2  }
0x8d: {  	s2 =	sadd.s32 s2, s14  }
0x8e: {  	[smem:$0x3FC1] =	sst s2  }
0x8f: {  	_ = 	snop  }
0x90: {  	s2 =	sld [smem:$0x3FD0];
	_ =	sdelay $0x2  }
0x91: {  	s15 =	simm.s32 $0xA;
	s4 =	simm.s32 $0x10  }
0x92: {  	[smem:s4], [sflag:s15] =	dma.local [hbm:s2], $0x1  }
0x93: {  	_ =	swait.eq [sflag:s15], $0x1  }
0x94: {  	[sflag:s15] =	ssyncset.done $0x0  }
0x95: {  	s16 =	sld [smem:$0x11];
	[sflag:s15] =	ssyncadd.s32 $0xFFFFFFFF  }
0x96: {  	s17 =	sld [smem:$0x12];
	(tm) =	ssettm $0x1  }
0x97: {  	s18 =	sld [smem:$0x3FFB];
	_ =	sdelay $0x3  }
0x98: {  	_ =	strace s18  }
0x99: {  	s4 =	sld [smem:$0x3FFC];
	_ =	sdelay $0x3  }
0x9a: {  	_ =	strace s4  }
0x9b: {  	s4 =	sld [smem:$0x3FFD];
	_ =	sdelay $0x3  }
0x9c: {  	_ =	strace s4  }
0x9d: {  	_ =	strace $0x8FFFFFFF  }
0x9e: {  	s19 =	sld [smem:$0x3FDB];
	_ =	sdelay $0x1  }
0x9f: {  	s5 =	simm.s32 $_scs_section_size  }
0xa0: {  	s6 =	simm.s32 $_size__tile_overlayer_lowered;
	s7 =	simm.s32 $_tile_overlayer_lowered  }
0xa1: {  	s22 =	simm.s32 $0x1BFF;
	s21 =	sshll.u32 s7, $0x1;
	s4 =	sadd.s32 s5, s19  }
0xa2: {  	s8 =	simm.s32 $0x0;
	s20 =	sshll.u32 s6, $0x1;
	s6 =	sadd.s32 s21, s4  }
0xa3: {  	[timem:s8], [sflag:s22] =	dma.local [hbm:s6], s20  }
0xa4: {  	_ =	swait.ge [sflag:s22], s20  }
0xa5: {  	s5 =	ssub.s32 $0x0, s20;
	[sflag:s22] =	ssyncset.done $0x0  }
0xa6: {  	[sflag:s22] =	ssyncadd.s32 s5;
	_ =	sdelay $0x1  }
0xa7: {  	s23 =	simm.s32 $0x1B8B  }
0xa8: {  	_ =	swait.ge [sflag:s23], $0x1  }
0xa9: {  	[sflag:s23] =	ssyncset.done $0x0  }
0xaa: {  	s25 =	simm.s32 $0x1B8E;
	s24 =	sld [smem:$0x3FFE];
	[sflag:s23] =	ssyncadd.s32 $0xFFFFFFFF  }
0xab: {  	s26 =	simm.s32 $execute0_lowered;
	[smem:$0x3FD2] =	sst s25  }
0xac: {  	s6 =	sshll.u32 s26, $0x1;
	_ =	strace $0x8000004C;
	[dreg:$0x1] =	wrdreg $0xFFFFFFFF  }
0xad: {  	s28 =	simm.s32 $_size_execute0_lowered;
	s4 =	sadd.s32 s4, s6;
	[dreg:$0x0] =	wrdreg $0x0  }
0xae: {  	s6 =	sshll.u32 s28, $0x1;
	[dreg:$0x2] =	wrdreg s4  }
0xaf: {  	[dreg:$0x3] =	wrdreg s6  }
0xb0: {  	[dreg:$0x4] =	wrdreg $0xC0  }
0xb1: {  	_ =	task [dreg:s8], $0x5FFFF  }
0xb2: {  	[dreg:$0x1] =	wrdreg $0xFFFFFFFF  }
0xb3: {  	[dreg:$0x0] =	wrdreg $0x60  }
0xb4: {  	[dreg:$0x2] =	wrdreg s16  }
0xb5: {  	[dreg:$0x3] =	wrdreg s24  }
0xb6: {  	[dreg:$0x4] =	wrdreg s17  }
0xb7: {  	[dreg:$0x5] =	wrdreg $0x9  }
0xb8: {  	_ =	task.clear_ibuf [dreg:s8], $0x6FFFF;
	_ =	strace $0x9000004C  }
0xb9: {  	s29 =	simm.s32 $0x9;
	_ =	strace $0x8000004E  }
0xba: {  	_ =	swait.ge [sflag:s29], $0x1  }
0xbb: {  	[sflag:s29] =	ssyncadd.s32 $0xFFFFFFFF  }
0xbc: {  	_ =	strace $0x9000004E  }
0xbd: {  	_ =	sfence  }
0xbe: {  	s30 =	sld [smem:$0x0];
	_ =	sdelay $0x2  }
0xbf: {  	s31 =	sshll.u32 s1, $0xD;
	s1 =	sshrl.u32 s1, $0x2  }
0xc0: {  	s3 =	sand.u32 $0x4000, s31;
	s1 =	sadd.s32 s1, s30  }
0xc1: {  	s0 =	sor.u32 s3, s0;
	s1 =	sshll.u32 s1, $0x11  }
0xc2: {  	s0 =	sor.u32 s1, s0  }
0xc3: {  	s0 =	sadd.s32 $0x8F2B, s0  }
0xc4: {  	[sflag:s0] =	ssyncadd.remote.s32 $0x1  }
0xc5: {  	_ =	sfence.sel $0xFFFF  }
0xc6: {  	[dreg:$0x0] =	wrdreg $0xFFFFFFFF;
	(pc) =	sbr.abs _section_cstart, $3  }
0xc7: {  	[dreg:$0x1] =	wrdreg $0xFFFFFFFF  }
0xc8: {  	_ =	task.clear_ibuf [dreg:s8], $0x2FFFF;
	_ =	strace $0x9FFFFFFF  }
0xc9: {  	(tm) =	ssettm $0x7FFFFFFF  }
tec
execute0_lowered:
.L_overlay_start_1:
0x0: {  	(tag) =	ssettag $0x1  }
0x1: {  	s9 =	rddreg [dreg:$0x0]  }
0x2: {  	s7 =	rddreg [dreg:$0x1]  }
0x3: {  	s10 =	rddreg [dreg:$0x2];
	s1 =	srdreg.scid  }
0x4: {  	s0 =	rddreg [dreg:$0x3];
	s2 =	simm.s32 $0x0;
	s18 =	simm.s32 $0x1  }
0x5: {  	s19 =	simm.s32 $0x1AE80;
	s20 =	simm.s32 $0xC380;
	s21 =	simm.s32 $0x2  }
0x6: {  	s22 =	simm.s32 $0x1D600;
	s23 =	simm.s32 $0x3;
	s24 =	simm.s32 $0x0  }
0x7: {  	s8 =	sand.u32 $0x1, s1;
	[smem:$0x7FF] =	sst s2;
	s1 =	stileid.u32  }
0x8: {  	s3 =	sadd.s32 $0x32600, s7;
	s13 =	sadd.s32 $0xC5200, s7;
	s4 =	sshll.u32 s8, $0x4  }
0x9: {  	s5 =	sadd.s32 $0x4AE00, s7;
	s6 =	sadd.s32 $0x6400, s7;
	s11 =	sor.u32 s1, s4  }
0xa: {  	s16 =	sadd.s32 $0x63600, s7;
	s8 =	ssub.s32 $0x2, s8;
	s12 =	smul.u32 $0x186A0, s11  }
0xb: {  	_ =	strace $0x8000004D;
	s14 =	sshrl.u32 s8, $0x1;
	s15 =	smul.u32 $0x30D4, s11  }
0xc: {  	s4 =	sadd.s32 $0x4A00, s7;
	s17 =	ssub.s32 s8, s14;
	s30 =	sshrl.u32 s12, $0x3  }
0xd: {  	s7 =	sadd.s32 s9, s15;
	s8 =	sadd.s32 s10, s15;
	s11 =	sadd.s32 s13, s15  }
0xe: {  	s12 =	sadd.s32 s16, s15;
	s15 =	smax.u32 s17, $0x1;
	s31 =	sadd.s32 $0x186A, s30  }
0xf: {  	s17 =	simm.s32 $0x4;
	s9 =	sadd.s32 s9, s31;
	s10 =	sadd.s32 s10, s31  }
0x10: {  	v0 =	vimm.f32 $0.0e+00;
	s13 =	sadd.s32 s13, s31;
	s14 =	sadd.s32 s16, s31;
	s16 =	simm.s32 $0x18700  }
.LBB2_1:
0x11: {  	[tilespmem:s16], [sflag:$0x1] =	stream.linear.gather [hbm4b:s3+s2], $0x2710, $0x38;
	[tilespmem:$0x1FD80] =	vst v63  }
0x12: {  	_ = 	snop  }
0x13: {  	[tilespmem:s2], [sflag:$0x4] =	stream.linear.gather [hbm4b:s7+s2], $0xC350, $0x38;
	[tilespmem:$0x1FD80] =	vst v63  }
0x14: {  	_ =	swait.ge [sflag:s17], $0xC350  }
0x15: {  	[sflag:s17] =	ssyncset.done $0x0  }
0x16: {  	s25 =	simm.s32 $0xC3A0;
	[sflag:s17] =	ssyncadd.s32 $0xFFFF3CB0  }
0x17: {  	[tilespmem:s25+$0xFFFFFFE0] =	vst v0  }
0x18: {  	[tilespmem:s25+$0x20] =	vst v0  }
0x19: {  	[tilespmem:s25+$0x10] =	vst v0  }
0x1a: {  	s26 =	simm.s32 $0x0;
	[tilespmem:s25+$0x0] =	vst v0  }
.LBB2_2:
0x1b: {  	s26 =	sadd.s32 $0x5, s26  }
0x1c: {  	[tilespmem:s25+$0xFFFFFFF0] =	vst v0;
	s25 =	sadd.s32 $0x50, s25;
	p0 =	slt.u32 s26, $0xC30  }
.Ltmp0:
0x1d: {  	[tilespmem:s25+$0xFFFFFFE0] =	vst v0;
	(pc) =	sbr.rel @p0 .LBB2_2-.Ltmp0, $4  }
0x1e: {  	_ = 	snop  }
0x1f: {  	[tilespmem:s25+$0x20] =	vst v0  }
0x20: {  	[tilespmem:s25+$0x10] =	vst v0  }
0x21: {  	[tilespmem:s25+$0x0] =	vst v0  }
0x22: {  	[tilespmem:s25+$0xFFFFFFF0] =	vst v0;
	s25 =	simm.s32 $0x0  }
.LBB2_4:
0x23: {  	s26 =	smul.u32 $0x4E20, s25;
	_ =	sdelay $0x1  }
0x24: {  	_ =	swait.ge [sflag:s18], $0x2710;
	s28 =	sshrl.u32 s26, $0x3  }
0x25: {  	[sflag:s18] =	ssyncset.done $0x0;
	s28 =	sadd.s32 s3, s28  }
0x26: {  	[sflag:s18] =	ssyncadd.s32 $0xFFFFD8F0;
	s28 =	sadd.s32 $0x4E2, s28  }
0x27: {  	[tilespmem:s19], [sflag:$0x2] =	stream.linear.gather [hbm4b:s28+s2], $0x2710, $0x38;
	[tilespmem:$0x1FD80] =	vst v63  }
0x28: {  	s28 =	simm.s32 $0x18720  }
0x29: {  	v1 =	vld [tilespmem:s28+$0x20];
	_ =	sdelay $0x1  }
0x2a: {  	v2 =	vld [tilespmem:s28+$0xFFFFFFF0]  }
0x2b: {  	v3 =	vld [tilespmem:s28+$0x0]  }
0x2c: {  	v4 =	vld [tilespmem:s28+$0x10]  }
0x2d: {  	v8 =	vld [tilespmem:s28+$0xFFFFFFE0];
	s28 =	simm.s32 $0x18770;
	v5 =	vand.u32 $0xFFFF, v1  }
0x2e: {  	v12 =	vld [tilespmem:s28+$0x20]  }
0x2f: {  	v13 =	vld [tilespmem:s28+$0xFFFFFFF0];
	v6 =	vand.u32 $0xFFFF, v2  }
0x30: {  	v14 =	vld [tilespmem:s28+$0x0];
	v7 =	vand.u32 $0xFFFF, v3  }
0x31: {  	v15 =	vld [tilespmem:s28+$0x10];
	v9 =	vand.u32 $0xFFFF, v4  }
0x32: {  	v1 =	vshrl.u32 v1, $0x10;
	v5 =	vld.idx.msk [tilespmem:v5+s2+$0x0], $0xffff  }
0x33: {  	v16 =	vld [tilespmem:s28+$0xFFFFFFE0];
	v10 =	vand.u32 $0xFFFF, v8  }
0x34: {  	v2 =	vshrl.u32 v2, $0x10;
	v6 =	vld.idx.msk [tilespmem:v6+s2+$0x0], $0xffff  }
0x35: {  	v3 =	vshrl.u32 v3, $0x10;
	v7 =	vld.idx.msk [tilespmem:v7+s2+$0x0], $0xffff  }
0x36: {  	v4 =	vshrl.u32 v4, $0x10;
	v9 =	vld.idx.msk [tilespmem:v9+s2+$0x0], $0xffff  }
0x37: {  	[tilespmem:v1+s20+$0x0] =	vst.idx.add.f32.msk $0xffff, v5;
	v1 =	vand.u32 $0xFFFF, v12  }
0x38: {  	v17 =	vand.u32 $0xFFFF, v14;
	v5 =	vld.idx.msk [tilespmem:v10+s2+$0x0], $0xffff  }
0x39: {  	v18 =	vand.u32 $0xFFFF, v15;
	[tilespmem:v2+s20+$0x0] =	vst.idx.add.f32.msk $0xffff, v6  }
0x3a: {  	v10 =	vand.u32 $0xFFFF, v13;
	[tilespmem:v3+s20+$0x0] =	vst.idx.add.f32.msk $0xffff, v7  }
0x3b: {  	[tilespmem:v4+s20+$0x0] =	vst.idx.add.f32.msk $0xffff, v9  }
0x3c: {  	v12 =	vshrl.u32 v12, $0x10;
	v11 =	vld.idx.msk [tilespmem:v1+s2+$0x0], $0xffff  }
0x3d: {  	v9 =	vld.idx.msk [tilespmem:v17+s2+$0x0], $0xffff  }
0x3e: {  	v2 =	vshrl.u32 v13, $0x10;
	v3 =	vshrl.u32 v14, $0x10;
	v4 =	vshrl.u32 v15, $0x10;
	v7 =	vld.idx.msk [tilespmem:v18+s2+$0x0], $0xffff  }
0x3f: {  	s29 =	simm.s32 $0x187C0;
	s28 =	simm.s32 $0x5;
	v6 =	vshrl.u32 v16, $0x10;
	v1 =	vshrl.u32 v8, $0x10;
	v8 =	vld.idx.msk [tilespmem:v10+s2+$0x0], $0xffff;
	v10 =	vand.u32 $0xFFFF, v16  }
.LBB2_5:
0x40: {  	v13 =	vld [tilespmem:s29+$0x20];
	s28 =	sadd.s32 $0x5, s28  }
0x41: {  	p0 =	slt.u32 s28, $0x26C;
	[tilespmem:v12+s20+$0x0] =	vst.idx.add.f32.msk $0xffff, v11  }
0x42: {  	v11 =	vld [tilespmem:s29+$0xFFFFFFF0]  }
0x43: {  	v12 =	vld [tilespmem:s29+$0x0]  }
0x44: {  	v14 =	vld [tilespmem:s29+$0x10]  }
0x45: {  	v15 =	vld [tilespmem:s29+$0xFFFFFFE0];
	v16 =	vand.u32 $0xFFFF, v13  }
0x46: {  	v17 =	vld.idx.msk [tilespmem:v10+s2+$0x0], $0xffff  }
0x47: {  	v10 =	vshrl.u32 v11, $0x10;
	v18 =	vand.u32 $0xFFFF, v11;
	[tilespmem:v1+s20+$0x0] =	vst.idx.add.f32.msk $0xffff, v5;
	v1 =	vmov v6  }
0x48: {  	v5 =	vshrl.u32 v12, $0x10;
	v19 =	vand.u32 $0xFFFF, v12;
	[tilespmem:v2+s20+$0x0] =	vst.idx.add.f32.msk $0xffff, v8;
	v2 =	vmov v10  }
0x49: {  	v8 =	vshrl.u32 v14, $0x10;
	v14 =	vand.u32 $0xFFFF, v14;
	[tilespmem:v3+s20+$0x0] =	vst.idx.add.f32.msk $0xffff, v9;
	v3 =	vmov v5  }
.Ltmp1:
0x4a: {  	v6 =	vshrl.u32 v15, $0x10;
	v10 =	vand.u32 $0xFFFF, v15;
	v11 =	vld.idx.msk [tilespmem:v16+s2+$0x0], $0xffff;
	(pc) =	sbr.rel @p0 .LBB2_5-.Ltmp1, $4  }
0x4b: {  	v12 =	vshrl.u32 v13, $0x10;
	[tilespmem:v4+s20+$0x0] =	vst.idx.add.f32.msk $0xffff, v7;
	v4 =	vmov v8  }
0x4c: {  	v5 =	vmov v17;
	v8 =	vld.idx.msk [tilespmem:v18+s2+$0x0], $0xffff  }
0x4d: {  	v9 =	vld.idx.msk [tilespmem:v19+s2+$0x0], $0xffff  }
0x4e: {  	s29 =	sadd.s32 $0x50, s29;
	v7 =	vld.idx.msk [tilespmem:v14+s2+$0x0], $0xffff  }
0x4f: {  	_ =	sdelay $0x3  }
0x50: {  	[tilespmem:v12+s20+$0x0] =	vst.idx.add.f32.msk $0xffff, v11  }
0x51: {  	v10 =	vld.idx.msk [tilespmem:v10+s2+$0x0], $0xffff  }
0x52: {  	[tilespmem:v1+s20+$0x0] =	vst.idx.add.f32.msk $0xffff, v5  }
0x53: {  	[tilespmem:v2+s20+$0x0] =	vst.idx.add.f32.msk $0xffff, v8  }
0x54: {  	[tilespmem:v3+s20+$0x0] =	vst.idx.add.f32.msk $0xffff, v9  }
0x55: {  	[tilespmem:v4+s20+$0x0] =	vst.idx.add.f32.msk $0xffff, v7  }
0x56: {  	p0 =	seq.s32 s25, $0x27;
	[tilespmem:v6+s20+$0x0] =	vst.idx.add.f32.msk $0xffff, v10  }
0x57: {  	s30 =	simm.s32 $0x1AEA0;
	s26 =	sshrl.u32 @!p0 s26, $0x3;
	_ =	swait.ge [sflag:s21], $0x2710  }
0x58: {  	s28 =	simm.s32 @!p0 $0x0;
	s26 =	sadd.s32 @!p0 s3, s26;
	[sflag:s21] =	ssyncset.done $0x0  }
0x59: {  	s29 =	simm.s32 @!p0 $0x18700;
	s26 =	sadd.s32 @!p0 $0x9C4, s26;
	[sflag:s21] =	ssyncadd.s32 $0xFFFFD8F0  }
0x5a: {  	[tilespmem:s29], [sflag:$0x1] =	stream.linear.gather @!p0 [hbm4b:s26+s28], $0x2710, $0x38;
	[tilespmem:$0x1FD80] =	vst v63  }
0x5b: {  	v1 =	vld [tilespmem:s30+$0x20]  }
0x5c: {  	v2 =	vld [tilespmem:s30+$0xFFFFFFF0];
	_ =	sdelay $0x1  }
0x5d: {  	v3 =	vld [tilespmem:s30+$0x0]  }
0x5e: {  	v4 =	vld [tilespmem:s30+$0x10]  }
0x5f: {  	s31 =	simm.s32 $0x1AEF0;
	v8 =	vld [tilespmem:s30+$0xFFFFFFE0];
	v5 =	vand.u32 $0xFFFF, v1  }
0x60: {  	v12 =	vld [tilespmem:s31+$0x20];
	v6 =	vand.u32 $0xFFFF, v2  }
0x61: {  	v13 =	vld [tilespmem:s31+$0xFFFFFFF0]  }
0x62: {  	v14 =	vld [tilespmem:s31+$0x0];
	v7 =	vand.u32 $0xFFFF, v3  }
0x63: {  	v15 =	vld [tilespmem:s31+$0x10];
	v9 =	vand.u32 $0xFFFF, v4  }
0x64: {  	v1 =	vshrl.u32 v1, $0x10;
	v5 =	vld.idx.msk [tilespmem:v5+s2+$0x0], $0xffff  }
0x65: {  	v10 =	vld.idx.msk [tilespmem:v6+s2+$0x0], $0xffff;
	v6 =	vand.u32 $0xFFFF, v8  }
0x66: {  	v16 =	vld [tilespmem:s31+$0xFFFFFFE0];
	v2 =	vshrl.u32 v2, $0x10  }
0x67: {  	v3 =	vshrl.u32 v3, $0x10;
	v7 =	vld.idx.msk [tilespmem:v7+s2+$0x0], $0xffff  }
0x68: {  	v4 =	vshrl.u32 v4, $0x10;
	v9 =	vld.idx.msk [tilespmem:v9+s2+$0x0], $0xffff  }
0x69: {  	[tilespmem:v1+s20+$0x0] =	vst.idx.add.f32.msk $0xffff, v5;
	v1 =	vand.u32 $0xFFFF, v12  }
0x6a: {  	v17 =	vand.u32 $0xFFFF, v14;
	v6 =	vld.idx.msk [tilespmem:v6+s2+$0x0], $0xffff  }
0x6b: {  	v18 =	vand.u32 $0xFFFF, v15;
	[tilespmem:v2+s20+$0x0] =	vst.idx.add.f32.msk $0xffff, v10  }
0x6c: {  	v5 =	vand.u32 $0xFFFF, v13;
	[tilespmem:v3+s20+$0x0] =	vst.idx.add.f32.msk $0xffff, v7  }
0x6d: {  	[tilespmem:v4+s20+$0x0] =	vst.idx.add.f32.msk $0xffff, v9  }
0x6e: {  	v12 =	vshrl.u32 v12, $0x10;
	v11 =	vld.idx.msk [tilespmem:v1+s2+$0x0], $0xffff  }
0x6f: {  	v9 =	vld.idx.msk [tilespmem:v17+s2+$0x0], $0xffff  }
0x70: {  	v3 =	vshrl.u32 v13, $0x10;
	v4 =	vshrl.u32 v14, $0x10;
	v2 =	vshrl.u32 v15, $0x10;
	v7 =	vld.idx.msk [tilespmem:v18+s2+$0x0], $0xffff  }
0x71: {  	s26 =	simm.s32 $0x5;
	s28 =	simm.s32 $0x1AF40;
	v10 =	vand.u32 $0xFFFF, v16;
	v1 =	vshrl.u32 v8, $0x10;
	v8 =	vld.idx.msk [tilespmem:v5+s2+$0x0], $0xffff;
	v5 =	vshrl.u32 v16, $0x10  }
.LBB2_7:
0x72: {  	v13 =	vld [tilespmem:s28+$0x20];
	s26 =	sadd.s32 $0x5, s26  }
0x73: {  	p0 =	slt.u32 s26, $0x26C;
	[tilespmem:v12+s20+$0x0] =	vst.idx.add.f32.msk $0xffff, v11  }
0x74: {  	v11 =	vld [tilespmem:s28+$0xFFFFFFF0]  }
0x75: {  	v12 =	vld [tilespmem:s28+$0x0]  }
0x76: {  	v14 =	vld [tilespmem:s28+$0x10]  }
0x77: {  	v15 =	vld [tilespmem:s28+$0xFFFFFFE0];
	v16 =	vand.u32 $0xFFFF, v13  }
0x78: {  	v17 =	vld.idx.msk [tilespmem:v10+s2+$0x0], $0xffff  }
0x79: {  	v10 =	vshrl.u32 v11, $0x10;
	v18 =	vand.u32 $0xFFFF, v11;
	[tilespmem:v1+s20+$0x0] =	vst.idx.add.f32.msk $0xffff, v6;
	v1 =	vmov v5  }
0x7a: {  	v5 =	vshrl.u32 v12, $0x10;
	v19 =	vand.u32 $0xFFFF, v12;
	[tilespmem:v3+s20+$0x0] =	vst.idx.add.f32.msk $0xffff, v8;
	v3 =	vmov v10  }
0x7b: {  	v6 =	vshrl.u32 v14, $0x10;
	v14 =	vand.u32 $0xFFFF, v14;
	[tilespmem:v4+s20+$0x0] =	vst.idx.add.f32.msk $0xffff, v9;
	v4 =	vmov v5  }
.Ltmp2:
0x7c: {  	v5 =	vshrl.u32 v15, $0x10;
	v10 =	vand.u32 $0xFFFF, v15;
	v11 =	vld.idx.msk [tilespmem:v16+s2+$0x0], $0xffff;
	(pc) =	sbr.rel @p0 .LBB2_7-.Ltmp2, $4  }
0x7d: {  	v12 =	vshrl.u32 v13, $0x10;
	[tilespmem:v2+s20+$0x0] =	vst.idx.add.f32.msk $0xffff, v7;
	v2 =	vmov v6  }
0x7e: {  	v8 =	vld.idx.msk [tilespmem:v18+s2+$0x0], $0xffff;
	v6 =	vmov v17  }
0x7f: {  	v9 =	vld.idx.msk [tilespmem:v19+s2+$0x0], $0xffff  }
0x80: {  	s28 =	sadd.s32 $0x50, s28;
	v7 =	vld.idx.msk [tilespmem:v14+s2+$0x0], $0xffff  }
0x81: {  	_ =	sdelay $0x3  }
0x82: {  	[tilespmem:v12+s20+$0x0] =	vst.idx.add.f32.msk $0xffff, v11;
	s25 =	sadd.s32 $0x1, s25  }
0x83: {  	v10 =	vld.idx.msk [tilespmem:v10+s2+$0x0], $0xffff;
	p0 =	sne.s32 s25, $0x28  }
.Ltmp3:
0x84: {  	[tilespmem:v1+s20+$0x0] =	vst.idx.add.f32.msk $0xffff, v6;
	(pc) =	sbr.rel @p0 .LBB2_4-.Ltmp3, $4  }
0x85: {  	[tilespmem:v3+s20+$0x0] =	vst.idx.add.f32.msk $0xffff, v8  }
0x86: {  	[tilespmem:v4+s20+$0x0] =	vst.idx.add.f32.msk $0xffff, v9  }
0x87: {  	[tilespmem:v2+s20+$0x0] =	vst.idx.add.f32.msk $0xffff, v7  }
0x88: {  	[tilespmem:v5+s20+$0x0] =	vst.idx.add.f32.msk $0xffff, v10  }
0x89: {  	s25 =	simm.s32 $0x0;
	s26 =	simm.s32 $0xC3A0  }
.LBB2_10:
0x8a: {  	s28 =	smul.u32 $0x2710, s25;
	_ =	sdelay $0x1  }
0x8b: {  	s28 =	sshrl.u32 s28, $0x3  }
0x8c: {  	s28 =	sadd.s32 s4, s28  }
0x8d: {  	[tilespmem:s22], [sflag:$0x4] =	stream.linear.gather [hbm4b:s28+s2], $0x2710, $0x38;
	[tilespmem:$0x1FD80] =	vst v63  }
0x8e: {  	_ =	swait.ge [sflag:s17], $0x2710  }
0x8f: {  	[sflag:s17] =	ssyncset.done $0x0  }
0x90: {  	[sflag:s17] =	ssyncadd.s32 $0xFFFFD8F0  }
0x91: {  	s28 =	simm.s32 $0x1D620;
	v3 =	vld [tilespmem:s26+$0x20]  }
0x92: {  	v5 =	vld [tilespmem:s28+$0x20]  }
0x93: {  	v1 =	vld [tilespmem:s28+$0xFFFFFFE0]  }
0x94: {  	v7 =	vld [tilespmem:s26+$0xFFFFFFF0]  }
0x95: {  	v8 =	vld [tilespmem:s28+$0xFFFFFFF0]  }
0x96: {  	v2 =	vld [tilespmem:s26+$0x0]  }
0x97: {  	v4 =	vld [tilespmem:s28+$0x0]  }
0x98: {  	v6 =	vmul.f32 v5, v3;
	v3 =	vld [tilespmem:s26+$0x10]  }
0x99: {  	v5 =	vld [tilespmem:s28+$0x10]  }
0x9a: {  	s30 =	simm.s32 $0x0;
	s31 =	sadd.s32 $0x50, s26;
	s29 =	smov.u32 s26;
	v7 =	vmul.f32 v8, v7;
	[tilespmem:s26+$0x20] =	vst v6;
	v6 =	vld [tilespmem:s26+$0xFFFFFFE0]  }
.LBB2_11:
0x9b: {  	v8 =	vld [tilespmem:s31+$0x20];
	s28 =	sadd.s32 $0x50, s28  }
0x9c: {  	s30 =	sadd.s32 $0x5, s30;
	v9 =	vld [tilespmem:s28+$0x20];
	[tilespmem:s29+$0xFFFFFFF0] =	vst v7;
	v2 =	vmul.f32 v4, v2  }
0x9d: {  	p0 =	slt.u32 s30, $0x26C;
	v7 =	vld [tilespmem:s28+$0xFFFFFFE0]  }
0x9e: {  	v10 =	vld [tilespmem:s31+$0xFFFFFFF0];
	[tilespmem:s29+$0x0] =	vst v2;
	v3 =	vmul.f32 v5, v3  }
0x9f: {  	v11 =	vld [tilespmem:s28+$0xFFFFFFF0];
	v5 =	vmul.f32 v1, v6  }
.Ltmp4:
0xa0: {  	v2 =	vld [tilespmem:s31+$0x0];
	[tilespmem:s29+$0x10] =	vst v3;
	(pc) =	sbr.rel @p0 .LBB2_11-.Ltmp4, $4  }
0xa1: {  	v4 =	vld [tilespmem:s28+$0x0];
	v6 =	vmul.f32 v9, v8;
	[tilespmem:s29+$0xFFFFFFE0] =	vst v5;
	s29 =	smov.u32 s31  }
0xa2: {  	v3 =	vld [tilespmem:s31+$0x10];
	v1 =	vmov v7  }
0xa3: {  	v5 =	vld [tilespmem:s28+$0x10];
	[tilespmem:s31+$0x20] =	vst v6  }
0xa4: {  	s31 =	sadd.s32 $0x50, s31;
	v6 =	vld [tilespmem:s29+$0xFFFFFFE0];
	v7 =	vmul.f32 v11, v10  }
0xa5: {  	s25 =	sadd.s32 $0x1, s25  }
0xa6: {  	p0 =	sne.s32 s25, $0x5  }
.Ltmp5:
0xa7: {  	v2 =	vmul.f32 v4, v2;
	(pc) =	sbr.rel @p0 .LBB2_10-.Ltmp5, $4  }
0xa8: {  	[tilespmem:s29+$0xFFFFFFF0] =	vst v7;
	v3 =	vmul.f32 v5, v3  }
0xa9: {  	[tilespmem:s29+$0x0] =	vst v2;
	v1 =	vmul.f32 v1, v6  }
0xaa: {  	[tilespmem:s29+$0x10] =	vst v3  }
0xab: {  	s26 =	sadd.s32 $0x2710, s26;
	[tilespmem:s29+$0xFFFFFFE0] =	vst v1  }
0xac: {  	[hbm4b:s8+s2] =	stream.linear.scatter [tilespmem:s20], [sflag:$0x3], $0xC350, $0x38;
	[tilespmem:$0x1FD80] =	vst v63  }
0xad: {  	_ = 	snop  }
0xae: {  	[tilespmem:s16], [sflag:$0x1] =	stream.linear.gather [hbm4b:s3+s2], $0x2710, $0x38;
	[tilespmem:$0x1FD80] =	vst v63  }
0xaf: {  	_ = 	snop  }
0xb0: {  	[tilespmem:s2], [sflag:$0x4] =	stream.linear.gather [hbm4b:s9+s2], $0xC350, $0x38;
	[tilespmem:$0x1FD80] =	vst v63  }
0xb1: {  	_ =	swait.ge [sflag:s17], $0xC350  }
0xb2: {  	[sflag:s17] =	ssyncset.done $0x0  }
0xb3: {  	[sflag:s17] =	ssyncadd.s32 $0xFFFF3CB0  }
0xb4: {  	_ =	swait.ge [sflag:s23], $0xC350  }
0xb5: {  	[sflag:s23] =	ssyncset.done $0x0  }
0xb6: {  	s25 =	simm.s32 $0xC3A0;
	[sflag:s23] =	ssyncadd.s32 $0xFFFF3CB0  }
0xb7: {  	[tilespmem:s25+$0xFFFFFFE0] =	vst v0  }
0xb8: {  	[tilespmem:s25+$0x20] =	vst v0  }
0xb9: {  	[tilespmem:s25+$0x10] =	vst v0  }
0xba: {  	s26 =	simm.s32 $0x0;
	[tilespmem:s25+$0x0] =	vst v0  }
.LBB2_14:
0xbb: {  	s26 =	sadd.s32 $0x5, s26  }
0xbc: {  	[tilespmem:s25+$0xFFFFFFF0] =	vst v0;
	s25 =	sadd.s32 $0x50, s25;
	p0 =	slt.u32 s26, $0xC30  }
.Ltmp6:
0xbd: {  	[tilespmem:s25+$0xFFFFFFE0] =	vst v0;
	(pc) =	sbr.rel @p0 .LBB2_14-.Ltmp6, $4  }
0xbe: {  	_ = 	snop  }
0xbf: {  	[tilespmem:s25+$0x20] =	vst v0  }
0xc0: {  	[tilespmem:s25+$0x10] =	vst v0  }
0xc1: {  	[tilespmem:s25+$0x0] =	vst v0  }
0xc2: {  	[tilespmem:s25+$0xFFFFFFF0] =	vst v0;
	s25 =	simm.s32 $0x0  }
.LBB2_16:
0xc3: {  	s26 =	smul.u32 $0x4E20, s25;
	_ =	sdelay $0x1  }
0xc4: {  	_ =	swait.ge [sflag:s18], $0x2710;
	s28 =	sshrl.u32 s26, $0x3  }
0xc5: {  	[sflag:s18] =	ssyncset.done $0x0;
	s28 =	sadd.s32 s3, s28  }
0xc6: {  	[sflag:s18] =	ssyncadd.s32 $0xFFFFD8F0;
	s28 =	sadd.s32 $0x4E2, s28  }
0xc7: {  	[tilespmem:s19], [sflag:$0x2] =	stream.linear.gather [hbm4b:s28+s2], $0x2710, $0x38;
	[tilespmem:$0x1FD80] =	vst v63  }
0xc8: {  	s28 =	simm.s32 $0x18720  }
0xc9: {  	v1 =	vld [tilespmem:s28+$0x20];
	_ =	sdelay $0x1  }
0xca: {  	v2 =	vld [tilespmem:s28+$0xFFFFFFF0]  }
0xcb: {  	v3 =	vld [tilespmem:s28+$0x0]  }
0xcc: {  	v4 =	vld [tilespmem:s28+$0x10]  }
0xcd: {  	v8 =	vld [tilespmem:s28+$0xFFFFFFE0];
	s28 =	simm.s32 $0x18770;
	v5 =	vand.u32 $0xFFFF, v1  }
0xce: {  	v12 =	vld [tilespmem:s28+$0x20]  }
0xcf: {  	v13 =	vld [tilespmem:s28+$0xFFFFFFF0];
	v6 =	vand.u32 $0xFFFF, v2  }
0xd0: {  	v14 =	vld [tilespmem:s28+$0x0];
	v7 =	vand.u32 $0xFFFF, v3  }
0xd1: {  	v15 =	vld [tilespmem:s28+$0x10];
	v9 =	vand.u32 $0xFFFF, v4  }
0xd2: {  	v1 =	vshrl.u32 v1, $0x10;
	v5 =	vld.idx.msk [tilespmem:v5+s2+$0x0], $0xffff  }
0xd3: {  	v16 =	vld [tilespmem:s28+$0xFFFFFFE0];
	v10 =	vand.u32 $0xFFFF, v8  }
0xd4: {  	v2 =	vshrl.u32 v2, $0x10;
	v6 =	vld.idx.msk [tilespmem:v6+s2+$0x0], $0xffff  }
0xd5: {  	v3 =	vshrl.u32 v3, $0x10;
	v7 =	vld.idx.msk [tilespmem:v7+s2+$0x0], $0xffff  }
0xd6: {  	v4 =	vshrl.u32 v4, $0x10;
	v9 =	vld.idx.msk [tilespmem:v9+s2+$0x0], $0xffff  }
0xd7: {  	[tilespmem:v1+s20+$0x0] =	vst.idx.add.f32.msk $0xffff, v5;
	v1 =	vand.u32 $0xFFFF, v12  }
0xd8: {  	v17 =	vand.u32 $0xFFFF, v14;
	v5 =	vld.idx.msk [tilespmem:v10+s2+$0x0], $0xffff  }
0xd9: {  	v18 =	vand.u32 $0xFFFF, v15;
	[tilespmem:v2+s20+$0x0] =	vst.idx.add.f32.msk $0xffff, v6  }
0xda: {  	v10 =	vand.u32 $0xFFFF, v13;
	[tilespmem:v3+s20+$0x0] =	vst.idx.add.f32.msk $0xffff, v7  }
0xdb: {  	[tilespmem:v4+s20+$0x0] =	vst.idx.add.f32.msk $0xffff, v9  }
0xdc: {  	v12 =	vshrl.u32 v12, $0x10;
	v11 =	vld.idx.msk [tilespmem:v1+s2+$0x0], $0xffff  }
0xdd: {  	v9 =	vld.idx.msk [tilespmem:v17+s2+$0x0], $0xffff  }
0xde: {  	v2 =	vshrl.u32 v13, $0x10;
	v3 =	vshrl.u32 v14, $0x10;
	v4 =	vshrl.u32 v15, $0x10;
	v7 =	vld.idx.msk [tilespmem:v18+s2+$0x0], $0xffff  }
0xdf: {  	s29 =	simm.s32 $0x187C0;
	s28 =	simm.s32 $0x5;
	v6 =	vshrl.u32 v16, $0x10;
	v1 =	vshrl.u32 v8, $0x10;
	v8 =	vld.idx.msk [tilespmem:v10+s2+$0x0], $0xffff;
	v10 =	vand.u32 $0xFFFF, v16  }
.LBB2_17:
0xe0: {  	v13 =	vld [tilespmem:s29+$0x20];
	s28 =	sadd.s32 $0x5, s28  }
0xe1: {  	p0 =	slt.u32 s28, $0x26C;
	[tilespmem:v12+s20+$0x0] =	vst.idx.add.f32.msk $0xffff, v11  }
0xe2: {  	v11 =	vld [tilespmem:s29+$0xFFFFFFF0]  }
0xe3: {  	v12 =	vld [tilespmem:s29+$0x0]  }
0xe4: {  	v14 =	vld [tilespmem:s29+$0x10]  }
0xe5: {  	v15 =	vld [tilespmem:s29+$0xFFFFFFE0];
	v16 =	vand.u32 $0xFFFF, v13  }
0xe6: {  	v17 =	vld.idx.msk [tilespmem:v10+s2+$0x0], $0xffff  }
0xe7: {  	v10 =	vshrl.u32 v11, $0x10;
	v18 =	vand.u32 $0xFFFF, v11;
	[tilespmem:v1+s20+$0x0] =	vst.idx.add.f32.msk $0xffff, v5;
	v1 =	vmov v6  }
0xe8: {  	v5 =	vshrl.u32 v12, $0x10;
	v19 =	vand.u32 $0xFFFF, v12;
	[tilespmem:v2+s20+$0x0] =	vst.idx.add.f32.msk $0xffff, v8;
	v2 =	vmov v10  }
0xe9: {  	v8 =	vshrl.u32 v14, $0x10;
	v14 =	vand.u32 $0xFFFF, v14;
	[tilespmem:v3+s20+$0x0] =	vst.idx.add.f32.msk $0xffff, v9;
	v3 =	vmov v5  }
.Ltmp7:
0xea: {  	v6 =	vshrl.u32 v15, $0x10;
	v10 =	vand.u32 $0xFFFF, v15;
	v11 =	vld.idx.msk [tilespmem:v16+s2+$0x0], $0xffff;
	(pc) =	sbr.rel @p0 .LBB2_17-.Ltmp7, $4  }
0xeb: {  	v12 =	vshrl.u32 v13, $0x10;
	[tilespmem:v4+s20+$0x0] =	vst.idx.add.f32.msk $0xffff, v7;
	v4 =	vmov v8  }
0xec: {  	v5 =	vmov v17;
	v8 =	vld.idx.msk [tilespmem:v18+s2+$0x0], $0xffff  }
0xed: {  	v9 =	vld.idx.msk [tilespmem:v19+s2+$0x0], $0xffff  }
0xee: {  	s29 =	sadd.s32 $0x50, s29;
	v7 =	vld.idx.msk [tilespmem:v14+s2+$0x0], $0xffff  }
0xef: {  	_ =	sdelay $0x3  }
0xf0: {  	[tilespmem:v12+s20+$0x0] =	vst.idx.add.f32.msk $0xffff, v11  }
0xf1: {  	v10 =	vld.idx.msk [tilespmem:v10+s2+$0x0], $0xffff  }
0xf2: {  	[tilespmem:v1+s20+$0x0] =	vst.idx.add.f32.msk $0xffff, v5  }
0xf3: {  	[tilespmem:v2+s20+$0x0] =	vst.idx.add.f32.msk $0xffff, v8  }
0xf4: {  	[tilespmem:v3+s20+$0x0] =	vst.idx.add.f32.msk $0xffff, v9  }
0xf5: {  	[tilespmem:v4+s20+$0x0] =	vst.idx.add.f32.msk $0xffff, v7  }
0xf6: {  	p0 =	seq.s32 s25, $0x27;
	[tilespmem:v6+s20+$0x0] =	vst.idx.add.f32.msk $0xffff, v10  }
0xf7: {  	s30 =	simm.s32 $0x1AEA0;
	s26 =	sshrl.u32 @!p0 s26, $0x3;
	_ =	swait.ge [sflag:s21], $0x2710  }
0xf8: {  	s28 =	simm.s32 @!p0 $0x0;
	s26 =	sadd.s32 @!p0 s3, s26;
	[sflag:s21] =	ssyncset.done $0x0  }
0xf9: {  	s29 =	simm.s32 @!p0 $0x18700;
	s26 =	sadd.s32 @!p0 $0x9C4, s26;
	[sflag:s21] =	ssyncadd.s32 $0xFFFFD8F0  }
0xfa: {  	[tilespmem:s29], [sflag:$0x1] =	stream.linear.gather @!p0 [hbm4b:s26+s28], $0x2710, $0x38;
	[tilespmem:$0x1FD80] =	vst v63  }
0xfb: {  	v1 =	vld [tilespmem:s30+$0x20]  }
0xfc: {  	v2 =	vld [tilespmem:s30+$0xFFFFFFF0];
	_ =	sdelay $0x1  }
0xfd: {  	v3 =	vld [tilespmem:s30+$0x0]  }
0xfe: {  	v4 =	vld [tilespmem:s30+$0x10]  }
0xff: {  	s31 =	simm.s32 $0x1AEF0;
	v8 =	vld [tilespmem:s30+$0xFFFFFFE0];
	v5 =	vand.u32 $0xFFFF, v1  }
0x100: {  	v12 =	vld [tilespmem:s31+$0x20];
	v6 =	vand.u32 $0xFFFF, v2  }
0x101: {  	v13 =	vld [tilespmem:s31+$0xFFFFFFF0]  }
0x102: {  	v14 =	vld [tilespmem:s31+$0x0];
	v7 =	vand.u32 $0xFFFF, v3  }
0x103: {  	v15 =	vld [tilespmem:s31+$0x10];
	v9 =	vand.u32 $0xFFFF, v4  }
0x104: {  	v1 =	vshrl.u32 v1, $0x10;
	v5 =	vld.idx.msk [tilespmem:v5+s2+$0x0], $0xffff  }
0x105: {  	v10 =	vld.idx.msk [tilespmem:v6+s2+$0x0], $0xffff;
	v6 =	vand.u32 $0xFFFF, v8  }
0x106: {  	v16 =	vld [tilespmem:s31+$0xFFFFFFE0];
	v2 =	vshrl.u32 v2, $0x10  }
0x107: {  	v3 =	vshrl.u32 v3, $0x10;
	v7 =	vld.idx.msk [tilespmem:v7+s2+$0x0], $0xffff  }
0x108: {  	v4 =	vshrl.u32 v4, $0x10;
	v9 =	vld.idx.msk [tilespmem:v9+s2+$0x0], $0xffff  }
0x109: {  	[tilespmem:v1+s20+$0x0] =	vst.idx.add.f32.msk $0xffff, v5;
	v1 =	vand.u32 $0xFFFF, v12  }
0x10a: {  	v17 =	vand.u32 $0xFFFF, v14;
	v6 =	vld.idx.msk [tilespmem:v6+s2+$0x0], $0xffff  }
0x10b: {  	v18 =	vand.u32 $0xFFFF, v15;
	[tilespmem:v2+s20+$0x0] =	vst.idx.add.f32.msk $0xffff, v10  }
0x10c: {  	v5 =	vand.u32 $0xFFFF, v13;
	[tilespmem:v3+s20+$0x0] =	vst.idx.add.f32.msk $0xffff, v7  }
0x10d: {  	[tilespmem:v4+s20+$0x0] =	vst.idx.add.f32.msk $0xffff, v9  }
0x10e: {  	v12 =	vshrl.u32 v12, $0x10;
	v11 =	vld.idx.msk [tilespmem:v1+s2+$0x0], $0xffff  }
0x10f: {  	v9 =	vld.idx.msk [tilespmem:v17+s2+$0x0], $0xffff  }
0x110: {  	v3 =	vshrl.u32 v13, $0x10;
	v4 =	vshrl.u32 v14, $0x10;
	v2 =	vshrl.u32 v15, $0x10;
	v7 =	vld.idx.msk [tilespmem:v18+s2+$0x0], $0xffff  }
0x111: {  	s26 =	simm.s32 $0x5;
	s28 =	simm.s32 $0x1AF40;
	v10 =	vand.u32 $0xFFFF, v16;
	v1 =	vshrl.u32 v8, $0x10;
	v8 =	vld.idx.msk [tilespmem:v5+s2+$0x0], $0xffff;
	v5 =	vshrl.u32 v16, $0x10  }
.LBB2_19:
0x112: {  	v13 =	vld [tilespmem:s28+$0x20];
	s26 =	sadd.s32 $0x5, s26  }
0x113: {  	p0 =	slt.u32 s26, $0x26C;
	[tilespmem:v12+s20+$0x0] =	vst.idx.add.f32.msk $0xffff, v11  }
0x114: {  	v11 =	vld [tilespmem:s28+$0xFFFFFFF0]  }
0x115: {  	v12 =	vld [tilespmem:s28+$0x0]  }
0x116: {  	v14 =	vld [tilespmem:s28+$0x10]  }
0x117: {  	v15 =	vld [tilespmem:s28+$0xFFFFFFE0];
	v16 =	vand.u32 $0xFFFF, v13  }
0x118: {  	v17 =	vld.idx.msk [tilespmem:v10+s2+$0x0], $0xffff  }
0x119: {  	v10 =	vshrl.u32 v11, $0x10;
	v18 =	vand.u32 $0xFFFF, v11;
	[tilespmem:v1+s20+$0x0] =	vst.idx.add.f32.msk $0xffff, v6;
	v1 =	vmov v5  }
0x11a: {  	v5 =	vshrl.u32 v12, $0x10;
	v19 =	vand.u32 $0xFFFF, v12;
	[tilespmem:v3+s20+$0x0] =	vst.idx.add.f32.msk $0xffff, v8;
	v3 =	vmov v10  }
0x11b: {  	v6 =	vshrl.u32 v14, $0x10;
	v14 =	vand.u32 $0xFFFF, v14;
	[tilespmem:v4+s20+$0x0] =	vst.idx.add.f32.msk $0xffff, v9;
	v4 =	vmov v5  }
.Ltmp8:
0x11c: {  	v5 =	vshrl.u32 v15, $0x10;
	v10 =	vand.u32 $0xFFFF, v15;
	v11 =	vld.idx.msk [tilespmem:v16+s2+$0x0], $0xffff;
	(pc) =	sbr.rel @p0 .LBB2_19-.Ltmp8, $4  }
0x11d: {  	v12 =	vshrl.u32 v13, $0x10;
	[tilespmem:v2+s20+$0x0] =	vst.idx.add.f32.msk $0xffff, v7;
	v2 =	vmov v6  }
0x11e: {  	v8 =	vld.idx.msk [tilespmem:v18+s2+$0x0], $0xffff;
	v6 =	vmov v17  }
0x11f: {  	v9 =	vld.idx.msk [tilespmem:v19+s2+$0x0], $0xffff  }
0x120: {  	s28 =	sadd.s32 $0x50, s28;
	v7 =	vld.idx.msk [tilespmem:v14+s2+$0x0], $0xffff  }
0x121: {  	_ =	sdelay $0x3  }
0x122: {  	[tilespmem:v12+s20+$0x0] =	vst.idx.add.f32.msk $0xffff, v11;
	s25 =	sadd.s32 $0x1, s25  }
0x123: {  	v10 =	vld.idx.msk [tilespmem:v10+s2+$0x0], $0xffff;
	p0 =	sne.s32 s25, $0x28  }
.Ltmp9:
0x124: {  	[tilespmem:v1+s20+$0x0] =	vst.idx.add.f32.msk $0xffff, v6;
	(pc) =	sbr.rel @p0 .LBB2_16-.Ltmp9, $4  }
0x125: {  	[tilespmem:v3+s20+$0x0] =	vst.idx.add.f32.msk $0xffff, v8  }
0x126: {  	[tilespmem:v4+s20+$0x0] =	vst.idx.add.f32.msk $0xffff, v9  }
0x127: {  	[tilespmem:v2+s20+$0x0] =	vst.idx.add.f32.msk $0xffff, v7  }
0x128: {  	[tilespmem:v5+s20+$0x0] =	vst.idx.add.f32.msk $0xffff, v10  }
0x129: {  	s25 =	simm.s32 $0x0;
	s26 =	simm.s32 $0xC3A0  }
.LBB2_22:
0x12a: {  	s28 =	smul.u32 $0x2710, s25;
	_ =	sdelay $0x1  }
0x12b: {  	s28 =	sshrl.u32 s28, $0x3  }
0x12c: {  	s28 =	sadd.s32 s4, s28  }
0x12d: {  	[tilespmem:s22], [sflag:$0x4] =	stream.linear.gather [hbm4b:s28+s2], $0x2710, $0x38;
	[tilespmem:$0x1FD80] =	vst v63  }
0x12e: {  	_ =	swait.ge [sflag:s17], $0x2710  }
0x12f: {  	[sflag:s17] =	ssyncset.done $0x0  }
0x130: {  	[sflag:s17] =	ssyncadd.s32 $0xFFFFD8F0  }
0x131: {  	s28 =	simm.s32 $0x1D620;
	v3 =	vld [tilespmem:s26+$0x20]  }
0x132: {  	v5 =	vld [tilespmem:s28+$0x20]  }
0x133: {  	v1 =	vld [tilespmem:s28+$0xFFFFFFE0]  }
0x134: {  	v7 =	vld [tilespmem:s26+$0xFFFFFFF0]  }
0x135: {  	v8 =	vld [tilespmem:s28+$0xFFFFFFF0]  }
0x136: {  	v2 =	vld [tilespmem:s26+$0x0]  }
0x137: {  	v4 =	vld [tilespmem:s28+$0x0]  }
0x138: {  	v6 =	vmul.f32 v5, v3;
	v3 =	vld [tilespmem:s26+$0x10]  }
0x139: {  	v5 =	vld [tilespmem:s28+$0x10]  }
0x13a: {  	s30 =	simm.s32 $0x0;
	s31 =	sadd.s32 $0x50, s26;
	s29 =	smov.u32 s26;
	v7 =	vmul.f32 v8, v7;
	[tilespmem:s26+$0x20] =	vst v6;
	v6 =	vld [tilespmem:s26+$0xFFFFFFE0]  }
.LBB2_23:
0x13b: {  	v8 =	vld [tilespmem:s31+$0x20];
	s28 =	sadd.s32 $0x50, s28  }
0x13c: {  	s30 =	sadd.s32 $0x5, s30;
	v9 =	vld [tilespmem:s28+$0x20];
	[tilespmem:s29+$0xFFFFFFF0] =	vst v7;
	v2 =	vmul.f32 v4, v2  }
0x13d: {  	p0 =	slt.u32 s30, $0x26C;
	v7 =	vld [tilespmem:s28+$0xFFFFFFE0]  }
0x13e: {  	v10 =	vld [tilespmem:s31+$0xFFFFFFF0];
	[tilespmem:s29+$0x0] =	vst v2;
	v3 =	vmul.f32 v5, v3  }
0x13f: {  	v11 =	vld [tilespmem:s28+$0xFFFFFFF0];
	v5 =	vmul.f32 v1, v6  }
.Ltmp10:
0x140: {  	v2 =	vld [tilespmem:s31+$0x0];
	[tilespmem:s29+$0x10] =	vst v3;
	(pc) =	sbr.rel @p0 .LBB2_23-.Ltmp10, $4  }
0x141: {  	v4 =	vld [tilespmem:s28+$0x0];
	v6 =	vmul.f32 v9, v8;
	[tilespmem:s29+$0xFFFFFFE0] =	vst v5;
	s29 =	smov.u32 s31  }
0x142: {  	v3 =	vld [tilespmem:s31+$0x10];
	v1 =	vmov v7  }
0x143: {  	v5 =	vld [tilespmem:s28+$0x10];
	[tilespmem:s31+$0x20] =	vst v6  }
0x144: {  	s31 =	sadd.s32 $0x50, s31;
	v6 =	vld [tilespmem:s29+$0xFFFFFFE0];
	v7 =	vmul.f32 v11, v10  }
0x145: {  	s25 =	sadd.s32 $0x1, s25  }
0x146: {  	p0 =	sne.s32 s25, $0x5  }
.Ltmp11:
0x147: {  	v2 =	vmul.f32 v4, v2;
	(pc) =	sbr.rel @p0 .LBB2_22-.Ltmp11, $4  }
0x148: {  	[tilespmem:s29+$0xFFFFFFF0] =	vst v7;
	v3 =	vmul.f32 v5, v3  }
0x149: {  	[tilespmem:s29+$0x0] =	vst v2;
	v1 =	vmul.f32 v1, v6  }
0x14a: {  	[tilespmem:s29+$0x10] =	vst v3  }
0x14b: {  	s26 =	sadd.s32 $0x2710, s26;
	[tilespmem:s29+$0xFFFFFFE0] =	vst v1  }
0x14c: {  	[hbm4b:s10+s2] =	stream.linear.scatter [tilespmem:s20], [sflag:$0x3], $0xC350, $0x38;
	[tilespmem:$0x1FD80] =	vst v63  }
0x14d: {  	_ = 	snop  }
0x14e: {  	[tilespmem:s16], [sflag:$0x1] =	stream.linear.gather [hbm4b:s5+s2], $0x2710, $0x38;
	[tilespmem:$0x1FD80] =	vst v63  }
0x14f: {  	_ = 	snop  }
0x150: {  	[tilespmem:s2], [sflag:$0x4] =	stream.linear.gather [hbm4b:s11+s2], $0xC350, $0x38;
	[tilespmem:$0x1FD80] =	vst v63  }
0x151: {  	_ =	swait.ge [sflag:s17], $0xC350  }
0x152: {  	[sflag:s17] =	ssyncset.done $0x0  }
0x153: {  	[sflag:s17] =	ssyncadd.s32 $0xFFFF3CB0  }
0x154: {  	_ =	swait.ge [sflag:s23], $0xC350  }
0x155: {  	[sflag:s23] =	ssyncset.done $0x0  }
0x156: {  	s25 =	simm.s32 $0xC3A0;
	[sflag:s23] =	ssyncadd.s32 $0xFFFF3CB0  }
0x157: {  	[tilespmem:s25+$0xFFFFFFE0] =	vst v0  }
0x158: {  	[tilespmem:s25+$0x20] =	vst v0  }
0x159: {  	[tilespmem:s25+$0x10] =	vst v0  }
0x15a: {  	s26 =	simm.s32 $0x0;
	[tilespmem:s25+$0x0] =	vst v0  }
.LBB2_26:
0x15b: {  	s26 =	sadd.s32 $0x5, s26  }
0x15c: {  	[tilespmem:s25+$0xFFFFFFF0] =	vst v0;
	s25 =	sadd.s32 $0x50, s25;
	p0 =	slt.u32 s26, $0xC30  }
.Ltmp12:
0x15d: {  	[tilespmem:s25+$0xFFFFFFE0] =	vst v0;
	(pc) =	sbr.rel @p0 .LBB2_26-.Ltmp12, $4  }
0x15e: {  	_ = 	snop  }
0x15f: {  	[tilespmem:s25+$0x20] =	vst v0  }
0x160: {  	[tilespmem:s25+$0x10] =	vst v0  }
0x161: {  	[tilespmem:s25+$0x0] =	vst v0  }
0x162: {  	[tilespmem:s25+$0xFFFFFFF0] =	vst v0;
	s25 =	simm.s32 $0x0  }
.LBB2_28:
0x163: {  	s26 =	smul.u32 $0x4E20, s25;
	_ =	sdelay $0x1  }
0x164: {  	_ =	swait.ge [sflag:s18], $0x2710;
	s28 =	sshrl.u32 s26, $0x3  }
0x165: {  	[sflag:s18] =	ssyncset.done $0x0;
	s28 =	sadd.s32 s5, s28  }
0x166: {  	[sflag:s18] =	ssyncadd.s32 $0xFFFFD8F0;
	s28 =	sadd.s32 $0x4E2, s28  }
0x167: {  	[tilespmem:s19], [sflag:$0x2] =	stream.linear.gather [hbm4b:s28+s2], $0x2710, $0x38;
	[tilespmem:$0x1FD80] =	vst v63  }
0x168: {  	s28 =	simm.s32 $0x18720  }
0x169: {  	v1 =	vld [tilespmem:s28+$0x20];
	_ =	sdelay $0x1  }
0x16a: {  	v2 =	vld [tilespmem:s28+$0xFFFFFFF0]  }
0x16b: {  	v3 =	vld [tilespmem:s28+$0x0]  }
0x16c: {  	v4 =	vld [tilespmem:s28+$0x10]  }
0x16d: {  	v8 =	vld [tilespmem:s28+$0xFFFFFFE0];
	s28 =	simm.s32 $0x18770;
	v5 =	vand.u32 $0xFFFF, v1  }
0x16e: {  	v12 =	vld [tilespmem:s28+$0x20]  }
0x16f: {  	v13 =	vld [tilespmem:s28+$0xFFFFFFF0];
	v6 =	vand.u32 $0xFFFF, v2  }
0x170: {  	v14 =	vld [tilespmem:s28+$0x0];
	v7 =	vand.u32 $0xFFFF, v3  }
0x171: {  	v15 =	vld [tilespmem:s28+$0x10];
	v9 =	vand.u32 $0xFFFF, v4  }
0x172: {  	v1 =	vshrl.u32 v1, $0x10;
	v5 =	vld.idx.msk [tilespmem:v5+s2+$0x0], $0xffff  }
0x173: {  	v16 =	vld [tilespmem:s28+$0xFFFFFFE0];
	v10 =	vand.u32 $0xFFFF, v8  }
0x174: {  	v2 =	vshrl.u32 v2, $0x10;
	v6 =	vld.idx.msk [tilespmem:v6+s2+$0x0], $0xffff  }
0x175: {  	v3 =	vshrl.u32 v3, $0x10;
	v7 =	vld.idx.msk [tilespmem:v7+s2+$0x0], $0xffff  }
0x176: {  	v4 =	vshrl.u32 v4, $0x10;
	v9 =	vld.idx.msk [tilespmem:v9+s2+$0x0], $0xffff  }
0x177: {  	[tilespmem:v1+s20+$0x0] =	vst.idx.add.f32.msk $0xffff, v5;
	v1 =	vand.u32 $0xFFFF, v12  }
0x178: {  	v17 =	vand.u32 $0xFFFF, v14;
	v5 =	vld.idx.msk [tilespmem:v10+s2+$0x0], $0xffff  }
0x179: {  	v18 =	vand.u32 $0xFFFF, v15;
	[tilespmem:v2+s20+$0x0] =	vst.idx.add.f32.msk $0xffff, v6  }
0x17a: {  	v10 =	vand.u32 $0xFFFF, v13;
	[tilespmem:v3+s20+$0x0] =	vst.idx.add.f32.msk $0xffff, v7  }
0x17b: {  	[tilespmem:v4+s20+$0x0] =	vst.idx.add.f32.msk $0xffff, v9  }
0x17c: {  	v12 =	vshrl.u32 v12, $0x10;
	v11 =	vld.idx.msk [tilespmem:v1+s2+$0x0], $0xffff  }
0x17d: {  	v9 =	vld.idx.msk [tilespmem:v17+s2+$0x0], $0xffff  }
0x17e: {  	v2 =	vshrl.u32 v13, $0x10;
	v3 =	vshrl.u32 v14, $0x10;
	v4 =	vshrl.u32 v15, $0x10;
	v7 =	vld.idx.msk [tilespmem:v18+s2+$0x0], $0xffff  }
0x17f: {  	s29 =	simm.s32 $0x187C0;
	s28 =	simm.s32 $0x5;
	v6 =	vshrl.u32 v16, $0x10;
	v1 =	vshrl.u32 v8, $0x10;
	v8 =	vld.idx.msk [tilespmem:v10+s2+$0x0], $0xffff;
	v10 =	vand.u32 $0xFFFF, v16  }
.LBB2_29:
0x180: {  	v13 =	vld [tilespmem:s29+$0x20];
	s28 =	sadd.s32 $0x5, s28  }
0x181: {  	p0 =	slt.u32 s28, $0x26C;
	[tilespmem:v12+s20+$0x0] =	vst.idx.add.f32.msk $0xffff, v11  }
0x182: {  	v11 =	vld [tilespmem:s29+$0xFFFFFFF0]  }
0x183: {  	v12 =	vld [tilespmem:s29+$0x0]  }
0x184: {  	v14 =	vld [tilespmem:s29+$0x10]  }
0x185: {  	v15 =	vld [tilespmem:s29+$0xFFFFFFE0];
	v16 =	vand.u32 $0xFFFF, v13  }
0x186: {  	v17 =	vld.idx.msk [tilespmem:v10+s2+$0x0], $0xffff  }
0x187: {  	v10 =	vshrl.u32 v11, $0x10;
	v18 =	vand.u32 $0xFFFF, v11;
	[tilespmem:v1+s20+$0x0] =	vst.idx.add.f32.msk $0xffff, v5;
	v1 =	vmov v6  }
0x188: {  	v5 =	vshrl.u32 v12, $0x10;
	v19 =	vand.u32 $0xFFFF, v12;
	[tilespmem:v2+s20+$0x0] =	vst.idx.add.f32.msk $0xffff, v8;
	v2 =	vmov v10  }
0x189: {  	v8 =	vshrl.u32 v14, $0x10;
	v14 =	vand.u32 $0xFFFF, v14;
	[tilespmem:v3+s20+$0x0] =	vst.idx.add.f32.msk $0xffff, v9;
	v3 =	vmov v5  }
.Ltmp13:
0x18a: {  	v6 =	vshrl.u32 v15, $0x10;
	v10 =	vand.u32 $0xFFFF, v15;
	v11 =	vld.idx.msk [tilespmem:v16+s2+$0x0], $0xffff;
	(pc) =	sbr.rel @p0 .LBB2_29-.Ltmp13, $4  }
0x18b: {  	v12 =	vshrl.u32 v13, $0x10;
	[tilespmem:v4+s20+$0x0] =	vst.idx.add.f32.msk $0xffff, v7;
	v4 =	vmov v8  }
0x18c: {  	v5 =	vmov v17;
	v8 =	vld.idx.msk [tilespmem:v18+s2+$0x0], $0xffff  }
0x18d: {  	v9 =	vld.idx.msk [tilespmem:v19+s2+$0x0], $0xffff  }
0x18e: {  	s29 =	sadd.s32 $0x50, s29;
	v7 =	vld.idx.msk [tilespmem:v14+s2+$0x0], $0xffff  }
0x18f: {  	_ =	sdelay $0x3  }
0x190: {  	[tilespmem:v12+s20+$0x0] =	vst.idx.add.f32.msk $0xffff, v11  }
0x191: {  	v10 =	vld.idx.msk [tilespmem:v10+s2+$0x0], $0xffff  }
0x192: {  	[tilespmem:v1+s20+$0x0] =	vst.idx.add.f32.msk $0xffff, v5  }
0x193: {  	[tilespmem:v2+s20+$0x0] =	vst.idx.add.f32.msk $0xffff, v8  }
0x194: {  	[tilespmem:v3+s20+$0x0] =	vst.idx.add.f32.msk $0xffff, v9  }
0x195: {  	[tilespmem:v4+s20+$0x0] =	vst.idx.add.f32.msk $0xffff, v7  }
0x196: {  	p0 =	seq.s32 s25, $0x27;
	[tilespmem:v6+s20+$0x0] =	vst.idx.add.f32.msk $0xffff, v10  }
0x197: {  	s30 =	simm.s32 $0x1AEA0;
	s26 =	sshrl.u32 @!p0 s26, $0x3;
	_ =	swait.ge [sflag:s21], $0x2710  }
0x198: {  	s28 =	simm.s32 @!p0 $0x0;
	s26 =	sadd.s32 @!p0 s5, s26;
	[sflag:s21] =	ssyncset.done $0x0  }
0x199: {  	s29 =	simm.s32 @!p0 $0x18700;
	s26 =	sadd.s32 @!p0 $0x9C4, s26;
	[sflag:s21] =	ssyncadd.s32 $0xFFFFD8F0  }
0x19a: {  	[tilespmem:s29], [sflag:$0x1] =	stream.linear.gather @!p0 [hbm4b:s26+s28], $0x2710, $0x38;
	[tilespmem:$0x1FD80] =	vst v63  }
0x19b: {  	v1 =	vld [tilespmem:s30+$0x20]  }
0x19c: {  	v2 =	vld [tilespmem:s30+$0xFFFFFFF0];
	_ =	sdelay $0x1  }
0x19d: {  	v3 =	vld [tilespmem:s30+$0x0]  }
0x19e: {  	v4 =	vld [tilespmem:s30+$0x10]  }
0x19f: {  	s31 =	simm.s32 $0x1AEF0;
	v8 =	vld [tilespmem:s30+$0xFFFFFFE0];
	v5 =	vand.u32 $0xFFFF, v1  }
0x1a0: {  	v12 =	vld [tilespmem:s31+$0x20];
	v6 =	vand.u32 $0xFFFF, v2  }
0x1a1: {  	v13 =	vld [tilespmem:s31+$0xFFFFFFF0]  }
0x1a2: {  	v14 =	vld [tilespmem:s31+$0x0];
	v7 =	vand.u32 $0xFFFF, v3  }
0x1a3: {  	v15 =	vld [tilespmem:s31+$0x10];
	v9 =	vand.u32 $0xFFFF, v4  }
0x1a4: {  	v1 =	vshrl.u32 v1, $0x10;
	v5 =	vld.idx.msk [tilespmem:v5+s2+$0x0], $0xffff  }
0x1a5: {  	v10 =	vld.idx.msk [tilespmem:v6+s2+$0x0], $0xffff;
	v6 =	vand.u32 $0xFFFF, v8  }
0x1a6: {  	v16 =	vld [tilespmem:s31+$0xFFFFFFE0];
	v2 =	vshrl.u32 v2, $0x10  }
0x1a7: {  	v3 =	vshrl.u32 v3, $0x10;
	v7 =	vld.idx.msk [tilespmem:v7+s2+$0x0], $0xffff  }
0x1a8: {  	v4 =	vshrl.u32 v4, $0x10;
	v9 =	vld.idx.msk [tilespmem:v9+s2+$0x0], $0xffff  }
0x1a9: {  	[tilespmem:v1+s20+$0x0] =	vst.idx.add.f32.msk $0xffff, v5;
	v1 =	vand.u32 $0xFFFF, v12  }
0x1aa: {  	v17 =	vand.u32 $0xFFFF, v14;
	v6 =	vld.idx.msk [tilespmem:v6+s2+$0x0], $0xffff  }
0x1ab: {  	v18 =	vand.u32 $0xFFFF, v15;
	[tilespmem:v2+s20+$0x0] =	vst.idx.add.f32.msk $0xffff, v10  }
0x1ac: {  	v5 =	vand.u32 $0xFFFF, v13;
	[tilespmem:v3+s20+$0x0] =	vst.idx.add.f32.msk $0xffff, v7  }
0x1ad: {  	[tilespmem:v4+s20+$0x0] =	vst.idx.add.f32.msk $0xffff, v9  }
0x1ae: {  	v12 =	vshrl.u32 v12, $0x10;
	v11 =	vld.idx.msk [tilespmem:v1+s2+$0x0], $0xffff  }
0x1af: {  	v9 =	vld.idx.msk [tilespmem:v17+s2+$0x0], $0xffff  }
0x1b0: {  	v3 =	vshrl.u32 v13, $0x10;
	v4 =	vshrl.u32 v14, $0x10;
	v2 =	vshrl.u32 v15, $0x10;
	v7 =	vld.idx.msk [tilespmem:v18+s2+$0x0], $0xffff  }
0x1b1: {  	s26 =	simm.s32 $0x5;
	s28 =	simm.s32 $0x1AF40;
	v10 =	vand.u32 $0xFFFF, v16;
	v1 =	vshrl.u32 v8, $0x10;
	v8 =	vld.idx.msk [tilespmem:v5+s2+$0x0], $0xffff;
	v5 =	vshrl.u32 v16, $0x10  }
.LBB2_31:
0x1b2: {  	v13 =	vld [tilespmem:s28+$0x20];
	s26 =	sadd.s32 $0x5, s26  }
0x1b3: {  	p0 =	slt.u32 s26, $0x26C;
	[tilespmem:v12+s20+$0x0] =	vst.idx.add.f32.msk $0xffff, v11  }
0x1b4: {  	v11 =	vld [tilespmem:s28+$0xFFFFFFF0]  }
0x1b5: {  	v12 =	vld [tilespmem:s28+$0x0]  }
0x1b6: {  	v14 =	vld [tilespmem:s28+$0x10]  }
0x1b7: {  	v15 =	vld [tilespmem:s28+$0xFFFFFFE0];
	v16 =	vand.u32 $0xFFFF, v13  }
0x1b8: {  	v17 =	vld.idx.msk [tilespmem:v10+s2+$0x0], $0xffff  }
0x1b9: {  	v10 =	vshrl.u32 v11, $0x10;
	v18 =	vand.u32 $0xFFFF, v11;
	[tilespmem:v1+s20+$0x0] =	vst.idx.add.f32.msk $0xffff, v6;
	v1 =	vmov v5  }
0x1ba: {  	v5 =	vshrl.u32 v12, $0x10;
	v19 =	vand.u32 $0xFFFF, v12;
	[tilespmem:v3+s20+$0x0] =	vst.idx.add.f32.msk $0xffff, v8;
	v3 =	vmov v10  }
0x1bb: {  	v6 =	vshrl.u32 v14, $0x10;
	v14 =	vand.u32 $0xFFFF, v14;
	[tilespmem:v4+s20+$0x0] =	vst.idx.add.f32.msk $0xffff, v9;
	v4 =	vmov v5  }
.Ltmp14:
0x1bc: {  	v5 =	vshrl.u32 v15, $0x10;
	v10 =	vand.u32 $0xFFFF, v15;
	v11 =	vld.idx.msk [tilespmem:v16+s2+$0x0], $0xffff;
	(pc) =	sbr.rel @p0 .LBB2_31-.Ltmp14, $4  }
0x1bd: {  	v12 =	vshrl.u32 v13, $0x10;
	[tilespmem:v2+s20+$0x0] =	vst.idx.add.f32.msk $0xffff, v7;
	v2 =	vmov v6  }
0x1be: {  	v8 =	vld.idx.msk [tilespmem:v18+s2+$0x0], $0xffff;
	v6 =	vmov v17  }
0x1bf: {  	v9 =	vld.idx.msk [tilespmem:v19+s2+$0x0], $0xffff  }
0x1c0: {  	s28 =	sadd.s32 $0x50, s28;
	v7 =	vld.idx.msk [tilespmem:v14+s2+$0x0], $0xffff  }
0x1c1: {  	_ =	sdelay $0x3  }
0x1c2: {  	[tilespmem:v12+s20+$0x0] =	vst.idx.add.f32.msk $0xffff, v11;
	s25 =	sadd.s32 $0x1, s25  }
0x1c3: {  	v10 =	vld.idx.msk [tilespmem:v10+s2+$0x0], $0xffff;
	p0 =	sne.s32 s25, $0x28  }
.Ltmp15:
0x1c4: {  	[tilespmem:v1+s20+$0x0] =	vst.idx.add.f32.msk $0xffff, v6;
	(pc) =	sbr.rel @p0 .LBB2_28-.Ltmp15, $4  }
0x1c5: {  	[tilespmem:v3+s20+$0x0] =	vst.idx.add.f32.msk $0xffff, v8  }
0x1c6: {  	[tilespmem:v4+s20+$0x0] =	vst.idx.add.f32.msk $0xffff, v9  }
0x1c7: {  	[tilespmem:v2+s20+$0x0] =	vst.idx.add.f32.msk $0xffff, v7  }
0x1c8: {  	[tilespmem:v5+s20+$0x0] =	vst.idx.add.f32.msk $0xffff, v10  }
0x1c9: {  	s25 =	simm.s32 $0x0;
	s26 =	simm.s32 $0xC3A0  }
.LBB2_34:
0x1ca: {  	s28 =	smul.u32 $0x2710, s25;
	_ =	sdelay $0x1  }
0x1cb: {  	s28 =	sshrl.u32 s28, $0x3  }
0x1cc: {  	s28 =	sadd.s32 s6, s28  }
0x1cd: {  	[tilespmem:s22], [sflag:$0x4] =	stream.linear.gather [hbm4b:s28+s2], $0x2710, $0x38;
	[tilespmem:$0x1FD80] =	vst v63  }
0x1ce: {  	_ =	swait.ge [sflag:s17], $0x2710  }
0x1cf: {  	[sflag:s17] =	ssyncset.done $0x0  }
0x1d0: {  	[sflag:s17] =	ssyncadd.s32 $0xFFFFD8F0  }
0x1d1: {  	s28 =	simm.s32 $0x1D620;
	v3 =	vld [tilespmem:s26+$0x20]  }
0x1d2: {  	v5 =	vld [tilespmem:s28+$0x20]  }
0x1d3: {  	v1 =	vld [tilespmem:s28+$0xFFFFFFE0]  }
0x1d4: {  	v7 =	vld [tilespmem:s26+$0xFFFFFFF0]  }
0x1d5: {  	v8 =	vld [tilespmem:s28+$0xFFFFFFF0]  }
0x1d6: {  	v2 =	vld [tilespmem:s26+$0x0]  }
0x1d7: {  	v4 =	vld [tilespmem:s28+$0x0]  }
0x1d8: {  	v6 =	vmul.f32 v5, v3;
	v3 =	vld [tilespmem:s26+$0x10]  }
0x1d9: {  	v5 =	vld [tilespmem:s28+$0x10]  }
0x1da: {  	s30 =	simm.s32 $0x0;
	s31 =	sadd.s32 $0x50, s26;
	s29 =	smov.u32 s26;
	v7 =	vmul.f32 v8, v7;
	[tilespmem:s26+$0x20] =	vst v6;
	v6 =	vld [tilespmem:s26+$0xFFFFFFE0]  }
.LBB2_35:
0x1db: {  	v8 =	vld [tilespmem:s31+$0x20];
	s28 =	sadd.s32 $0x50, s28  }
0x1dc: {  	s30 =	sadd.s32 $0x5, s30;
	v9 =	vld [tilespmem:s28+$0x20];
	[tilespmem:s29+$0xFFFFFFF0] =	vst v7;
	v2 =	vmul.f32 v4, v2  }
0x1dd: {  	p0 =	slt.u32 s30, $0x26C;
	v7 =	vld [tilespmem:s28+$0xFFFFFFE0]  }
0x1de: {  	v10 =	vld [tilespmem:s31+$0xFFFFFFF0];
	[tilespmem:s29+$0x0] =	vst v2;
	v3 =	vmul.f32 v5, v3  }
0x1df: {  	v11 =	vld [tilespmem:s28+$0xFFFFFFF0];
	v5 =	vmul.f32 v1, v6  }
.Ltmp16:
0x1e0: {  	v2 =	vld [tilespmem:s31+$0x0];
	[tilespmem:s29+$0x10] =	vst v3;
	(pc) =	sbr.rel @p0 .LBB2_35-.Ltmp16, $4  }
0x1e1: {  	v4 =	vld [tilespmem:s28+$0x0];
	v6 =	vmul.f32 v9, v8;
	[tilespmem:s29+$0xFFFFFFE0] =	vst v5;
	s29 =	smov.u32 s31  }
0x1e2: {  	v3 =	vld [tilespmem:s31+$0x10];
	v1 =	vmov v7  }
0x1e3: {  	v5 =	vld [tilespmem:s28+$0x10];
	[tilespmem:s31+$0x20] =	vst v6  }
0x1e4: {  	s31 =	sadd.s32 $0x50, s31;
	v6 =	vld [tilespmem:s29+$0xFFFFFFE0];
	v7 =	vmul.f32 v11, v10  }
0x1e5: {  	s25 =	sadd.s32 $0x1, s25  }
0x1e6: {  	p0 =	sne.s32 s25, $0x5  }
.Ltmp17:
0x1e7: {  	v2 =	vmul.f32 v4, v2;
	(pc) =	sbr.rel @p0 .LBB2_34-.Ltmp17, $4  }
0x1e8: {  	[tilespmem:s29+$0xFFFFFFF0] =	vst v7;
	v3 =	vmul.f32 v5, v3  }
0x1e9: {  	[tilespmem:s29+$0x0] =	vst v2;
	v1 =	vmul.f32 v1, v6  }
0x1ea: {  	[tilespmem:s29+$0x10] =	vst v3  }
0x1eb: {  	s26 =	sadd.s32 $0x2710, s26;
	[tilespmem:s29+$0xFFFFFFE0] =	vst v1  }
0x1ec: {  	[hbm4b:s12+s2] =	stream.linear.scatter [tilespmem:s20], [sflag:$0x3], $0xC350, $0x38;
	[tilespmem:$0x1FD80] =	vst v63  }
0x1ed: {  	_ = 	snop  }
0x1ee: {  	[tilespmem:s16], [sflag:$0x1] =	stream.linear.gather [hbm4b:s5+s2], $0x2710, $0x38;
	[tilespmem:$0x1FD80] =	vst v63  }
0x1ef: {  	_ = 	snop  }
0x1f0: {  	[tilespmem:s2], [sflag:$0x4] =	stream.linear.gather [hbm4b:s13+s2], $0xC350, $0x38;
	[tilespmem:$0x1FD80] =	vst v63  }
0x1f1: {  	_ =	swait.ge [sflag:s17], $0xC350  }
0x1f2: {  	[sflag:s17] =	ssyncset.done $0x0  }
0x1f3: {  	[sflag:s17] =	ssyncadd.s32 $0xFFFF3CB0  }
0x1f4: {  	_ =	swait.ge [sflag:s23], $0xC350  }
0x1f5: {  	[sflag:s23] =	ssyncset.done $0x0  }
0x1f6: {  	s25 =	simm.s32 $0xC3A0;
	[sflag:s23] =	ssyncadd.s32 $0xFFFF3CB0  }
0x1f7: {  	[tilespmem:s25+$0xFFFFFFE0] =	vst v0  }
0x1f8: {  	[tilespmem:s25+$0x20] =	vst v0  }
0x1f9: {  	[tilespmem:s25+$0x10] =	vst v0  }
0x1fa: {  	s26 =	simm.s32 $0x0;
	[tilespmem:s25+$0x0] =	vst v0  }
.LBB2_38:
0x1fb: {  	s26 =	sadd.s32 $0x5, s26  }
0x1fc: {  	[tilespmem:s25+$0xFFFFFFF0] =	vst v0;
	s25 =	sadd.s32 $0x50, s25;
	p0 =	slt.u32 s26, $0xC30  }
.Ltmp18:
0x1fd: {  	[tilespmem:s25+$0xFFFFFFE0] =	vst v0;
	(pc) =	sbr.rel @p0 .LBB2_38-.Ltmp18, $4  }
0x1fe: {  	_ = 	snop  }
0x1ff: {  	[tilespmem:s25+$0x20] =	vst v0  }
0x200: {  	[tilespmem:s25+$0x10] =	vst v0  }
0x201: {  	[tilespmem:s25+$0x0] =	vst v0  }
0x202: {  	[tilespmem:s25+$0xFFFFFFF0] =	vst v0;
	s25 =	simm.s32 $0x0  }
.LBB2_40:
0x203: {  	s26 =	smul.u32 $0x4E20, s25;
	_ =	sdelay $0x1  }
0x204: {  	_ =	swait.ge [sflag:s18], $0x2710;
	s28 =	sshrl.u32 s26, $0x3  }
0x205: {  	[sflag:s18] =	ssyncset.done $0x0;
	s28 =	sadd.s32 s5, s28  }
0x206: {  	[sflag:s18] =	ssyncadd.s32 $0xFFFFD8F0;
	s28 =	sadd.s32 $0x4E2, s28  }
0x207: {  	[tilespmem:s19], [sflag:$0x2] =	stream.linear.gather [hbm4b:s28+s2], $0x2710, $0x38;
	[tilespmem:$0x1FD80] =	vst v63  }
0x208: {  	s28 =	simm.s32 $0x18720  }
0x209: {  	v1 =	vld [tilespmem:s28+$0x20];
	_ =	sdelay $0x1  }
0x20a: {  	v2 =	vld [tilespmem:s28+$0xFFFFFFF0]  }
0x20b: {  	v3 =	vld [tilespmem:s28+$0x0]  }
0x20c: {  	v4 =	vld [tilespmem:s28+$0x10]  }
0x20d: {  	v8 =	vld [tilespmem:s28+$0xFFFFFFE0];
	s28 =	simm.s32 $0x18770;
	v5 =	vand.u32 $0xFFFF, v1  }
0x20e: {  	v12 =	vld [tilespmem:s28+$0x20]  }
0x20f: {  	v13 =	vld [tilespmem:s28+$0xFFFFFFF0];
	v6 =	vand.u32 $0xFFFF, v2  }
0x210: {  	v14 =	vld [tilespmem:s28+$0x0];
	v7 =	vand.u32 $0xFFFF, v3  }
0x211: {  	v15 =	vld [tilespmem:s28+$0x10];
	v9 =	vand.u32 $0xFFFF, v4  }
0x212: {  	v1 =	vshrl.u32 v1, $0x10;
	v5 =	vld.idx.msk [tilespmem:v5+s2+$0x0], $0xffff  }
0x213: {  	v16 =	vld [tilespmem:s28+$0xFFFFFFE0];
	v10 =	vand.u32 $0xFFFF, v8  }
0x214: {  	v2 =	vshrl.u32 v2, $0x10;
	v6 =	vld.idx.msk [tilespmem:v6+s2+$0x0], $0xffff  }
0x215: {  	v3 =	vshrl.u32 v3, $0x10;
	v7 =	vld.idx.msk [tilespmem:v7+s2+$0x0], $0xffff  }
0x216: {  	v4 =	vshrl.u32 v4, $0x10;
	v9 =	vld.idx.msk [tilespmem:v9+s2+$0x0], $0xffff  }
0x217: {  	[tilespmem:v1+s20+$0x0] =	vst.idx.add.f32.msk $0xffff, v5;
	v1 =	vand.u32 $0xFFFF, v12  }
0x218: {  	v17 =	vand.u32 $0xFFFF, v14;
	v5 =	vld.idx.msk [tilespmem:v10+s2+$0x0], $0xffff  }
0x219: {  	v18 =	vand.u32 $0xFFFF, v15;
	[tilespmem:v2+s20+$0x0] =	vst.idx.add.f32.msk $0xffff, v6  }
0x21a: {  	v10 =	vand.u32 $0xFFFF, v13;
	[tilespmem:v3+s20+$0x0] =	vst.idx.add.f32.msk $0xffff, v7  }
0x21b: {  	[tilespmem:v4+s20+$0x0] =	vst.idx.add.f32.msk $0xffff, v9  }
0x21c: {  	v12 =	vshrl.u32 v12, $0x10;
	v11 =	vld.idx.msk [tilespmem:v1+s2+$0x0], $0xffff  }
0x21d: {  	v9 =	vld.idx.msk [tilespmem:v17+s2+$0x0], $0xffff  }
0x21e: {  	v2 =	vshrl.u32 v13, $0x10;
	v3 =	vshrl.u32 v14, $0x10;
	v4 =	vshrl.u32 v15, $0x10;
	v7 =	vld.idx.msk [tilespmem:v18+s2+$0x0], $0xffff  }
0x21f: {  	s29 =	simm.s32 $0x187C0;
	s28 =	simm.s32 $0x5;
	v6 =	vshrl.u32 v16, $0x10;
	v1 =	vshrl.u32 v8, $0x10;
	v8 =	vld.idx.msk [tilespmem:v10+s2+$0x0], $0xffff;
	v10 =	vand.u32 $0xFFFF, v16  }
.LBB2_41:
0x220: {  	v13 =	vld [tilespmem:s29+$0x20];
	s28 =	sadd.s32 $0x5, s28  }
0x221: {  	p0 =	slt.u32 s28, $0x26C;
	[tilespmem:v12+s20+$0x0] =	vst.idx.add.f32.msk $0xffff, v11  }
0x222: {  	v11 =	vld [tilespmem:s29+$0xFFFFFFF0]  }
0x223: {  	v12 =	vld [tilespmem:s29+$0x0]  }
0x224: {  	v14 =	vld [tilespmem:s29+$0x10]  }
0x225: {  	v15 =	vld [tilespmem:s29+$0xFFFFFFE0];
	v16 =	vand.u32 $0xFFFF, v13  }
0x226: {  	v17 =	vld.idx.msk [tilespmem:v10+s2+$0x0], $0xffff  }
0x227: {  	v10 =	vshrl.u32 v11, $0x10;
	v18 =	vand.u32 $0xFFFF, v11;
	[tilespmem:v1+s20+$0x0] =	vst.idx.add.f32.msk $0xffff, v5;
	v1 =	vmov v6  }
0x228: {  	v5 =	vshrl.u32 v12, $0x10;
	v19 =	vand.u32 $0xFFFF, v12;
	[tilespmem:v2+s20+$0x0] =	vst.idx.add.f32.msk $0xffff, v8;
	v2 =	vmov v10  }
0x229: {  	v8 =	vshrl.u32 v14, $0x10;
	v14 =	vand.u32 $0xFFFF, v14;
	[tilespmem:v3+s20+$0x0] =	vst.idx.add.f32.msk $0xffff, v9;
	v3 =	vmov v5  }
.Ltmp19:
0x22a: {  	v6 =	vshrl.u32 v15, $0x10;
	v10 =	vand.u32 $0xFFFF, v15;
	v11 =	vld.idx.msk [tilespmem:v16+s2+$0x0], $0xffff;
	(pc) =	sbr.rel @p0 .LBB2_41-.Ltmp19, $4  }
0x22b: {  	v12 =	vshrl.u32 v13, $0x10;
	[tilespmem:v4+s20+$0x0] =	vst.idx.add.f32.msk $0xffff, v7;
	v4 =	vmov v8  }
0x22c: {  	v5 =	vmov v17;
	v8 =	vld.idx.msk [tilespmem:v18+s2+$0x0], $0xffff  }
0x22d: {  	v9 =	vld.idx.msk [tilespmem:v19+s2+$0x0], $0xffff  }
0x22e: {  	s29 =	sadd.s32 $0x50, s29;
	v7 =	vld.idx.msk [tilespmem:v14+s2+$0x0], $0xffff  }
0x22f: {  	_ =	sdelay $0x3  }
0x230: {  	[tilespmem:v12+s20+$0x0] =	vst.idx.add.f32.msk $0xffff, v11  }
0x231: {  	v10 =	vld.idx.msk [tilespmem:v10+s2+$0x0], $0xffff  }
0x232: {  	[tilespmem:v1+s20+$0x0] =	vst.idx.add.f32.msk $0xffff, v5  }
0x233: {  	[tilespmem:v2+s20+$0x0] =	vst.idx.add.f32.msk $0xffff, v8  }
0x234: {  	[tilespmem:v3+s20+$0x0] =	vst.idx.add.f32.msk $0xffff, v9  }
0x235: {  	[tilespmem:v4+s20+$0x0] =	vst.idx.add.f32.msk $0xffff, v7  }
0x236: {  	p0 =	seq.s32 s25, $0x27;
	[tilespmem:v6+s20+$0x0] =	vst.idx.add.f32.msk $0xffff, v10  }
0x237: {  	s30 =	simm.s32 $0x1AEA0;
	s26 =	sshrl.u32 @!p0 s26, $0x3;
	_ =	swait.ge [sflag:s21], $0x2710  }
0x238: {  	s28 =	simm.s32 @!p0 $0x0;
	s26 =	sadd.s32 @!p0 s5, s26;
	[sflag:s21] =	ssyncset.done $0x0  }
0x239: {  	s29 =	simm.s32 @!p0 $0x18700;
	s26 =	sadd.s32 @!p0 $0x9C4, s26;
	[sflag:s21] =	ssyncadd.s32 $0xFFFFD8F0  }
0x23a: {  	[tilespmem:s29], [sflag:$0x1] =	stream.linear.gather @!p0 [hbm4b:s26+s28], $0x2710, $0x38;
	[tilespmem:$0x1FD80] =	vst v63  }
0x23b: {  	v1 =	vld [tilespmem:s30+$0x20]  }
0x23c: {  	v2 =	vld [tilespmem:s30+$0xFFFFFFF0];
	_ =	sdelay $0x1  }
0x23d: {  	v3 =	vld [tilespmem:s30+$0x0]  }
0x23e: {  	v4 =	vld [tilespmem:s30+$0x10]  }
0x23f: {  	s31 =	simm.s32 $0x1AEF0;
	v8 =	vld [tilespmem:s30+$0xFFFFFFE0];
	v5 =	vand.u32 $0xFFFF, v1  }
0x240: {  	v12 =	vld [tilespmem:s31+$0x20];
	v6 =	vand.u32 $0xFFFF, v2  }
0x241: {  	v13 =	vld [tilespmem:s31+$0xFFFFFFF0]  }
0x242: {  	v14 =	vld [tilespmem:s31+$0x0];
	v7 =	vand.u32 $0xFFFF, v3  }
0x243: {  	v15 =	vld [tilespmem:s31+$0x10];
	v9 =	vand.u32 $0xFFFF, v4  }
0x244: {  	v1 =	vshrl.u32 v1, $0x10;
	v5 =	vld.idx.msk [tilespmem:v5+s2+$0x0], $0xffff  }
0x245: {  	v10 =	vld.idx.msk [tilespmem:v6+s2+$0x0], $0xffff;
	v6 =	vand.u32 $0xFFFF, v8  }
0x246: {  	v16 =	vld [tilespmem:s31+$0xFFFFFFE0];
	v2 =	vshrl.u32 v2, $0x10  }
0x247: {  	v3 =	vshrl.u32 v3, $0x10;
	v7 =	vld.idx.msk [tilespmem:v7+s2+$0x0], $0xffff  }
0x248: {  	v4 =	vshrl.u32 v4, $0x10;
	v9 =	vld.idx.msk [tilespmem:v9+s2+$0x0], $0xffff  }
0x249: {  	[tilespmem:v1+s20+$0x0] =	vst.idx.add.f32.msk $0xffff, v5;
	v1 =	vand.u32 $0xFFFF, v12  }
0x24a: {  	v17 =	vand.u32 $0xFFFF, v14;
	v6 =	vld.idx.msk [tilespmem:v6+s2+$0x0], $0xffff  }
0x24b: {  	v18 =	vand.u32 $0xFFFF, v15;
	[tilespmem:v2+s20+$0x0] =	vst.idx.add.f32.msk $0xffff, v10  }
0x24c: {  	v5 =	vand.u32 $0xFFFF, v13;
	[tilespmem:v3+s20+$0x0] =	vst.idx.add.f32.msk $0xffff, v7  }
0x24d: {  	[tilespmem:v4+s20+$0x0] =	vst.idx.add.f32.msk $0xffff, v9  }
0x24e: {  	v12 =	vshrl.u32 v12, $0x10;
	v11 =	vld.idx.msk [tilespmem:v1+s2+$0x0], $0xffff  }
0x24f: {  	v9 =	vld.idx.msk [tilespmem:v17+s2+$0x0], $0xffff  }
0x250: {  	v3 =	vshrl.u32 v13, $0x10;
	v4 =	vshrl.u32 v14, $0x10;
	v2 =	vshrl.u32 v15, $0x10;
	v7 =	vld.idx.msk [tilespmem:v18+s2+$0x0], $0xffff  }
0x251: {  	s26 =	simm.s32 $0x5;
	s28 =	simm.s32 $0x1AF40;
	v10 =	vand.u32 $0xFFFF, v16;
	v1 =	vshrl.u32 v8, $0x10;
	v8 =	vld.idx.msk [tilespmem:v5+s2+$0x0], $0xffff;
	v5 =	vshrl.u32 v16, $0x10  }
.LBB2_43:
0x252: {  	v13 =	vld [tilespmem:s28+$0x20];
	s26 =	sadd.s32 $0x5, s26  }
0x253: {  	p0 =	slt.u32 s26, $0x26C;
	[tilespmem:v12+s20+$0x0] =	vst.idx.add.f32.msk $0xffff, v11  }
0x254: {  	v11 =	vld [tilespmem:s28+$0xFFFFFFF0]  }
0x255: {  	v12 =	vld [tilespmem:s28+$0x0]  }
0x256: {  	v14 =	vld [tilespmem:s28+$0x10]  }
0x257: {  	v15 =	vld [tilespmem:s28+$0xFFFFFFE0];
	v16 =	vand.u32 $0xFFFF, v13  }
0x258: {  	v17 =	vld.idx.msk [tilespmem:v10+s2+$0x0], $0xffff  }
0x259: {  	v10 =	vshrl.u32 v11, $0x10;
	v18 =	vand.u32 $0xFFFF, v11;
	[tilespmem:v1+s20+$0x0] =	vst.idx.add.f32.msk $0xffff, v6;
	v1 =	vmov v5  }
0x25a: {  	v5 =	vshrl.u32 v12, $0x10;
	v19 =	vand.u32 $0xFFFF, v12;
	[tilespmem:v3+s20+$0x0] =	vst.idx.add.f32.msk $0xffff, v8;
	v3 =	vmov v10  }
0x25b: {  	v6 =	vshrl.u32 v14, $0x10;
	v14 =	vand.u32 $0xFFFF, v14;
	[tilespmem:v4+s20+$0x0] =	vst.idx.add.f32.msk $0xffff, v9;
	v4 =	vmov v5  }
.Ltmp20:
0x25c: {  	v5 =	vshrl.u32 v15, $0x10;
	v10 =	vand.u32 $0xFFFF, v15;
	v11 =	vld.idx.msk [tilespmem:v16+s2+$0x0], $0xffff;
	(pc) =	sbr.rel @p0 .LBB2_43-.Ltmp20, $4  }
0x25d: {  	v12 =	vshrl.u32 v13, $0x10;
	[tilespmem:v2+s20+$0x0] =	vst.idx.add.f32.msk $0xffff, v7;
	v2 =	vmov v6  }
0x25e: {  	v8 =	vld.idx.msk [tilespmem:v18+s2+$0x0], $0xffff;
	v6 =	vmov v17  }
0x25f: {  	v9 =	vld.idx.msk [tilespmem:v19+s2+$0x0], $0xffff  }
0x260: {  	s28 =	sadd.s32 $0x50, s28;
	v7 =	vld.idx.msk [tilespmem:v14+s2+$0x0], $0xffff  }
0x261: {  	_ =	sdelay $0x3  }
0x262: {  	[tilespmem:v12+s20+$0x0] =	vst.idx.add.f32.msk $0xffff, v11;
	s25 =	sadd.s32 $0x1, s25  }
0x263: {  	v10 =	vld.idx.msk [tilespmem:v10+s2+$0x0], $0xffff;
	p0 =	sne.s32 s25, $0x28  }
.Ltmp21:
0x264: {  	[tilespmem:v1+s20+$0x0] =	vst.idx.add.f32.msk $0xffff, v6;
	(pc) =	sbr.rel @p0 .LBB2_40-.Ltmp21, $4  }
0x265: {  	[tilespmem:v3+s20+$0x0] =	vst.idx.add.f32.msk $0xffff, v8  }
0x266: {  	[tilespmem:v4+s20+$0x0] =	vst.idx.add.f32.msk $0xffff, v9  }
0x267: {  	[tilespmem:v2+s20+$0x0] =	vst.idx.add.f32.msk $0xffff, v7  }
0x268: {  	[tilespmem:v5+s20+$0x0] =	vst.idx.add.f32.msk $0xffff, v10  }
0x269: {  	s25 =	simm.s32 $0x0;
	s26 =	simm.s32 $0xC3A0  }
.LBB2_46:
0x26a: {  	s28 =	smul.u32 $0x2710, s25;
	_ =	sdelay $0x1  }
0x26b: {  	s28 =	sshrl.u32 s28, $0x3  }
0x26c: {  	s28 =	sadd.s32 s6, s28  }
0x26d: {  	[tilespmem:s22], [sflag:$0x4] =	stream.linear.gather [hbm4b:s28+s2], $0x2710, $0x38;
	[tilespmem:$0x1FD80] =	vst v63  }
0x26e: {  	_ =	swait.ge [sflag:s17], $0x2710  }
0x26f: {  	[sflag:s17] =	ssyncset.done $0x0  }
0x270: {  	[sflag:s17] =	ssyncadd.s32 $0xFFFFD8F0  }
0x271: {  	s28 =	simm.s32 $0x1D620;
	v3 =	vld [tilespmem:s26+$0x20]  }
0x272: {  	v5 =	vld [tilespmem:s28+$0x20]  }
0x273: {  	v1 =	vld [tilespmem:s28+$0xFFFFFFE0]  }
0x274: {  	v7 =	vld [tilespmem:s26+$0xFFFFFFF0]  }
0x275: {  	v8 =	vld [tilespmem:s28+$0xFFFFFFF0]  }
0x276: {  	v2 =	vld [tilespmem:s26+$0x0]  }
0x277: {  	v4 =	vld [tilespmem:s28+$0x0]  }
0x278: {  	v6 =	vmul.f32 v5, v3;
	v3 =	vld [tilespmem:s26+$0x10]  }
0x279: {  	v5 =	vld [tilespmem:s28+$0x10]  }
0x27a: {  	s30 =	simm.s32 $0x0;
	s31 =	sadd.s32 $0x50, s26;
	s29 =	smov.u32 s26;
	v7 =	vmul.f32 v8, v7;
	[tilespmem:s26+$0x20] =	vst v6;
	v6 =	vld [tilespmem:s26+$0xFFFFFFE0]  }
.LBB2_47:
0x27b: {  	v8 =	vld [tilespmem:s31+$0x20];
	s28 =	sadd.s32 $0x50, s28  }
0x27c: {  	s30 =	sadd.s32 $0x5, s30;
	v9 =	vld [tilespmem:s28+$0x20];
	[tilespmem:s29+$0xFFFFFFF0] =	vst v7;
	v2 =	vmul.f32 v4, v2  }
0x27d: {  	p0 =	slt.u32 s30, $0x26C;
	v7 =	vld [tilespmem:s28+$0xFFFFFFE0]  }
0x27e: {  	v10 =	vld [tilespmem:s31+$0xFFFFFFF0];
	[tilespmem:s29+$0x0] =	vst v2;
	v3 =	vmul.f32 v5, v3  }
0x27f: {  	v11 =	vld [tilespmem:s28+$0xFFFFFFF0];
	v5 =	vmul.f32 v1, v6  }
.Ltmp22:
0x280: {  	v2 =	vld [tilespmem:s31+$0x0];
	[tilespmem:s29+$0x10] =	vst v3;
	(pc) =	sbr.rel @p0 .LBB2_47-.Ltmp22, $4  }
0x281: {  	v4 =	vld [tilespmem:s28+$0x0];
	v6 =	vmul.f32 v9, v8;
	[tilespmem:s29+$0xFFFFFFE0] =	vst v5;
	s29 =	smov.u32 s31  }
0x282: {  	v3 =	vld [tilespmem:s31+$0x10];
	v1 =	vmov v7  }
0x283: {  	v5 =	vld [tilespmem:s28+$0x10];
	[tilespmem:s31+$0x20] =	vst v6  }
0x284: {  	s31 =	sadd.s32 $0x50, s31;
	v6 =	vld [tilespmem:s29+$0xFFFFFFE0];
	v7 =	vmul.f32 v11, v10  }
0x285: {  	s25 =	sadd.s32 $0x1, s25  }
0x286: {  	p0 =	sne.s32 s25, $0x5  }
.Ltmp23:
0x287: {  	v2 =	vmul.f32 v4, v2;
	(pc) =	sbr.rel @p0 .LBB2_46-.Ltmp23, $4  }
0x288: {  	[tilespmem:s29+$0xFFFFFFF0] =	vst v7;
	v3 =	vmul.f32 v5, v3  }
0x289: {  	[tilespmem:s29+$0x0] =	vst v2;
	v1 =	vmul.f32 v1, v6  }
0x28a: {  	[tilespmem:s29+$0x10] =	vst v3  }
0x28b: {  	s26 =	sadd.s32 $0x2710, s26;
	[tilespmem:s29+$0xFFFFFFE0] =	vst v1  }
0x28c: {  	s24 =	sadd.s32 $0x1, s24  }
0x28d: {  	p0 =	sne.s32 s24, s15  }
.Ltmp24:
0x28e: {  	_ = 	snop;
	(pc) =	sbr.rel @p0 .LBB2_1-.Ltmp24, $4  }
0x28f: {  	[hbm4b:s14+s2] =	stream.linear.scatter [tilespmem:s20], [sflag:$0x3], $0xC350, $0x38;
	[tilespmem:$0x1FD80] =	vst v63  }
0x290: {  	_ =	swait.ge [sflag:s23], $0xC350  }
0x291: {  	[sflag:s23] =	ssyncset.done $0x0  }
0x292: {  	[sflag:s23] =	ssyncadd.s32 $0xFFFF3CB0  }
0x293: {  	_ =	sfence.sel $0x180000  }
0x294: {  	[bflag:$0x0] =	sbarrier.arrive $0xFFFF  }
0x295: {  	p0 =	sne.s32 s1, $0x0;
	_ =	strace $0x9000004D  }
0x296: {  	s0 =	sadd.s32 @!p0 $0x100000, s0;
	[bflag:$0x2] =	sbarrier.arrive $0xFFFF  }
0x297: {  	[sflag:s0] =	ssyncadd.tile.s32 @!p0 $0x1;
	_ =	shalt  }
.Lfunc_end2:
_tile_overlayer_lowered:
.L_overlay_start_2:
0x298: {  	(tag) =	ssettag $0x2  }
0x299: {  	s0 =	rddreg [dreg:$0x0];
	s2 =	stileid.u32  }
0x29a: {  	s1 =	rddreg [dreg:$0x1];
	p0 =	sne.s32 s2, $0x0  }
0x29b: {  	s3 =	rddreg [dreg:$0x2];
	[bflag:$0x3] =	sbarrier.arrive $0xFFFF;
	s2 =	simm.s32 @!p0 $0x1C04  }
0x29c: {  	[timem:s3], [sflag:s2] =	dma.local @!p0 [hbm:s0], s1  }
0x29d: {  	s0 =	simm.s32 @!p0 $0x4  }
0x29e: {  	_ =	swait.ge @!p0 [sflag:s0], s1  }
0x29f: {  	s1 =	ssub.s32 @!p0 $0x0, s1;
	[sflag:s0] =	ssyncset.done @!p0 $0x0  }
0x2a0: {  	[sflag:s0] =	ssyncadd.s32 @!p0 s1  }
0x2a1: {  	[bflag:$0x3] =	sbarrier.arrive $0xFFFF  }
0x2a2: {  	_ =	shalt  }

// kernel: kernel.18.cloned.1.call-start
scs
__scs_entry_jumppad:
0x0: {  	(pc) =	sbr.rel $0x88, $3  }
0x1: {  	(tag) =	ssettag $0x0;
	lr =	simm.s32 $0x1  }
0x2: {  	[smem:$0x3F9A] =	sst lr;
	_ =	strace $0xD0000000  }
0x3: {  	_ = 	snop  }
0x4: {  	_ = 	snop  }
0x5: {  	_ = 	snop  }
0x6: {  	_ = 	snop  }
0x7: {  	_ = 	snop  }
__scs_overlays_trampoline_lowered:
0x8: {  	[smem:$0x3FA9] =	sst s0  }
0x9: {  	[smem:$0x3FAA] =	sst s1  }
0xa: {  	[smem:$0x3FAB] =	sst s2  }
0xb: {  	[smem:$0x3FAC] =	sst s3  }
0xc: {  	[smem:$0x3FAD] =	sst s4  }
0xd: {  	[smem:$0x3FAE] =	sst s5  }
0xe: {  	[smem:$0x3FAF] =	sst s6  }
0xf: {  	[smem:$0x3FB0] =	sst s7  }
0x10: {  	[smem:$0x3FB1] =	sst s8  }
0x11: {  	[smem:$0x3FB2] =	sst s9;
	s0 =	simm.s32 @!p0 $0x0  }
0x12: {  	s1 =	sld [smem:$0x3F98];
	s0 =	simm.s32 @p0 $0x1  }
0x13: {  	[smem:$0x3FB3] =	sst s0;
	s0 =	simm.s32 @!p1 $0x0  }
0x14: {  	s2 =	sld [smem:$0x3F97];
	s0 =	simm.s32 @p1 $0x1  }
0x15: {  	[smem:$0x3FB4] =	sst s0;
	s0 =	simm.s32 @!p2 $0x0  }
0x16: {  	s3 =	sld [smem:$0x3FDB];
	s0 =	simm.s32 @p2 $0x1  }
0x17: {  	s4 =	simm.s32 $0x1BF5;
	[smem:$0x3FB6] =	sst s0  }
0x18: {  	s0 =	sld [smem:$0x3F99];
	_ =	swait.ge [sflag:s4], $0x0  }
0x19: {  	s7 =	sld [smem:$0x3F9A]  }
0x1a: {  	s8 =	sadd.s32 $0xFFFFE003, lr  }
0x1b: {  	s9 =	sadd.s32 $0xFFFFFEF7, lr;
	s5 =	simm.s32 $0xFFFFFFFF;
	p2 =	slt.u32 s8, $0xFFFFF086  }
0x1c: {  	p1 =	slt.u32 s9, $0xF7A;
	s5 =	simm.s32 @!p2 $0x0  }
0x1d: {  	s5 =	simm.s32 @p1 $0x1;
	p0 =	seq.s32 s7, s2  }
0x1e: {  	s7 =	smul.u32 @!p0 $0xF7A, s2;
	p2 =	seq.s32 @!p0 s5, $0x0  }
0x1f: {  	s9 =	smul.u32 $0xF7A, s1;
	s8 =	simm.s32 @!p0 $0x1BF5;
	p2 =	por !p2, p0  }
0x20: {  	[sflag:s8] =	ssyncset.s32 @!p0 $0xFFFFF086;
	s6 =	sadd.s32 @!p0 s3, s7;
	s7 =	simm.s32 @!p0 $0x108  }
0x21: {  	s3 =	sadd.s32 s3, s9;
	s6 =	sadd.s32 @!p0 $0x88, s6;
	s7 =	simm.s32 @p2 $0x1082  }
0x22: {  	[simem:s7], [sflag:s8] =	dma.local @!p0 [hbm:s6], $0xF7A  }
0x23: {  	s9 =	sor.u32 $0xD0000000, s2;
	s6 =	simm.s32 $0x108;
	_ =	swait.ge @!p0 [sflag:s8], $0x0  }
0x24: {  	s3 =	sadd.s32 $0x88, s3;
	s6 =	simm.s32 @!p1 $0x1082;
	[sflag:s4] =	ssyncset.s32 $0xFFFFF086  }
0x25: {  	[simem:s6], [sflag:s4] =	dma.local [hbm:s3], $0xF7A  }
0x26: {  	[smem:$0x3F9A] =	sst s1;
	(tag) =	ssettag s2;
	_ =	strace s9  }
0x27: {  	s1 =	sld [smem:$0x3FAA]  }
0x28: {  	s2 =	sld [smem:$0x3FAB]  }
0x29: {  	s4 =	sld [smem:$0x3FAD]  }
0x2a: {  	p0 =	seq.s32 s5, $0x0;
	s5 =	sld [smem:$0x3FAE]  }
0x2b: {  	s6 =	sld [smem:$0x3FAF]  }
0x2c: {  	s7 =	sld [smem:$0x3FB0]  }
0x2d: {  	s3 =	simm.s32 $0x108;
	s8 =	sld [smem:$0x3FB1]  }
0x2e: {  	s3 =	simm.s32 @!p0 $0x1082;
	s9 =	sld [smem:$0x3FB2]  }
0x2f: {  	lr =	sadd.s32 s0, s3;
	s0 =	sld [smem:$0x3FA9]  }
0x30: {  	s3 =	sld [smem:$0x3FAC]  }
0x31: {  	[smem:$0x3FB5] =	sst s10  }
0x32: {  	s10 =	sld [smem:$0x3FB3];
	_ =	sdelay $0x3  }
0x33: {  	p0 =	seq.s32 s10, $0x1;
	s10 =	sld [smem:$0x3FB5];
	_ =	sdelay $0x3  }
0x34: {  	[smem:$0x3FB5] =	sst s10  }
0x35: {  	s10 =	sld [smem:$0x3FB4];
	_ =	sdelay $0x3  }
0x36: {  	p1 =	seq.s32 s10, $0x1;
	s10 =	sld [smem:$0x3FB5];
	_ =	sdelay $0x3  }
0x37: {  	[smem:$0x3FB5] =	sst s10  }
0x38: {  	s10 =	sld [smem:$0x3FB6]  }
0x39: {  	_ = 	snop;
	(pc) =	sbr.ind lr, $3  }
0x3a: {  	_ = 	snop  }
0x3b: {  	_ = 	snop  }
0x3c: {  	p2 =	seq.s32 s10, $0x1;
	s10 =	sld [smem:$0x3FB5]  }
0x3d: {  	_ =	shalt  }
0x3e: {  	_ =	shalt  }
0x3f: {  	_ =	shalt  }
0x40: {  	_ =	shalt  }
0x41: {  	_ =	shalt  }
0x42: {  	_ =	shalt  }
0x43: {  	_ =	shalt  }
0x44: {  	_ =	shalt  }
0x45: {  	_ =	shalt  }
0x46: {  	_ =	shalt  }
0x47: {  	_ =	shalt  }
0x48: {  	_ =	shalt  }
0x49: {  	_ =	shalt  }
0x4a: {  	_ =	shalt  }
0x4b: {  	_ =	shalt  }
0x4c: {  	_ =	shalt  }
0x4d: {  	_ =	shalt  }
0x4e: {  	_ =	shalt  }
0x4f: {  	_ =	shalt  }
0x50: {  	_ =	shalt  }
0x51: {  	_ =	shalt  }
0x52: {  	_ =	shalt  }
0x53: {  	_ =	shalt  }
0x54: {  	_ =	shalt  }
0x55: {  	_ =	shalt  }
0x56: {  	_ =	shalt  }
0x57: {  	_ =	shalt  }
0x58: {  	_ =	shalt  }
0x59: {  	_ =	shalt  }
0x5a: {  	_ =	shalt  }
0x5b: {  	_ =	shalt  }
0x5c: {  	_ =	shalt  }
0x5d: {  	_ =	shalt  }
0x5e: {  	_ =	shalt  }
0x5f: {  	_ =	shalt  }
0x60: {  	_ =	shalt  }
0x61: {  	_ =	shalt  }
0x62: {  	_ =	shalt  }
0x63: {  	_ =	shalt  }
0x64: {  	_ =	shalt  }
0x65: {  	_ =	shalt  }
0x66: {  	_ =	shalt  }
0x67: {  	_ =	shalt  }
0x68: {  	_ =	shalt  }
0x69: {  	_ =	shalt  }
0x6a: {  	_ =	shalt  }
0x6b: {  	_ =	shalt  }
0x6c: {  	_ =	shalt  }
0x6d: {  	_ =	shalt  }
0x6e: {  	_ =	shalt  }
0x6f: {  	_ =	shalt  }
0x70: {  	_ =	shalt  }
0x71: {  	_ =	shalt  }
0x72: {  	_ =	shalt  }
0x73: {  	_ =	shalt  }
0x74: {  	_ =	shalt  }
0x75: {  	_ =	shalt  }
0x76: {  	_ =	shalt  }
0x77: {  	_ =	shalt  }
0x78: {  	_ =	shalt  }
0x79: {  	_ =	shalt  }
0x7a: {  	_ =	shalt  }
0x7b: {  	_ =	shalt  }
0x7c: {  	_ =	shalt  }
0x7d: {  	_ =	shalt  }
0x7e: {  	_ =	shalt  }
0x7f: {  	_ =	shalt  }
0x80: {  	_ =	shalt  }
0x81: {  	_ =	shalt  }
0x82: {  	_ =	shalt  }
0x83: {  	_ =	shalt  }
0x84: {  	_ =	shalt  }
0x85: {  	_ =	shalt  }
0x86: {  	_ =	shalt  }
0x87: {  	_ =	shalt  }
.Lfunc_end0:
.L_simem_size_0:
called_computation.3_lowered:
.L_overlay_start_0:
0x88: {  	s2 =	sld [smem:$0x3FD9]  }
0x89: {  	s3 =	sld [smem:$0x3FFE];
	_ =	sdelay $0x1  }
0x8a: {  	s1 =	srdreg.scid  }
0x8b: {  	s0 =	sand.u32 $0x1, s1  }
0x8c: {  	s14 =	sshll.u32 s0, $0xA;
	s2 =	sadd.s32 s3, s2  }
0x8d: {  	s2 =	sadd.s32 s2, s14  }
0x8e: {  	[smem:$0x3FC1] =	sst s2  }
0x8f: {  	_ = 	snop  }
0x90: {  	s2 =	sld [smem:$0x3FD0];
	_ =	sdelay $0x1  }
0x91: {  	s15 =	sld [smem:$0x3FC9]  }
0x92: {  	s5 =	simm.s32 $0xA;
	s6 =	simm.s32 $0x10;
	s4 =	sld [smem:$0x3FC8]  }
0x93: {  	[smem:s6], [sflag:s5] =	dma.local [hbm:s2], $0x1  }
0x94: {  	_ =	swait.eq [sflag:s5], $0x1  }
0x95: {  	[sflag:s5] =	ssyncset.done $0x0  }
0x96: {  	[sflag:s5] =	ssyncadd.s32 $0xFFFFFFFF  }
0x97: {  	s16 =	sld [smem:$0x10];
	(tm) =	ssettm $0x1  }
0x98: {  	s17 =	sld [smem:$0x3FFB];
	_ =	sdelay $0x3  }
0x99: {  	_ =	strace s17  }
0x9a: {  	s5 =	sld [smem:$0x3FFC];
	_ =	sdelay $0x3  }
0x9b: {  	_ =	strace s5  }
0x9c: {  	s5 =	sld [smem:$0x3FFD];
	_ =	sdelay $0x3  }
0x9d: {  	_ =	strace s5  }
0x9e: {  	_ =	strace $0x8FFFFFFF  }
0x9f: {  	s18 =	sld [smem:$0x3FDB];
	_ =	sdelay $0x1  }
0xa0: {  	s19 =	simm.s32 $_scs_section_size  }
0xa1: {  	s7 =	simm.s32 $_size__tile_overlayer_lowered;
	s8 =	simm.s32 $_tile_overlayer_lowered  }
0xa2: {  	s22 =	simm.s32 $0x1BFF;
	s21 =	sshll.u32 s8, $0x1;
	s5 =	sadd.s32 s19, s18  }
0xa3: {  	s9 =	simm.s32 $0x0;
	s20 =	sshll.u32 s7, $0x1;
	s7 =	sadd.s32 s21, s5  }
0xa4: {  	[timem:s9], [sflag:s22] =	dma.local [hbm:s7], s20  }
0xa5: {  	_ =	swait.ge [sflag:s22], s20  }
0xa6: {  	s6 =	ssub.s32 $0x0, s20;
	[sflag:s22] =	ssyncset.done $0x0  }
0xa7: {  	[sflag:s22] =	ssyncadd.s32 s6;
	_ =	sdelay $0x1  }
0xa8: {  	s23 =	simm.s32 $0x1B8B  }
0xa9: {  	_ =	swait.ge [sflag:s23], $0x1  }
0xaa: {  	[sflag:s23] =	ssyncset.done $0x0  }
0xab: {  	s25 =	simm.s32 $0x1B8E;
	s24 =	sld [smem:$0x3FFE];
	[sflag:s23] =	ssyncadd.s32 $0xFFFFFFFF  }
0xac: {  	s26 =	simm.s32 $execute0_lowered;
	[smem:$0x3FD2] =	sst s25  }
0xad: {  	s7 =	sshll.u32 s26, $0x1;
	_ =	strace $0x8000004F;
	[dreg:$0x1] =	wrdreg $0xFFFFFFFF  }
0xae: {  	s28 =	simm.s32 $_size_execute0_lowered;
	s5 =	sadd.s32 s5, s7;
	[dreg:$0x0] =	wrdreg $0x0  }
0xaf: {  	s7 =	sshll.u32 s28, $0x1;
	[dreg:$0x2] =	wrdreg s5  }
0xb0: {  	[dreg:$0x3] =	wrdreg s7  }
0xb1: {  	[dreg:$0x4] =	wrdreg $0xC0  }
0xb2: {  	_ =	task [dreg:s9], $0x5FFFF  }
0xb3: {  	[dreg:$0x1] =	wrdreg $0xFFFFFFFF  }
0xb4: {  	[dreg:$0x0] =	wrdreg $0x60  }
0xb5: {  	[dreg:$0x2] =	wrdreg s24  }
0xb6: {  	[dreg:$0x3] =	wrdreg s15  }
0xb7: {  	[dreg:$0x4] =	wrdreg s4  }
0xb8: {  	[dreg:$0x5] =	wrdreg s16  }
0xb9: {  	[dreg:$0x6] =	wrdreg $0x9  }
0xba: {  	_ =	task.clear_ibuf [dreg:s9], $0x7FFFF;
	_ =	strace $0x9000004F  }
0xbb: {  	s29 =	simm.s32 $0x9;
	_ =	strace $0x80000051  }
0xbc: {  	_ =	swait.ge [sflag:s29], $0x1  }
0xbd: {  	[sflag:s29] =	ssyncadd.s32 $0xFFFFFFFF  }
0xbe: {  	_ =	strace $0x90000051  }
0xbf: {  	_ =	sfence  }
0xc0: {  	s30 =	sld [smem:$0x0];
	_ =	sdelay $0x2  }
0xc1: {  	s31 =	sshll.u32 s1, $0xD;
	s1 =	sshrl.u32 s1, $0x2  }
0xc2: {  	s3 =	sand.u32 $0x4000, s31;
	s1 =	sadd.s32 s1, s30  }
0xc3: {  	s0 =	sor.u32 s3, s0;
	s1 =	sshll.u32 s1, $0x11  }
0xc4: {  	s0 =	sor.u32 s1, s0  }
0xc5: {  	s0 =	sadd.s32 $0x8F2B, s0  }
0xc6: {  	[sflag:s0] =	ssyncadd.remote.s32 $0x1  }
0xc7: {  	_ =	sfence.sel $0xFFFF  }
0xc8: {  	[dreg:$0x0] =	wrdreg $0xFFFFFFFF;
	(pc) =	sbr.abs _section_cstart, $3  }
0xc9: {  	[dreg:$0x1] =	wrdreg $0xFFFFFFFF  }
0xca: {  	_ =	task.clear_ibuf [dreg:s9], $0x2FFFF;
	_ =	strace $0x9FFFFFFF  }
0xcb: {  	(tm) =	ssettm $0x7FFFFFFF  }
tec
execute0_lowered:
.L_overlay_start_1:
0x0: {  	(tag) =	ssettag $0x1  }
0x1: {  	s3 =	rddreg [dreg:$0x0]  }
0x2: {  	s4 =	rddreg [dreg:$0x1]  }
0x3: {  	s5 =	rddreg [dreg:$0x2]  }
0x4: {  	s6 =	rddreg [dreg:$0x3]  }
0x5: {  	s0 =	rddreg [dreg:$0x4]  }
0x6: {  	s2 =	simm.s32 $0x0;
	s7 =	srdreg.scid;
	s1 =	stileid.u32  }
0x7: {  	s11 =	simm.s32 $0x1;
	s12 =	simm.s32 $0x4100;
	s13 =	simm.s32 $0x8100  }
0x8: {  	v0 =	vlaneseq.u32;
	s14 =	simm.s32 $0x0;
	[smem:$0x7FF] =	sst s2;
	s7 =	sand.u32 $0x1, s7  }
0x9: {  	s9 =	sshll.u32 s1, $0x4;
	s3 =	sadd.s32 $0x188200, s3;
	v0 =	vmul.u32 $0x80, v0;
	s8 =	ssub.s32 $0x2, s7  }
0xa: {  	_ =	strace $0x80000050;
	s7 =	sshll.u32 s7, $0x8;
	s10 =	sshrl.u32 s8, $0x1  }
0xb: {  	s7 =	sor.u32 s9, s7;
	v1 =	vor.u32 $0x800, v0;
	s9 =	simm.s32 $0x80;
	s8 =	ssub.s32 s8, s10  }
0xc: {  	v2 =	vor.u32 $0x1000, v0;
	v3 =	vor.u32 $0x1800, v0;
	v4 =	vor.u32 $0x2000, v0;
	s4 =	sadd.s32 s4, s7;
	s5 =	sadd.s32 s5, s7;
	s6 =	sadd.s32 s6, s7  }
0xd: {  	v5 =	vor.u32 $0x2800, v0;
	v6 =	vor.u32 $0x3000, v0;
	v7 =	vor.u32 $0x3800, v0;
	s10 =	simm.s32 $0x100;
	s7 =	smax.u32 s8, $0x1;
	s8 =	simm.s32 $0x2  }
.LBB2_1:
0xe: {  	[tilespmem:s2], [sflag:$0x2] =	stream.linear.gather [hbm4b:s4+s2], $0x80, $0x38;
	[tilespmem:$0x8180] =	vst v63  }
0xf: {  	_ =	swait.ge [sflag:s8], $0x80  }
0x10: {  	[sflag:s8] =	ssyncset.done $0x0  }
0x11: {  	[sflag:s8] =	ssyncadd.s32 $0xFFFFFF80  }
0x12: {  	[tilespmem:s9], [sflag:$0x2] =	stream.linear.gather [hbm4b:s5+s2], $0x80, $0x38;
	[tilespmem:$0x8180] =	vst v63  }
0x13: {  	_ =	swait.ge [sflag:s8], $0x80  }
0x14: {  	[sflag:s8] =	ssyncset.done $0x0  }
0x15: {  	v8 =	vmov s2;
	[sflag:s8] =	ssyncadd.s32 $0xFFFFFF80  }
0x16: {  	v8 =	vand.u32 $0x7F, v8;
	[tilespmem:s10], [sflag:$0x1] =	stream.indirect.gather [hbm4b:s3+s9], $0x80, s2, s9, $0xb8;
	[tilespmem:$0x8180] =	vst v63  }
0x17: {  	v8 =	vbroadcast v8, $0x0;
	_ =	swait.ge [sflag:s11], $0x4000  }
0x18: {  	[sflag:s11] =	ssyncset.done $0x0  }
0x19: {  	s15 =	simm.s32 $0x1;
	v8 =	vor.u32 v0, v8;
	[sflag:s11] =	ssyncadd.s32 $0xFFFFC000  }
0x1a: {  	v9 =	vmov s15;
	[tilespmem:s12], [sflag:$0x1] =	stream.indirect.gather [hbm4b:s3+s9], $0x80, s9, s9, $0xb8;
	[tilespmem:$0x8180] =	vst v63  }
0x1b: {  	v9 =	vand.u32 $0x7F, v9;
	_ =	swait.ge [sflag:s11], $0x4000  }
0x1c: {  	v9 =	vbroadcast v9, $0x0;
	[sflag:s11] =	ssyncset.done $0x0  }
0x1d: {  	[sflag:s11] =	ssyncadd.s32 $0xFFFFC000  }
0x1e: {  	v10 =	vor.u32 v0, v9;
	v12 =	vld.idx.msk [tilespmem:v8+s10+$0x0], $0xffff  }
0x1f: {  	s31 =	simm.s32 $0x2;
	v13 =	vld.idx.msk [tilespmem:v8+s12+$0x0], $0xffff  }
0x20: {  	v8 =	vmov s31  }
0x21: {  	v8 =	vand.u32 $0x7F, v8  }
0x22: {  	v11 =	vbroadcast v8, $0x0  }
0x23: {  	v8 =	vld.idx.msk [tilespmem:v10+s10+$0x0], $0xffff  }
0x24: {  	s15 =	simm.s32 $0x3;
	v9 =	vimm.f32 $0.0e+00;
	v10 =	vld.idx.msk [tilespmem:v10+s12+$0x0], $0xffff;
	v11 =	vor.u32 v0, v11;
	v12 =	vmul.f32 v13, v12  }
.LBB2_2:
0x25: {  	p0 =	sne.s32 s15, $0x3F  }
.Ltmp0:
0x26: {  	v13 =	vmov s15;
	v9 =	vadd.f32 v12, v9;
	(pc) =	sbr.rel @p0 .LBB2_2-.Ltmp0, $4  }
0x27: {  	s15 =	sadd.s32 $0x1, s15;
	v14 =	vand.u32 $0x7F, v13  }
0x28: {  	v13 =	vbroadcast v14, $0x0  }
0x29: {  	v12 =	vmov v8;
	v8 =	vld.idx.msk [tilespmem:v11+s10+$0x0], $0xffff  }
0x2a: {  	v12 =	vmul.f32 v10, v12;
	v10 =	vld.idx.msk [tilespmem:v11+s12+$0x0], $0xffff;
	v11 =	vor.u32 v0, v13  }
0x2b: {  	_ =	sdelay $0x3  }
0x2c: {  	v13 =	vld.idx.msk [tilespmem:v11+s10+$0x0], $0xffff  }
0x2d: {  	v11 =	vld.idx.msk [tilespmem:v11+s12+$0x0], $0xffff;
	s15 =	simm.s32 $0x0  }
0x2e: {  	v14 =	vmov s15  }
0x2f: {  	v14 =	vand.u32 $0x7F, v14  }
0x30: {  	v9 =	vadd.f32 v12, v9;
	v8 =	vmul.f32 v10, v8;
	v10 =	vbroadcast v14, $0x0;
	_ =	sdelay $0x1  }
0x31: {  	s30 =	simm.s32 $0x1;
	v8 =	vadd.f32 v8, v9;
	v9 =	vmul.f32 v11, v13;
	v10 =	vor.u32 v1, v10  }
0x32: {  	v11 =	vmov s30  }
0x33: {  	v8 =	vadd.f32 v9, v8;
	v9 =	vand.u32 $0x7F, v11  }
0x34: {  	v9 =	vbroadcast v9, $0x0  }
0x35: {  	[tilespmem:$0x8100] =	vst v8  }
0x36: {  	v12 =	vld.idx.msk [tilespmem:v10+s10+$0x0], $0xffff;
	v13 =	vor.u32 v1, v9  }
0x37: {  	s31 =	simm.s32 $0x2;
	v14 =	vld.idx.msk [tilespmem:v10+s12+$0x0], $0xffff  }
0x38: {  	v8 =	vmov s31  }
0x39: {  	v8 =	vand.u32 $0x7F, v8  }
0x3a: {  	v10 =	vbroadcast v8, $0x0  }
0x3b: {  	v8 =	vld.idx.msk [tilespmem:v13+s10+$0x0], $0xffff  }
0x3c: {  	s15 =	simm.s32 $0x3;
	v9 =	vimm.f32 $0.0e+00;
	v11 =	vor.u32 v1, v10;
	v10 =	vld.idx.msk [tilespmem:v13+s12+$0x0], $0xffff;
	v12 =	vmul.f32 v14, v12  }
.LBB2_4:
0x3d: {  	p0 =	sne.s32 s15, $0x3F  }
.Ltmp1:
0x3e: {  	v13 =	vmov s15;
	v9 =	vadd.f32 v12, v9;
	(pc) =	sbr.rel @p0 .LBB2_4-.Ltmp1, $4  }
0x3f: {  	s15 =	sadd.s32 $0x1, s15;
	v14 =	vand.u32 $0x7F, v13  }
0x40: {  	v13 =	vbroadcast v14, $0x0  }
0x41: {  	v12 =	vmov v8;
	v8 =	vld.idx.msk [tilespmem:v11+s10+$0x0], $0xffff  }
0x42: {  	v12 =	vmul.f32 v10, v12;
	v10 =	vld.idx.msk [tilespmem:v11+s12+$0x0], $0xffff;
	v11 =	vor.u32 v1, v13  }
0x43: {  	_ =	sdelay $0x3  }
0x44: {  	v13 =	vld.idx.msk [tilespmem:v11+s10+$0x0], $0xffff  }
0x45: {  	v11 =	vld.idx.msk [tilespmem:v11+s12+$0x0], $0xffff;
	s15 =	simm.s32 $0x0  }
0x46: {  	v14 =	vmov s15  }
0x47: {  	v14 =	vand.u32 $0x7F, v14  }
0x48: {  	v9 =	vadd.f32 v12, v9;
	v8 =	vmul.f32 v10, v8;
	v10 =	vbroadcast v14, $0x0;
	_ =	sdelay $0x1  }
0x49: {  	s30 =	simm.s32 $0x1;
	v8 =	vadd.f32 v8, v9;
	v9 =	vmul.f32 v11, v13;
	v10 =	vor.u32 v2, v10  }
0x4a: {  	v11 =	vmov s30  }
0x4b: {  	v8 =	vadd.f32 v9, v8;
	v9 =	vand.u32 $0x7F, v11  }
0x4c: {  	v9 =	vbroadcast v9, $0x0  }
0x4d: {  	[tilespmem:$0x8110] =	vst v8  }
0x4e: {  	v12 =	vld.idx.msk [tilespmem:v10+s10+$0x0], $0xffff;
	v13 =	vor.u32 v2, v9  }
0x4f: {  	s31 =	simm.s32 $0x2;
	v14 =	vld.idx.msk [tilespmem:v10+s12+$0x0], $0xffff  }
0x50: {  	v8 =	vmov s31  }
0x51: {  	v8 =	vand.u32 $0x7F, v8  }
0x52: {  	v10 =	vbroadcast v8, $0x0  }
0x53: {  	v8 =	vld.idx.msk [tilespmem:v13+s10+$0x0], $0xffff  }
0x54: {  	s15 =	simm.s32 $0x3;
	v9 =	vimm.f32 $0.0e+00;
	v11 =	vor.u32 v2, v10;
	v10 =	vld.idx.msk [tilespmem:v13+s12+$0x0], $0xffff;
	v12 =	vmul.f32 v14, v12  }
.LBB2_6:
0x55: {  	p0 =	sne.s32 s15, $0x3F  }
.Ltmp2:
0x56: {  	v13 =	vmov s15;
	v9 =	vadd.f32 v12, v9;
	(pc) =	sbr.rel @p0 .LBB2_6-.Ltmp2, $4  }
0x57: {  	s15 =	sadd.s32 $0x1, s15;
	v14 =	vand.u32 $0x7F, v13  }
0x58: {  	v13 =	vbroadcast v14, $0x0  }
0x59: {  	v12 =	vmov v8;
	v8 =	vld.idx.msk [tilespmem:v11+s10+$0x0], $0xffff  }
0x5a: {  	v12 =	vmul.f32 v10, v12;
	v10 =	vld.idx.msk [tilespmem:v11+s12+$0x0], $0xffff;
	v11 =	vor.u32 v2, v13  }
0x5b: {  	_ =	sdelay $0x3  }
0x5c: {  	v13 =	vld.idx.msk [tilespmem:v11+s10+$0x0], $0xffff  }
0x5d: {  	v11 =	vld.idx.msk [tilespmem:v11+s12+$0x0], $0xffff;
	s15 =	simm.s32 $0x0  }
0x5e: {  	v14 =	vmov s15  }
0x5f: {  	v14 =	vand.u32 $0x7F, v14  }
0x60: {  	v9 =	vadd.f32 v12, v9;
	v8 =	vmul.f32 v10, v8;
	v10 =	vbroadcast v14, $0x0;
	_ =	sdelay $0x1  }
0x61: {  	s30 =	simm.s32 $0x1;
	v8 =	vadd.f32 v8, v9;
	v9 =	vmul.f32 v11, v13;
	v10 =	vor.u32 v3, v10  }
0x62: {  	v11 =	vmov s30  }
0x63: {  	v8 =	vadd.f32 v9, v8;
	v9 =	vand.u32 $0x7F, v11  }
0x64: {  	v9 =	vbroadcast v9, $0x0  }
0x65: {  	[tilespmem:$0x8120] =	vst v8  }
0x66: {  	v12 =	vld.idx.msk [tilespmem:v10+s10+$0x0], $0xffff;
	v13 =	vor.u32 v3, v9  }
0x67: {  	s31 =	simm.s32 $0x2;
	v14 =	vld.idx.msk [tilespmem:v10+s12+$0x0], $0xffff  }
0x68: {  	v8 =	vmov s31  }
0x69: {  	v8 =	vand.u32 $0x7F, v8  }
0x6a: {  	v10 =	vbroadcast v8, $0x0  }
0x6b: {  	v8 =	vld.idx.msk [tilespmem:v13+s10+$0x0], $0xffff  }
0x6c: {  	s15 =	simm.s32 $0x3;
	v9 =	vimm.f32 $0.0e+00;
	v11 =	vor.u32 v3, v10;
	v10 =	vld.idx.msk [tilespmem:v13+s12+$0x0], $0xffff;
	v12 =	vmul.f32 v14, v12  }
.LBB2_8:
0x6d: {  	p0 =	sne.s32 s15, $0x3F  }
.Ltmp3:
0x6e: {  	v13 =	vmov s15;
	v9 =	vadd.f32 v12, v9;
	(pc) =	sbr.rel @p0 .LBB2_8-.Ltmp3, $4  }
0x6f: {  	s15 =	sadd.s32 $0x1, s15;
	v14 =	vand.u32 $0x7F, v13  }
0x70: {  	v13 =	vbroadcast v14, $0x0  }
0x71: {  	v12 =	vmov v8;
	v8 =	vld.idx.msk [tilespmem:v11+s10+$0x0], $0xffff  }
0x72: {  	v12 =	vmul.f32 v10, v12;
	v10 =	vld.idx.msk [tilespmem:v11+s12+$0x0], $0xffff;
	v11 =	vor.u32 v3, v13  }
0x73: {  	_ =	sdelay $0x3  }
0x74: {  	v13 =	vld.idx.msk [tilespmem:v11+s10+$0x0], $0xffff  }
0x75: {  	v11 =	vld.idx.msk [tilespmem:v11+s12+$0x0], $0xffff;
	s15 =	simm.s32 $0x0  }
0x76: {  	v14 =	vmov s15  }
0x77: {  	v14 =	vand.u32 $0x7F, v14  }
0x78: {  	v9 =	vadd.f32 v12, v9;
	v8 =	vmul.f32 v10, v8;
	v10 =	vbroadcast v14, $0x0;
	_ =	sdelay $0x1  }
0x79: {  	s30 =	simm.s32 $0x1;
	v8 =	vadd.f32 v8, v9;
	v9 =	vmul.f32 v11, v13;
	v10 =	vor.u32 v4, v10  }
0x7a: {  	v11 =	vmov s30  }
0x7b: {  	v8 =	vadd.f32 v9, v8;
	v9 =	vand.u32 $0x7F, v11  }
0x7c: {  	v9 =	vbroadcast v9, $0x0  }
0x7d: {  	[tilespmem:$0x8130] =	vst v8  }
0x7e: {  	v12 =	vld.idx.msk [tilespmem:v10+s10+$0x0], $0xffff;
	v13 =	vor.u32 v4, v9  }
0x7f: {  	s31 =	simm.s32 $0x2;
	v14 =	vld.idx.msk [tilespmem:v10+s12+$0x0], $0xffff  }
0x80: {  	v8 =	vmov s31  }
0x81: {  	v8 =	vand.u32 $0x7F, v8  }
0x82: {  	v10 =	vbroadcast v8, $0x0  }
0x83: {  	v8 =	vld.idx.msk [tilespmem:v13+s10+$0x0], $0xffff  }
0x84: {  	s15 =	simm.s32 $0x3;
	v9 =	vimm.f32 $0.0e+00;
	v11 =	vor.u32 v4, v10;
	v10 =	vld.idx.msk [tilespmem:v13+s12+$0x0], $0xffff;
	v12 =	vmul.f32 v14, v12  }
.LBB2_10:
0x85: {  	p0 =	sne.s32 s15, $0x3F  }
.Ltmp4:
0x86: {  	v13 =	vmov s15;
	v9 =	vadd.f32 v12, v9;
	(pc) =	sbr.rel @p0 .LBB2_10-.Ltmp4, $4  }
0x87: {  	s15 =	sadd.s32 $0x1, s15;
	v14 =	vand.u32 $0x7F, v13  }
0x88: {  	v13 =	vbroadcast v14, $0x0  }
0x89: {  	v12 =	vmov v8;
	v8 =	vld.idx.msk [tilespmem:v11+s10+$0x0], $0xffff  }
0x8a: {  	v12 =	vmul.f32 v10, v12;
	v10 =	vld.idx.msk [tilespmem:v11+s12+$0x0], $0xffff;
	v11 =	vor.u32 v4, v13  }
0x8b: {  	_ =	sdelay $0x3  }
0x8c: {  	v13 =	vld.idx.msk [tilespmem:v11+s10+$0x0], $0xffff  }
0x8d: {  	v11 =	vld.idx.msk [tilespmem:v11+s12+$0x0], $0xffff;
	s15 =	simm.s32 $0x0  }
0x8e: {  	v14 =	vmov s15  }
0x8f: {  	v14 =	vand.u32 $0x7F, v14  }
0x90: {  	v9 =	vadd.f32 v12, v9;
	v8 =	vmul.f32 v10, v8;
	v10 =	vbroadcast v14, $0x0;
	_ =	sdelay $0x1  }
0x91: {  	s30 =	simm.s32 $0x1;
	v8 =	vadd.f32 v8, v9;
	v9 =	vmul.f32 v11, v13;
	v10 =	vor.u32 v5, v10  }
0x92: {  	v11 =	vmov s30  }
0x93: {  	v8 =	vadd.f32 v9, v8;
	v9 =	vand.u32 $0x7F, v11  }
0x94: {  	v9 =	vbroadcast v9, $0x0  }
0x95: {  	[tilespmem:$0x8140] =	vst v8  }
0x96: {  	v12 =	vld.idx.msk [tilespmem:v10+s10+$0x0], $0xffff;
	v13 =	vor.u32 v5, v9  }
0x97: {  	s31 =	simm.s32 $0x2;
	v14 =	vld.idx.msk [tilespmem:v10+s12+$0x0], $0xffff  }
0x98: {  	v8 =	vmov s31  }
0x99: {  	v8 =	vand.u32 $0x7F, v8  }
0x9a: {  	v10 =	vbroadcast v8, $0x0  }
0x9b: {  	v8 =	vld.idx.msk [tilespmem:v13+s10+$0x0], $0xffff  }
0x9c: {  	s15 =	simm.s32 $0x3;
	v9 =	vimm.f32 $0.0e+00;
	v11 =	vor.u32 v5, v10;
	v10 =	vld.idx.msk [tilespmem:v13+s12+$0x0], $0xffff;
	v12 =	vmul.f32 v14, v12  }
.LBB2_12:
0x9d: {  	p0 =	sne.s32 s15, $0x3F  }
.Ltmp5:
0x9e: {  	v13 =	vmov s15;
	v9 =	vadd.f32 v12, v9;
	(pc) =	sbr.rel @p0 .LBB2_12-.Ltmp5, $4  }
0x9f: {  	s15 =	sadd.s32 $0x1, s15;
	v14 =	vand.u32 $0x7F, v13  }
0xa0: {  	v13 =	vbroadcast v14, $0x0  }
0xa1: {  	v12 =	vmov v8;
	v8 =	vld.idx.msk [tilespmem:v11+s10+$0x0], $0xffff  }
0xa2: {  	v12 =	vmul.f32 v10, v12;
	v10 =	vld.idx.msk [tilespmem:v11+s12+$0x0], $0xffff;
	v11 =	vor.u32 v5, v13  }
0xa3: {  	_ =	sdelay $0x3  }
0xa4: {  	v13 =	vld.idx.msk [tilespmem:v11+s10+$0x0], $0xffff  }
0xa5: {  	v11 =	vld.idx.msk [tilespmem:v11+s12+$0x0], $0xffff;
	s15 =	simm.s32 $0x0  }
0xa6: {  	v14 =	vmov s15  }
0xa7: {  	v14 =	vand.u32 $0x7F, v14  }
0xa8: {  	v9 =	vadd.f32 v12, v9;
	v8 =	vmul.f32 v10, v8;
	v10 =	vbroadcast v14, $0x0;
	_ =	sdelay $0x1  }
0xa9: {  	s30 =	simm.s32 $0x1;
	v8 =	vadd.f32 v8, v9;
	v9 =	vmul.f32 v11, v13;
	v10 =	vor.u32 v6, v10  }
0xaa: {  	v11 =	vmov s30  }
0xab: {  	v8 =	vadd.f32 v9, v8;
	v9 =	vand.u32 $0x7F, v11  }
0xac: {  	v9 =	vbroadcast v9, $0x0  }
0xad: {  	[tilespmem:$0x8150] =	vst v8  }
0xae: {  	v12 =	vld.idx.msk [tilespmem:v10+s10+$0x0], $0xffff;
	v13 =	vor.u32 v6, v9  }
0xaf: {  	s31 =	simm.s32 $0x2;
	v14 =	vld.idx.msk [tilespmem:v10+s12+$0x0], $0xffff  }
0xb0: {  	v8 =	vmov s31  }
0xb1: {  	v8 =	vand.u32 $0x7F, v8  }
0xb2: {  	v10 =	vbroadcast v8, $0x0  }
0xb3: {  	v8 =	vld.idx.msk [tilespmem:v13+s10+$0x0], $0xffff  }
0xb4: {  	s15 =	simm.s32 $0x3;
	v9 =	vimm.f32 $0.0e+00;
	v11 =	vor.u32 v6, v10;
	v10 =	vld.idx.msk [tilespmem:v13+s12+$0x0], $0xffff;
	v12 =	vmul.f32 v14, v12  }
.LBB2_14:
0xb5: {  	p0 =	sne.s32 s15, $0x3F  }
.Ltmp6:
0xb6: {  	v13 =	vmov s15;
	v9 =	vadd.f32 v12, v9;
	(pc) =	sbr.rel @p0 .LBB2_14-.Ltmp6, $4  }
0xb7: {  	s15 =	sadd.s32 $0x1, s15;
	v14 =	vand.u32 $0x7F, v13  }
0xb8: {  	v13 =	vbroadcast v14, $0x0  }
0xb9: {  	v12 =	vmov v8;
	v8 =	vld.idx.msk [tilespmem:v11+s10+$0x0], $0xffff  }
0xba: {  	v12 =	vmul.f32 v10, v12;
	v10 =	vld.idx.msk [tilespmem:v11+s12+$0x0], $0xffff;
	v11 =	vor.u32 v6, v13  }
0xbb: {  	_ =	sdelay $0x3  }
0xbc: {  	v13 =	vld.idx.msk [tilespmem:v11+s10+$0x0], $0xffff  }
0xbd: {  	v11 =	vld.idx.msk [tilespmem:v11+s12+$0x0], $0xffff;
	s15 =	simm.s32 $0x0  }
0xbe: {  	v14 =	vmov s15  }
0xbf: {  	v14 =	vand.u32 $0x7F, v14  }
0xc0: {  	v9 =	vadd.f32 v12, v9;
	v8 =	vmul.f32 v10, v8;
	v10 =	vbroadcast v14, $0x0;
	_ =	sdelay $0x1  }
0xc1: {  	s30 =	simm.s32 $0x1;
	v8 =	vadd.f32 v8, v9;
	v9 =	vmul.f32 v11, v13;
	v10 =	vor.u32 v7, v10  }
0xc2: {  	v11 =	vmov s30  }
0xc3: {  	v8 =	vadd.f32 v9, v8;
	v9 =	vand.u32 $0x7F, v11  }
0xc4: {  	v9 =	vbroadcast v9, $0x0  }
0xc5: {  	[tilespmem:$0x8160] =	vst v8  }
0xc6: {  	v12 =	vld.idx.msk [tilespmem:v10+s10+$0x0], $0xffff;
	v13 =	vor.u32 v7, v9  }
0xc7: {  	s31 =	simm.s32 $0x2;
	v14 =	vld.idx.msk [tilespmem:v10+s12+$0x0], $0xffff  }
0xc8: {  	v8 =	vmov s31  }
0xc9: {  	v8 =	vand.u32 $0x7F, v8  }
0xca: {  	v10 =	vbroadcast v8, $0x0  }
0xcb: {  	v8 =	vld.idx.msk [tilespmem:v13+s10+$0x0], $0xffff  }
0xcc: {  	s15 =	simm.s32 $0x3;
	v9 =	vimm.f32 $0.0e+00;
	v11 =	vor.u32 v7, v10;
	v10 =	vld.idx.msk [tilespmem:v13+s12+$0x0], $0xffff;
	v12 =	vmul.f32 v14, v12  }
.LBB2_16:
0xcd: {  	p0 =	sne.s32 s15, $0x3F  }
.Ltmp7:
0xce: {  	v13 =	vmov s15;
	v9 =	vadd.f32 v12, v9;
	(pc) =	sbr.rel @p0 .LBB2_16-.Ltmp7, $4  }
0xcf: {  	s15 =	sadd.s32 $0x1, s15;
	v14 =	vand.u32 $0x7F, v13  }
0xd0: {  	v13 =	vbroadcast v14, $0x0  }
0xd1: {  	v12 =	vmov v8;
	v8 =	vld.idx.msk [tilespmem:v11+s10+$0x0], $0xffff  }
0xd2: {  	v12 =	vmul.f32 v10, v12;
	v10 =	vld.idx.msk [tilespmem:v11+s12+$0x0], $0xffff;
	v11 =	vor.u32 v7, v13  }
0xd3: {  	_ =	sdelay $0x3  }
0xd4: {  	v13 =	vld.idx.msk [tilespmem:v11+s10+$0x0], $0xffff  }
0xd5: {  	v62 =	vld.idx.msk [tilespmem:v11+s12+$0x0], $0xffff;
	_ =	sdelay $0x2  }
0xd6: {  	v9 =	vadd.f32 v12, v9;
	v8 =	vmul.f32 v10, v8;
	_ =	sdelay $0x1  }
0xd7: {  	v63 =	vmul.f32 v62, v13;
	v8 =	vadd.f32 v8, v9;
	_ =	sdelay $0x1  }
0xd8: {  	s14 =	sadd.s32 $0x1, s14;
	v8 =	vadd.f32 v63, v8  }
0xd9: {  	p0 =	sne.s32 s14, s7  }
.Ltmp8:
0xda: {  	[tilespmem:$0x8170] =	vst v8;
	(pc) =	sbr.rel @p0 .LBB2_1-.Ltmp8, $4  }
0xdb: {  	[hbm4b:s6+s2] =	stream.linear.scatter [tilespmem:s13], [sflag:$0x2], $0x80, $0x38;
	[tilespmem:$0x8180] =	vst v63  }
0xdc: {  	_ =	swait.ge [sflag:s8], $0x80  }
0xdd: {  	[sflag:s8] =	ssyncset.done $0x0  }
0xde: {  	[sflag:s8] =	ssyncadd.s32 $0xFFFFFF80  }
0xdf: {  	_ =	sfence.sel $0x180000  }
0xe0: {  	[bflag:$0x0] =	sbarrier.arrive $0xFFFF  }
0xe1: {  	p0 =	sne.s32 s1, $0x0;
	_ =	strace $0x90000050  }
0xe2: {  	s0 =	sadd.s32 @!p0 $0x100000, s0;
	[bflag:$0x2] =	sbarrier.arrive $0xFFFF  }
0xe3: {  	[sflag:s0] =	ssyncadd.tile.s32 @!p0 $0x1;
	_ =	shalt  }
.Lfunc_end2:
_tile_overlayer_lowered:
.L_overlay_start_2:
0xe4: {  	(tag) =	ssettag $0x2  }
0xe5: {  	s0 =	rddreg [dreg:$0x0];
	s2 =	stileid.u32  }
0xe6: {  	s1 =	rddreg [dreg:$0x1];
	p0 =	sne.s32 s2, $0x0  }
0xe7: {  	s3 =	rddreg [dreg:$0x2];
	[bflag:$0x3] =	sbarrier.arrive $0xFFFF;
	s2 =	simm.s32 @!p0 $0x1C02  }
0xe8: {  	[timem:s3], [sflag:s2] =	dma.local @!p0 [hbm:s0], s1  }
0xe9: {  	s0 =	simm.s32 @!p0 $0x2  }
0xea: {  	_ =	swait.ge @!p0 [sflag:s0], s1  }
0xeb: {  	s1 =	ssub.s32 @!p0 $0x0, s1;
	[sflag:s0] =	ssyncset.done @!p0 $0x0  }
0xec: {  	[sflag:s0] =	ssyncadd.s32 @!p0 s1  }
0xed: {  	[bflag:$0x3] =	sbarrier.arrive $0xFFFF  }
0xee: {  	_ =	shalt  }

// kernel: kernel.9.cloned.1.call-start
scs
__scs_entry_jumppad:
0x0: {  	(pc) =	sbr.rel $0x88, $3  }
0x1: {  	(tag) =	ssettag $0x0;
	lr =	simm.s32 $0x1  }
0x2: {  	[smem:$0x3F9A] =	sst lr;
	_ =	strace $0xD0000000  }
0x3: {  	_ = 	snop  }
0x4: {  	_ = 	snop  }
0x5: {  	_ = 	snop  }
0x6: {  	_ = 	snop  }
0x7: {  	_ = 	snop  }
__scs_overlays_trampoline_lowered:
0x8: {  	[smem:$0x3FA9] =	sst s0  }
0x9: {  	[smem:$0x3FAA] =	sst s1  }
0xa: {  	[smem:$0x3FAB] =	sst s2  }
0xb: {  	[smem:$0x3FAC] =	sst s3  }
0xc: {  	[smem:$0x3FAD] =	sst s4  }
0xd: {  	[smem:$0x3FAE] =	sst s5  }
0xe: {  	[smem:$0x3FAF] =	sst s6  }
0xf: {  	[smem:$0x3FB0] =	sst s7  }
0x10: {  	[smem:$0x3FB1] =	sst s8  }
0x11: {  	[smem:$0x3FB2] =	sst s9;
	s0 =	simm.s32 @!p0 $0x0  }
0x12: {  	s1 =	sld [smem:$0x3F98];
	s0 =	simm.s32 @p0 $0x1  }
0x13: {  	[smem:$0x3FB3] =	sst s0;
	s0 =	simm.s32 @!p1 $0x0  }
0x14: {  	s2 =	sld [smem:$0x3F97];
	s0 =	simm.s32 @p1 $0x1  }
0x15: {  	[smem:$0x3FB4] =	sst s0;
	s0 =	simm.s32 @!p2 $0x0  }
0x16: {  	s3 =	sld [smem:$0x3FDB];
	s0 =	simm.s32 @p2 $0x1  }
0x17: {  	s4 =	simm.s32 $0x1BF5;
	[smem:$0x3FB6] =	sst s0  }
0x18: {  	s0 =	sld [smem:$0x3F99];
	_ =	swait.ge [sflag:s4], $0x0  }
0x19: {  	s7 =	sld [smem:$0x3F9A]  }
0x1a: {  	s8 =	sadd.s32 $0xFFFFE003, lr  }
0x1b: {  	s9 =	sadd.s32 $0xFFFFFEF7, lr;
	s5 =	simm.s32 $0xFFFFFFFF;
	p2 =	slt.u32 s8, $0xFFFFF086  }
0x1c: {  	p1 =	slt.u32 s9, $0xF7A;
	s5 =	simm.s32 @!p2 $0x0  }
0x1d: {  	s5 =	simm.s32 @p1 $0x1;
	p0 =	seq.s32 s7, s2  }
0x1e: {  	s7 =	smul.u32 @!p0 $0xF7A, s2;
	p2 =	seq.s32 @!p0 s5, $0x0  }
0x1f: {  	s9 =	smul.u32 $0xF7A, s1;
	s8 =	simm.s32 @!p0 $0x1BF5;
	p2 =	por !p2, p0  }
0x20: {  	[sflag:s8] =	ssyncset.s32 @!p0 $0xFFFFF086;
	s6 =	sadd.s32 @!p0 s3, s7;
	s7 =	simm.s32 @!p0 $0x108  }
0x21: {  	s3 =	sadd.s32 s3, s9;
	s6 =	sadd.s32 @!p0 $0x88, s6;
	s7 =	simm.s32 @p2 $0x1082  }
0x22: {  	[simem:s7], [sflag:s8] =	dma.local @!p0 [hbm:s6], $0xF7A  }
0x23: {  	s9 =	sor.u32 $0xD0000000, s2;
	s6 =	simm.s32 $0x108;
	_ =	swait.ge @!p0 [sflag:s8], $0x0  }
0x24: {  	s3 =	sadd.s32 $0x88, s3;
	s6 =	simm.s32 @!p1 $0x1082;
	[sflag:s4] =	ssyncset.s32 $0xFFFFF086  }
0x25: {  	[simem:s6], [sflag:s4] =	dma.local [hbm:s3], $0xF7A  }
0x26: {  	[smem:$0x3F9A] =	sst s1;
	(tag) =	ssettag s2;
	_ =	strace s9  }
0x27: {  	s1 =	sld [smem:$0x3FAA]  }
0x28: {  	s2 =	sld [smem:$0x3FAB]  }
0x29: {  	s4 =	sld [smem:$0x3FAD]  }
0x2a: {  	p0 =	seq.s32 s5, $0x0;
	s5 =	sld [smem:$0x3FAE]  }
0x2b: {  	s6 =	sld [smem:$0x3FAF]  }
0x2c: {  	s7 =	sld [smem:$0x3FB0]  }
0x2d: {  	s3 =	simm.s32 $0x108;
	s8 =	sld [smem:$0x3FB1]  }
0x2e: {  	s3 =	simm.s32 @!p0 $0x1082;
	s9 =	sld [smem:$0x3FB2]  }
0x2f: {  	lr =	sadd.s32 s0, s3;
	s0 =	sld [smem:$0x3FA9]  }
0x30: {  	s3 =	sld [smem:$0x3FAC]  }
0x31: {  	[smem:$0x3FB5] =	sst s10  }
0x32: {  	s10 =	sld [smem:$0x3FB3];
	_ =	sdelay $0x3  }
0x33: {  	p0 =	seq.s32 s10, $0x1;
	s10 =	sld [smem:$0x3FB5];
	_ =	sdelay $0x3  }
0x34: {  	[smem:$0x3FB5] =	sst s10  }
0x35: {  	s10 =	sld [smem:$0x3FB4];
	_ =	sdelay $0x3  }
0x36: {  	p1 =	seq.s32 s10, $0x1;
	s10 =	sld [smem:$0x3FB5];
	_ =	sdelay $0x3  }
0x37: {  	[smem:$0x3FB5] =	sst s10  }
0x38: {  	s10 =	sld [smem:$0x3FB6]  }
0x39: {  	_ = 	snop;
	(pc) =	sbr.ind lr, $3  }
0x3a: {  	_ = 	snop  }
0x3b: {  	_ = 	snop  }
0x3c: {  	p2 =	seq.s32 s10, $0x1;
	s10 =	sld [smem:$0x3FB5]  }
0x3d: {  	_ =	shalt  }
0x3e: {  	_ =	shalt  }
0x3f: {  	_ =	shalt  }
0x40: {  	_ =	shalt  }
0x41: {  	_ =	shalt  }
0x42: {  	_ =	shalt  }
0x43: {  	_ =	shalt  }
0x44: {  	_ =	shalt  }
0x45: {  	_ =	shalt  }
0x46: {  	_ =	shalt  }
0x47: {  	_ =	shalt  }
0x48: {  	_ =	shalt  }
0x49: {  	_ =	shalt  }
0x4a: {  	_ =	shalt  }
0x4b: {  	_ =	shalt  }
0x4c: {  	_ =	shalt  }
0x4d: {  	_ =	shalt  }
0x4e: {  	_ =	shalt  }
0x4f: {  	_ =	shalt  }
0x50: {  	_ =	shalt  }
0x51: {  	_ =	shalt  }
0x52: {  	_ =	shalt  }
0x53: {  	_ =	shalt  }
0x54: {  	_ =	shalt  }
0x55: {  	_ =	shalt  }
0x56: {  	_ =	shalt  }
0x57: {  	_ =	shalt  }
0x58: {  	_ =	shalt  }
0x59: {  	_ =	shalt  }
0x5a: {  	_ =	shalt  }
0x5b: {  	_ =	shalt  }
0x5c: {  	_ =	shalt  }
0x5d: {  	_ =	shalt  }
0x5e: {  	_ =	shalt  }
0x5f: {  	_ =	shalt  }
0x60: {  	_ =	shalt  }
0x61: {  	_ =	shalt  }
0x62: {  	_ =	shalt  }
0x63: {  	_ =	shalt  }
0x64: {  	_ =	shalt  }
0x65: {  	_ =	shalt  }
0x66: {  	_ =	shalt  }
0x67: {  	_ =	shalt  }
0x68: {  	_ =	shalt  }
0x69: {  	_ =	shalt  }
0x6a: {  	_ =	shalt  }
0x6b: {  	_ =	shalt  }
0x6c: {  	_ =	shalt  }
0x6d: {  	_ =	shalt  }
0x6e: {  	_ =	shalt  }
0x6f: {  	_ =	shalt  }
0x70: {  	_ =	shalt  }
0x71: {  	_ =	shalt  }
0x72: {  	_ =	shalt  }
0x73: {  	_ =	shalt  }
0x74: {  	_ =	shalt  }
0x75: {  	_ =	shalt  }
0x76: {  	_ =	shalt  }
0x77: {  	_ =	shalt  }
0x78: {  	_ =	shalt  }
0x79: {  	_ =	shalt  }
0x7a: {  	_ =	shalt  }
0x7b: {  	_ =	shalt  }
0x7c: {  	_ =	shalt  }
0x7d: {  	_ =	shalt  }
0x7e: {  	_ =	shalt  }
0x7f: {  	_ =	shalt  }
0x80: {  	_ =	shalt  }
0x81: {  	_ =	shalt  }
0x82: {  	_ =	shalt  }
0x83: {  	_ =	shalt  }
0x84: {  	_ =	shalt  }
0x85: {  	_ =	shalt  }
0x86: {  	_ =	shalt  }
0x87: {  	_ =	shalt  }
.Lfunc_end0:
.L_simem_size_0:
called_computation_lowered:
.L_overlay_start_0:
0x88: {  	s2 =	sld [smem:$0x3FD9]  }
0x89: {  	s3 =	sld [smem:$0x3FFE];
	_ =	sdelay $0x1  }
0x8a: {  	s1 =	srdreg.scid  }
0x8b: {  	s0 =	sand.u32 $0x1, s1  }
0x8c: {  	s14 =	sshll.u32 s0, $0xA;
	s2 =	sadd.s32 s3, s2  }
0x8d: {  	s2 =	sadd.s32 s2, s14  }
0x8e: {  	[smem:$0x3FC1] =	sst s2  }
0x8f: {  	_ = 	snop  }
0x90: {  	s2 =	sld [smem:$0x3FD0];
	_ =	sdelay $0x2  }
0x91: {  	s15 =	simm.s32 $0xA;
	s4 =	simm.s32 $0x10  }
0x92: {  	[smem:s4], [sflag:s15] =	dma.local [hbm:s2], $0x1  }
0x93: {  	_ =	swait.eq [sflag:s15], $0x1  }
0x94: {  	[sflag:s15] =	ssyncset.done $0x0  }
0x95: {  	s16 =	sld [smem:$0x11];
	[sflag:s15] =	ssyncadd.s32 $0xFFFFFFFF  }
0x96: {  	s17 =	sld [smem:$0x12];
	(tm) =	ssettm $0x1  }
0x97: {  	s18 =	sld [smem:$0x3FFB];
	_ =	sdelay $0x3  }
0x98: {  	_ =	strace s18  }
0x99: {  	s4 =	sld [smem:$0x3FFC];
	_ =	sdelay $0x3  }
0x9a: {  	_ =	strace s4  }
0x9b: {  	s4 =	sld [smem:$0x3FFD];
	_ =	sdelay $0x3  }
0x9c: {  	_ =	strace s4  }
0x9d: {  	_ =	strace $0x8FFFFFFF  }
0x9e: {  	s19 =	sld [smem:$0x3FDB];
	_ =	sdelay $0x1  }
0x9f: {  	s5 =	simm.s32 $_scs_section_size  }
0xa0: {  	s6 =	simm.s32 $_size__tile_overlayer_lowered;
	s7 =	simm.s32 $_tile_overlayer_lowered  }
0xa1: {  	s22 =	simm.s32 $0x1BFF;
	s21 =	sshll.u32 s7, $0x1;
	s4 =	sadd.s32 s5, s19  }
0xa2: {  	s8 =	simm.s32 $0x0;
	s20 =	sshll.u32 s6, $0x1;
	s6 =	sadd.s32 s21, s4  }
0xa3: {  	[timem:s8], [sflag:s22] =	dma.local [hbm:s6], s20  }
0xa4: {  	_ =	swait.ge [sflag:s22], s20  }
0xa5: {  	s5 =	ssub.s32 $0x0, s20;
	[sflag:s22] =	ssyncset.done $0x0  }
0xa6: {  	[sflag:s22] =	ssyncadd.s32 s5;
	_ =	sdelay $0x1  }
0xa7: {  	s23 =	simm.s32 $0x1B8B  }
0xa8: {  	_ =	swait.ge [sflag:s23], $0x1  }
0xa9: {  	[sflag:s23] =	ssyncset.done $0x0  }
0xaa: {  	s25 =	simm.s32 $0x1B8E;
	s24 =	sld [smem:$0x3FFE];
	[sflag:s23] =	ssyncadd.s32 $0xFFFFFFFF  }
0xab: {  	s26 =	simm.s32 $execute0_lowered;
	[smem:$0x3FD2] =	sst s25  }
0xac: {  	s6 =	sshll.u32 s26, $0x1;
	_ =	strace $0x80000046;
	[dreg:$0x1] =	wrdreg $0xFFFFFFFF  }
0xad: {  	s28 =	simm.s32 $_size_execute0_lowered;
	s4 =	sadd.s32 s4, s6;
	[dreg:$0x0] =	wrdreg $0x0  }
0xae: {  	s6 =	sshll.u32 s28, $0x1;
	[dreg:$0x2] =	wrdreg s4  }
0xaf: {  	[dreg:$0x3] =	wrdreg s6  }
0xb0: {  	[dreg:$0x4] =	wrdreg $0xC0  }
0xb1: {  	_ =	task [dreg:s8], $0x5FFFF  }
0xb2: {  	[dreg:$0x1] =	wrdreg $0xFFFFFFFF  }
0xb3: {  	[dreg:$0x0] =	wrdreg $0x60  }
0xb4: {  	[dreg:$0x2] =	wrdreg s24  }
0xb5: {  	[dreg:$0x3] =	wrdreg s17  }
0xb6: {  	[dreg:$0x4] =	wrdreg s16  }
0xb7: {  	[dreg:$0x5] =	wrdreg $0x9  }
0xb8: {  	_ =	task.clear_ibuf [dreg:s8], $0x6FFFF;
	_ =	strace $0x90000046  }
0xb9: {  	s29 =	simm.s32 $0x9;
	_ =	strace $0x80000048  }
0xba: {  	_ =	swait.ge [sflag:s29], $0x1  }
0xbb: {  	[sflag:s29] =	ssyncadd.s32 $0xFFFFFFFF  }
0xbc: {  	_ =	strace $0x90000048  }
0xbd: {  	_ =	sfence  }
0xbe: {  	s30 =	sld [smem:$0x0];
	_ =	sdelay $0x2  }
0xbf: {  	s31 =	sshll.u32 s1, $0xD;
	s1 =	sshrl.u32 s1, $0x2  }
0xc0: {  	s3 =	sand.u32 $0x4000, s31;
	s1 =	sadd.s32 s1, s30  }
0xc1: {  	s0 =	sor.u32 s3, s0;
	s1 =	sshll.u32 s1, $0x11  }
0xc2: {  	s0 =	sor.u32 s1, s0  }
0xc3: {  	s0 =	sadd.s32 $0x8F2B, s0  }
0xc4: {  	[sflag:s0] =	ssyncadd.remote.s32 $0x1  }
0xc5: {  	_ =	sfence.sel $0xFFFF  }
0xc6: {  	[dreg:$0x0] =	wrdreg $0xFFFFFFFF;
	(pc) =	sbr.abs _section_cstart, $3  }
0xc7: {  	[dreg:$0x1] =	wrdreg $0xFFFFFFFF  }
0xc8: {  	_ =	task.clear_ibuf [dreg:s8], $0x2FFFF;
	_ =	strace $0x9FFFFFFF  }
0xc9: {  	(tm) =	ssettm $0x7FFFFFFF  }
tec
execute0_lowered:
.L_overlay_start_1:
0x0: {  	(tag) =	ssettag $0x1  }
0x1: {  	s0 =	srdreg.scid  }
0x2: {  	s3 =	rddreg [dreg:$0x0];
	s5 =	sand.u32 $0x1, s0  }
0x3: {  	s4 =	rddreg [dreg:$0x1];
	s1 =	stileid.u32;
	s2 =	sshll.u32 s5, $0x4  }
0x4: {  	s6 =	rddreg [dreg:$0x2];
	s10 =	simm.s32 $0x2;
	s7 =	sor.u32 s1, s2  }
0x5: {  	s0 =	rddreg [dreg:$0x3];
	s5 =	ssub.s32 $0x2, s5;
	s8 =	smul.u32 $0xC40, s7  }
0x6: {  	s2 =	simm.s32 $0x0;
	s9 =	sshrl.u32 s5, $0x1;
	s7 =	smul.u32 $0x1880, s7  }
0x7: {  	s11 =	simm.s32 $0x0;
	[smem:$0x7FF] =	sst s2;
	s9 =	ssub.s32 s5, s9  }
0x8: {  	_ =	strace $0x80000047;
	s8 =	sadd.s32 s8, s3;
	s4 =	sadd.s32 s4, s7  }
0x9: {  	s6 =	sadd.s32 s6, s7;
	s7 =	smax.u32 s9, $0x1;
	s9 =	simm.s32 $0x1  }
0xa: {  	v0 =	vimm.f32 $0.0e+00;
	v1 =	vimm.f32 $1.000000000e+00;
	s3 =	sadd.s32 $0x1600, s8;
	s5 =	sadd.s32 $0x19E00, s8;
	s8 =	simm.s32 $0xC400  }
.LBB2_1:
0xb: {  	[tilespmem:s8], [sflag:$0x1] =	stream.linear.gather [hbm4b:s3+s2], $0x6200, $0x38;
	[tilespmem:$0x12600] =	vst v63  }
0xc: {  	s12 =	simm.s32 $0x30  }
0xd: {  	[tilespmem:s12+$0xFFFFFFD0] =	vst v0  }
0xe: {  	[tilespmem:s12+$0x30] =	vst v0  }
0xf: {  	[tilespmem:s12+$0x20] =	vst v0  }
0x10: {  	[tilespmem:s12+$0x10] =	vst v0  }
0x11: {  	[tilespmem:s12+$0x0] =	vst v0  }
0x12: {  	s13 =	simm.s32 $0x0;
	[tilespmem:s12+$0xFFFFFFF0] =	vst v0  }
.LBB2_2:
0x13: {  	s13 =	sadd.s32 $0x7, s13;
	[tilespmem:s12+$0xFFFFFFE0] =	vst v0;
	s12 =	sadd.s32 $0x70, s12  }
0x14: {  	[tilespmem:s12+$0xFFFFFFD0] =	vst v0;
	p0 =	slt.u32 s13, $0xC39  }
.Ltmp0:
0x15: {  	[tilespmem:s12+$0x30] =	vst v0;
	(pc) =	sbr.rel @p0 .LBB2_2-.Ltmp0, $4  }
0x16: {  	[tilespmem:s12+$0x20] =	vst v0  }
0x17: {  	[tilespmem:s12+$0x10] =	vst v0  }
0x18: {  	[tilespmem:s12+$0x0] =	vst v0  }
0x19: {  	[tilespmem:s12+$0xFFFFFFF0] =	vst v0  }
0x1a: {  	[tilespmem:s12+$0xFFFFFFE0] =	vst v0  }
0x1b: {  	_ =	swait.ge [sflag:s9], $0x6200  }
0x1c: {  	[sflag:s9] =	ssyncset.done $0x0  }
0x1d: {  	s31 =	simm.s32 $0xC430;
	[sflag:s9] =	ssyncadd.s32 $0xFFFF9E00  }
0x1e: {  	v3 =	vld [tilespmem:s31+$0x30]  }
0x1f: {  	v4 =	vld [tilespmem:s31+$0xFFFFFFE0]  }
0x20: {  	v5 =	vld [tilespmem:s31+$0xFFFFFFF0]  }
0x21: {  	v6 =	vld [tilespmem:s31+$0x0]  }
0x22: {  	v7 =	vld [tilespmem:s31+$0x10]  }
0x23: {  	v8 =	vld [tilespmem:s31+$0x20];
	_ =	sdelay $0x1  }
0x24: {  	v2 =	vld [tilespmem:s31+$0xFFFFFFD0]  }
0x25: {  	[tilespmem:v3+s2+$0x0] =	vst.idx.add.f32.msk $0xffff, v1  }
0x26: {  	[tilespmem:v4+s2+$0x0] =	vst.idx.add.f32.msk $0xffff, v1  }
0x27: {  	[tilespmem:v5+s2+$0x0] =	vst.idx.add.f32.msk $0xffff, v1  }
0x28: {  	[tilespmem:v6+s2+$0x0] =	vst.idx.add.f32.msk $0xffff, v1  }
0x29: {  	[tilespmem:v7+s2+$0x0] =	vst.idx.add.f32.msk $0xffff, v1  }
0x2a: {  	s12 =	simm.s32 $0x0;
	s13 =	simm.s32 $0xC4A0;
	[tilespmem:v8+s2+$0x0] =	vst.idx.add.f32.msk $0xffff, v1  }
.LBB2_4:
0x2b: {  	v3 =	vld [tilespmem:s13+$0x30];
	s12 =	sadd.s32 $0x7, s12  }
0x2c: {  	v4 =	vld [tilespmem:s13+$0xFFFFFFE0];
	p0 =	slt.u32 s12, $0x619  }
0x2d: {  	v5 =	vld [tilespmem:s13+$0xFFFFFFF0]  }
0x2e: {  	v6 =	vld [tilespmem:s13+$0x0]  }
0x2f: {  	v7 =	vld [tilespmem:s13+$0x10]  }
0x30: {  	v8 =	vld [tilespmem:s13+$0x20]  }
0x31: {  	v9 =	vld [tilespmem:s13+$0xFFFFFFD0]  }
0x32: {  	[tilespmem:v2+s2+$0x0] =	vst.idx.add.f32.msk $0xffff, v1  }
0x33: {  	[tilespmem:v3+s2+$0x0] =	vst.idx.add.f32.msk $0xffff, v1  }
.Ltmp1:
0x34: {  	[tilespmem:v4+s2+$0x0] =	vst.idx.add.f32.msk $0xffff, v1;
	(pc) =	sbr.rel @p0 .LBB2_4-.Ltmp1, $4  }
0x35: {  	[tilespmem:v5+s2+$0x0] =	vst.idx.add.f32.msk $0xffff, v1  }
0x36: {  	[tilespmem:v6+s2+$0x0] =	vst.idx.add.f32.msk $0xffff, v1;
	v2 =	vmov v9  }
0x37: {  	[tilespmem:v7+s2+$0x0] =	vst.idx.add.f32.msk $0xffff, v1  }
0x38: {  	s13 =	sadd.s32 $0x70, s13;
	[tilespmem:v8+s2+$0x0] =	vst.idx.add.f32.msk $0xffff, v1  }
0x39: {  	_ =	sdelay $0x3  }
0x3a: {  	[tilespmem:v2+s2+$0x0] =	vst.idx.add.f32.msk $0xffff, v1  }
0x3b: {  	[hbm4b:s4+s2] =	stream.linear.scatter [tilespmem:s2], [sflag:$0x2], $0xC400, $0x38;
	[tilespmem:$0x12600] =	vst v63  }
0x3c: {  	_ =	swait.ge [sflag:s10], $0xC400  }
0x3d: {  	[sflag:s10] =	ssyncset.done $0x0  }
0x3e: {  	s12 =	simm.s32 $0x30;
	[sflag:s10] =	ssyncadd.s32 $0xFFFF3C00  }
0x3f: {  	[tilespmem:s8], [sflag:$0x1] =	stream.linear.gather [hbm4b:s5+s2], $0x6200, $0x38;
	[tilespmem:$0x12600] =	vst v63  }
0x40: {  	[tilespmem:s12+$0xFFFFFFD0] =	vst v0  }
0x41: {  	[tilespmem:s12+$0x30] =	vst v0  }
0x42: {  	[tilespmem:s12+$0x20] =	vst v0  }
0x43: {  	[tilespmem:s12+$0x10] =	vst v0  }
0x44: {  	[tilespmem:s12+$0x0] =	vst v0  }
0x45: {  	s13 =	simm.s32 $0x0;
	[tilespmem:s12+$0xFFFFFFF0] =	vst v0  }
.LBB2_6:
0x46: {  	s13 =	sadd.s32 $0x7, s13;
	[tilespmem:s12+$0xFFFFFFE0] =	vst v0;
	s12 =	sadd.s32 $0x70, s12  }
0x47: {  	[tilespmem:s12+$0xFFFFFFD0] =	vst v0;
	p0 =	slt.u32 s13, $0xC39  }
.Ltmp2:
0x48: {  	[tilespmem:s12+$0x30] =	vst v0;
	(pc) =	sbr.rel @p0 .LBB2_6-.Ltmp2, $4  }
0x49: {  	[tilespmem:s12+$0x20] =	vst v0  }
0x4a: {  	[tilespmem:s12+$0x10] =	vst v0  }
0x4b: {  	[tilespmem:s12+$0x0] =	vst v0  }
0x4c: {  	[tilespmem:s12+$0xFFFFFFF0] =	vst v0  }
0x4d: {  	[tilespmem:s12+$0xFFFFFFE0] =	vst v0  }
0x4e: {  	_ =	swait.ge [sflag:s9], $0x6200  }
0x4f: {  	[sflag:s9] =	ssyncset.done $0x0  }
0x50: {  	s31 =	simm.s32 $0xC430;
	[sflag:s9] =	ssyncadd.s32 $0xFFFF9E00  }
0x51: {  	v3 =	vld [tilespmem:s31+$0x30]  }
0x52: {  	v4 =	vld [tilespmem:s31+$0xFFFFFFE0]  }
0x53: {  	v5 =	vld [tilespmem:s31+$0xFFFFFFF0]  }
0x54: {  	v6 =	vld [tilespmem:s31+$0x0]  }
0x55: {  	v7 =	vld [tilespmem:s31+$0x10]  }
0x56: {  	v8 =	vld [tilespmem:s31+$0x20];
	_ =	sdelay $0x1  }
0x57: {  	v2 =	vld [tilespmem:s31+$0xFFFFFFD0]  }
0x58: {  	[tilespmem:v3+s2+$0x0] =	vst.idx.add.f32.msk $0xffff, v1  }
0x59: {  	[tilespmem:v4+s2+$0x0] =	vst.idx.add.f32.msk $0xffff, v1  }
0x5a: {  	[tilespmem:v5+s2+$0x0] =	vst.idx.add.f32.msk $0xffff, v1  }
0x5b: {  	[tilespmem:v6+s2+$0x0] =	vst.idx.add.f32.msk $0xffff, v1  }
0x5c: {  	[tilespmem:v7+s2+$0x0] =	vst.idx.add.f32.msk $0xffff, v1  }
0x5d: {  	s12 =	simm.s32 $0x0;
	s13 =	simm.s32 $0xC4A0;
	[tilespmem:v8+s2+$0x0] =	vst.idx.add.f32.msk $0xffff, v1  }
.LBB2_8:
0x5e: {  	v3 =	vld [tilespmem:s13+$0x30];
	s12 =	sadd.s32 $0x7, s12  }
0x5f: {  	v4 =	vld [tilespmem:s13+$0xFFFFFFE0];
	p0 =	slt.u32 s12, $0x619  }
0x60: {  	v5 =	vld [tilespmem:s13+$0xFFFFFFF0]  }
0x61: {  	v6 =	vld [tilespmem:s13+$0x0]  }
0x62: {  	v7 =	vld [tilespmem:s13+$0x10]  }
0x63: {  	v8 =	vld [tilespmem:s13+$0x20]  }
0x64: {  	v9 =	vld [tilespmem:s13+$0xFFFFFFD0]  }
0x65: {  	[tilespmem:v2+s2+$0x0] =	vst.idx.add.f32.msk $0xffff, v1  }
0x66: {  	[tilespmem:v3+s2+$0x0] =	vst.idx.add.f32.msk $0xffff, v1  }
.Ltmp3:
0x67: {  	[tilespmem:v4+s2+$0x0] =	vst.idx.add.f32.msk $0xffff, v1;
	(pc) =	sbr.rel @p0 .LBB2_8-.Ltmp3, $4  }
0x68: {  	[tilespmem:v5+s2+$0x0] =	vst.idx.add.f32.msk $0xffff, v1  }
0x69: {  	[tilespmem:v6+s2+$0x0] =	vst.idx.add.f32.msk $0xffff, v1;
	v2 =	vmov v9  }
0x6a: {  	[tilespmem:v7+s2+$0x0] =	vst.idx.add.f32.msk $0xffff, v1  }
0x6b: {  	s13 =	sadd.s32 $0x70, s13;
	[tilespmem:v8+s2+$0x0] =	vst.idx.add.f32.msk $0xffff, v1  }
0x6c: {  	_ =	sdelay $0x1  }
0x6d: {  	s11 =	sadd.s32 $0x1, s11  }
0x6e: {  	p0 =	sne.s32 s11, s7  }
.Ltmp4:
0x6f: {  	[tilespmem:v2+s2+$0x0] =	vst.idx.add.f32.msk $0xffff, v1;
	(pc) =	sbr.rel @p0 .LBB2_1-.Ltmp4, $4  }
0x70: {  	[hbm4b:s6+s2] =	stream.linear.scatter [tilespmem:s2], [sflag:$0x2], $0xC400, $0x38;
	[tilespmem:$0x12600] =	vst v63  }
0x71: {  	_ =	swait.ge [sflag:s10], $0xC400  }
0x72: {  	[sflag:s10] =	ssyncset.done $0x0  }
0x73: {  	[sflag:s10] =	ssyncadd.s32 $0xFFFF3C00  }
0x74: {  	_ =	sfence.sel $0x180000  }
0x75: {  	[bflag:$0x0] =	sbarrier.arrive $0xFFFF  }
0x76: {  	p0 =	sne.s32 s1, $0x0;
	_ =	strace $0x90000047  }
0x77: {  	s0 =	sadd.s32 @!p0 $0x100000, s0;
	[bflag:$0x2] =	sbarrier.arrive $0xFFFF  }
0x78: {  	[sflag:s0] =	ssyncadd.tile.s32 @!p0 $0x1;
	_ =	shalt  }
.Lfunc_end2:
_tile_overlayer_lowered:
.L_overlay_start_2:
0x79: {  	(tag) =	ssettag $0x2  }
0x7a: {  	s0 =	rddreg [dreg:$0x0];
	s2 =	stileid.u32  }
0x7b: {  	s1 =	rddreg [dreg:$0x1];
	p0 =	sne.s32 s2, $0x0  }
0x7c: {  	s3 =	rddreg [dreg:$0x2];
	[bflag:$0x3] =	sbarrier.arrive $0xFFFF;
	s2 =	simm.s32 @!p0 $0x1C02  }
0x7d: {  	[timem:s3], [sflag:s2] =	dma.local @!p0 [hbm:s0], s1  }
0x7e: {  	s0 =	simm.s32 @!p0 $0x2  }
0x7f: {  	_ =	swait.ge @!p0 [sflag:s0], s1  }
0x80: {  	s1 =	ssub.s32 @!p0 $0x0, s1;
	[sflag:s0] =	ssyncset.done @!p0 $0x0  }
0x81: {  	[sflag:s0] =	ssyncadd.s32 @!p0 s1  }
0x82: {  	[bflag:$0x3] =	sbarrier.arrive $0xFFFF  }
0x83: {  	_ =	shalt  }

</sc_bundles>
